<compile_context>
chip_gen: v7x
topology: tpu7x:2x2x1
jax: 0.10.2.dev20260603
libtpu: 0.0.44.dev20260713+nightly
codegen_flags: <defaults>
</compile_context>

<pallas_src>
import functools
import jax
import jax.numpy as jnp
import numpy as np
from jax import lax
from jax.experimental import pallas as pl
from jax.experimental.pallas import tpu as pltpu
from jax.experimental.pallas import tpu_sc as plsc

N = 10000
L = 30
C = 8
D = 128
E = 320000
EDGE_DIM = 2

_TILE = 1000

_NC = 2
_NS = 16
_NW = _NC * _NS
_EW = E // _NW
_CH = 80
_NCH = _EW // _CH


def _gx_body(x_ref, wx_ref, b_ref, out_ref):
    out_ref[...] = (jnp.dot(x_ref[...], wx_ref[...],
                            preferred_element_type=jnp.float32) + b_ref[...])


def _gx_matmul(xt2, wx, b):
    rows = L * N
    tile = 2000
    return pl.pallas_call(
        _gx_body,
        grid=(rows // tile,),
        in_specs=[
            pl.BlockSpec((tile, C), lambda i: (i, 0)),
            pl.BlockSpec((C, 4 * D), lambda i: (0, 0)),
            pl.BlockSpec((1, 4 * D), lambda i: (0, 0)),
        ],
        out_specs=pl.BlockSpec((tile, 4 * D), lambda i: (i, 0)),
        out_shape=jax.ShapeDtypeStruct((rows, 4 * D), jnp.float32),
        compiler_params=pltpu.CompilerParams(
            dimension_semantics=("parallel",)),
    )(xt2, wx, b)


def _lstm_body(gx_ref, whh_ref, out_ref, h_ref, c_ref):
    t = pl.program_id(1)

    @pl.when(t == 0)
    def _():
        h_ref[...] = jnp.zeros_like(h_ref)
        c_ref[...] = jnp.zeros_like(c_ref)

    g = gx_ref[0] + jnp.dot(h_ref[...], whh_ref[...],
                            preferred_element_type=jnp.float32)
    i = jax.nn.sigmoid(g[:, :D])
    f = jax.nn.sigmoid(g[:, D:2 * D])
    gg = jnp.tanh(g[:, 2 * D:3 * D])
    o = jax.nn.sigmoid(g[:, 3 * D:])
    c_ref[...] = f * c_ref[...] + i * gg
    h_ref[...] = o * jnp.tanh(c_ref[...])

    @pl.when(t == L - 1)
    def _():
        out_ref[...] = h_ref[...]


def _lstm(gx_all, whh):
    return pl.pallas_call(
        _lstm_body,
        grid=(N // _TILE, L),
        in_specs=[
            pl.BlockSpec((1, _TILE, 4 * D), lambda n, t: (t, n, 0)),
            pl.BlockSpec((D, 4 * D), lambda n, t: (0, 0)),
        ],
        out_specs=pl.BlockSpec((_TILE, D), lambda n, t: (n, 0)),
        out_shape=jax.ShapeDtypeStruct((N, D), jnp.float32),
        scratch_shapes=[
            pltpu.VMEM((_TILE, D), jnp.float32),
            pltpu.VMEM((_TILE, D), jnp.float32),
        ],
        compiler_params=pltpu.CompilerParams(
            dimension_semantics=("parallel", "arbitrary")),
    )(gx_all, whh)


def _proj_body(h_ref, wq_ref, wk_ref, wv_ref, ws_ref, bq_ref,
               bk_ref, bv_ref, bs_ref, q_ref, tabs_ref, s_ref):
    h = h_ref[...]
    q_ref[...] = jnp.dot(h, wq_ref[...], preferred_element_type=jnp.float32) + bq_ref[...]
    tabs_ref[:, :D] = jnp.dot(h, wk_ref[...], preferred_element_type=jnp.float32) + bk_ref[...]
    tabs_ref[:, D:] = jnp.dot(h, wv_ref[...], preferred_element_type=jnp.float32) + bv_ref[...]
    s_ref[...] = jnp.dot(h, ws_ref[...], preferred_element_type=jnp.float32) + bs_ref[...]


def _projections(h, wq, wk, wv, ws, bq, bk, bv, bs):
    grid = N // _TILE
    row = lambda i: (i, 0)
    fix = lambda i: (0, 0)
    return pl.pallas_call(
        _proj_body,
        grid=(grid,),
        in_specs=[
            pl.BlockSpec((_TILE, D), row),
            pl.BlockSpec((D, D), fix),
            pl.BlockSpec((D, D), fix),
            pl.BlockSpec((D, D), fix),
            pl.BlockSpec((D, D), fix),
            pl.BlockSpec((1, D), fix),
            pl.BlockSpec((1, D), fix),
            pl.BlockSpec((1, D), fix),
            pl.BlockSpec((1, D), fix),
        ],
        out_specs=[
            pl.BlockSpec((_TILE, D), row),
            pl.BlockSpec((_TILE, 2 * D), row),
            pl.BlockSpec((_TILE, D), row),
        ],
        out_shape=[
            jax.ShapeDtypeStruct((N, D), jnp.float32),
            jax.ShapeDtypeStruct((N, 2 * D), jnp.float32),
            jax.ShapeDtypeStruct((N, D), jnp.float32),
        ],
        compiler_params=pltpu.CompilerParams(
            dimension_semantics=("parallel",)),
    )(h, wq, wk, wv, ws, bq, bk, bv, bs)


_GCH = 128
_GN = _EW // _GCH
_GTAIL = _EW - _GN * _GCH


def _sc_gather_body(src_hbm, tabs_hbm, dst_hbm, tabd_hbm, gkv_hbm, gq_hbm,
                    idxs, idxd, b1a, b2a, b1b, b2b, gsa, gsb, wsa, wsb):
    wid = lax.axis_index("s") * _NC + lax.axis_index("c")
    base = wid * _EW
    pltpu.sync_copy(src_hbm.at[pl.ds(base, _EW)], idxs)
    pltpu.sync_copy(dst_hbm.at[pl.ds(base, _EW)], idxd)

    def issue(j, b1, b2, gs):
        off = j * _GCH
        pltpu.async_copy(tabs_hbm.at[idxs.at[pl.ds(off, _GCH)]], b1, gs)
        pltpu.async_copy(tabd_hbm.at[idxd.at[pl.ds(off, _GCH)]], b2, gs)

    def wait_g(b1, b2, gs):
        pltpu.make_async_copy(tabs_hbm.at[pl.ds(0, _GCH)], b1, gs).wait()
        pltpu.make_async_copy(tabd_hbm.at[pl.ds(0, _GCH)], b2, gs).wait()

    def wb(j, b1, b2, ws):
        b = base + j * _GCH
        pltpu.async_copy(b1, gkv_hbm.at[pl.ds(b, _GCH)], ws)
        pltpu.async_copy(b2, gq_hbm.at[pl.ds(b, _GCH)], ws)

    def wait_wb(b1, b2, ws):
        pltpu.make_async_copy(b1, gkv_hbm.at[pl.ds(0, _GCH)], ws).wait()
        pltpu.make_async_copy(b2, gq_hbm.at[pl.ds(0, _GCH)], ws).wait()

    issue(0, b1a, b2a, gsa)

    def body(j, carry):
        for pp in range(2):
            if pp == 0:
                b1, b2, gs, ws = b1a, b2a, gsa, wsa
                ob1, ob2, ogs, ows = b1b, b2b, gsb, wsb
            else:
                b1, b2, gs, ws = b1b, b2b, gsb, wsb
                ob1, ob2, ogs, ows = b1a, b2a, gsa, wsa

            @pl.when(lax.rem(j, 2) == pp)
            def _():
                wait_g(b1, b2, gs)

                @pl.when(j >= 1)
                def _():
                    wait_wb(ob1, ob2, ows)

                @pl.when(j + 1 < _GN)
                def _():
                    issue(j + 1, ob1, ob2, ogs)

                wb(j, b1, b2, ws)
        return carry

    lax.fori_loop(0, _GN, body, 0)
    if (_GN - 1) % 2 == 0:
        wait_wb(b1a, b2a, wsa)
    else:
        wait_wb(b1b, b2b, wsb)

    toff = _GN * _GCH
    pltpu.async_copy(tabs_hbm.at[idxs.at[pl.ds(toff, _GTAIL)]],
                     b1a.at[pl.ds(0, _GTAIL)], gsa)
    pltpu.async_copy(tabd_hbm.at[idxd.at[pl.ds(toff, _GTAIL)]],
                     b2a.at[pl.ds(0, _GTAIL)], gsa)
    pltpu.make_async_copy(tabs_hbm.at[pl.ds(0, _GTAIL)],
                          b1a.at[pl.ds(0, _GTAIL)], gsa).wait()
    pltpu.make_async_copy(tabd_hbm.at[pl.ds(0, _GTAIL)],
                          b2a.at[pl.ds(0, _GTAIL)], gsa).wait()
    pltpu.sync_copy(b1a.at[pl.ds(0, _GTAIL)],
                    gkv_hbm.at[pl.ds(base + toff, _GTAIL)])
    pltpu.sync_copy(b2a.at[pl.ds(0, _GTAIL)],
                    gq_hbm.at[pl.ds(base + toff, _GTAIL)])


def _sc_gather(src, tabs, dst, tabd):
    fn = pl.kernel(
        _sc_gather_body,
        out_type=[
            jax.ShapeDtypeStruct((E, 2 * D), jnp.float32),
            jax.ShapeDtypeStruct((E, D), jnp.float32),
        ],
        mesh=plsc.VectorSubcoreMesh(core_axis_name="c", subcore_axis_name="s"),
        scratch_types=[
            pltpu.VMEM((_EW,), jnp.int32),
            pltpu.VMEM((_EW,), jnp.int32),
            pltpu.VMEM((_GCH, 2 * D), jnp.float32),
            pltpu.VMEM((_GCH, D), jnp.float32),
            pltpu.VMEM((_GCH, 2 * D), jnp.float32),
            pltpu.VMEM((_GCH, D), jnp.float32),
            pltpu.SemaphoreType.DMA,
            pltpu.SemaphoreType.DMA,
            pltpu.SemaphoreType.DMA,
            pltpu.SemaphoreType.DMA,
        ],
        compiler_params=pltpu.CompilerParams(needs_layout_passes=False),
    )
    return fn(src, tabs, dst, tabd)


def _sc_scatter_body(pay_hbm, dst_hbm, ea_hbm, zrow_hbm, zs_hbm,
                     outrow_hbm, outs_hbm, ia, ib2, pa, pb2, ea_all, s_tab,
                     shared, lsa, lsb):
    cid = lax.axis_index("c")
    sid = lax.axis_index("s")
    wid = sid * _NC + cid
    base = wid * _EW

    pltpu.sync_copy(zs_hbm, s_tab)
    pltpu.sync_copy(ea_hbm.at[pl.ds(base, _EW)], ea_all)

    @pl.when(sid == 0)
    def _():
        pltpu.sync_copy(zrow_hbm, shared)

    plsc.subcore_barrier()

    def issue(j, ib, pb, ls):
        b = base + j * _CH
        pltpu.async_copy(dst_hbm.at[pl.ds(b, _CH)], ib, ls)
        pltpu.async_copy(pay_hbm.at[pl.ds(b, _CH)], pb, ls)

    def wait_load(ib, pb, ls):
        pltpu.make_async_copy(dst_hbm.at[pl.ds(0, _CH)], ib, ls).wait()
        pltpu.make_async_copy(pay_hbm.at[pl.ds(0, _CH)], pb, ls).wait()

    issue(0, ia, pa, lsa)

    def body(j, carry):
        for pp in range(2):
            if pp == 0:
                ib, pb, ls = ia, pa, lsa
                oib, opb, ols = ib2, pb2, lsb
            else:
                ib, pb, ls = ib2, pb2, lsb
                oib, opb, ols = ia, pa, lsa

            @pl.when(lax.rem(j, 2) == pp)
            def _():
                wait_load(ib, pb, ls)

                @pl.when(j + 1 < _NCH)
                def _():
                    issue(j + 1, oib, opb, ols)

                off = j * _CH
                for j2 in range(_CH // 16):
                    plsc.addupdate_scatter(
                        s_tab, [ib[pl.ds(j2 * 16, 16)]],
                        ea_all[pl.ds(off + j2 * 16, 16)])
                pltpu.sync_copy(pb, shared.at[ib], add=True)
        return carry

    lax.fori_loop(0, _NCH, body, 0)

    pltpu.sync_copy(s_tab, outs_hbm.at[pl.ds(wid * N, N)])
    plsc.subcore_barrier()

    @pl.when(sid < _NS - 1)
    def _():
        pltpu.sync_copy(shared.at[pl.ds(sid * 624, 624)],
                        outrow_hbm.at[cid, pl.ds(sid * 624, 624)])

    @pl.when(sid == _NS - 1)
    def _():
        pltpu.sync_copy(shared.at[pl.ds(15 * 624, N - 15 * 624)],
                        outrow_hbm.at[cid, pl.ds(15 * 624, N - 15 * 624)])


def _sc_scatter(payload, dst, ea, zrow, zs):
    fn = pl.kernel(
        _sc_scatter_body,
        out_type=[
            jax.ShapeDtypeStruct((_NC, N, D), jnp.float32),
            jax.ShapeDtypeStruct((_NW * N,), jnp.float32),
        ],
        mesh=plsc.VectorSubcoreMesh(core_axis_name="c", subcore_axis_name="s"),
        scratch_types=[
            pltpu.VMEM((_CH,), jnp.int32),
            pltpu.VMEM((_CH,), jnp.int32),
            pltpu.VMEM((_CH, D), jnp.float32),
            pltpu.VMEM((_CH, D), jnp.float32),
            pltpu.VMEM((_EW,), jnp.float32),
            pltpu.VMEM((N,), jnp.float32),
            pltpu.VMEM_SHARED((N, D), jnp.float32),
            pltpu.SemaphoreType.DMA,
            pltpu.SemaphoreType.DMA,
        ],
        compiler_params=pltpu.CompilerParams(needs_layout_passes=False),
    )
    return fn(payload, dst, ea, zrow, zs)


_ETILE = 2000
_NEB = E // _ETILE


def _alpha_body(gq_ref, gkv_ref, attr_ref, wep_ref, a_ref, bm_ref):
    qd = gq_ref[...]
    ks = gkv_ref[...]
    qe = jnp.dot(qd, wep_ref[...], preferred_element_type=jnp.float32)
    al = (jnp.sum(qd * ks, axis=1, keepdims=True)
          + jnp.sum(qe * attr_ref[...], axis=1, keepdims=True)
          ) * (1.0 / np.sqrt(float(D)))
    a_ref[...] = al
    bm_ref[...] = jnp.max(al).reshape(1, 1, 1)


def _alpha(gq, gkv, attrp, wep):
    row = lambda i: (i, 0)
    return pl.pallas_call(
        _alpha_body,
        grid=(_NEB,),
        in_specs=[
            pl.BlockSpec((_ETILE, D), row),
            pl.BlockSpec((_ETILE, D), lambda i: (i, 0)),
            pl.BlockSpec((_ETILE, 8), row),
            pl.BlockSpec((D, 8), lambda i: (0, 0)),
        ],
        out_specs=[
            pl.BlockSpec((_ETILE, 1), row),
            pl.BlockSpec((1, 1, 1), lambda i: (i, 0, 0)),
        ],
        out_shape=[
            jax.ShapeDtypeStruct((E, 1), jnp.float32),
            jax.ShapeDtypeStruct((_NEB, 1, 1), jnp.float32),
        ],
        compiler_params=pltpu.CompilerParams(
            dimension_semantics=("parallel",)),
    )(gq, gkv, attrp, wep)


def _payload_body(a_ref, bm_ref, gkv_ref, attr_ref, wet_ref, p_ref, ea_ref):
    kk = jnp.max(bm_ref[...])
    ea = jnp.exp(a_ref[...] - kk)
    vj = gkv_ref[...] + jnp.dot(attr_ref[...], wet_ref[...],
                                preferred_element_type=jnp.float32)
    p_ref[...] = vj * ea
    ea_ref[...] = ea


def _payload(alpha, bmax, gkv, attrp, wet):
    row = lambda i: (i, 0)
    return pl.pallas_call(
        _payload_body,
        grid=(_NEB,),
        in_specs=[
            pl.BlockSpec((_ETILE, 1), row),
            pl.BlockSpec((_NEB, 1, 1), lambda i: (0, 0, 0)),
            pl.BlockSpec((_ETILE, D), lambda i: (i, 1)),
            pl.BlockSpec((_ETILE, 8), row),
            pl.BlockSpec((8, D), lambda i: (0, 0)),
        ],
        out_specs=[
            pl.BlockSpec((_ETILE, D), row),
            pl.BlockSpec((_ETILE, 1), row),
        ],
        out_shape=[
            jax.ShapeDtypeStruct((E, D), jnp.float32),
            jax.ShapeDtypeStruct((E, 1), jnp.float32),
        ],
        compiler_params=pltpu.CompilerParams(
            dimension_semantics=("parallel",)),
    )(alpha, bmax, gkv, attrp, wet)


def _combine_body(a0_ref, a1_ref, sp_ref, skip_ref, hprev_ref, g_ref,
                  b_ref, out_ref):
    accv = a0_ref[0] + a1_ref[0]
    ones = jnp.ones((_NW, 1), jnp.float32)
    s_col = lax.dot_general(sp_ref[0], ones, (((0,), (0,)), ((), ())),
                            preferred_element_type=jnp.float32)
    msg = accv / (s_col + 1e-16)
    y = hprev_ref[...] + msg + skip_ref[...]
    mu = jnp.mean(y, axis=-1, keepdims=True)
    var = jnp.mean((y - mu) ** 2, axis=-1, keepdims=True)
    out_ref[...] = (y - mu) / jnp.sqrt(var + 1e-5) * g_ref[...] + b_ref[...]


def _combine(acc, spart, skip, hprev, g, b):
    grid = N // _TILE
    row = lambda i: (i, 0)
    fix = lambda i: (0, 0)
    return pl.pallas_call(
        _combine_body,
        grid=(grid,),
        in_specs=[
            pl.BlockSpec((1, _TILE, D), lambda i: (0, i, 0)),
            pl.BlockSpec((1, _TILE, D), lambda i: (1, i, 0)),
            pl.BlockSpec((1, _NW, _TILE), lambda i: (i, 0, 0)),
            pl.BlockSpec((_TILE, D), row),
            pl.BlockSpec((_TILE, D), row),
            pl.BlockSpec((1, D), fix),
            pl.BlockSpec((1, D), fix),
        ],
        out_specs=pl.BlockSpec((_TILE, D), row),
        out_shape=jax.ShapeDtypeStruct((N, D), jnp.float32),
        compiler_params=pltpu.CompilerParams(
            dimension_semantics=("parallel",)),
    )(acc, acc, spart, skip, hprev, g, b)


def _head_body(h_ref, w1_ref, b1_ref, w2_ref, b2_ref, out_ref):
    hid = jax.nn.relu(
        jnp.dot(h_ref[...], w1_ref[...], preferred_element_type=jnp.float32)
        + b1_ref[...])
    w_raw = jnp.dot(hid, w2_ref[...], preferred_element_type=jnp.float32) + b2_ref[0, 0]
    denom = jnp.sum(jnp.abs(w_raw[:, 0:1]))
    out_ref[...] = w_raw / denom


def _head(h, w1, b1, w2, b2):
    return pl.pallas_call(
        _head_body,
        in_specs=[
            pl.BlockSpec((N, D), lambda: (0, 0)),
            pl.BlockSpec((D, D // 2), lambda: (0, 0)),
            pl.BlockSpec((1, D // 2), lambda: (0, 0)),
            pl.BlockSpec((D // 2, 8), lambda: (0, 0)),
            pl.BlockSpec((1, 1), lambda: (0, 0)),
        ],
        out_specs=pl.BlockSpec((N, 8), lambda: (0, 0)),
        out_shape=jax.ShapeDtypeStruct((N, 8), jnp.float32),
    )(h, w1, b1, w2, b2)


def kernel(x, edge_index, edge_attr, params):
    p = params
    src = edge_index[0].astype(jnp.int32)
    dst = edge_index[1].astype(jnp.int32)
    attrp = jnp.pad(edge_attr, ((0, 0), (0, 8 - EDGE_DIM)))
    zrow = jnp.zeros((N, D), jnp.float32)
    zs = jnp.zeros((N,), jnp.float32)

    w_x = p['W_ih'] @ p['W_in']
    b_all = p['b_ih'] + p['b_hh'] + p['W_ih'] @ p['b_in']
    xt2 = jnp.swapaxes(x, 0, 1).reshape(L * N, C)
    gx_all = _gx_matmul(xt2, w_x.T, b_all.reshape(1, -1)).reshape(L, N, 4 * D)
    h = _lstm(gx_all, p['W_hh'].T)

    for l in range(2):
        we = p['We%d' % l]
        wep = jnp.zeros((D, 8), jnp.float32).at[:, :EDGE_DIM].set(we)
        wet = jnp.zeros((8, D), jnp.float32).at[:EDGE_DIM, :].set(we.T)
        tabd, tabs, skip = _projections(
            h, p['Wq%d' % l].T, p['Wk%d' % l].T, p['Wv%d' % l].T,
            p['Wskip%d' % l].T,
            p['bq%d' % l].reshape(1, -1), p['bk%d' % l].reshape(1, -1),
            p['bv%d' % l].reshape(1, -1), p['bskip%d' % l].reshape(1, -1))

        gkv, gq = _sc_gather(src, tabs, dst, tabd)
        alpha, bmax = _alpha(gq, gkv, attrp, wep)
        payload, ea = _payload(alpha, bmax, gkv, attrp, wet)
        acc, spart = _sc_scatter(payload, dst, ea.reshape(E), zrow, zs)
        sp3 = spart.reshape(_NW, N // _TILE, _TILE).swapaxes(0, 1)

        h = _combine(acc, sp3, skip, h,
                     p['ln_g%d' % l].reshape(1, -1),
                     p['ln_b%d' % l].reshape(1, -1))

    out = _head(h, p['W1'].T, p['b1'].reshape(1, -1),
                jnp.zeros((D // 2, 8), jnp.float32).at[:, 0].set(p['W2'][0]),
                p['b2'].reshape(1, 1))
    return out[:, 0]

# --- scband reference (transcript-rebuilt; emitter-appended) ---
"""Pipeline reference for scband-graph-arb-14353780703239 (READ-ONLY COPY).

The authoritative reference and input builder live on the scoring server;
editing this copy changes nothing except your own understanding.
"""

import jax, jax.numpy as jnp
import numpy as np

N = 10000; L = 30; C = 8; D = 128; E = 320000; EDGE_DIM = 2; NLAYERS = 2

def _lin_init(key, out_d, in_d):
    s = 1.0 / np.sqrt(in_d)
    k1, k2 = jax.random.split(key)
    W = jax.random.uniform(k1, (out_d, in_d), minval=-s, maxval=s, dtype=jnp.float32)
    b = jax.random.uniform(k2, (out_d,), minval=-s, maxval=s, dtype=jnp.float32)
    return W, b

def _init_params(key):
    keys = jax.random.split(key, 32)
    ki = iter(range(32))
    p = {}
    p['W_in'], p['b_in'] = _lin_init(keys[next(ki)], D, C)
    s = 1.0 / np.sqrt(D)
    p['W_ih'] = jax.random.uniform(keys[next(ki)], (4 * D, D), minval=-s, maxval=s, dtype=jnp.float32)
    p['W_hh'] = jax.random.uniform(keys[next(ki)], (4 * D, D), minval=-s, maxval=s, dtype=jnp.float32)
    p['b_ih'] = jax.random.uniform(keys[next(ki)], (4 * D,), minval=-s, maxval=s, dtype=jnp.float32)
    p['b_hh'] = jax.random.uniform(keys[next(ki)], (4 * D,), minval=-s, maxval=s, dtype=jnp.float32)
    for l in range(NLAYERS):
        p['Wq%d' % l], p['bq%d' % l] = _lin_init(keys[next(ki)], D, D)
        p['Wk%d' % l], p['bk%d' % l] = _lin_init(keys[next(ki)], D, D)
        p['Wv%d' % l], p['bv%d' % l] = _lin_init(keys[next(ki)], D, D)
        se = 1.0 / np.sqrt(EDGE_DIM)
        p['We%d' % l] = jax.random.uniform(keys[next(ki)], (D, EDGE_DIM), minval=-se, maxval=se, dtype=jnp.float32)
        p['Wskip%d' % l], p['bskip%d' % l] = _lin_init(keys[next(ki)], D, D)
        p['ln_g%d' % l] = jnp.ones((D,), dtype=jnp.float32)
        p['ln_b%d' % l] = jnp.zeros((D,), dtype=jnp.float32)
    p['W1'], p['b1'] = _lin_init(keys[next(ki)], D // 2, D)
    p['W2'], p['b2'] = _lin_init(keys[next(ki)], 1, D // 2)
    return p

def _lstm_last_h(x_seq, W_ih, W_hh, b_ih, b_hh):
    n = x_seq.shape[0]
    def step(carry, xt):
        h, c = carry
        gates = xt @ W_ih.T + b_ih + h @ W_hh.T + b_hh
        i, f, g, o = jnp.split(gates, 4, axis=-1)
        i = jax.nn.sigmoid(i); f = jax.nn.sigmoid(f); o = jax.nn.sigmoid(o); g = jnp.tanh(g)
        c = f * c + i * g
        h = o * jnp.tanh(c)
        return (h, c), None
    h0 = jnp.zeros((n, D), dtype=x_seq.dtype)
    c0 = jnp.zeros((n, D), dtype=x_seq.dtype)
    (h, c), _ = jax.lax.scan(step, (h0, c0), jnp.swapaxes(x_seq, 0, 1))
    return h

def _layer_norm(x, g, b):
    mu = jnp.mean(x, axis=-1, keepdims=True)
    var = jnp.mean((x - mu) ** 2, axis=-1, keepdims=True)
    return (x - mu) / jnp.sqrt(var + 1e-5) * g + b

def _transformer_conv(x, src, dst, edge_attr, Wq, bq, Wk, bk, Wv, bv, We, Wskip, bskip):
    n = x.shape[0]
    q = x @ Wq.T + bq
    k = x @ Wk.T + bk
    v = x @ Wv.T + bv
    e = edge_attr @ We.T
    kj = k[src] + e
    vj = v[src] + e
    alpha = jnp.sum(q[dst] * kj, axis=-1) / jnp.sqrt(float(D))
    m = jax.ops.segment_max(alpha, dst, num_segments=n)
    m = jax.lax.stop_gradient(jnp.where(jnp.isfinite(m), m, 0.0))
    ea = jnp.exp(alpha - m[dst])
    s = jax.ops.segment_sum(ea, dst, num_segments=n)
    w = ea / (s[dst] + 1e-16)
    out = jax.ops.segment_sum(vj * w[:, None], dst, num_segments=n)
    return out + x @ Wskip.T + bskip

def _forward(x, edge_index, edge_attr, p):
    # input_proj + LSTM, take last hidden state (eval mode: dropout is identity)
    x_proj = (x.reshape(-1, C) @ p['W_in'].T + p['b_in']).reshape(N, L, D)
    h_in = _lstm_last_h(x_proj, p['W_ih'], p['W_hh'], p['b_ih'], p['b_hh'])
    src, dst = edge_index[0], edge_index[1]
    for l in range(NLAYERS):
        h_new = _transformer_conv(h_in, src, dst, edge_attr,
                                  p['Wq%d' % l], p['bq%d' % l], p['Wk%d' % l], p['bk%d' % l],
                                  p['Wv%d' % l], p['bv%d' % l], p['We%d' % l],
                                  p['Wskip%d' % l], p['bskip%d' % l])
        h_in = _layer_norm(h_in + h_new, p['ln_g%d' % l], p['ln_b%d' % l])
    hid = jax.nn.relu(h_in @ p['W1'].T + p['b1'])
    w_raw = (hid @ p['W2'].T + p['b2'])[:, 0]
    denom = jnp.sum(jnp.abs(w_raw))
    return w_raw / denom

def setup_inputs(seed: int = 0):
    key = jax.random.key(seed)
    k1, k2, k3, k4 = jax.random.split(key, 4)
    x = jax.random.normal(k1, (N, L, C), dtype=jnp.float32)
    edge_index = jax.random.randint(k2, (2, E), 0, N)
    edge_attr = jax.random.normal(k3, (E, EDGE_DIM), dtype=jnp.float32)
    params = _init_params(k4)
    return {"x": x, "edge_index": edge_index, "edge_attr": edge_attr, "params": params}

def reference(x, edge_index, edge_attr, params):
    return _forward(x, edge_index, edge_attr, params)

if __name__ == "__main__":
    import jax
    _d = setup_inputs()
    print(jax.jit(kernel)(*tuple(_d.values())))

</pallas_src>

<mosaic_0001>
#map = affine_map<(d0, d1) -> (0)>
#map1 = affine_map<(d0, d1) -> (0, 0)>
module attributes {stable_mosaic.version = 14 : i64} {
  func.func @_sc_gather_body(%arg0: i32, %arg1: i32, %arg2: memref<320000xi32, #tpu.memory_space<hbm>>, %arg3: memref<10000x256xf32, #tpu.memory_space<hbm>>, %arg4: memref<320000xi32, #tpu.memory_space<hbm>>, %arg5: memref<10000x128xf32, #tpu.memory_space<hbm>>, %arg6: memref<320000x256xf32, #tpu.memory_space<hbm>>, %arg7: memref<320000x128xf32, #tpu.memory_space<hbm>>, %arg8: memref<10000xi32, #tpu.memory_space<vmem>>, %arg9: memref<10000xi32, #tpu.memory_space<vmem>>, %arg10: memref<128x256xf32, #tpu.memory_space<vmem>>, %arg11: memref<128x128xf32, #tpu.memory_space<vmem>>, %arg12: memref<128x256xf32, #tpu.memory_space<vmem>>, %arg13: memref<128x128xf32, #tpu.memory_space<vmem>>, %arg14: memref<!tpu.dma_semaphore, #tpu.memory_space<semaphore_mem>>, %arg15: memref<!tpu.dma_semaphore, #tpu.memory_space<semaphore_mem>>, %arg16: memref<!tpu.dma_semaphore, #tpu.memory_space<semaphore_mem>>, %arg17: memref<!tpu.dma_semaphore, #tpu.memory_space<semaphore_mem>>) attributes {dimension_semantics = [#tpu.dimension_semantics<core_parallel>, #tpu.dimension_semantics<subcore_parallel>], iteration_bounds = array<i64: 2, 16>, scalar_prefetch = 0 : i64, scratch_operands = 10 : i64, tpu.core_type = #tpu.core_type<sc_vector_subcore>, window_params = [{transform_indices = #map}, {transform_indices = #map1}, {transform_indices = #map}, {transform_indices = #map1}, {transform_indices = #map1}, {transform_indices = #map1}]} {
    %mul3A = arith.constant 2 : i32
    %mul3A_0 = arith.muli %arg1, %mul3A : i32
    %add3A = arith.addi %mul3A_0, %arg0 : i32
    %mul3A_1 = arith.constant 10000 : i32
    %mul3A_2 = arith.muli %add3A, %mul3A_1 : i32
    "tpu.region"() ({
      %run_scoped3A = tpu.sem_alloc : memref<!tpu.dma_semaphore, #tpu.memory_space<semaphore_mem>>
      %dma_start3A_72 = tpu.memref_slice %arg2[%mul3A_2] : memref<320000xi32, #tpu.memory_space<hbm>> -> memref<10000xi32, #tpu.memory_space<hbm>>
      %dma_start3A_73 = tpu.memref_slice %arg2[%mul3A_2] : memref<320000xi32, #tpu.memory_space<hbm>> -> memref<10000xi32, #tpu.memory_space<hbm>>
      tpu.enqueue_dma source(%dma_start3A_73 : memref<10000xi32, #tpu.memory_space<hbm>>) target(%arg8 : memref<10000xi32, #tpu.memory_space<vmem>>) target_semaphore(%run_scoped3A : memref<!tpu.dma_semaphore, #tpu.memory_space<semaphore_mem>>)
      %dma_wait3A_74 = tpu.memref_slice %arg2[%mul3A_2] : memref<320000xi32, #tpu.memory_space<hbm>> -> memref<10000xi32, #tpu.memory_space<hbm>>
      %dma_wait3A_75 = tpu.memref_slice %arg2[%mul3A_2] : memref<320000xi32, #tpu.memory_space<hbm>> -> memref<10000xi32, #tpu.memory_space<hbm>>
      tpu.wait_dma2 semaphore(%run_scoped3A : memref<!tpu.dma_semaphore, #tpu.memory_space<semaphore_mem>>) src(%dma_wait3A_75 : memref<10000xi32, #tpu.memory_space<hbm>>) dst(%arg8 : memref<10000xi32, #tpu.memory_space<vmem>>)
      tpu.yield
    }) : () -> ()
    "tpu.region"() ({
      %run_scoped3A = tpu.sem_alloc : memref<!tpu.dma_semaphore, #tpu.memory_space<semaphore_mem>>
      %dma_start3A_72 = tpu.memref_slice %arg4[%mul3A_2] : memref<320000xi32, #tpu.memory_space<hbm>> -> memref<10000xi32, #tpu.memory_space<hbm>>
      %dma_start3A_73 = tpu.memref_slice %arg4[%mul3A_2] : memref<320000xi32, #tpu.memory_space<hbm>> -> memref<10000xi32, #tpu.memory_space<hbm>>
      tpu.enqueue_dma source(%dma_start3A_73 : memref<10000xi32, #tpu.memory_space<hbm>>) target(%arg9 : memref<10000xi32, #tpu.memory_space<vmem>>) target_semaphore(%run_scoped3A : memref<!tpu.dma_semaphore, #tpu.memory_space<semaphore_mem>>)
      %dma_wait3A_74 = tpu.memref_slice %arg4[%mul3A_2] : memref<320000xi32, #tpu.memory_space<hbm>> -> memref<10000xi32, #tpu.memory_space<hbm>>
      %dma_wait3A_75 = tpu.memref_slice %arg4[%mul3A_2] : memref<320000xi32, #tpu.memory_space<hbm>> -> memref<10000xi32, #tpu.memory_space<hbm>>
      tpu.wait_dma2 semaphore(%run_scoped3A : memref<!tpu.dma_semaphore, #tpu.memory_space<semaphore_mem>>) src(%dma_wait3A_75 : memref<10000xi32, #tpu.memory_space<hbm>>) dst(%arg9 : memref<10000xi32, #tpu.memory_space<vmem>>)
      tpu.yield
    }) : () -> ()
    %dma_start3A = arith.constant 0 : i32
    %dma_start3A_3 = tpu.memref_slice %arg8[%dma_start3A] : memref<10000xi32, #tpu.memory_space<vmem>> -> memref<128xi32, #tpu.memory_space<vmem>>
    %dma_start3A_4 = arith.constant 0 : i32
    %dma_start3A_5 = arith.constant 0 : i32
    %dma_start3A_6 = tpu.memref_slice %arg3[%dma_start3A_4, %dma_start3A_5] : memref<10000x256xf32, #tpu.memory_space<hbm>> -> memref<10000x256xf32, #tpu.memory_space<hbm>>
    tpu.enqueue_indirect_dma source(%dma_start3A_6 : memref<10000x256xf32, #tpu.memory_space<hbm>>) target(%arg10 : memref<128x256xf32, #tpu.memory_space<vmem>>) offsets(%dma_start3A_3 : memref<128xi32, #tpu.memory_space<vmem>>) semaphore(%arg14 : memref<!tpu.dma_semaphore, #tpu.memory_space<semaphore_mem>>)
    %dma_start3A_7 = arith.constant 0 : i32
    %dma_start3A_8 = tpu.memref_slice %arg9[%dma_start3A_7] : memref<10000xi32, #tpu.memory_space<vmem>> -> memref<128xi32, #tpu.memory_space<vmem>>
    %dma_start3A_9 = arith.constant 0 : i32
    %dma_start3A_10 = arith.constant 0 : i32
    %dma_start3A_11 = tpu.memref_slice %arg5[%dma_start3A_9, %dma_start3A_10] : memref<10000x128xf32, #tpu.memory_space<hbm>> -> memref<10000x128xf32, #tpu.memory_space<hbm>>
    tpu.enqueue_indirect_dma source(%dma_start3A_11 : memref<10000x128xf32, #tpu.memory_space<hbm>>) target(%arg11 : memref<128x128xf32, #tpu.memory_space<vmem>>) offsets(%dma_start3A_8 : memref<128xi32, #tpu.memory_space<vmem>>) semaphore(%arg14 : memref<!tpu.dma_semaphore, #tpu.memory_space<semaphore_mem>>)
    %scan3A = arith.constant 0 : i32
    %scan3A_12 = arith.constant 0 : i32
    %scan3A_13 = arith.constant 78 : i32
    %scan3A_14 = arith.addi %scan3A_12, %scan3A_13 : i32
    %scan3A_15 = arith.constant 1 : i32
    scf.for %scan3A_72 = %scan3A_12 to %scan3A_14 step %scan3A_15  : i32 {
      %rem3A = arith.constant 2 : i32
      %rem3A_73 = arith.remsi %scan3A_72, %rem3A : i32
      %eq3A = arith.constant 0 : i32
      %eq3A_74 = arith.cmpi eq, %rem3A_73, %eq3A : i32
      %convert_element_type3A = arith.extui %eq3A_74 : i1 to i32
      %cond3A = arith.constant 0 : i32
      %cond3A_75 = arith.cmpi ne, %convert_element_type3A, %cond3A : i32
      scf.if %cond3A_75 {
        %dma_wait3A_83 = arith.constant 0 : i32
        %dma_wait3A_84 = arith.constant 0 : i32
        %dma_wait3A_85 = tpu.memref_slice %arg3[%dma_wait3A_83, %dma_wait3A_84] : memref<10000x256xf32, #tpu.memory_space<hbm>> -> memref<128x256xf32, #tpu.memory_space<hbm>>
        %dma_wait3A_86 = arith.constant 0 : i32
        %dma_wait3A_87 = arith.constant 0 : i32
        %dma_wait3A_88 = tpu.memref_slice %arg3[%dma_wait3A_86, %dma_wait3A_87] : memref<10000x256xf32, #tpu.memory_space<hbm>> -> memref<128x256xf32, #tpu.memory_space<hbm>>
        tpu.wait_dma2 semaphore(%arg14 : memref<!tpu.dma_semaphore, #tpu.memory_space<semaphore_mem>>) src(%dma_wait3A_88 : memref<128x256xf32, #tpu.memory_space<hbm>>) dst(%arg10 : memref<128x256xf32, #tpu.memory_space<vmem>>)
        %dma_wait3A_89 = arith.constant 0 : i32
        %dma_wait3A_90 = arith.constant 0 : i32
        %dma_wait3A_91 = tpu.memref_slice %arg5[%dma_wait3A_89, %dma_wait3A_90] : memref<10000x128xf32, #tpu.memory_space<hbm>> -> memref<128x128xf32, #tpu.memory_space<hbm>>
        %dma_wait3A_92 = arith.constant 0 : i32
        %dma_wait3A_93 = arith.constant 0 : i32
        %dma_wait3A_94 = tpu.memref_slice %arg5[%dma_wait3A_92, %dma_wait3A_93] : memref<10000x128xf32, #tpu.memory_space<hbm>> -> memref<128x128xf32, #tpu.memory_space<hbm>>
        tpu.wait_dma2 semaphore(%arg14 : memref<!tpu.dma_semaphore, #tpu.memory_space<semaphore_mem>>) src(%dma_wait3A_94 : memref<128x128xf32, #tpu.memory_space<hbm>>) dst(%arg11 : memref<128x128xf32, #tpu.memory_space<vmem>>)
        %ge3A = arith.constant 1 : i32
        %ge3A_95 = arith.cmpi sge, %scan3A_72, %ge3A : i32
        %convert_element_type3A_96 = arith.extui %ge3A_95 : i1 to i32
        %cond3A_97 = arith.constant 0 : i32
        %cond3A_98 = arith.cmpi ne, %convert_element_type3A_96, %cond3A_97 : i32
        scf.if %cond3A_98 {
          %dma_wait3A_116 = arith.constant 0 : i32
          %dma_wait3A_117 = arith.constant 0 : i32
          %dma_wait3A_118 = tpu.memref_slice %arg6[%dma_wait3A_116, %dma_wait3A_117] : memref<320000x256xf32, #tpu.memory_space<hbm>> -> memref<128x256xf32, #tpu.memory_space<hbm>>
          %dma_wait3A_119 = arith.constant 0 : i32
          %dma_wait3A_120 = arith.constant 0 : i32
          %dma_wait3A_121 = tpu.memref_slice %arg6[%dma_wait3A_119, %dma_wait3A_120] : memref<320000x256xf32, #tpu.memory_space<hbm>> -> memref<128x256xf32, #tpu.memory_space<hbm>>
          tpu.wait_dma2 semaphore(%arg17 : memref<!tpu.dma_semaphore, #tpu.memory_space<semaphore_mem>>) src(%arg12 : memref<128x256xf32, #tpu.memory_space<vmem>>) dst(%dma_wait3A_121 : memref<128x256xf32, #tpu.memory_space<hbm>>)
          %dma_wait3A_122 = arith.constant 0 : i32
          %dma_wait3A_123 = arith.constant 0 : i32
          %dma_wait3A_124 = tpu.memref_slice %arg7[%dma_wait3A_122, %dma_wait3A_123] : memref<320000x128xf32, #tpu.memory_space<hbm>> -> memref<128x128xf32, #tpu.memory_space<hbm>>
          %dma_wait3A_125 = arith.constant 0 : i32
          %dma_wait3A_126 = arith.constant 0 : i32
          %dma_wait3A_127 = tpu.memref_slice %arg7[%dma_wait3A_125, %dma_wait3A_126] : memref<320000x128xf32, #tpu.memory_space<hbm>> -> memref<128x128xf32, #tpu.memory_space<hbm>>
          tpu.wait_dma2 semaphore(%arg17 : memref<!tpu.dma_semaphore, #tpu.memory_space<semaphore_mem>>) src(%arg13 : memref<128x128xf32, #tpu.memory_space<vmem>>) dst(%dma_wait3A_127 : memref<128x128xf32, #tpu.memory_space<hbm>>)
        } else {
        }
        %add3A_99 = arith.constant 1 : i32
        %add3A_100 = arith.addi %scan3A_72, %add3A_99 : i32
        %lt3A = arith.constant 78 : i32
        %lt3A_101 = arith.cmpi slt, %add3A_100, %lt3A : i32
        %convert_element_type3A_102 = arith.extui %lt3A_101 : i1 to i32
        %cond3A_103 = arith.constant 0 : i32
        %cond3A_104 = arith.cmpi ne, %convert_element_type3A_102, %cond3A_103 : i32
        scf.if %cond3A_104 {
          %add3A_116 = arith.constant 1 : i32
          %add3A_117 = arith.addi %scan3A_72, %add3A_116 : i32
          %mul3A_118 = arith.constant 128 : i32
          %mul3A_119 = arith.muli %add3A_117, %mul3A_118 : i32
          %dma_start3A_120 = tpu.memref_slice %arg8[%mul3A_119] : memref<10000xi32, #tpu.memory_space<vmem>> -> memref<128xi32, #tpu.memory_space<vmem>>
          %dma_start3A_121 = arith.constant 0 : i32
          %dma_start3A_122 = arith.constant 0 : i32
          %dma_start3A_123 = tpu.memref_slice %arg3[%dma_start3A_121, %dma_start3A_122] : memref<10000x256xf32, #tpu.memory_space<hbm>> -> memref<10000x256xf32, #tpu.memory_space<hbm>>
          tpu.enqueue_indirect_dma source(%dma_start3A_123 : memref<10000x256xf32, #tpu.memory_space<hbm>>) target(%arg12 : memref<128x256xf32, #tpu.memory_space<vmem>>) offsets(%dma_start3A_120 : memref<128xi32, #tpu.memory_space<vmem>>) semaphore(%arg15 : memref<!tpu.dma_semaphore, #tpu.memory_space<semaphore_mem>>)
          %dma_start3A_124 = tpu.memref_slice %arg9[%mul3A_119] : memref<10000xi32, #tpu.memory_space<vmem>> -> memref<128xi32, #tpu.memory_space<vmem>>
          %dma_start3A_125 = arith.constant 0 : i32
          %dma_start3A_126 = arith.constant 0 : i32
          %dma_start3A_127 = tpu.memref_slice %arg5[%dma_start3A_125, %dma_start3A_126] : memref<10000x128xf32, #tpu.memory_space<hbm>> -> memref<10000x128xf32, #tpu.memory_space<hbm>>
          tpu.enqueue_indirect_dma source(%dma_start3A_127 : memref<10000x128xf32, #tpu.memory_space<hbm>>) target(%arg13 : memref<128x128xf32, #tpu.memory_space<vmem>>) offsets(%dma_start3A_124 : memref<128xi32, #tpu.memory_space<vmem>>) semaphore(%arg15 : memref<!tpu.dma_semaphore, #tpu.memory_space<semaphore_mem>>)
        } else {
        }
        %mul3A_105 = arith.constant 128 : i32
        %mul3A_106 = arith.muli %scan3A_72, %mul3A_105 : i32
        %add3A_107 = arith.addi %mul3A_2, %mul3A_106 : i32
        %dma_start3A_108 = arith.constant 0 : i32
        %dma_start3A_109 = tpu.memref_slice %arg6[%add3A_107, %dma_start3A_108] : memref<320000x256xf32, #tpu.memory_space<hbm>> -> memref<128x256xf32, #tpu.memory_space<hbm>>
        %dma_start3A_110 = arith.constant 0 : i32
        %dma_start3A_111 = tpu.memref_slice %arg6[%add3A_107, %dma_start3A_110] : memref<320000x256xf32, #tpu.memory_space<hbm>> -> memref<128x256xf32, #tpu.memory_space<hbm>>
        tpu.enqueue_dma source(%arg10 : memref<128x256xf32, #tpu.memory_space<vmem>>) target(%dma_start3A_111 : memref<128x256xf32, #tpu.memory_space<hbm>>) target_semaphore(%arg16 : memref<!tpu.dma_semaphore, #tpu.memory_space<semaphore_mem>>)
        %dma_start3A_112 = arith.constant 0 : i32
        %dma_start3A_113 = tpu.memref_slice %arg7[%add3A_107, %dma_start3A_112] : memref<320000x128xf32, #tpu.memory_space<hbm>> -> memref<128x128xf32, #tpu.memory_space<hbm>>
        %dma_start3A_114 = arith.constant 0 : i32
        %dma_start3A_115 = tpu.memref_slice %arg7[%add3A_107, %dma_start3A_114] : memref<320000x128xf32, #tpu.memory_space<hbm>> -> memref<128x128xf32, #tpu.memory_space<hbm>>
        tpu.enqueue_dma source(%arg11 : memref<128x128xf32, #tpu.memory_space<vmem>>) target(%dma_start3A_115 : memref<128x128xf32, #tpu.memory_space<hbm>>) target_semaphore(%arg16 : memref<!tpu.dma_semaphore, #tpu.memory_space<semaphore_mem>>)
      } else {
      }
      %rem3A_76 = arith.constant 2 : i32
      %rem3A_77 = arith.remsi %scan3A_72, %rem3A_76 : i32
      %eq3A_78 = arith.constant 1 : i32
      %eq3A_79 = arith.cmpi eq, %rem3A_77, %eq3A_78 : i32
      %convert_element_type3A_80 = arith.extui %eq3A_79 : i1 to i32
      %cond3A_81 = arith.constant 0 : i32
      %cond3A_82 = arith.cmpi ne, %convert_element_type3A_80, %cond3A_81 : i32
      scf.if %cond3A_82 {
        %dma_wait3A_83 = arith.constant 0 : i32
        %dma_wait3A_84 = arith.constant 0 : i32
        %dma_wait3A_85 = tpu.memref_slice %arg3[%dma_wait3A_83, %dma_wait3A_84] : memref<10000x256xf32, #tpu.memory_space<hbm>> -> memref<128x256xf32, #tpu.memory_space<hbm>>
        %dma_wait3A_86 = arith.constant 0 : i32
        %dma_wait3A_87 = arith.constant 0 : i32
        %dma_wait3A_88 = tpu.memref_slice %arg3[%dma_wait3A_86, %dma_wait3A_87] : memref<10000x256xf32, #tpu.memory_space<hbm>> -> memref<128x256xf32, #tpu.memory_space<hbm>>
        tpu.wait_dma2 semaphore(%arg15 : memref<!tpu.dma_semaphore, #tpu.memory_space<semaphore_mem>>) src(%dma_wait3A_88 : memref<128x256xf32, #tpu.memory_space<hbm>>) dst(%arg12 : memref<128x256xf32, #tpu.memory_space<vmem>>)
        %dma_wait3A_89 = arith.constant 0 : i32
        %dma_wait3A_90 = arith.constant 0 : i32
        %dma_wait3A_91 = tpu.memref_slice %arg5[%dma_wait3A_89, %dma_wait3A_90] : memref<10000x128xf32, #tpu.memory_space<hbm>> -> memref<128x128xf32, #tpu.memory_space<hbm>>
        %dma_wait3A_92 = arith.constant 0 : i32
        %dma_wait3A_93 = arith.constant 0 : i32
        %dma_wait3A_94 = tpu.memref_slice %arg5[%dma_wait3A_92, %dma_wait3A_93] : memref<10000x128xf32, #tpu.memory_space<hbm>> -> memref<128x128xf32, #tpu.memory_space<hbm>>
        tpu.wait_dma2 semaphore(%arg15 : memref<!tpu.dma_semaphore, #tpu.memory_space<semaphore_mem>>) src(%dma_wait3A_94 : memref<128x128xf32, #tpu.memory_space<hbm>>) dst(%arg13 : memref<128x128xf32, #tpu.memory_space<vmem>>)
        %ge3A = arith.constant 1 : i32
        %ge3A_95 = arith.cmpi sge, %scan3A_72, %ge3A : i32
        %convert_element_type3A_96 = arith.extui %ge3A_95 : i1 to i32
        %cond3A_97 = arith.constant 0 : i32
        %cond3A_98 = arith.cmpi ne, %convert_element_type3A_96, %cond3A_97 : i32
        scf.if %cond3A_98 {
          %dma_wait3A_116 = arith.constant 0 : i32
          %dma_wait3A_117 = arith.constant 0 : i32
          %dma_wait3A_118 = tpu.memref_slice %arg6[%dma_wait3A_116, %dma_wait3A_117] : memref<320000x256xf32, #tpu.memory_space<hbm>> -> memref<128x256xf32, #tpu.memory_space<hbm>>
          %dma_wait3A_119 = arith.constant 0 : i32
          %dma_wait3A_120 = arith.constant 0 : i32
          %dma_wait3A_121 = tpu.memref_slice %arg6[%dma_wait3A_119, %dma_wait3A_120] : memref<320000x256xf32, #tpu.memory_space<hbm>> -> memref<128x256xf32, #tpu.memory_space<hbm>>
          tpu.wait_dma2 semaphore(%arg16 : memref<!tpu.dma_semaphore, #tpu.memory_space<semaphore_mem>>) src(%arg10 : memref<128x256xf32, #tpu.memory_space<vmem>>) dst(%dma_wait3A_121 : memref<128x256xf32, #tpu.memory_space<hbm>>)
          %dma_wait3A_122 = arith.constant 0 : i32
          %dma_wait3A_123 = arith.constant 0 : i32
          %dma_wait3A_124 = tpu.memref_slice %arg7[%dma_wait3A_122, %dma_wait3A_123] : memref<320000x128xf32, #tpu.memory_space<hbm>> -> memref<128x128xf32, #tpu.memory_space<hbm>>
          %dma_wait3A_125 = arith.constant 0 : i32
          %dma_wait3A_126 = arith.constant 0 : i32
          %dma_wait3A_127 = tpu.memref_slice %arg7[%dma_wait3A_125, %dma_wait3A_126] : memref<320000x128xf32, #tpu.memory_space<hbm>> -> memref<128x128xf32, #tpu.memory_space<hbm>>
          tpu.wait_dma2 semaphore(%arg16 : memref<!tpu.dma_semaphore, #tpu.memory_space<semaphore_mem>>) src(%arg11 : memref<128x128xf32, #tpu.memory_space<vmem>>) dst(%dma_wait3A_127 : memref<128x128xf32, #tpu.memory_space<hbm>>)
        } else {
        }
        %add3A_99 = arith.constant 1 : i32
        %add3A_100 = arith.addi %scan3A_72, %add3A_99 : i32
        %lt3A = arith.constant 78 : i32
        %lt3A_101 = arith.cmpi slt, %add3A_100, %lt3A : i32
        %convert_element_type3A_102 = arith.extui %lt3A_101 : i1 to i32
        %cond3A_103 = arith.constant 0 : i32
        %cond3A_104 = arith.cmpi ne, %convert_element_type3A_102, %cond3A_103 : i32
        scf.if %cond3A_104 {
          %add3A_116 = arith.constant 1 : i32
          %add3A_117 = arith.addi %scan3A_72, %add3A_116 : i32
          %mul3A_118 = arith.constant 128 : i32
          %mul3A_119 = arith.muli %add3A_117, %mul3A_118 : i32
          %dma_start3A_120 = tpu.memref_slice %arg8[%mul3A_119] : memref<10000xi32, #tpu.memory_space<vmem>> -> memref<128xi32, #tpu.memory_space<vmem>>
          %dma_start3A_121 = arith.constant 0 : i32
          %dma_start3A_122 = arith.constant 0 : i32
          %dma_start3A_123 = tpu.memref_slice %arg3[%dma_start3A_121, %dma_start3A_122] : memref<10000x256xf32, #tpu.memory_space<hbm>> -> memref<10000x256xf32, #tpu.memory_space<hbm>>
          tpu.enqueue_indirect_dma source(%dma_start3A_123 : memref<10000x256xf32, #tpu.memory_space<hbm>>) target(%arg10 : memref<128x256xf32, #tpu.memory_space<vmem>>) offsets(%dma_start3A_120 : memref<128xi32, #tpu.memory_space<vmem>>) semaphore(%arg14 : memref<!tpu.dma_semaphore, #tpu.memory_space<semaphore_mem>>)
          %dma_start3A_124 = tpu.memref_slice %arg9[%mul3A_119] : memref<10000xi32, #tpu.memory_space<vmem>> -> memref<128xi32, #tpu.memory_space<vmem>>
          %dma_start3A_125 = arith.constant 0 : i32
          %dma_start3A_126 = arith.constant 0 : i32
          %dma_start3A_127 = tpu.memref_slice %arg5[%dma_start3A_125, %dma_start3A_126] : memref<10000x128xf32, #tpu.memory_space<hbm>> -> memref<10000x128xf32, #tpu.memory_space<hbm>>
          tpu.enqueue_indirect_dma source(%dma_start3A_127 : memref<10000x128xf32, #tpu.memory_space<hbm>>) target(%arg11 : memref<128x128xf32, #tpu.memory_space<vmem>>) offsets(%dma_start3A_124 : memref<128xi32, #tpu.memory_space<vmem>>) semaphore(%arg14 : memref<!tpu.dma_semaphore, #tpu.memory_space<semaphore_mem>>)
        } else {
        }
        %mul3A_105 = arith.constant 128 : i32
        %mul3A_106 = arith.muli %scan3A_72, %mul3A_105 : i32
        %add3A_107 = arith.addi %mul3A_2, %mul3A_106 : i32
        %dma_start3A_108 = arith.constant 0 : i32
        %dma_start3A_109 = tpu.memref_slice %arg6[%add3A_107, %dma_start3A_108] : memref<320000x256xf32, #tpu.memory_space<hbm>> -> memref<128x256xf32, #tpu.memory_space<hbm>>
        %dma_start3A_110 = arith.constant 0 : i32
        %dma_start3A_111 = tpu.memref_slice %arg6[%add3A_107, %dma_start3A_110] : memref<320000x256xf32, #tpu.memory_space<hbm>> -> memref<128x256xf32, #tpu.memory_space<hbm>>
        tpu.enqueue_dma source(%arg12 : memref<128x256xf32, #tpu.memory_space<vmem>>) target(%dma_start3A_111 : memref<128x256xf32, #tpu.memory_space<hbm>>) target_semaphore(%arg17 : memref<!tpu.dma_semaphore, #tpu.memory_space<semaphore_mem>>)
        %dma_start3A_112 = arith.constant 0 : i32
        %dma_start3A_113 = tpu.memref_slice %arg7[%add3A_107, %dma_start3A_112] : memref<320000x128xf32, #tpu.memory_space<hbm>> -> memref<128x128xf32, #tpu.memory_space<hbm>>
        %dma_start3A_114 = arith.constant 0 : i32
        %dma_start3A_115 = tpu.memref_slice %arg7[%add3A_107, %dma_start3A_114] : memref<320000x128xf32, #tpu.memory_space<hbm>> -> memref<128x128xf32, #tpu.memory_space<hbm>>
        tpu.enqueue_dma source(%arg13 : memref<128x128xf32, #tpu.memory_space<vmem>>) target(%dma_start3A_115 : memref<128x128xf32, #tpu.memory_space<hbm>>) target_semaphore(%arg17 : memref<!tpu.dma_semaphore, #tpu.memory_space<semaphore_mem>>)
      } else {
      }
    }
    %scan3A_16 = arith.constant 78 : i32
    %dma_wait3A = arith.constant 0 : i32
    %dma_wait3A_17 = arith.constant 0 : i32
    %dma_wait3A_18 = tpu.memref_slice %arg6[%dma_wait3A, %dma_wait3A_17] : memref<320000x256xf32, #tpu.memory_space<hbm>> -> memref<128x256xf32, #tpu.memory_space<hbm>>
    %dma_wait3A_19 = arith.constant 0 : i32
    %dma_wait3A_20 = arith.constant 0 : i32
    %dma_wait3A_21 = tpu.memref_slice %arg6[%dma_wait3A_19, %dma_wait3A_20] : memref<320000x256xf32, #tpu.memory_space<hbm>> -> memref<128x256xf32, #tpu.memory_space<hbm>>
    tpu.wait_dma2 semaphore(%arg17 : memref<!tpu.dma_semaphore, #tpu.memory_space<semaphore_mem>>) src(%arg12 : memref<128x256xf32, #tpu.memory_space<vmem>>) dst(%dma_wait3A_21 : memref<128x256xf32, #tpu.memory_space<hbm>>)
    %dma_wait3A_22 = arith.constant 0 : i32
    %dma_wait3A_23 = arith.constant 0 : i32
    %dma_wait3A_24 = tpu.memref_slice %arg7[%dma_wait3A_22, %dma_wait3A_23] : memref<320000x128xf32, #tpu.memory_space<hbm>> -> memref<128x128xf32, #tpu.memory_space<hbm>>
    %dma_wait3A_25 = arith.constant 0 : i32
    %dma_wait3A_26 = arith.constant 0 : i32
    %dma_wait3A_27 = tpu.memref_slice %arg7[%dma_wait3A_25, %dma_wait3A_26] : memref<320000x128xf32, #tpu.memory_space<hbm>> -> memref<128x128xf32, #tpu.memory_space<hbm>>
    tpu.wait_dma2 semaphore(%arg17 : memref<!tpu.dma_semaphore, #tpu.memory_space<semaphore_mem>>) src(%arg13 : memref<128x128xf32, #tpu.memory_space<vmem>>) dst(%dma_wait3A_27 : memref<128x128xf32, #tpu.memory_space<hbm>>)
    %dma_start3A_28 = arith.constant 0 : i32
    %dma_start3A_29 = arith.constant 0 : i32
    %dma_start3A_30 = tpu.memref_slice %arg10[%dma_start3A_28, %dma_start3A_29] : memref<128x256xf32, #tpu.memory_space<vmem>> -> memref<16x256xf32, #tpu.memory_space<vmem>>
    %dma_start3A_31 = arith.constant 9984 : i32
    %dma_start3A_32 = tpu.memref_slice %arg8[%dma_start3A_31] : memref<10000xi32, #tpu.memory_space<vmem>> -> memref<16xi32, #tpu.memory_space<vmem>>
    %dma_start3A_33 = arith.constant 0 : i32
    %dma_start3A_34 = arith.constant 0 : i32
    %dma_start3A_35 = tpu.memref_slice %arg3[%dma_start3A_33, %dma_start3A_34] : memref<10000x256xf32, #tpu.memory_space<hbm>> -> memref<10000x256xf32, #tpu.memory_space<hbm>>
    tpu.enqueue_indirect_dma source(%dma_start3A_35 : memref<10000x256xf32, #tpu.memory_space<hbm>>) target(%dma_start3A_30 : memref<16x256xf32, #tpu.memory_space<vmem>>) offsets(%dma_start3A_32 : memref<16xi32, #tpu.memory_space<vmem>>) semaphore(%arg14 : memref<!tpu.dma_semaphore, #tpu.memory_space<semaphore_mem>>)
    %dma_start3A_36 = arith.constant 0 : i32
    %dma_start3A_37 = arith.constant 0 : i32
    %dma_start3A_38 = tpu.memref_slice %arg11[%dma_start3A_36, %dma_start3A_37] : memref<128x128xf32, #tpu.memory_space<vmem>> -> memref<16x128xf32, #tpu.memory_space<vmem>>
    %dma_start3A_39 = arith.constant 9984 : i32
    %dma_start3A_40 = tpu.memref_slice %arg9[%dma_start3A_39] : memref<10000xi32, #tpu.memory_space<vmem>> -> memref<16xi32, #tpu.memory_space<vmem>>
    %dma_start3A_41 = arith.constant 0 : i32
    %dma_start3A_42 = arith.constant 0 : i32
    %dma_start3A_43 = tpu.memref_slice %arg5[%dma_start3A_41, %dma_start3A_42] : memref<10000x128xf32, #tpu.memory_space<hbm>> -> memref<10000x128xf32, #tpu.memory_space<hbm>>
    tpu.enqueue_indirect_dma source(%dma_start3A_43 : memref<10000x128xf32, #tpu.memory_space<hbm>>) target(%dma_start3A_38 : memref<16x128xf32, #tpu.memory_space<vmem>>) offsets(%dma_start3A_40 : memref<16xi32, #tpu.memory_space<vmem>>) semaphore(%arg14 : memref<!tpu.dma_semaphore, #tpu.memory_space<semaphore_mem>>)
    %dma_wait3A_44 = arith.constant 0 : i32
    %dma_wait3A_45 = arith.constant 0 : i32
    %dma_wait3A_46 = tpu.memref_slice %arg10[%dma_wait3A_44, %dma_wait3A_45] : memref<128x256xf32, #tpu.memory_space<vmem>> -> memref<16x256xf32, #tpu.memory_space<vmem>>
    %dma_wait3A_47 = arith.constant 0 : i32
    %dma_wait3A_48 = arith.constant 0 : i32
    %dma_wait3A_49 = tpu.memref_slice %arg3[%dma_wait3A_47, %dma_wait3A_48] : memref<10000x256xf32, #tpu.memory_space<hbm>> -> memref<16x256xf32, #tpu.memory_space<hbm>>
    %dma_wait3A_50 = arith.constant 0 : i32
    %dma_wait3A_51 = arith.constant 0 : i32
    %dma_wait3A_52 = tpu.memref_slice %arg10[%dma_wait3A_50, %dma_wait3A_51] : memref<128x256xf32, #tpu.memory_space<vmem>> -> memref<16x256xf32, #tpu.memory_space<vmem>>
    %dma_wait3A_53 = arith.constant 0 : i32
    %dma_wait3A_54 = arith.constant 0 : i32
    %dma_wait3A_55 = tpu.memref_slice %arg3[%dma_wait3A_53, %dma_wait3A_54] : memref<10000x256xf32, #tpu.memory_space<hbm>> -> memref<16x256xf32, #tpu.memory_space<hbm>>
    tpu.wait_dma2 semaphore(%arg14 : memref<!tpu.dma_semaphore, #tpu.memory_space<semaphore_mem>>) src(%dma_wait3A_55 : memref<16x256xf32, #tpu.memory_space<hbm>>) dst(%dma_wait3A_52 : memref<16x256xf32, #tpu.memory_space<vmem>>)
    %dma_wait3A_56 = arith.constant 0 : i32
    %dma_wait3A_57 = arith.constant 0 : i32
    %dma_wait3A_58 = tpu.memref_slice %arg11[%dma_wait3A_56, %dma_wait3A_57] : memref<128x128xf32, #tpu.memory_space<vmem>> -> memref<16x128xf32, #tpu.memory_space<vmem>>
    %dma_wait3A_59 = arith.constant 0 : i32
    %dma_wait3A_60 = arith.constant 0 : i32
    %dma_wait3A_61 = tpu.memref_slice %arg5[%dma_wait3A_59, %dma_wait3A_60] : memref<10000x128xf32, #tpu.memory_space<hbm>> -> memref<16x128xf32, #tpu.memory_space<hbm>>
    %dma_wait3A_62 = arith.constant 0 : i32
    %dma_wait3A_63 = arith.constant 0 : i32
    %dma_wait3A_64 = tpu.memref_slice %arg11[%dma_wait3A_62, %dma_wait3A_63] : memref<128x128xf32, #tpu.memory_space<vmem>> -> memref<16x128xf32, #tpu.memory_space<vmem>>
    %dma_wait3A_65 = arith.constant 0 : i32
    %dma_wait3A_66 = arith.constant 0 : i32
    %dma_wait3A_67 = tpu.memref_slice %arg5[%dma_wait3A_65, %dma_wait3A_66] : memref<10000x128xf32, #tpu.memory_space<hbm>> -> memref<16x128xf32, #tpu.memory_space<hbm>>
    tpu.wait_dma2 semaphore(%arg14 : memref<!tpu.dma_semaphore, #tpu.memory_space<semaphore_mem>>) src(%dma_wait3A_67 : memref<16x128xf32, #tpu.memory_space<hbm>>) dst(%dma_wait3A_64 : memref<16x128xf32, #tpu.memory_space<vmem>>)
    %add3A_68 = arith.constant 9984 : i32
    %add3A_69 = arith.addi %mul3A_2, %add3A_68 : i32
    "tpu.region"() ({
      %run_scoped3A = tpu.sem_alloc : memref<!tpu.dma_semaphore, #tpu.memory_space<semaphore_mem>>
      %dma_start3A_72 = arith.constant 0 : i32
      %dma_start3A_73 = arith.constant 0 : i32
      %dma_start3A_74 = tpu.memref_slice %arg10[%dma_start3A_72, %dma_start3A_73] : memref<128x256xf32, #tpu.memory_space<vmem>> -> memref<16x256xf32, #tpu.memory_space<vmem>>
      %dma_start3A_75 = arith.constant 0 : i32
      %dma_start3A_76 = tpu.memref_slice %arg6[%add3A_69, %dma_start3A_75] : memref<320000x256xf32, #tpu.memory_space<hbm>> -> memref<16x256xf32, #tpu.memory_space<hbm>>
      %dma_start3A_77 = arith.constant 0 : i32
      %dma_start3A_78 = tpu.memref_slice %arg6[%add3A_69, %dma_start3A_77] : memref<320000x256xf32, #tpu.memory_space<hbm>> -> memref<16x256xf32, #tpu.memory_space<hbm>>
      %dma_start3A_79 = arith.constant 0 : i32
      %dma_start3A_80 = arith.constant 0 : i32
      %dma_start3A_81 = tpu.memref_slice %arg10[%dma_start3A_79, %dma_start3A_80] : memref<128x256xf32, #tpu.memory_space<vmem>> -> memref<16x256xf32, #tpu.memory_space<vmem>>
      tpu.enqueue_dma source(%dma_start3A_81 : memref<16x256xf32, #tpu.memory_space<vmem>>) target(%dma_start3A_78 : memref<16x256xf32, #tpu.memory_space<hbm>>) target_semaphore(%run_scoped3A : memref<!tpu.dma_semaphore, #tpu.memory_space<semaphore_mem>>)
      %dma_wait3A_82 = arith.constant 0 : i32
      %dma_wait3A_83 = arith.constant 0 : i32
      %dma_wait3A_84 = tpu.memref_slice %arg10[%dma_wait3A_82, %dma_wait3A_83] : memref<128x256xf32, #tpu.memory_space<vmem>> -> memref<16x256xf32, #tpu.memory_space<vmem>>
      %dma_wait3A_85 = arith.constant 0 : i32
      %dma_wait3A_86 = tpu.memref_slice %arg6[%add3A_69, %dma_wait3A_85] : memref<320000x256xf32, #tpu.memory_space<hbm>> -> memref<16x256xf32, #tpu.memory_space<hbm>>
      %dma_wait3A_87 = arith.constant 0 : i32
      %dma_wait3A_88 = tpu.memref_slice %arg6[%add3A_69, %dma_wait3A_87] : memref<320000x256xf32, #tpu.memory_space<hbm>> -> memref<16x256xf32, #tpu.memory_space<hbm>>
      %dma_wait3A_89 = arith.constant 0 : i32
      %dma_wait3A_90 = arith.constant 0 : i32
      %dma_wait3A_91 = tpu.memref_slice %arg10[%dma_wait3A_89, %dma_wait3A_90] : memref<128x256xf32, #tpu.memory_space<vmem>> -> memref<16x256xf32, #tpu.memory_space<vmem>>
      tpu.wait_dma2 semaphore(%run_scoped3A : memref<!tpu.dma_semaphore, #tpu.memory_space<semaphore_mem>>) src(%dma_wait3A_91 : memref<16x256xf32, #tpu.memory_space<vmem>>) dst(%dma_wait3A_88 : memref<16x256xf32, #tpu.memory_space<hbm>>)
      tpu.yield
    }) : () -> ()
    %add3A_70 = arith.constant 9984 : i32
    %add3A_71 = arith.addi %mul3A_2, %add3A_70 : i32
    "tpu.region"() ({
      %run_scoped3A = tpu.sem_alloc : memref<!tpu.dma_semaphore, #tpu.memory_space<semaphore_mem>>
      %dma_start3A_72 = arith.constant 0 : i32
      %dma_start3A_73 = arith.constant 0 : i32
      %dma_start3A_74 = tpu.memref_slice %arg11[%dma_start3A_72, %dma_start3A_73] : memref<128x128xf32, #tpu.memory_space<vmem>> -> memref<16x128xf32, #tpu.memory_space<vmem>>
      %dma_start3A_75 = arith.constant 0 : i32
      %dma_start3A_76 = tpu.memref_slice %arg7[%add3A_71, %dma_start3A_75] : memref<320000x128xf32, #tpu.memory_space<hbm>> -> memref<16x128xf32, #tpu.memory_space<hbm>>
      %dma_start3A_77 = arith.constant 0 : i32
      %dma_start3A_78 = tpu.memref_slice %arg7[%add3A_71, %dma_start3A_77] : memref<320000x128xf32, #tpu.memory_space<hbm>> -> memref<16x128xf32, #tpu.memory_space<hbm>>
      %dma_start3A_79 = arith.constant 0 : i32
      %dma_start3A_80 = arith.constant 0 : i32
      %dma_start3A_81 = tpu.memref_slice %arg11[%dma_start3A_79, %dma_start3A_80] : memref<128x128xf32, #tpu.memory_space<vmem>> -> memref<16x128xf32, #tpu.memory_space<vmem>>
      tpu.enqueue_dma source(%dma_start3A_81 : memref<16x128xf32, #tpu.memory_space<vmem>>) target(%dma_start3A_78 : memref<16x128xf32, #tpu.memory_space<hbm>>) target_semaphore(%run_scoped3A : memref<!tpu.dma_semaphore, #tpu.memory_space<semaphore_mem>>)
      %dma_wait3A_82 = arith.constant 0 : i32
      %dma_wait3A_83 = arith.constant 0 : i32
      %dma_wait3A_84 = tpu.memref_slice %arg11[%dma_wait3A_82, %dma_wait3A_83] : memref<128x128xf32, #tpu.memory_space<vmem>> -> memref<16x128xf32, #tpu.memory_space<vmem>>
      %dma_wait3A_85 = arith.constant 0 : i32
      %dma_wait3A_86 = tpu.memref_slice %arg7[%add3A_71, %dma_wait3A_85] : memref<320000x128xf32, #tpu.memory_space<hbm>> -> memref<16x128xf32, #tpu.memory_space<hbm>>
      %dma_wait3A_87 = arith.constant 0 : i32
      %dma_wait3A_88 = tpu.memref_slice %arg7[%add3A_71, %dma_wait3A_87] : memref<320000x128xf32, #tpu.memory_space<hbm>> -> memref<16x128xf32, #tpu.memory_space<hbm>>
      %dma_wait3A_89 = arith.constant 0 : i32
      %dma_wait3A_90 = arith.constant 0 : i32
      %dma_wait3A_91 = tpu.memref_slice %arg11[%dma_wait3A_89, %dma_wait3A_90] : memref<128x128xf32, #tpu.memory_space<vmem>> -> memref<16x128xf32, #tpu.memory_space<vmem>>
      tpu.wait_dma2 semaphore(%run_scoped3A : memref<!tpu.dma_semaphore, #tpu.memory_space<semaphore_mem>>) src(%dma_wait3A_91 : memref<16x128xf32, #tpu.memory_space<vmem>>) dst(%dma_wait3A_88 : memref<16x128xf32, #tpu.memory_space<hbm>>)
      tpu.yield
    }) : () -> ()
    return
  }
}

#map = affine_map<(d0, d1) -> (0)>
#map1 = affine_map<(d0, d1) -> (0, 0)>
module attributes {stable_mosaic.version = 14 : i64} {
  func.func @_sc_gather_body(%arg0: i32, %arg1: i32, %arg2: memref<320000xi32, #tpu.memory_space<hbm>>, %arg3: memref<10000x256xf32, #tpu.memory_space<hbm>>, %arg4: memref<320000xi32, #tpu.memory_space<hbm>>, %arg5: memref<10000x128xf32, #tpu.memory_space<hbm>>, %arg6: memref<320000x256xf32, #tpu.memory_space<hbm>>, %arg7: memref<320000x128xf32, #tpu.memory_space<hbm>>, %arg8: memref<10000xi32, #tpu.memory_space<vmem>>, %arg9: memref<10000xi32, #tpu.memory_space<vmem>>, %arg10: memref<128x256xf32, #tpu.memory_space<vmem>>, %arg11: memref<128x128xf32, #tpu.memory_space<vmem>>, %arg12: memref<128x256xf32, #tpu.memory_space<vmem>>, %arg13: memref<128x128xf32, #tpu.memory_space<vmem>>, %arg14: memref<!tpu.dma_semaphore, #tpu.memory_space<semaphore_mem>>, %arg15: memref<!tpu.dma_semaphore, #tpu.memory_space<semaphore_mem>>, %arg16: memref<!tpu.dma_semaphore, #tpu.memory_space<semaphore_mem>>, %arg17: memref<!tpu.dma_semaphore, #tpu.memory_space<semaphore_mem>>) attributes {dimension_semantics = [#tpu.dimension_semantics<core_parallel>, #tpu.dimension_semantics<subcore_parallel>], iteration_bounds = array<i64: 2, 16>, scalar_prefetch = 0 : i64, scratch_operands = 10 : i64, tpu.core_type = #tpu.core_type<sc_vector_subcore>, window_params = [{transform_indices = #map}, {transform_indices = #map1}, {transform_indices = #map}, {transform_indices = #map1}, {transform_indices = #map1}, {transform_indices = #map1}]} {
    %mul3A = arith.constant 2 : i32
    %mul3A_0 = arith.muli %arg1, %mul3A : i32
    %add3A = arith.addi %mul3A_0, %arg0 : i32
    %mul3A_1 = arith.constant 10000 : i32
    %mul3A_2 = arith.muli %add3A, %mul3A_1 : i32
    "tpu.region"() ({
      %run_scoped3A = tpu.sem_alloc : memref<!tpu.dma_semaphore, #tpu.memory_space<semaphore_mem>>
      %dma_start3A_72 = tpu.memref_slice %arg2[%mul3A_2] : memref<320000xi32, #tpu.memory_space<hbm>> -> memref<10000xi32, #tpu.memory_space<hbm>>
      %dma_start3A_73 = tpu.memref_slice %arg2[%mul3A_2] : memref<320000xi32, #tpu.memory_space<hbm>> -> memref<10000xi32, #tpu.memory_space<hbm>>
      tpu.enqueue_dma source(%dma_start3A_73 : memref<10000xi32, #tpu.memory_space<hbm>>) target(%arg8 : memref<10000xi32, #tpu.memory_space<vmem>>) target_semaphore(%run_scoped3A : memref<!tpu.dma_semaphore, #tpu.memory_space<semaphore_mem>>)
      %dma_wait3A_74 = tpu.memref_slice %arg2[%mul3A_2] : memref<320000xi32, #tpu.memory_space<hbm>> -> memref<10000xi32, #tpu.memory_space<hbm>>
      %dma_wait3A_75 = tpu.memref_slice %arg2[%mul3A_2] : memref<320000xi32, #tpu.memory_space<hbm>> -> memref<10000xi32, #tpu.memory_space<hbm>>
      tpu.wait_dma2 semaphore(%run_scoped3A : memref<!tpu.dma_semaphore, #tpu.memory_space<semaphore_mem>>) src(%dma_wait3A_75 : memref<10000xi32, #tpu.memory_space<hbm>>) dst(%arg8 : memref<10000xi32, #tpu.memory_space<vmem>>)
      tpu.yield
    }) : () -> ()
    "tpu.region"() ({
      %run_scoped3A = tpu.sem_alloc : memref<!tpu.dma_semaphore, #tpu.memory_space<semaphore_mem>>
      %dma_start3A_72 = tpu.memref_slice %arg4[%mul3A_2] : memref<320000xi32, #tpu.memory_space<hbm>> -> memref<10000xi32, #tpu.memory_space<hbm>>
      %dma_start3A_73 = tpu.memref_slice %arg4[%mul3A_2] : memref<320000xi32, #tpu.memory_space<hbm>> -> memref<10000xi32, #tpu.memory_space<hbm>>
      tpu.enqueue_dma source(%dma_start3A_73 : memref<10000xi32, #tpu.memory_space<hbm>>) target(%arg9 : memref<10000xi32, #tpu.memory_space<vmem>>) target_semaphore(%run_scoped3A : memref<!tpu.dma_semaphore, #tpu.memory_space<semaphore_mem>>)
      %dma_wait3A_74 = tpu.memref_slice %arg4[%mul3A_2] : memref<320000xi32, #tpu.memory_space<hbm>> -> memref<10000xi32, #tpu.memory_space<hbm>>
      %dma_wait3A_75 = tpu.memref_slice %arg4[%mul3A_2] : memref<320000xi32, #tpu.memory_space<hbm>> -> memref<10000xi32, #tpu.memory_space<hbm>>
      tpu.wait_dma2 semaphore(%run_scoped3A : memref<!tpu.dma_semaphore, #tpu.memory_space<semaphore_mem>>) src(%dma_wait3A_75 : memref<10000xi32, #tpu.memory_space<hbm>>) dst(%arg9 : memref<10000xi32, #tpu.memory_space<vmem>>)
      tpu.yield
    }) : () -> ()
    %dma_start3A = arith.constant 0 : i32
    %dma_start3A_3 = tpu.memref_slice %arg8[%dma_start3A] : memref<10000xi32, #tpu.memory_space<vmem>> -> memref<128xi32, #tpu.memory_space<vmem>>
    %dma_start3A_4 = arith.constant 0 : i32
    %dma_start3A_5 = arith.constant 0 : i32
    %dma_start3A_6 = tpu.memref_slice %arg3[%dma_start3A_4, %dma_start3A_5] : memref<10000x256xf32, #tpu.memory_space<hbm>> -> memref<10000x256xf32, #tpu.memory_space<hbm>>
    tpu.enqueue_indirect_dma source(%dma_start3A_6 : memref<10000x256xf32, #tpu.memory_space<hbm>>) target(%arg10 : memref<128x256xf32, #tpu.memory_space<vmem>>) offsets(%dma_start3A_3 : memref<128xi32, #tpu.memory_space<vmem>>) semaphore(%arg14 : memref<!tpu.dma_semaphore, #tpu.memory_space<semaphore_mem>>)
    %dma_start3A_7 = arith.constant 0 : i32
    %dma_start3A_8 = tpu.memref_slice %arg9[%dma_start3A_7] : memref<10000xi32, #tpu.memory_space<vmem>> -> memref<128xi32, #tpu.memory_space<vmem>>
    %dma_start3A_9 = arith.constant 0 : i32
    %dma_start3A_10 = arith.constant 0 : i32
    %dma_start3A_11 = tpu.memref_slice %arg5[%dma_start3A_9, %dma_start3A_10] : memref<10000x128xf32, #tpu.memory_space<hbm>> -> memref<10000x128xf32, #tpu.memory_space<hbm>>
    tpu.enqueue_indirect_dma source(%dma_start3A_11 : memref<10000x128xf32, #tpu.memory_space<hbm>>) target(%arg11 : memref<128x128xf32, #tpu.memory_space<vmem>>) offsets(%dma_start3A_8 : memref<128xi32, #tpu.memory_space<vmem>>) semaphore(%arg14 : memref<!tpu.dma_semaphore, #tpu.memory_space<semaphore_mem>>)
    %scan3A = arith.constant 0 : i32
    %scan3A_12 = arith.constant 0 : i32
    %scan3A_13 = arith.constant 78 : i32
    %scan3A_14 = arith.addi %scan3A_12, %scan3A_13 : i32
    %scan3A_15 = arith.constant 1 : i32
    scf.for %scan3A_72 = %scan3A_12 to %scan3A_14 step %scan3A_15  : i32 {
      %rem3A = arith.constant 2 : i32
      %rem3A_73 = arith.remsi %scan3A_72, %rem3A : i32
      %eq3A = arith.constant 0 : i32
      %eq3A_74 = arith.cmpi eq, %rem3A_73, %eq3A : i32
      %convert_element_type3A = arith.extui %eq3A_74 : i1 to i32
      %cond3A = arith.constant 0 : i32
      %cond3A_75 = arith.cmpi ne, %convert_element_type3A, %cond3A : i32
      scf.if %cond3A_75 {
        %dma_wait3A_83 = arith.constant 0 : i32
        %dma_wait3A_84 = arith.constant 0 : i32
        %dma_wait3A_85 = tpu.memref_slice %arg3[%dma_wait3A_83, %dma_wait3A_84] : memref<10000x256xf32, #tpu.memory_space<hbm>> -> memref<128x256xf32, #tpu.memory_space<hbm>>
        %dma_wait3A_86 = arith.constant 0 : i32
        %dma_wait3A_87 = arith.constant 0 : i32
        %dma_wait3A_88 = tpu.memref_slice %arg3[%dma_wait3A_86, %dma_wait3A_87] : memref<10000x256xf32, #tpu.memory_space<hbm>> -> memref<128x256xf32, #tpu.memory_space<hbm>>
        tpu.wait_dma2 semaphore(%arg14 : memref<!tpu.dma_semaphore, #tpu.memory_space<semaphore_mem>>) src(%dma_wait3A_88 : memref<128x256xf32, #tpu.memory_space<hbm>>) dst(%arg10 : memref<128x256xf32, #tpu.memory_space<vmem>>)
        %dma_wait3A_89 = arith.constant 0 : i32
        %dma_wait3A_90 = arith.constant 0 : i32
        %dma_wait3A_91 = tpu.memref_slice %arg5[%dma_wait3A_89, %dma_wait3A_90] : memref<10000x128xf32, #tpu.memory_space<hbm>> -> memref<128x128xf32, #tpu.memory_space<hbm>>
        %dma_wait3A_92 = arith.constant 0 : i32
        %dma_wait3A_93 = arith.constant 0 : i32
        %dma_wait3A_94 = tpu.memref_slice %arg5[%dma_wait3A_92, %dma_wait3A_93] : memref<10000x128xf32, #tpu.memory_space<hbm>> -> memref<128x128xf32, #tpu.memory_space<hbm>>
        tpu.wait_dma2 semaphore(%arg14 : memref<!tpu.dma_semaphore, #tpu.memory_space<semaphore_mem>>) src(%dma_wait3A_94 : memref<128x128xf32, #tpu.memory_space<hbm>>) dst(%arg11 : memref<128x128xf32, #tpu.memory_space<vmem>>)
        %ge3A = arith.constant 1 : i32
        %ge3A_95 = arith.cmpi sge, %scan3A_72, %ge3A : i32
        %convert_element_type3A_96 = arith.extui %ge3A_95 : i1 to i32
        %cond3A_97 = arith.constant 0 : i32
        %cond3A_98 = arith.cmpi ne, %convert_element_type3A_96, %cond3A_97 : i32
        scf.if %cond3A_98 {
          %dma_wait3A_116 = arith.constant 0 : i32
          %dma_wait3A_117 = arith.constant 0 : i32
          %dma_wait3A_118 = tpu.memref_slice %arg6[%dma_wait3A_116, %dma_wait3A_117] : memref<320000x256xf32, #tpu.memory_space<hbm>> -> memref<128x256xf32, #tpu.memory_space<hbm>>
          %dma_wait3A_119 = arith.constant 0 : i32
          %dma_wait3A_120 = arith.constant 0 : i32
          %dma_wait3A_121 = tpu.memref_slice %arg6[%dma_wait3A_119, %dma_wait3A_120] : memref<320000x256xf32, #tpu.memory_space<hbm>> -> memref<128x256xf32, #tpu.memory_space<hbm>>
          tpu.wait_dma2 semaphore(%arg17 : memref<!tpu.dma_semaphore, #tpu.memory_space<semaphore_mem>>) src(%arg12 : memref<128x256xf32, #tpu.memory_space<vmem>>) dst(%dma_wait3A_121 : memref<128x256xf32, #tpu.memory_space<hbm>>)
          %dma_wait3A_122 = arith.constant 0 : i32
          %dma_wait3A_123 = arith.constant 0 : i32
          %dma_wait3A_124 = tpu.memref_slice %arg7[%dma_wait3A_122, %dma_wait3A_123] : memref<320000x128xf32, #tpu.memory_space<hbm>> -> memref<128x128xf32, #tpu.memory_space<hbm>>
          %dma_wait3A_125 = arith.constant 0 : i32
          %dma_wait3A_126 = arith.constant 0 : i32
          %dma_wait3A_127 = tpu.memref_slice %arg7[%dma_wait3A_125, %dma_wait3A_126] : memref<320000x128xf32, #tpu.memory_space<hbm>> -> memref<128x128xf32, #tpu.memory_space<hbm>>
          tpu.wait_dma2 semaphore(%arg17 : memref<!tpu.dma_semaphore, #tpu.memory_space<semaphore_mem>>) src(%arg13 : memref<128x128xf32, #tpu.memory_space<vmem>>) dst(%dma_wait3A_127 : memref<128x128xf32, #tpu.memory_space<hbm>>)
        } else {
        }
        %add3A_99 = arith.constant 1 : i32
        %add3A_100 = arith.addi %scan3A_72, %add3A_99 : i32
        %lt3A = arith.constant 78 : i32
        %lt3A_101 = arith.cmpi slt, %add3A_100, %lt3A : i32
        %convert_element_type3A_102 = arith.extui %lt3A_101 : i1 to i32
        %cond3A_103 = arith.constant 0 : i32
        %cond3A_104 = arith.cmpi ne, %convert_element_type3A_102, %cond3A_103 : i32
        scf.if %cond3A_104 {
          %add3A_116 = arith.constant 1 : i32
          %add3A_117 = arith.addi %scan3A_72, %add3A_116 : i32
          %mul3A_118 = arith.constant 128 : i32
          %mul3A_119 = arith.muli %add3A_117, %mul3A_118 : i32
          %dma_start3A_120 = tpu.memref_slice %arg8[%mul3A_119] : memref<10000xi32, #tpu.memory_space<vmem>> -> memref<128xi32, #tpu.memory_space<vmem>>
          %dma_start3A_121 = arith.constant 0 : i32
          %dma_start3A_122 = arith.constant 0 : i32
          %dma_start3A_123 = tpu.memref_slice %arg3[%dma_start3A_121, %dma_start3A_122] : memref<10000x256xf32, #tpu.memory_space<hbm>> -> memref<10000x256xf32, #tpu.memory_space<hbm>>
          tpu.enqueue_indirect_dma source(%dma_start3A_123 : memref<10000x256xf32, #tpu.memory_space<hbm>>) target(%arg12 : memref<128x256xf32, #tpu.memory_space<vmem>>) offsets(%dma_start3A_120 : memref<128xi32, #tpu.memory_space<vmem>>) semaphore(%arg15 : memref<!tpu.dma_semaphore, #tpu.memory_space<semaphore_mem>>)
          %dma_start3A_124 = tpu.memref_slice %arg9[%mul3A_119] : memref<10000xi32, #tpu.memory_space<vmem>> -> memref<128xi32, #tpu.memory_space<vmem>>
          %dma_start3A_125 = arith.constant 0 : i32
          %dma_start3A_126 = arith.constant 0 : i32
          %dma_start3A_127 = tpu.memref_slice %arg5[%dma_start3A_125, %dma_start3A_126] : memref<10000x128xf32, #tpu.memory_space<hbm>> -> memref<10000x128xf32, #tpu.memory_space<hbm>>
          tpu.enqueue_indirect_dma source(%dma_start3A_127 : memref<10000x128xf32, #tpu.memory_space<hbm>>) target(%arg13 : memref<128x128xf32, #tpu.memory_space<vmem>>) offsets(%dma_start3A_124 : memref<128xi32, #tpu.memory_space<vmem>>) semaphore(%arg15 : memref<!tpu.dma_semaphore, #tpu.memory_space<semaphore_mem>>)
        } else {
        }
        %mul3A_105 = arith.constant 128 : i32
        %mul3A_106 = arith.muli %scan3A_72, %mul3A_105 : i32
        %add3A_107 = arith.addi %mul3A_2, %mul3A_106 : i32
        %dma_start3A_108 = arith.constant 0 : i32
        %dma_start3A_109 = tpu.memref_slice %arg6[%add3A_107, %dma_start3A_108] : memref<320000x256xf32, #tpu.memory_space<hbm>> -> memref<128x256xf32, #tpu.memory_space<hbm>>
        %dma_start3A_110 = arith.constant 0 : i32
        %dma_start3A_111 = tpu.memref_slice %arg6[%add3A_107, %dma_start3A_110] : memref<320000x256xf32, #tpu.memory_space<hbm>> -> memref<128x256xf32, #tpu.memory_space<hbm>>
        tpu.enqueue_dma source(%arg10 : memref<128x256xf32, #tpu.memory_space<vmem>>) target(%dma_start3A_111 : memref<128x256xf32, #tpu.memory_space<hbm>>) target_semaphore(%arg16 : memref<!tpu.dma_semaphore, #tpu.memory_space<semaphore_mem>>)
        %dma_start3A_112 = arith.constant 0 : i32
        %dma_start3A_113 = tpu.memref_slice %arg7[%add3A_107, %dma_start3A_112] : memref<320000x128xf32, #tpu.memory_space<hbm>> -> memref<128x128xf32, #tpu.memory_space<hbm>>
        %dma_start3A_114 = arith.constant 0 : i32
        %dma_start3A_115 = tpu.memref_slice %arg7[%add3A_107, %dma_start3A_114] : memref<320000x128xf32, #tpu.memory_space<hbm>> -> memref<128x128xf32, #tpu.memory_space<hbm>>
        tpu.enqueue_dma source(%arg11 : memref<128x128xf32, #tpu.memory_space<vmem>>) target(%dma_start3A_115 : memref<128x128xf32, #tpu.memory_space<hbm>>) target_semaphore(%arg16 : memref<!tpu.dma_semaphore, #tpu.memory_space<semaphore_mem>>)
      } else {
      }
      %rem3A_76 = arith.constant 2 : i32
      %rem3A_77 = arith.remsi %scan3A_72, %rem3A_76 : i32
      %eq3A_78 = arith.constant 1 : i32
      %eq3A_79 = arith.cmpi eq, %rem3A_77, %eq3A_78 : i32
      %convert_element_type3A_80 = arith.extui %eq3A_79 : i1 to i32
      %cond3A_81 = arith.constant 0 : i32
      %cond3A_82 = arith.cmpi ne, %convert_element_type3A_80, %cond3A_81 : i32
      scf.if %cond3A_82 {
        %dma_wait3A_83 = arith.constant 0 : i32
        %dma_wait3A_84 = arith.constant 0 : i32
        %dma_wait3A_85 = tpu.memref_slice %arg3[%dma_wait3A_83, %dma_wait3A_84] : memref<10000x256xf32, #tpu.memory_space<hbm>> -> memref<128x256xf32, #tpu.memory_space<hbm>>
        %dma_wait3A_86 = arith.constant 0 : i32
        %dma_wait3A_87 = arith.constant 0 : i32
        %dma_wait3A_88 = tpu.memref_slice %arg3[%dma_wait3A_86, %dma_wait3A_87] : memref<10000x256xf32, #tpu.memory_space<hbm>> -> memref<128x256xf32, #tpu.memory_space<hbm>>
        tpu.wait_dma2 semaphore(%arg15 : memref<!tpu.dma_semaphore, #tpu.memory_space<semaphore_mem>>) src(%dma_wait3A_88 : memref<128x256xf32, #tpu.memory_space<hbm>>) dst(%arg12 : memref<128x256xf32, #tpu.memory_space<vmem>>)
        %dma_wait3A_89 = arith.constant 0 : i32
        %dma_wait3A_90 = arith.constant 0 : i32
        %dma_wait3A_91 = tpu.memref_slice %arg5[%dma_wait3A_89, %dma_wait3A_90] : memref<10000x128xf32, #tpu.memory_space<hbm>> -> memref<128x128xf32, #tpu.memory_space<hbm>>
        %dma_wait3A_92 = arith.constant 0 : i32
        %dma_wait3A_93 = arith.constant 0 : i32
        %dma_wait3A_94 = tpu.memref_slice %arg5[%dma_wait3A_92, %dma_wait3A_93] : memref<10000x128xf32, #tpu.memory_space<hbm>> -> memref<128x128xf32, #tpu.memory_space<hbm>>
        tpu.wait_dma2 semaphore(%arg15 : memref<!tpu.dma_semaphore, #tpu.memory_space<semaphore_mem>>) src(%dma_wait3A_94 : memref<128x128xf32, #tpu.memory_space<hbm>>) dst(%arg13 : memref<128x128xf32, #tpu.memory_space<vmem>>)
        %ge3A = arith.constant 1 : i32
        %ge3A_95 = arith.cmpi sge, %scan3A_72, %ge3A : i32
        %convert_element_type3A_96 = arith.extui %ge3A_95 : i1 to i32
        %cond3A_97 = arith.constant 0 : i32
        %cond3A_98 = arith.cmpi ne, %convert_element_type3A_96, %cond3A_97 : i32
        scf.if %cond3A_98 {
          %dma_wait3A_116 = arith.constant 0 : i32
          %dma_wait3A_117 = arith.constant 0 : i32
          %dma_wait3A_118 = tpu.memref_slice %arg6[%dma_wait3A_116, %dma_wait3A_117] : memref<320000x256xf32, #tpu.memory_space<hbm>> -> memref<128x256xf32, #tpu.memory_space<hbm>>
          %dma_wait3A_119 = arith.constant 0 : i32
          %dma_wait3A_120 = arith.constant 0 : i32
          %dma_wait3A_121 = tpu.memref_slice %arg6[%dma_wait3A_119, %dma_wait3A_120] : memref<320000x256xf32, #tpu.memory_space<hbm>> -> memref<128x256xf32, #tpu.memory_space<hbm>>
          tpu.wait_dma2 semaphore(%arg16 : memref<!tpu.dma_semaphore, #tpu.memory_space<semaphore_mem>>) src(%arg10 : memref<128x256xf32, #tpu.memory_space<vmem>>) dst(%dma_wait3A_121 : memref<128x256xf32, #tpu.memory_space<hbm>>)
          %dma_wait3A_122 = arith.constant 0 : i32
          %dma_wait3A_123 = arith.constant 0 : i32
          %dma_wait3A_124 = tpu.memref_slice %arg7[%dma_wait3A_122, %dma_wait3A_123] : memref<320000x128xf32, #tpu.memory_space<hbm>> -> memref<128x128xf32, #tpu.memory_space<hbm>>
          %dma_wait3A_125 = arith.constant 0 : i32
          %dma_wait3A_126 = arith.constant 0 : i32
          %dma_wait3A_127 = tpu.memref_slice %arg7[%dma_wait3A_125, %dma_wait3A_126] : memref<320000x128xf32, #tpu.memory_space<hbm>> -> memref<128x128xf32, #tpu.memory_space<hbm>>
          tpu.wait_dma2 semaphore(%arg16 : memref<!tpu.dma_semaphore, #tpu.memory_space<semaphore_mem>>) src(%arg11 : memref<128x128xf32, #tpu.memory_space<vmem>>) dst(%dma_wait3A_127 : memref<128x128xf32, #tpu.memory_space<hbm>>)
        } else {
        }
        %add3A_99 = arith.constant 1 : i32
        %add3A_100 = arith.addi %scan3A_72, %add3A_99 : i32
        %lt3A = arith.constant 78 : i32
        %lt3A_101 = arith.cmpi slt, %add3A_100, %lt3A : i32
        %convert_element_type3A_102 = arith.extui %lt3A_101 : i1 to i32
        %cond3A_103 = arith.constant 0 : i32
        %cond3A_104 = arith.cmpi ne, %convert_element_type3A_102, %cond3A_103 : i32
        scf.if %cond3A_104 {
          %add3A_116 = arith.constant 1 : i32
          %add3A_117 = arith.addi %scan3A_72, %add3A_116 : i32
          %mul3A_118 = arith.constant 128 : i32
          %mul3A_119 = arith.muli %add3A_117, %mul3A_118 : i32
          %dma_start3A_120 = tpu.memref_slice %arg8[%mul3A_119] : memref<10000xi32, #tpu.memory_space<vmem>> -> memref<128xi32, #tpu.memory_space<vmem>>
          %dma_start3A_121 = arith.constant 0 : i32
          %dma_start3A_122 = arith.constant 0 : i32
          %dma_start3A_123 = tpu.memref_slice %arg3[%dma_start3A_121, %dma_start3A_122] : memref<10000x256xf32, #tpu.memory_space<hbm>> -> memref<10000x256xf32, #tpu.memory_space<hbm>>
          tpu.enqueue_indirect_dma source(%dma_start3A_123 : memref<10000x256xf32, #tpu.memory_space<hbm>>) target(%arg10 : memref<128x256xf32, #tpu.memory_space<vmem>>) offsets(%dma_start3A_120 : memref<128xi32, #tpu.memory_space<vmem>>) semaphore(%arg14 : memref<!tpu.dma_semaphore, #tpu.memory_space<semaphore_mem>>)
          %dma_start3A_124 = tpu.memref_slice %arg9[%mul3A_119] : memref<10000xi32, #tpu.memory_space<vmem>> -> memref<128xi32, #tpu.memory_space<vmem>>
          %dma_start3A_125 = arith.constant 0 : i32
          %dma_start3A_126 = arith.constant 0 : i32
          %dma_start3A_127 = tpu.memref_slice %arg5[%dma_start3A_125, %dma_start3A_126] : memref<10000x128xf32, #tpu.memory_space<hbm>> -> memref<10000x128xf32, #tpu.memory_space<hbm>>
          tpu.enqueue_indirect_dma source(%dma_start3A_127 : memref<10000x128xf32, #tpu.memory_space<hbm>>) target(%arg11 : memref<128x128xf32, #tpu.memory_space<vmem>>) offsets(%dma_start3A_124 : memref<128xi32, #tpu.memory_space<vmem>>) semaphore(%arg14 : memref<!tpu.dma_semaphore, #tpu.memory_space<semaphore_mem>>)
        } else {
        }
        %mul3A_105 = arith.constant 128 : i32
        %mul3A_106 = arith.muli %scan3A_72, %mul3A_105 : i32
        %add3A_107 = arith.addi %mul3A_2, %mul3A_106 : i32
        %dma_start3A_108 = arith.constant 0 : i32
        %dma_start3A_109 = tpu.memref_slice %arg6[%add3A_107, %dma_start3A_108] : memref<320000x256xf32, #tpu.memory_space<hbm>> -> memref<128x256xf32, #tpu.memory_space<hbm>>
        %dma_start3A_110 = arith.constant 0 : i32
        %dma_start3A_111 = tpu.memref_slice %arg6[%add3A_107, %dma_start3A_110] : memref<320000x256xf32, #tpu.memory_space<hbm>> -> memref<128x256xf32, #tpu.memory_space<hbm>>
        tpu.enqueue_dma source(%arg12 : memref<128x256xf32, #tpu.memory_space<vmem>>) target(%dma_start3A_111 : memref<128x256xf32, #tpu.memory_space<hbm>>) target_semaphore(%arg17 : memref<!tpu.dma_semaphore, #tpu.memory_space<semaphore_mem>>)
        %dma_start3A_112 = arith.constant 0 : i32
        %dma_start3A_113 = tpu.memref_slice %arg7[%add3A_107, %dma_start3A_112] : memref<320000x128xf32, #tpu.memory_space<hbm>> -> memref<128x128xf32, #tpu.memory_space<hbm>>
        %dma_start3A_114 = arith.constant 0 : i32
        %dma_start3A_115 = tpu.memref_slice %arg7[%add3A_107, %dma_start3A_114] : memref<320000x128xf32, #tpu.memory_space<hbm>> -> memref<128x128xf32, #tpu.memory_space<hbm>>
        tpu.enqueue_dma source(%arg13 : memref<128x128xf32, #tpu.memory_space<vmem>>) target(%dma_start3A_115 : memref<128x128xf32, #tpu.memory_space<hbm>>) target_semaphore(%arg17 : memref<!tpu.dma_semaphore, #tpu.memory_space<semaphore_mem>>)
      } else {
      }
    }
    %scan3A_16 = arith.constant 78 : i32
    %dma_wait3A = arith.constant 0 : i32
    %dma_wait3A_17 = arith.constant 0 : i32
    %dma_wait3A_18 = tpu.memref_slice %arg6[%dma_wait3A, %dma_wait3A_17] : memref<320000x256xf32, #tpu.memory_space<hbm>> -> memref<128x256xf32, #tpu.memory_space<hbm>>
    %dma_wait3A_19 = arith.constant 0 : i32
    %dma_wait3A_20 = arith.constant 0 : i32
    %dma_wait3A_21 = tpu.memref_slice %arg6[%dma_wait3A_19, %dma_wait3A_20] : memref<320000x256xf32, #tpu.memory_space<hbm>> -> memref<128x256xf32, #tpu.memory_space<hbm>>
    tpu.wait_dma2 semaphore(%arg17 : memref<!tpu.dma_semaphore, #tpu.memory_space<semaphore_mem>>) src(%arg12 : memref<128x256xf32, #tpu.memory_space<vmem>>) dst(%dma_wait3A_21 : memref<128x256xf32, #tpu.memory_space<hbm>>)
    %dma_wait3A_22 = arith.constant 0 : i32
    %dma_wait3A_23 = arith.constant 0 : i32
    %dma_wait3A_24 = tpu.memref_slice %arg7[%dma_wait3A_22, %dma_wait3A_23] : memref<320000x128xf32, #tpu.memory_space<hbm>> -> memref<128x128xf32, #tpu.memory_space<hbm>>
    %dma_wait3A_25 = arith.constant 0 : i32
    %dma_wait3A_26 = arith.constant 0 : i32
    %dma_wait3A_27 = tpu.memref_slice %arg7[%dma_wait3A_25, %dma_wait3A_26] : memref<320000x128xf32, #tpu.memory_space<hbm>> -> memref<128x128xf32, #tpu.memory_space<hbm>>
    tpu.wait_dma2 semaphore(%arg17 : memref<!tpu.dma_semaphore, #tpu.memory_space<semaphore_mem>>) src(%arg13 : memref<128x128xf32, #tpu.memory_space<vmem>>) dst(%dma_wait3A_27 : memref<128x128xf32, #tpu.memory_space<hbm>>)
    %dma_start3A_28 = arith.constant 0 : i32
    %dma_start3A_29 = arith.constant 0 : i32
    %dma_start3A_30 = tpu.memref_slice %arg10[%dma_start3A_28, %dma_start3A_29] : memref<128x256xf32, #tpu.memory_space<vmem>> -> memref<16x256xf32, #tpu.memory_space<vmem>>
    %dma_start3A_31 = arith.constant 9984 : i32
    %dma_start3A_32 = tpu.memref_slice %arg8[%dma_start3A_31] : memref<10000xi32, #tpu.memory_space<vmem>> -> memref<16xi32, #tpu.memory_space<vmem>>
    %dma_start3A_33 = arith.constant 0 : i32
    %dma_start3A_34 = arith.constant 0 : i32
    %dma_start3A_35 = tpu.memref_slice %arg3[%dma_start3A_33, %dma_start3A_34] : memref<10000x256xf32, #tpu.memory_space<hbm>> -> memref<10000x256xf32, #tpu.memory_space<hbm>>
    tpu.enqueue_indirect_dma source(%dma_start3A_35 : memref<10000x256xf32, #tpu.memory_space<hbm>>) target(%dma_start3A_30 : memref<16x256xf32, #tpu.memory_space<vmem>>) offsets(%dma_start3A_32 : memref<16xi32, #tpu.memory_space<vmem>>) semaphore(%arg14 : memref<!tpu.dma_semaphore, #tpu.memory_space<semaphore_mem>>)
    %dma_start3A_36 = arith.constant 0 : i32
    %dma_start3A_37 = arith.constant 0 : i32
    %dma_start3A_38 = tpu.memref_slice %arg11[%dma_start3A_36, %dma_start3A_37] : memref<128x128xf32, #tpu.memory_space<vmem>> -> memref<16x128xf32, #tpu.memory_space<vmem>>
    %dma_start3A_39 = arith.constant 9984 : i32
    %dma_start3A_40 = tpu.memref_slice %arg9[%dma_start3A_39] : memref<10000xi32, #tpu.memory_space<vmem>> -> memref<16xi32, #tpu.memory_space<vmem>>
    %dma_start3A_41 = arith.constant 0 : i32
    %dma_start3A_42 = arith.constant 0 : i32
    %dma_start3A_43 = tpu.memref_slice %arg5[%dma_start3A_41, %dma_start3A_42] : memref<10000x128xf32, #tpu.memory_space<hbm>> -> memref<10000x128xf32, #tpu.memory_space<hbm>>
    tpu.enqueue_indirect_dma source(%dma_start3A_43 : memref<10000x128xf32, #tpu.memory_space<hbm>>) target(%dma_start3A_38 : memref<16x128xf32, #tpu.memory_space<vmem>>) offsets(%dma_start3A_40 : memref<16xi32, #tpu.memory_space<vmem>>) semaphore(%arg14 : memref<!tpu.dma_semaphore, #tpu.memory_space<semaphore_mem>>)
    %dma_wait3A_44 = arith.constant 0 : i32
    %dma_wait3A_45 = arith.constant 0 : i32
    %dma_wait3A_46 = tpu.memref_slice %arg10[%dma_wait3A_44, %dma_wait3A_45] : memref<128x256xf32, #tpu.memory_space<vmem>> -> memref<16x256xf32, #tpu.memory_space<vmem>>
    %dma_wait3A_47 = arith.constant 0 : i32
    %dma_wait3A_48 = arith.constant 0 : i32
    %dma_wait3A_49 = tpu.memref_slice %arg3[%dma_wait3A_47, %dma_wait3A_48] : memref<10000x256xf32, #tpu.memory_space<hbm>> -> memref<16x256xf32, #tpu.memory_space<hbm>>
    %dma_wait3A_50 = arith.constant 0 : i32
    %dma_wait3A_51 = arith.constant 0 : i32
    %dma_wait3A_52 = tpu.memref_slice %arg10[%dma_wait3A_50, %dma_wait3A_51] : memref<128x256xf32, #tpu.memory_space<vmem>> -> memref<16x256xf32, #tpu.memory_space<vmem>>
    %dma_wait3A_53 = arith.constant 0 : i32
    %dma_wait3A_54 = arith.constant 0 : i32
    %dma_wait3A_55 = tpu.memref_slice %arg3[%dma_wait3A_53, %dma_wait3A_54] : memref<10000x256xf32, #tpu.memory_space<hbm>> -> memref<16x256xf32, #tpu.memory_space<hbm>>
    tpu.wait_dma2 semaphore(%arg14 : memref<!tpu.dma_semaphore, #tpu.memory_space<semaphore_mem>>) src(%dma_wait3A_55 : memref<16x256xf32, #tpu.memory_space<hbm>>) dst(%dma_wait3A_52 : memref<16x256xf32, #tpu.memory_space<vmem>>)
    %dma_wait3A_56 = arith.constant 0 : i32
    %dma_wait3A_57 = arith.constant 0 : i32
    %dma_wait3A_58 = tpu.memref_slice %arg11[%dma_wait3A_56, %dma_wait3A_57] : memref<128x128xf32, #tpu.memory_space<vmem>> -> memref<16x128xf32, #tpu.memory_space<vmem>>
    %dma_wait3A_59 = arith.constant 0 : i32
    %dma_wait3A_60 = arith.constant 0 : i32
    %dma_wait3A_61 = tpu.memref_slice %arg5[%dma_wait3A_59, %dma_wait3A_60] : memref<10000x128xf32, #tpu.memory_space<hbm>> -> memref<16x128xf32, #tpu.memory_space<hbm>>
    %dma_wait3A_62 = arith.constant 0 : i32
    %dma_wait3A_63 = arith.constant 0 : i32
    %dma_wait3A_64 = tpu.memref_slice %arg11[%dma_wait3A_62, %dma_wait3A_63] : memref<128x128xf32, #tpu.memory_space<vmem>> -> memref<16x128xf32, #tpu.memory_space<vmem>>
    %dma_wait3A_65 = arith.constant 0 : i32
    %dma_wait3A_66 = arith.constant 0 : i32
    %dma_wait3A_67 = tpu.memref_slice %arg5[%dma_wait3A_65, %dma_wait3A_66] : memref<10000x128xf32, #tpu.memory_space<hbm>> -> memref<16x128xf32, #tpu.memory_space<hbm>>
    tpu.wait_dma2 semaphore(%arg14 : memref<!tpu.dma_semaphore, #tpu.memory_space<semaphore_mem>>) src(%dma_wait3A_67 : memref<16x128xf32, #tpu.memory_space<hbm>>) dst(%dma_wait3A_64 : memref<16x128xf32, #tpu.memory_space<vmem>>)
    %add3A_68 = arith.constant 9984 : i32
    %add3A_69 = arith.addi %mul3A_2, %add3A_68 : i32
    "tpu.region"() ({
      %run_scoped3A = tpu.sem_alloc : memref<!tpu.dma_semaphore, #tpu.memory_space<semaphore_mem>>
      %dma_start3A_72 = arith.constant 0 : i32
      %dma_start3A_73 = arith.constant 0 : i32
      %dma_start3A_74 = tpu.memref_slice %arg10[%dma_start3A_72, %dma_start3A_73] : memref<128x256xf32, #tpu.memory_space<vmem>> -> memref<16x256xf32, #tpu.memory_space<vmem>>
      %dma_start3A_75 = arith.constant 0 : i32
      %dma_start3A_76 = tpu.memref_slice %arg6[%add3A_69, %dma_start3A_75] : memref<320000x256xf32, #tpu.memory_space<hbm>> -> memref<16x256xf32, #tpu.memory_space<hbm>>
      %dma_start3A_77 = arith.constant 0 : i32
      %dma_start3A_78 = tpu.memref_slice %arg6[%add3A_69, %dma_start3A_77] : memref<320000x256xf32, #tpu.memory_space<hbm>> -> memref<16x256xf32, #tpu.memory_space<hbm>>
      %dma_start3A_79 = arith.constant 0 : i32
      %dma_start3A_80 = arith.constant 0 : i32
      %dma_start3A_81 = tpu.memref_slice %arg10[%dma_start3A_79, %dma_start3A_80] : memref<128x256xf32, #tpu.memory_space<vmem>> -> memref<16x256xf32, #tpu.memory_space<vmem>>
      tpu.enqueue_dma source(%dma_start3A_81 : memref<16x256xf32, #tpu.memory_space<vmem>>) target(%dma_start3A_78 : memref<16x256xf32, #tpu.memory_space<hbm>>) target_semaphore(%run_scoped3A : memref<!tpu.dma_semaphore, #tpu.memory_space<semaphore_mem>>)
      %dma_wait3A_82 = arith.constant 0 : i32
      %dma_wait3A_83 = arith.constant 0 : i32
      %dma_wait3A_84 = tpu.memref_slice %arg10[%dma_wait3A_82, %dma_wait3A_83] : memref<128x256xf32, #tpu.memory_space<vmem>> -> memref<16x256xf32, #tpu.memory_space<vmem>>
      %dma_wait3A_85 = arith.constant 0 : i32
      %dma_wait3A_86 = tpu.memref_slice %arg6[%add3A_69, %dma_wait3A_85] : memref<320000x256xf32, #tpu.memory_space<hbm>> -> memref<16x256xf32, #tpu.memory_space<hbm>>
      %dma_wait3A_87 = arith.constant 0 : i32
      %dma_wait3A_88 = tpu.memref_slice %arg6[%add3A_69, %dma_wait3A_87] : memref<320000x256xf32, #tpu.memory_space<hbm>> -> memref<16x256xf32, #tpu.memory_space<hbm>>
      %dma_wait3A_89 = arith.constant 0 : i32
      %dma_wait3A_90 = arith.constant 0 : i32
      %dma_wait3A_91 = tpu.memref_slice %arg10[%dma_wait3A_89, %dma_wait3A_90] : memref<128x256xf32, #tpu.memory_space<vmem>> -> memref<16x256xf32, #tpu.memory_space<vmem>>
      tpu.wait_dma2 semaphore(%run_scoped3A : memref<!tpu.dma_semaphore, #tpu.memory_space<semaphore_mem>>) src(%dma_wait3A_91 : memref<16x256xf32, #tpu.memory_space<vmem>>) dst(%dma_wait3A_88 : memref<16x256xf32, #tpu.memory_space<hbm>>)
      tpu.yield
    }) : () -> ()
    %add3A_70 = arith.constant 9984 : i32
    %add3A_71 = arith.addi %mul3A_2, %add3A_70 : i32
    "tpu.region"() ({
      %run_scoped3A = tpu.sem_alloc : memref<!tpu.dma_semaphore, #tpu.memory_space<semaphore_mem>>
      %dma_start3A_72 = arith.constant 0 : i32
      %dma_start3A_73 = arith.constant 0 : i32
      %dma_start3A_74 = tpu.memref_slice %arg11[%dma_start3A_72, %dma_start3A_73] : memref<128x128xf32, #tpu.memory_space<vmem>> -> memref<16x128xf32, #tpu.memory_space<vmem>>
      %dma_start3A_75 = arith.constant 0 : i32
      %dma_start3A_76 = tpu.memref_slice %arg7[%add3A_71, %dma_start3A_75] : memref<320000x128xf32, #tpu.memory_space<hbm>> -> memref<16x128xf32, #tpu.memory_space<hbm>>
      %dma_start3A_77 = arith.constant 0 : i32
      %dma_start3A_78 = tpu.memref_slice %arg7[%add3A_71, %dma_start3A_77] : memref<320000x128xf32, #tpu.memory_space<hbm>> -> memref<16x128xf32, #tpu.memory_space<hbm>>
      %dma_start3A_79 = arith.constant 0 : i32
      %dma_start3A_80 = arith.constant 0 : i32
      %dma_start3A_81 = tpu.memref_slice %arg11[%dma_start3A_79, %dma_start3A_80] : memref<128x128xf32, #tpu.memory_space<vmem>> -> memref<16x128xf32, #tpu.memory_space<vmem>>
      tpu.enqueue_dma source(%dma_start3A_81 : memref<16x128xf32, #tpu.memory_space<vmem>>) target(%dma_start3A_78 : memref<16x128xf32, #tpu.memory_space<hbm>>) target_semaphore(%run_scoped3A : memref<!tpu.dma_semaphore, #tpu.memory_space<semaphore_mem>>)
      %dma_wait3A_82 = arith.constant 0 : i32
      %dma_wait3A_83 = arith.constant 0 : i32
      %dma_wait3A_84 = tpu.memref_slice %arg11[%dma_wait3A_82, %dma_wait3A_83] : memref<128x128xf32, #tpu.memory_space<vmem>> -> memref<16x128xf32, #tpu.memory_space<vmem>>
      %dma_wait3A_85 = arith.constant 0 : i32
      %dma_wait3A_86 = tpu.memref_slice %arg7[%add3A_71, %dma_wait3A_85] : memref<320000x128xf32, #tpu.memory_space<hbm>> -> memref<16x128xf32, #tpu.memory_space<hbm>>
      %dma_wait3A_87 = arith.constant 0 : i32
      %dma_wait3A_88 = tpu.memref_slice %arg7[%add3A_71, %dma_wait3A_87] : memref<320000x128xf32, #tpu.memory_space<hbm>> -> memref<16x128xf32, #tpu.memory_space<hbm>>
      %dma_wait3A_89 = arith.constant 0 : i32
      %dma_wait3A_90 = arith.constant 0 : i32
      %dma_wait3A_91 = tpu.memref_slice %arg11[%dma_wait3A_89, %dma_wait3A_90] : memref<128x128xf32, #tpu.memory_space<vmem>> -> memref<16x128xf32, #tpu.memory_space<vmem>>
      tpu.wait_dma2 semaphore(%run_scoped3A : memref<!tpu.dma_semaphore, #tpu.memory_space<semaphore_mem>>) src(%dma_wait3A_91 : memref<16x128xf32, #tpu.memory_space<vmem>>) dst(%dma_wait3A_88 : memref<16x128xf32, #tpu.memory_space<hbm>>)
      tpu.yield
    }) : () -> ()
    return
  }
}

#map = affine_map<(d0, d1) -> (0, 0)>
#map1 = affine_map<(d0, d1) -> (0)>
#map2 = affine_map<(d0, d1) -> (0, 0, 0)>
module attributes {stable_mosaic.version = 14 : i64} {
  func.func @_sc_scatter_body(%arg0: i32, %arg1: i32, %arg2: memref<320000x128xf32, #tpu.memory_space<hbm>>, %arg3: memref<320000xi32, #tpu.memory_space<hbm>>, %arg4: memref<320000xf32, #tpu.memory_space<hbm>>, %arg5: memref<10000x128xf32, #tpu.memory_space<hbm>>, %arg6: memref<10000xf32, #tpu.memory_space<hbm>>, %arg7: memref<2x10000x128xf32, #tpu.memory_space<hbm>>, %arg8: memref<320000xf32, #tpu.memory_space<hbm>>, %arg9: memref<80xi32, #tpu.memory_space<vmem>>, %arg10: memref<80xi32, #tpu.memory_space<vmem>>, %arg11: memref<80x128xf32, #tpu.memory_space<vmem>>, %arg12: memref<80x128xf32, #tpu.memory_space<vmem>>, %arg13: memref<10000xf32, #tpu.memory_space<vmem>>, %arg14: memref<10000xf32, #tpu.memory_space<vmem>>, %arg15: memref<10000x128xf32, #tpu.memory_space<vmem_shared>>, %arg16: memref<!tpu.dma_semaphore, #tpu.memory_space<semaphore_mem>>, %arg17: memref<!tpu.dma_semaphore, #tpu.memory_space<semaphore_mem>>) attributes {dimension_semantics = [#tpu.dimension_semantics<core_parallel>, #tpu.dimension_semantics<subcore_parallel>], iteration_bounds = array<i64: 2, 16>, scalar_prefetch = 0 : i64, scratch_operands = 9 : i64, tpu.core_type = #tpu.core_type<sc_vector_subcore>, window_params = [{transform_indices = #map}, {transform_indices = #map1}, {transform_indices = #map1}, {transform_indices = #map}, {transform_indices = #map1}, {transform_indices = #map2}, {transform_indices = #map1}]} {
    %mul3A = arith.constant 2 : i32
    %mul3A_0 = arith.muli %arg1, %mul3A : i32
    %add3A = arith.addi %mul3A_0, %arg0 : i32
    %mul3A_1 = arith.constant 10000 : i32
    %mul3A_2 = arith.muli %add3A, %mul3A_1 : i32
    "tpu.region"() ({
      %run_scoped3A = tpu.sem_alloc : memref<!tpu.dma_semaphore, #tpu.memory_space<semaphore_mem>>
      tpu.enqueue_dma source(%arg6 : memref<10000xf32, #tpu.memory_space<hbm>>) target(%arg14 : memref<10000xf32, #tpu.memory_space<vmem>>) target_semaphore(%run_scoped3A : memref<!tpu.dma_semaphore, #tpu.memory_space<semaphore_mem>>)
      tpu.wait_dma2 semaphore(%run_scoped3A : memref<!tpu.dma_semaphore, #tpu.memory_space<semaphore_mem>>) src(%arg6 : memref<10000xf32, #tpu.memory_space<hbm>>) dst(%arg14 : memref<10000xf32, #tpu.memory_space<vmem>>)
      tpu.yield
    }) : () -> ()
    "tpu.region"() ({
      %run_scoped3A = tpu.sem_alloc : memref<!tpu.dma_semaphore, #tpu.memory_space<semaphore_mem>>
      %dma_start3A_29 = tpu.memref_slice %arg4[%mul3A_2] : memref<320000xf32, #tpu.memory_space<hbm>> -> memref<10000xf32, #tpu.memory_space<hbm>>
      %dma_start3A_30 = tpu.memref_slice %arg4[%mul3A_2] : memref<320000xf32, #tpu.memory_space<hbm>> -> memref<10000xf32, #tpu.memory_space<hbm>>
      tpu.enqueue_dma source(%dma_start3A_30 : memref<10000xf32, #tpu.memory_space<hbm>>) target(%arg13 : memref<10000xf32, #tpu.memory_space<vmem>>) target_semaphore(%run_scoped3A : memref<!tpu.dma_semaphore, #tpu.memory_space<semaphore_mem>>)
      %dma_wait3A = tpu.memref_slice %arg4[%mul3A_2] : memref<320000xf32, #tpu.memory_space<hbm>> -> memref<10000xf32, #tpu.memory_space<hbm>>
      %dma_wait3A_31 = tpu.memref_slice %arg4[%mul3A_2] : memref<320000xf32, #tpu.memory_space<hbm>> -> memref<10000xf32, #tpu.memory_space<hbm>>
      tpu.wait_dma2 semaphore(%run_scoped3A : memref<!tpu.dma_semaphore, #tpu.memory_space<semaphore_mem>>) src(%dma_wait3A_31 : memref<10000xf32, #tpu.memory_space<hbm>>) dst(%arg13 : memref<10000xf32, #tpu.memory_space<vmem>>)
      tpu.yield
    }) : () -> ()
    %eq3A = arith.constant 0 : i32
    %eq3A_3 = arith.cmpi eq, %arg1, %eq3A : i32
    %convert_element_type3A = arith.extui %eq3A_3 : i1 to i32
    %cond3A = arith.constant 0 : i32
    %cond3A_4 = arith.cmpi ne, %convert_element_type3A, %cond3A : i32
    scf.if %cond3A_4 {
      "tpu.region"() ({
        %run_scoped3A = tpu.sem_alloc : memref<!tpu.dma_semaphore, #tpu.memory_space<semaphore_mem>>
        tpu.enqueue_dma source(%arg5 : memref<10000x128xf32, #tpu.memory_space<hbm>>) target(%arg15 : memref<10000x128xf32, #tpu.memory_space<vmem_shared>>) target_semaphore(%run_scoped3A : memref<!tpu.dma_semaphore, #tpu.memory_space<semaphore_mem>>)
        tpu.wait_dma2 semaphore(%run_scoped3A : memref<!tpu.dma_semaphore, #tpu.memory_space<semaphore_mem>>) src(%arg5 : memref<10000x128xf32, #tpu.memory_space<hbm>>) dst(%arg15 : memref<10000x128xf32, #tpu.memory_space<vmem_shared>>)
        tpu.yield
      }) : () -> ()
    } else {
    }
    %barrier3A = arith.constant 0 : index
    tpu.barrier barrier_id(%barrier3A)
    %add3A_5 = arith.constant 0 : i32
    %add3A_6 = arith.addi %mul3A_2, %add3A_5 : i32
    %dma_start3A = tpu.memref_slice %arg3[%add3A_6] : memref<320000xi32, #tpu.memory_space<hbm>> -> memref<80xi32, #tpu.memory_space<hbm>>
    %dma_start3A_7 = tpu.memref_slice %arg3[%add3A_6] : memref<320000xi32, #tpu.memory_space<hbm>> -> memref<80xi32, #tpu.memory_space<hbm>>
    tpu.enqueue_dma source(%dma_start3A_7 : memref<80xi32, #tpu.memory_space<hbm>>) target(%arg9 : memref<80xi32, #tpu.memory_space<vmem>>) target_semaphore(%arg16 : memref<!tpu.dma_semaphore, #tpu.memory_space<semaphore_mem>>)
    %dma_start3A_8 = arith.constant 0 : i32
    %dma_start3A_9 = tpu.memref_slice %arg2[%add3A_6, %dma_start3A_8] : memref<320000x128xf32, #tpu.memory_space<hbm>> -> memref<80x128xf32, #tpu.memory_space<hbm>>
    %dma_start3A_10 = arith.constant 0 : i32
    %dma_start3A_11 = tpu.memref_slice %arg2[%add3A_6, %dma_start3A_10] : memref<320000x128xf32, #tpu.memory_space<hbm>> -> memref<80x128xf32, #tpu.memory_space<hbm>>
    tpu.enqueue_dma source(%dma_start3A_11 : memref<80x128xf32, #tpu.memory_space<hbm>>) target(%arg11 : memref<80x128xf32, #tpu.memory_space<vmem>>) target_semaphore(%arg16 : memref<!tpu.dma_semaphore, #tpu.memory_space<semaphore_mem>>)
    %scan3A = arith.constant 0 : i32
    %scan3A_12 = arith.constant 0 : i32
    %scan3A_13 = arith.constant 125 : i32
    %scan3A_14 = arith.addi %scan3A_12, %scan3A_13 : i32
    %scan3A_15 = arith.constant 1 : i32
    scf.for %scan3A_29 = %scan3A_12 to %scan3A_14 step %scan3A_15  : i32 {
      %rem3A = arith.constant 2 : i32
      %rem3A_30 = arith.remsi %scan3A_29, %rem3A : i32
      %eq3A_31 = arith.constant 0 : i32
      %eq3A_32 = arith.cmpi eq, %rem3A_30, %eq3A_31 : i32
      %convert_element_type3A_33 = arith.extui %eq3A_32 : i1 to i32
      %cond3A_34 = arith.constant 0 : i32
      %cond3A_35 = arith.cmpi ne, %convert_element_type3A_33, %cond3A_34 : i32
      scf.if %cond3A_35 {
        %dma_wait3A = arith.constant 0 : i32
        %dma_wait3A_43 = tpu.memref_slice %arg3[%dma_wait3A] : memref<320000xi32, #tpu.memory_space<hbm>> -> memref<80xi32, #tpu.memory_space<hbm>>
        %dma_wait3A_44 = arith.constant 0 : i32
        %dma_wait3A_45 = tpu.memref_slice %arg3[%dma_wait3A_44] : memref<320000xi32, #tpu.memory_space<hbm>> -> memref<80xi32, #tpu.memory_space<hbm>>
        tpu.wait_dma2 semaphore(%arg16 : memref<!tpu.dma_semaphore, #tpu.memory_space<semaphore_mem>>) src(%dma_wait3A_45 : memref<80xi32, #tpu.memory_space<hbm>>) dst(%arg9 : memref<80xi32, #tpu.memory_space<vmem>>)
        %dma_wait3A_46 = arith.constant 0 : i32
        %dma_wait3A_47 = arith.constant 0 : i32
        %dma_wait3A_48 = tpu.memref_slice %arg2[%dma_wait3A_46, %dma_wait3A_47] : memref<320000x128xf32, #tpu.memory_space<hbm>> -> memref<80x128xf32, #tpu.memory_space<hbm>>
        %dma_wait3A_49 = arith.constant 0 : i32
        %dma_wait3A_50 = arith.constant 0 : i32
        %dma_wait3A_51 = tpu.memref_slice %arg2[%dma_wait3A_49, %dma_wait3A_50] : memref<320000x128xf32, #tpu.memory_space<hbm>> -> memref<80x128xf32, #tpu.memory_space<hbm>>
        tpu.wait_dma2 semaphore(%arg16 : memref<!tpu.dma_semaphore, #tpu.memory_space<semaphore_mem>>) src(%dma_wait3A_51 : memref<80x128xf32, #tpu.memory_space<hbm>>) dst(%arg11 : memref<80x128xf32, #tpu.memory_space<vmem>>)
        %add3A_52 = arith.constant 1 : i32
        %add3A_53 = arith.addi %scan3A_29, %add3A_52 : i32
        %lt3A_54 = arith.constant 125 : i32
        %lt3A_55 = arith.cmpi slt, %add3A_53, %lt3A_54 : i32
        %convert_element_type3A_56 = arith.extui %lt3A_55 : i1 to i32
        %cond3A_57 = arith.constant 0 : i32
        %cond3A_58 = arith.cmpi ne, %convert_element_type3A_56, %cond3A_57 : i32
        scf.if %cond3A_58 {
          %add3A_90 = arith.constant 1 : i32
          %add3A_91 = arith.addi %scan3A_29, %add3A_90 : i32
          %mul3A_92 = arith.constant 80 : i32
          %mul3A_93 = arith.muli %add3A_91, %mul3A_92 : i32
          %add3A_94 = arith.addi %mul3A_2, %mul3A_93 : i32
          %dma_start3A_95 = tpu.memref_slice %arg3[%add3A_94] : memref<320000xi32, #tpu.memory_space<hbm>> -> memref<80xi32, #tpu.memory_space<hbm>>
          %dma_start3A_96 = tpu.memref_slice %arg3[%add3A_94] : memref<320000xi32, #tpu.memory_space<hbm>> -> memref<80xi32, #tpu.memory_space<hbm>>
          tpu.enqueue_dma source(%dma_start3A_96 : memref<80xi32, #tpu.memory_space<hbm>>) target(%arg10 : memref<80xi32, #tpu.memory_space<vmem>>) target_semaphore(%arg17 : memref<!tpu.dma_semaphore, #tpu.memory_space<semaphore_mem>>)
          %dma_start3A_97 = arith.constant 0 : i32
          %dma_start3A_98 = tpu.memref_slice %arg2[%add3A_94, %dma_start3A_97] : memref<320000x128xf32, #tpu.memory_space<hbm>> -> memref<80x128xf32, #tpu.memory_space<hbm>>
          %dma_start3A_99 = arith.constant 0 : i32
          %dma_start3A_100 = tpu.memref_slice %arg2[%add3A_94, %dma_start3A_99] : memref<320000x128xf32, #tpu.memory_space<hbm>> -> memref<80x128xf32, #tpu.memory_space<hbm>>
          tpu.enqueue_dma source(%dma_start3A_100 : memref<80x128xf32, #tpu.memory_space<hbm>>) target(%arg12 : memref<80x128xf32, #tpu.memory_space<vmem>>) target_semaphore(%arg17 : memref<!tpu.dma_semaphore, #tpu.memory_space<semaphore_mem>>)
        } else {
        }
        %mul3A_59 = arith.constant 80 : i32
        %mul3A_60 = arith.muli %scan3A_29, %mul3A_59 : i32
        %get3A = arith.constant 0 : index
        %get3A_61 = tpu.vector_load %arg9[%get3A] {strides = array<i32>} : memref<80xi32, #tpu.memory_space<vmem>>, vector<16xi32>,
        %add3A_62 = arith.constant 0 : i32
        %add3A_63 = arith.addi %mul3A_60, %add3A_62 : i32
        %get3A_64 = arith.index_cast %add3A_63 : i32 to index
        %get3A_65 = tpu.vector_load %arg13[%get3A_64] {strides = array<i32>} : memref<10000xf32, #tpu.memory_space<vmem>>, vector<16xf32>,
        tpu.vector_store_idx %arg14[%get3A_61], %get3A_65 {add = true} : memref<10000xf32, #tpu.memory_space<vmem>>[vector<16xi32>], vector<16xf32>,
        %get3A_66 = arith.constant 16 : index
        %get3A_67 = tpu.vector_load %arg9[%get3A_66] {strides = array<i32>} : memref<80xi32, #tpu.memory_space<vmem>>, vector<16xi32>,
        %add3A_68 = arith.constant 16 : i32
        %add3A_69 = arith.addi %mul3A_60, %add3A_68 : i32
        %get3A_70 = arith.index_cast %add3A_69 : i32 to index
        %get3A_71 = tpu.vector_load %arg13[%get3A_70] {strides = array<i32>} : memref<10000xf32, #tpu.memory_space<vmem>>, vector<16xf32>,
        tpu.vector_store_idx %arg14[%get3A_67], %get3A_71 {add = true} : memref<10000xf32, #tpu.memory_space<vmem>>[vector<16xi32>], vector<16xf32>,
        %get3A_72 = arith.constant 32 : index
        %get3A_73 = tpu.vector_load %arg9[%get3A_72] {strides = array<i32>} : memref<80xi32, #tpu.memory_space<vmem>>, vector<16xi32>,
        %add3A_74 = arith.constant 32 : i32
        %add3A_75 = arith.addi %mul3A_60, %add3A_74 : i32
        %get3A_76 = arith.index_cast %add3A_75 : i32 to index
        %get3A_77 = tpu.vector_load %arg13[%get3A_76] {strides = array<i32>} : memref<10000xf32, #tpu.memory_space<vmem>>, vector<16xf32>,
        tpu.vector_store_idx %arg14[%get3A_73], %get3A_77 {add = true} : memref<10000xf32, #tpu.memory_space<vmem>>[vector<16xi32>], vector<16xf32>,
        %get3A_78 = arith.constant 48 : index
        %get3A_79 = tpu.vector_load %arg9[%get3A_78] {strides = array<i32>} : memref<80xi32, #tpu.memory_space<vmem>>, vector<16xi32>,
        %add3A_80 = arith.constant 48 : i32
        %add3A_81 = arith.addi %mul3A_60, %add3A_80 : i32
        %get3A_82 = arith.index_cast %add3A_81 : i32 to index
        %get3A_83 = tpu.vector_load %arg13[%get3A_82] {strides = array<i32>} : memref<10000xf32, #tpu.memory_space<vmem>>, vector<16xf32>,
        tpu.vector_store_idx %arg14[%get3A_79], %get3A_83 {add = true} : memref<10000xf32, #tpu.memory_space<vmem>>[vector<16xi32>], vector<16xf32>,
        %get3A_84 = arith.constant 64 : index
        %get3A_85 = tpu.vector_load %arg9[%get3A_84] {strides = array<i32>} : memref<80xi32, #tpu.memory_space<vmem>>, vector<16xi32>,
        %add3A_86 = arith.constant 64 : i32
        %add3A_87 = arith.addi %mul3A_60, %add3A_86 : i32
        %get3A_88 = arith.index_cast %add3A_87 : i32 to index
        %get3A_89 = tpu.vector_load %arg13[%get3A_88] {strides = array<i32>} : memref<10000xf32, #tpu.memory_space<vmem>>, vector<16xf32>,
        tpu.vector_store_idx %arg14[%get3A_85], %get3A_89 {add = true} : memref<10000xf32, #tpu.memory_space<vmem>>[vector<16xi32>], vector<16xf32>,
        "tpu.region"() ({
          %run_scoped3A = tpu.sem_alloc : memref<!tpu.dma_semaphore, #tpu.memory_space<semaphore_mem>>
          %dma_start3A_90 = arith.constant 0 : i32
          %dma_start3A_91 = arith.constant 0 : i32
          %dma_start3A_92 = tpu.memref_slice %arg15[%dma_start3A_90, %dma_start3A_91] : memref<10000x128xf32, #tpu.memory_space<vmem_shared>> -> memref<10000x128xf32, #tpu.memory_space<vmem_shared>>
          tpu.enqueue_indirect_dma source(%arg11 : memref<80x128xf32, #tpu.memory_space<vmem>>) target(%dma_start3A_92 : memref<10000x128xf32, #tpu.memory_space<vmem_shared>>) offsets(%arg9 : memref<80xi32, #tpu.memory_space<vmem>>) semaphore(%run_scoped3A : memref<!tpu.dma_semaphore, #tpu.memory_space<semaphore_mem>>) {add = true}
          %dma_wait3A_93 = arith.constant 0 : i32
          %dma_wait3A_94 = arith.constant 0 : i32
          %dma_wait3A_95 = tpu.memref_slice %arg15[%dma_wait3A_93, %dma_wait3A_94] : memref<10000x128xf32, #tpu.memory_space<vmem_shared>> -> memref<10000x128xf32, #tpu.memory_space<vmem_shared>>
          tpu.wait_indirect_dma semaphore(%run_scoped3A : memref<!tpu.dma_semaphore, #tpu.memory_space<semaphore_mem>>) src(%arg11 : memref<80x128xf32, #tpu.memory_space<vmem>>) dst(%dma_wait3A_95 : memref<10000x128xf32, #tpu.memory_space<vmem_shared>>)
          tpu.yield
        }) : () -> ()
      } else {
      }
      %rem3A_36 = arith.constant 2 : i32
      %rem3A_37 = arith.remsi %scan3A_29, %rem3A_36 : i32
      %eq3A_38 = arith.constant 1 : i32
      %eq3A_39 = arith.cmpi eq, %rem3A_37, %eq3A_38 : i32
      %convert_element_type3A_40 = arith.extui %eq3A_39 : i1 to i32
      %cond3A_41 = arith.constant 0 : i32
      %cond3A_42 = arith.cmpi ne, %convert_element_type3A_40, %cond3A_41 : i32
      scf.if %cond3A_42 {
        %dma_wait3A = arith.constant 0 : i32
        %dma_wait3A_43 = tpu.memref_slice %arg3[%dma_wait3A] : memref<320000xi32, #tpu.memory_space<hbm>> -> memref<80xi32, #tpu.memory_space<hbm>>
        %dma_wait3A_44 = arith.constant 0 : i32
        %dma_wait3A_45 = tpu.memref_slice %arg3[%dma_wait3A_44] : memref<320000xi32, #tpu.memory_space<hbm>> -> memref<80xi32, #tpu.memory_space<hbm>>
        tpu.wait_dma2 semaphore(%arg17 : memref<!tpu.dma_semaphore, #tpu.memory_space<semaphore_mem>>) src(%dma_wait3A_45 : memref<80xi32, #tpu.memory_space<hbm>>) dst(%arg10 : memref<80xi32, #tpu.memory_space<vmem>>)
        %dma_wait3A_46 = arith.constant 0 : i32
        %dma_wait3A_47 = arith.constant 0 : i32
        %dma_wait3A_48 = tpu.memref_slice %arg2[%dma_wait3A_46, %dma_wait3A_47] : memref<320000x128xf32, #tpu.memory_space<hbm>> -> memref<80x128xf32, #tpu.memory_space<hbm>>
        %dma_wait3A_49 = arith.constant 0 : i32
        %dma_wait3A_50 = arith.constant 0 : i32
        %dma_wait3A_51 = tpu.memref_slice %arg2[%dma_wait3A_49, %dma_wait3A_50] : memref<320000x128xf32, #tpu.memory_space<hbm>> -> memref<80x128xf32, #tpu.memory_space<hbm>>
        tpu.wait_dma2 semaphore(%arg17 : memref<!tpu.dma_semaphore, #tpu.memory_space<semaphore_mem>>) src(%dma_wait3A_51 : memref<80x128xf32, #tpu.memory_space<hbm>>) dst(%arg12 : memref<80x128xf32, #tpu.memory_space<vmem>>)
        %add3A_52 = arith.constant 1 : i32
        %add3A_53 = arith.addi %scan3A_29, %add3A_52 : i32
        %lt3A_54 = arith.constant 125 : i32
        %lt3A_55 = arith.cmpi slt, %add3A_53, %lt3A_54 : i32
        %convert_element_type3A_56 = arith.extui %lt3A_55 : i1 to i32
        %cond3A_57 = arith.constant 0 : i32
        %cond3A_58 = arith.cmpi ne, %convert_element_type3A_56, %cond3A_57 : i32
        scf.if %cond3A_58 {
          %add3A_90 = arith.constant 1 : i32
          %add3A_91 = arith.addi %scan3A_29, %add3A_90 : i32
          %mul3A_92 = arith.constant 80 : i32
          %mul3A_93 = arith.muli %add3A_91, %mul3A_92 : i32
          %add3A_94 = arith.addi %mul3A_2, %mul3A_93 : i32
          %dma_start3A_95 = tpu.memref_slice %arg3[%add3A_94] : memref<320000xi32, #tpu.memory_space<hbm>> -> memref<80xi32, #tpu.memory_space<hbm>>
          %dma_start3A_96 = tpu.memref_slice %arg3[%add3A_94] : memref<320000xi32, #tpu.memory_space<hbm>> -> memref<80xi32, #tpu.memory_space<hbm>>
          tpu.enqueue_dma source(%dma_start3A_96 : memref<80xi32, #tpu.memory_space<hbm>>) target(%arg9 : memref<80xi32, #tpu.memory_space<vmem>>) target_semaphore(%arg16 : memref<!tpu.dma_semaphore, #tpu.memory_space<semaphore_mem>>)
          %dma_start3A_97 = arith.constant 0 : i32
          %dma_start3A_98 = tpu.memref_slice %arg2[%add3A_94, %dma_start3A_97] : memref<320000x128xf32, #tpu.memory_space<hbm>> -> memref<80x128xf32, #tpu.memory_space<hbm>>
          %dma_start3A_99 = arith.constant 0 : i32
          %dma_start3A_100 = tpu.memref_slice %arg2[%add3A_94, %dma_start3A_99] : memref<320000x128xf32, #tpu.memory_space<hbm>> -> memref<80x128xf32, #tpu.memory_space<hbm>>
          tpu.enqueue_dma source(%dma_start3A_100 : memref<80x128xf32, #tpu.memory_space<hbm>>) target(%arg11 : memref<80x128xf32, #tpu.memory_space<vmem>>) target_semaphore(%arg16 : memref<!tpu.dma_semaphore, #tpu.memory_space<semaphore_mem>>)
        } else {
        }
        %mul3A_59 = arith.constant 80 : i32
        %mul3A_60 = arith.muli %scan3A_29, %mul3A_59 : i32
        %get3A = arith.constant 0 : index
        %get3A_61 = tpu.vector_load %arg10[%get3A] {strides = array<i32>} : memref<80xi32, #tpu.memory_space<vmem>>, vector<16xi32>,
        %add3A_62 = arith.constant 0 : i32
        %add3A_63 = arith.addi %mul3A_60, %add3A_62 : i32
        %get3A_64 = arith.index_cast %add3A_63 : i32 to index
        %get3A_65 = tpu.vector_load %arg13[%get3A_64] {strides = array<i32>} : memref<10000xf32, #tpu.memory_space<vmem>>, vector<16xf32>,
        tpu.vector_store_idx %arg14[%get3A_61], %get3A_65 {add = true} : memref<10000xf32, #tpu.memory_space<vmem>>[vector<16xi32>], vector<16xf32>,
        %get3A_66 = arith.constant 16 : index
        %get3A_67 = tpu.vector_load %arg10[%get3A_66] {strides = array<i32>} : memref<80xi32, #tpu.memory_space<vmem>>, vector<16xi32>,
        %add3A_68 = arith.constant 16 : i32
        %add3A_69 = arith.addi %mul3A_60, %add3A_68 : i32
        %get3A_70 = arith.index_cast %add3A_69 : i32 to index
        %get3A_71 = tpu.vector_load %arg13[%get3A_70] {strides = array<i32>} : memref<10000xf32, #tpu.memory_space<vmem>>, vector<16xf32>,
        tpu.vector_store_idx %arg14[%get3A_67], %get3A_71 {add = true} : memref<10000xf32, #tpu.memory_space<vmem>>[vector<16xi32>], vector<16xf32>,
        %get3A_72 = arith.constant 32 : index
        %get3A_73 = tpu.vector_load %arg10[%get3A_72] {strides = array<i32>} : memref<80xi32, #tpu.memory_space<vmem>>, vector<16xi32>,
        %add3A_74 = arith.constant 32 : i32
        %add3A_75 = arith.addi %mul3A_60, %add3A_74 : i32
        %get3A_76 = arith.index_cast %add3A_75 : i32 to index
        %get3A_77 = tpu.vector_load %arg13[%get3A_76] {strides = array<i32>} : memref<10000xf32, #tpu.memory_space<vmem>>, vector<16xf32>,
        tpu.vector_store_idx %arg14[%get3A_73], %get3A_77 {add = true} : memref<10000xf32, #tpu.memory_space<vmem>>[vector<16xi32>], vector<16xf32>,
        %get3A_78 = arith.constant 48 : index
        %get3A_79 = tpu.vector_load %arg10[%get3A_78] {strides = array<i32>} : memref<80xi32, #tpu.memory_space<vmem>>, vector<16xi32>,
        %add3A_80 = arith.constant 48 : i32
        %add3A_81 = arith.addi %mul3A_60, %add3A_80 : i32
        %get3A_82 = arith.index_cast %add3A_81 : i32 to index
        %get3A_83 = tpu.vector_load %arg13[%get3A_82] {strides = array<i32>} : memref<10000xf32, #tpu.memory_space<vmem>>, vector<16xf32>,
        tpu.vector_store_idx %arg14[%get3A_79], %get3A_83 {add = true} : memref<10000xf32, #tpu.memory_space<vmem>>[vector<16xi32>], vector<16xf32>,
        %get3A_84 = arith.constant 64 : index
        %get3A_85 = tpu.vector_load %arg10[%get3A_84] {strides = array<i32>} : memref<80xi32, #tpu.memory_space<vmem>>, vector<16xi32>,
        %add3A_86 = arith.constant 64 : i32
        %add3A_87 = arith.addi %mul3A_60, %add3A_86 : i32
        %get3A_88 = arith.index_cast %add3A_87 : i32 to index
        %get3A_89 = tpu.vector_load %arg13[%get3A_88] {strides = array<i32>} : memref<10000xf32, #tpu.memory_space<vmem>>, vector<16xf32>,
        tpu.vector_store_idx %arg14[%get3A_85], %get3A_89 {add = true} : memref<10000xf32, #tpu.memory_space<vmem>>[vector<16xi32>], vector<16xf32>,
        "tpu.region"() ({
          %run_scoped3A = tpu.sem_alloc : memref<!tpu.dma_semaphore, #tpu.memory_space<semaphore_mem>>
          %dma_start3A_90 = arith.constant 0 : i32
          %dma_start3A_91 = arith.constant 0 : i32
          %dma_start3A_92 = tpu.memref_slice %arg15[%dma_start3A_90, %dma_start3A_91] : memref<10000x128xf32, #tpu.memory_space<vmem_shared>> -> memref<10000x128xf32, #tpu.memory_space<vmem_shared>>
          tpu.enqueue_indirect_dma source(%arg12 : memref<80x128xf32, #tpu.memory_space<vmem>>) target(%dma_start3A_92 : memref<10000x128xf32, #tpu.memory_space<vmem_shared>>) offsets(%arg10 : memref<80xi32, #tpu.memory_space<vmem>>) semaphore(%run_scoped3A : memref<!tpu.dma_semaphore, #tpu.memory_space<semaphore_mem>>) {add = true}
          %dma_wait3A_93 = arith.constant 0 : i32
          %dma_wait3A_94 = arith.constant 0 : i32
          %dma_wait3A_95 = tpu.memref_slice %arg15[%dma_wait3A_93, %dma_wait3A_94] : memref<10000x128xf32, #tpu.memory_space<vmem_shared>> -> memref<10000x128xf32, #tpu.memory_space<vmem_shared>>
          tpu.wait_indirect_dma semaphore(%run_scoped3A : memref<!tpu.dma_semaphore, #tpu.memory_space<semaphore_mem>>) src(%arg12 : memref<80x128xf32, #tpu.memory_space<vmem>>) dst(%dma_wait3A_95 : memref<10000x128xf32, #tpu.memory_space<vmem_shared>>)
          tpu.yield
        }) : () -> ()
      } else {
      }
    }
    %scan3A_16 = arith.constant 125 : i32
    %mul3A_17 = arith.constant 10000 : i32
    %mul3A_18 = arith.muli %add3A, %mul3A_17 : i32
    "tpu.region"() ({
      %run_scoped3A = tpu.sem_alloc : memref<!tpu.dma_semaphore, #tpu.memory_space<semaphore_mem>>
      %dma_start3A_29 = tpu.memref_slice %arg8[%mul3A_18] : memref<320000xf32, #tpu.memory_space<hbm>> -> memref<10000xf32, #tpu.memory_space<hbm>>
      %dma_start3A_30 = tpu.memref_slice %arg8[%mul3A_18] : memref<320000xf32, #tpu.memory_space<hbm>> -> memref<10000xf32, #tpu.memory_space<hbm>>
      tpu.enqueue_dma source(%arg14 : memref<10000xf32, #tpu.memory_space<vmem>>) target(%dma_start3A_30 : memref<10000xf32, #tpu.memory_space<hbm>>) target_semaphore(%run_scoped3A : memref<!tpu.dma_semaphore, #tpu.memory_space<semaphore_mem>>)
      %dma_wait3A = tpu.memref_slice %arg8[%mul3A_18] : memref<320000xf32, #tpu.memory_space<hbm>> -> memref<10000xf32, #tpu.memory_space<hbm>>
      %dma_wait3A_31 = tpu.memref_slice %arg8[%mul3A_18] : memref<320000xf32, #tpu.memory_space<hbm>> -> memref<10000xf32, #tpu.memory_space<hbm>>
      tpu.wait_dma2 semaphore(%run_scoped3A : memref<!tpu.dma_semaphore, #tpu.memory_space<semaphore_mem>>) src(%arg14 : memref<10000xf32, #tpu.memory_space<vmem>>) dst(%dma_wait3A_31 : memref<10000xf32, #tpu.memory_space<hbm>>)
      tpu.yield
    }) : () -> ()
    %barrier3A_19 = arith.constant 0 : index
    tpu.barrier barrier_id(%barrier3A_19)
    %lt3A = arith.constant 15 : i32
    %lt3A_20 = arith.cmpi slt, %arg1, %lt3A : i32
    %convert_element_type3A_21 = arith.extui %lt3A_20 : i1 to i32
    %cond3A_22 = arith.constant 0 : i32
    %cond3A_23 = arith.cmpi ne, %convert_element_type3A_21, %cond3A_22 : i32
    scf.if %cond3A_23 {
      %mul3A_29 = arith.constant 624 : i32
      %mul3A_30 = arith.muli %arg1, %mul3A_29 : i32
      %mul3A_31 = arith.constant 624 : i32
      %mul3A_32 = arith.muli %arg1, %mul3A_31 : i32
      "tpu.region"() ({
        %run_scoped3A = tpu.sem_alloc : memref<!tpu.dma_semaphore, #tpu.memory_space<semaphore_mem>>
        %dma_start3A_33 = arith.constant 0 : i32
        %dma_start3A_34 = tpu.memref_slice %arg7[%arg0, %mul3A_32, %dma_start3A_33] : memref<2x10000x128xf32, #tpu.memory_space<hbm>> -> memref<1x624x128xf32, #tpu.memory_space<hbm>>
        %dma_start3A_35 = tpu.memref_squeeze %dma_start3A_34 : memref<1x624x128xf32, #tpu.memory_space<hbm>> -> memref<624x128xf32, #tpu.memory_space<hbm>>
        %dma_start3A_36 = arith.constant 0 : i32
        %dma_start3A_37 = tpu.memref_slice %arg15[%mul3A_30, %dma_start3A_36] : memref<10000x128xf32, #tpu.memory_space<vmem_shared>> -> memref<624x128xf32, #tpu.memory_space<vmem_shared>>
        tpu.enqueue_dma source(%dma_start3A_37 : memref<624x128xf32, #tpu.memory_space<vmem_shared>>) target(%dma_start3A_35 : memref<624x128xf32, #tpu.memory_space<hbm>>) target_semaphore(%run_scoped3A : memref<!tpu.dma_semaphore, #tpu.memory_space<semaphore_mem>>)
        %dma_wait3A = arith.constant 0 : i32
        %dma_wait3A_38 = tpu.memref_slice %arg7[%arg0, %mul3A_32, %dma_wait3A] : memref<2x10000x128xf32, #tpu.memory_space<hbm>> -> memref<1x624x128xf32, #tpu.memory_space<hbm>>
        %dma_wait3A_39 = tpu.memref_squeeze %dma_wait3A_38 : memref<1x624x128xf32, #tpu.memory_space<hbm>> -> memref<624x128xf32, #tpu.memory_space<hbm>>
        %dma_wait3A_40 = arith.constant 0 : i32
        %dma_wait3A_41 = tpu.memref_slice %arg15[%mul3A_30, %dma_wait3A_40] : memref<10000x128xf32, #tpu.memory_space<vmem_shared>> -> memref<624x128xf32, #tpu.memory_space<vmem_shared>>
        tpu.wait_dma2 semaphore(%run_scoped3A : memref<!tpu.dma_semaphore, #tpu.memory_space<semaphore_mem>>) src(%dma_wait3A_41 : memref<624x128xf32, #tpu.memory_space<vmem_shared>>) dst(%dma_wait3A_39 : memref<624x128xf32, #tpu.memory_space<hbm>>)
        tpu.yield
      }) : () -> ()
    } else {
    }
    %eq3A_24 = arith.constant 15 : i32
    %eq3A_25 = arith.cmpi eq, %arg1, %eq3A_24 : i32
    %convert_element_type3A_26 = arith.extui %eq3A_25 : i1 to i32
    %cond3A_27 = arith.constant 0 : i32
    %cond3A_28 = arith.cmpi ne, %convert_element_type3A_26, %cond3A_27 : i32
    scf.if %cond3A_28 {
      "tpu.region"() ({
        %run_scoped3A = tpu.sem_alloc : memref<!tpu.dma_semaphore, #tpu.memory_space<semaphore_mem>>
        %dma_start3A_29 = arith.constant 9360 : i32
        %dma_start3A_30 = arith.constant 0 : i32
        %dma_start3A_31 = tpu.memref_slice %arg7[%arg0, %dma_start3A_29, %dma_start3A_30] : memref<2x10000x128xf32, #tpu.memory_space<hbm>> -> memref<1x640x128xf32, #tpu.memory_space<hbm>>
        %dma_start3A_32 = tpu.memref_squeeze %dma_start3A_31 : memref<1x640x128xf32, #tpu.memory_space<hbm>> -> memref<640x128xf32, #tpu.memory_space<hbm>>
        %dma_start3A_33 = arith.constant 9360 : i32
        %dma_start3A_34 = arith.constant 0 : i32
        %dma_start3A_35 = tpu.memref_slice %arg15[%dma_start3A_33, %dma_start3A_34] : memref<10000x128xf32, #tpu.memory_space<vmem_shared>> -> memref<640x128xf32, #tpu.memory_space<vmem_shared>>
        tpu.enqueue_dma source(%dma_start3A_35 : memref<640x128xf32, #tpu.memory_space<vmem_shared>>) target(%dma_start3A_32 : memref<640x128xf32, #tpu.memory_space<hbm>>) target_semaphore(%run_scoped3A : memref<!tpu.dma_semaphore, #tpu.memory_space<semaphore_mem>>)
        %dma_wait3A = arith.constant 9360 : i32
        %dma_wait3A_36 = arith.constant 0 : i32
        %dma_wait3A_37 = tpu.memref_slice %arg7[%arg0, %dma_wait3A, %dma_wait3A_36] : memref<2x10000x128xf32, #tpu.memory_space<hbm>> -> memref<1x640x128xf32, #tpu.memory_space<hbm>>
        %dma_wait3A_38 = tpu.memref_squeeze %dma_wait3A_37 : memref<1x640x128xf32, #tpu.memory_space<hbm>> -> memref<640x128xf32, #tpu.memory_space<hbm>>
        %dma_wait3A_39 = arith.constant 9360 : i32
        %dma_wait3A_40 = arith.constant 0 : i32
        %dma_wait3A_41 = tpu.memref_slice %arg15[%dma_wait3A_39, %dma_wait3A_40] : memref<10000x128xf32, #tpu.memory_space<vmem_shared>> -> memref<640x128xf32, #tpu.memory_space<vmem_shared>>
        tpu.wait_dma2 semaphore(%run_scoped3A : memref<!tpu.dma_semaphore, #tpu.memory_space<semaphore_mem>>) src(%dma_wait3A_41 : memref<640x128xf32, #tpu.memory_space<vmem_shared>>) dst(%dma_wait3A_38 : memref<640x128xf32, #tpu.memory_space<hbm>>)
        tpu.yield
      }) : () -> ()
    } else {
    }
    return
  }
}

#map = affine_map<(d0, d1) -> (0, 0)>
#map1 = affine_map<(d0, d1) -> (0)>
#map2 = affine_map<(d0, d1) -> (0, 0, 0)>
module attributes {stable_mosaic.version = 14 : i64} {
  func.func @_sc_scatter_body(%arg0: i32, %arg1: i32, %arg2: memref<320000x128xf32, #tpu.memory_space<hbm>>, %arg3: memref<320000xi32, #tpu.memory_space<hbm>>, %arg4: memref<320000xf32, #tpu.memory_space<hbm>>, %arg5: memref<10000x128xf32, #tpu.memory_space<hbm>>, %arg6: memref<10000xf32, #tpu.memory_space<hbm>>, %arg7: memref<2x10000x128xf32, #tpu.memory_space<hbm>>, %arg8: memref<320000xf32, #tpu.memory_space<hbm>>, %arg9: memref<80xi32, #tpu.memory_space<vmem>>, %arg10: memref<80xi32, #tpu.memory_space<vmem>>, %arg11: memref<80x128xf32, #tpu.memory_space<vmem>>, %arg12: memref<80x128xf32, #tpu.memory_space<vmem>>, %arg13: memref<10000xf32, #tpu.memory_space<vmem>>, %arg14: memref<10000xf32, #tpu.memory_space<vmem>>, %arg15: memref<10000x128xf32, #tpu.memory_space<vmem_shared>>, %arg16: memref<!tpu.dma_semaphore, #tpu.memory_space<semaphore_mem>>, %arg17: memref<!tpu.dma_semaphore, #tpu.memory_space<semaphore_mem>>) attributes {dimension_semantics = [#tpu.dimension_semantics<core_parallel>, #tpu.dimension_semantics<subcore_parallel>], iteration_bounds = array<i64: 2, 16>, scalar_prefetch = 0 : i64, scratch_operands = 9 : i64, tpu.core_type = #tpu.core_type<sc_vector_subcore>, window_params = [{transform_indices = #map}, {transform_indices = #map1}, {transform_indices = #map1}, {transform_indices = #map}, {transform_indices = #map1}, {transform_indices = #map2}, {transform_indices = #map1}]} {
    %mul3A = arith.constant 2 : i32
    %mul3A_0 = arith.muli %arg1, %mul3A : i32
    %add3A = arith.addi %mul3A_0, %arg0 : i32
    %mul3A_1 = arith.constant 10000 : i32
    %mul3A_2 = arith.muli %add3A, %mul3A_1 : i32
    "tpu.region"() ({
      %run_scoped3A = tpu.sem_alloc : memref<!tpu.dma_semaphore, #tpu.memory_space<semaphore_mem>>
      tpu.enqueue_dma source(%arg6 : memref<10000xf32, #tpu.memory_space<hbm>>) target(%arg14 : memref<10000xf32, #tpu.memory_space<vmem>>) target_semaphore(%run_scoped3A : memref<!tpu.dma_semaphore, #tpu.memory_space<semaphore_mem>>)
      tpu.wait_dma2 semaphore(%run_scoped3A : memref<!tpu.dma_semaphore, #tpu.memory_space<semaphore_mem>>) src(%arg6 : memref<10000xf32, #tpu.memory_space<hbm>>) dst(%arg14 : memref<10000xf32, #tpu.memory_space<vmem>>)
      tpu.yield
    }) : () -> ()
    "tpu.region"() ({
      %run_scoped3A = tpu.sem_alloc : memref<!tpu.dma_semaphore, #tpu.memory_space<semaphore_mem>>
      %dma_start3A_29 = tpu.memref_slice %arg4[%mul3A_2] : memref<320000xf32, #tpu.memory_space<hbm>> -> memref<10000xf32, #tpu.memory_space<hbm>>
      %dma_start3A_30 = tpu.memref_slice %arg4[%mul3A_2] : memref<320000xf32, #tpu.memory_space<hbm>> -> memref<10000xf32, #tpu.memory_space<hbm>>
      tpu.enqueue_dma source(%dma_start3A_30 : memref<10000xf32, #tpu.memory_space<hbm>>) target(%arg13 : memref<10000xf32, #tpu.memory_space<vmem>>) target_semaphore(%run_scoped3A : memref<!tpu.dma_semaphore, #tpu.memory_space<semaphore_mem>>)
      %dma_wait3A = tpu.memref_slice %arg4[%mul3A_2] : memref<320000xf32, #tpu.memory_space<hbm>> -> memref<10000xf32, #tpu.memory_space<hbm>>
      %dma_wait3A_31 = tpu.memref_slice %arg4[%mul3A_2] : memref<320000xf32, #tpu.memory_space<hbm>> -> memref<10000xf32, #tpu.memory_space<hbm>>
      tpu.wait_dma2 semaphore(%run_scoped3A : memref<!tpu.dma_semaphore, #tpu.memory_space<semaphore_mem>>) src(%dma_wait3A_31 : memref<10000xf32, #tpu.memory_space<hbm>>) dst(%arg13 : memref<10000xf32, #tpu.memory_space<vmem>>)
      tpu.yield
    }) : () -> ()
    %eq3A = arith.constant 0 : i32
    %eq3A_3 = arith.cmpi eq, %arg1, %eq3A : i32
    %convert_element_type3A = arith.extui %eq3A_3 : i1 to i32
    %cond3A = arith.constant 0 : i32
    %cond3A_4 = arith.cmpi ne, %convert_element_type3A, %cond3A : i32
    scf.if %cond3A_4 {
      "tpu.region"() ({
        %run_scoped3A = tpu.sem_alloc : memref<!tpu.dma_semaphore, #tpu.memory_space<semaphore_mem>>
        tpu.enqueue_dma source(%arg5 : memref<10000x128xf32, #tpu.memory_space<hbm>>) target(%arg15 : memref<10000x128xf32, #tpu.memory_space<vmem_shared>>) target_semaphore(%run_scoped3A : memref<!tpu.dma_semaphore, #tpu.memory_space<semaphore_mem>>)
        tpu.wait_dma2 semaphore(%run_scoped3A : memref<!tpu.dma_semaphore, #tpu.memory_space<semaphore_mem>>) src(%arg5 : memref<10000x128xf32, #tpu.memory_space<hbm>>) dst(%arg15 : memref<10000x128xf32, #tpu.memory_space<vmem_shared>>)
        tpu.yield
      }) : () -> ()
    } else {
    }
    %barrier3A = arith.constant 0 : index
    tpu.barrier barrier_id(%barrier3A)
    %add3A_5 = arith.constant 0 : i32
    %add3A_6 = arith.addi %mul3A_2, %add3A_5 : i32
    %dma_start3A = tpu.memref_slice %arg3[%add3A_6] : memref<320000xi32, #tpu.memory_space<hbm>> -> memref<80xi32, #tpu.memory_space<hbm>>
    %dma_start3A_7 = tpu.memref_slice %arg3[%add3A_6] : memref<320000xi32, #tpu.memory_space<hbm>> -> memref<80xi32, #tpu.memory_space<hbm>>
    tpu.enqueue_dma source(%dma_start3A_7 : memref<80xi32, #tpu.memory_space<hbm>>) target(%arg9 : memref<80xi32, #tpu.memory_space<vmem>>) target_semaphore(%arg16 : memref<!tpu.dma_semaphore, #tpu.memory_space<semaphore_mem>>)
    %dma_start3A_8 = arith.constant 0 : i32
    %dma_start3A_9 = tpu.memref_slice %arg2[%add3A_6, %dma_start3A_8] : memref<320000x128xf32, #tpu.memory_space<hbm>> -> memref<80x128xf32, #tpu.memory_space<hbm>>
    %dma_start3A_10 = arith.constant 0 : i32
    %dma_start3A_11 = tpu.memref_slice %arg2[%add3A_6, %dma_start3A_10] : memref<320000x128xf32, #tpu.memory_space<hbm>> -> memref<80x128xf32, #tpu.memory_space<hbm>>
    tpu.enqueue_dma source(%dma_start3A_11 : memref<80x128xf32, #tpu.memory_space<hbm>>) target(%arg11 : memref<80x128xf32, #tpu.memory_space<vmem>>) target_semaphore(%arg16 : memref<!tpu.dma_semaphore, #tpu.memory_space<semaphore_mem>>)
    %scan3A = arith.constant 0 : i32
    %scan3A_12 = arith.constant 0 : i32
    %scan3A_13 = arith.constant 125 : i32
    %scan3A_14 = arith.addi %scan3A_12, %scan3A_13 : i32
    %scan3A_15 = arith.constant 1 : i32
    scf.for %scan3A_29 = %scan3A_12 to %scan3A_14 step %scan3A_15  : i32 {
      %rem3A = arith.constant 2 : i32
      %rem3A_30 = arith.remsi %scan3A_29, %rem3A : i32
      %eq3A_31 = arith.constant 0 : i32
      %eq3A_32 = arith.cmpi eq, %rem3A_30, %eq3A_31 : i32
      %convert_element_type3A_33 = arith.extui %eq3A_32 : i1 to i32
      %cond3A_34 = arith.constant 0 : i32
      %cond3A_35 = arith.cmpi ne, %convert_element_type3A_33, %cond3A_34 : i32
      scf.if %cond3A_35 {
        %dma_wait3A = arith.constant 0 : i32
        %dma_wait3A_43 = tpu.memref_slice %arg3[%dma_wait3A] : memref<320000xi32, #tpu.memory_space<hbm>> -> memref<80xi32, #tpu.memory_space<hbm>>
        %dma_wait3A_44 = arith.constant 0 : i32
        %dma_wait3A_45 = tpu.memref_slice %arg3[%dma_wait3A_44] : memref<320000xi32, #tpu.memory_space<hbm>> -> memref<80xi32, #tpu.memory_space<hbm>>
        tpu.wait_dma2 semaphore(%arg16 : memref<!tpu.dma_semaphore, #tpu.memory_space<semaphore_mem>>) src(%dma_wait3A_45 : memref<80xi32, #tpu.memory_space<hbm>>) dst(%arg9 : memref<80xi32, #tpu.memory_space<vmem>>)
        %dma_wait3A_46 = arith.constant 0 : i32
        %dma_wait3A_47 = arith.constant 0 : i32
        %dma_wait3A_48 = tpu.memref_slice %arg2[%dma_wait3A_46, %dma_wait3A_47] : memref<320000x128xf32, #tpu.memory_space<hbm>> -> memref<80x128xf32, #tpu.memory_space<hbm>>
        %dma_wait3A_49 = arith.constant 0 : i32
        %dma_wait3A_50 = arith.constant 0 : i32
        %dma_wait3A_51 = tpu.memref_slice %arg2[%dma_wait3A_49, %dma_wait3A_50] : memref<320000x128xf32, #tpu.memory_space<hbm>> -> memref<80x128xf32, #tpu.memory_space<hbm>>
        tpu.wait_dma2 semaphore(%arg16 : memref<!tpu.dma_semaphore, #tpu.memory_space<semaphore_mem>>) src(%dma_wait3A_51 : memref<80x128xf32, #tpu.memory_space<hbm>>) dst(%arg11 : memref<80x128xf32, #tpu.memory_space<vmem>>)
        %add3A_52 = arith.constant 1 : i32
        %add3A_53 = arith.addi %scan3A_29, %add3A_52 : i32
        %lt3A_54 = arith.constant 125 : i32
        %lt3A_55 = arith.cmpi slt, %add3A_53, %lt3A_54 : i32
        %convert_element_type3A_56 = arith.extui %lt3A_55 : i1 to i32
        %cond3A_57 = arith.constant 0 : i32
        %cond3A_58 = arith.cmpi ne, %convert_element_type3A_56, %cond3A_57 : i32
        scf.if %cond3A_58 {
          %add3A_90 = arith.constant 1 : i32
          %add3A_91 = arith.addi %scan3A_29, %add3A_90 : i32
          %mul3A_92 = arith.constant 80 : i32
          %mul3A_93 = arith.muli %add3A_91, %mul3A_92 : i32
          %add3A_94 = arith.addi %mul3A_2, %mul3A_93 : i32
          %dma_start3A_95 = tpu.memref_slice %arg3[%add3A_94] : memref<320000xi32, #tpu.memory_space<hbm>> -> memref<80xi32, #tpu.memory_space<hbm>>
          %dma_start3A_96 = tpu.memref_slice %arg3[%add3A_94] : memref<320000xi32, #tpu.memory_space<hbm>> -> memref<80xi32, #tpu.memory_space<hbm>>
          tpu.enqueue_dma source(%dma_start3A_96 : memref<80xi32, #tpu.memory_space<hbm>>) target(%arg10 : memref<80xi32, #tpu.memory_space<vmem>>) target_semaphore(%arg17 : memref<!tpu.dma_semaphore, #tpu.memory_space<semaphore_mem>>)
          %dma_start3A_97 = arith.constant 0 : i32
          %dma_start3A_98 = tpu.memref_slice %arg2[%add3A_94, %dma_start3A_97] : memref<320000x128xf32, #tpu.memory_space<hbm>> -> memref<80x128xf32, #tpu.memory_space<hbm>>
          %dma_start3A_99 = arith.constant 0 : i32
          %dma_start3A_100 = tpu.memref_slice %arg2[%add3A_94, %dma_start3A_99] : memref<320000x128xf32, #tpu.memory_space<hbm>> -> memref<80x128xf32, #tpu.memory_space<hbm>>
          tpu.enqueue_dma source(%dma_start3A_100 : memref<80x128xf32, #tpu.memory_space<hbm>>) target(%arg12 : memref<80x128xf32, #tpu.memory_space<vmem>>) target_semaphore(%arg17 : memref<!tpu.dma_semaphore, #tpu.memory_space<semaphore_mem>>)
        } else {
        }
        %mul3A_59 = arith.constant 80 : i32
        %mul3A_60 = arith.muli %scan3A_29, %mul3A_59 : i32
        %get3A = arith.constant 0 : index
        %get3A_61 = tpu.vector_load %arg9[%get3A] {strides = array<i32>} : memref<80xi32, #tpu.memory_space<vmem>>, vector<16xi32>,
        %add3A_62 = arith.constant 0 : i32
        %add3A_63 = arith.addi %mul3A_60, %add3A_62 : i32
        %get3A_64 = arith.index_cast %add3A_63 : i32 to index
        %get3A_65 = tpu.vector_load %arg13[%get3A_64] {strides = array<i32>} : memref<10000xf32, #tpu.memory_space<vmem>>, vector<16xf32>,
        tpu.vector_store_idx %arg14[%get3A_61], %get3A_65 {add = true} : memref<10000xf32, #tpu.memory_space<vmem>>[vector<16xi32>], vector<16xf32>,
        %get3A_66 = arith.constant 16 : index
        %get3A_67 = tpu.vector_load %arg9[%get3A_66] {strides = array<i32>} : memref<80xi32, #tpu.memory_space<vmem>>, vector<16xi32>,
        %add3A_68 = arith.constant 16 : i32
        %add3A_69 = arith.addi %mul3A_60, %add3A_68 : i32
        %get3A_70 = arith.index_cast %add3A_69 : i32 to index
        %get3A_71 = tpu.vector_load %arg13[%get3A_70] {strides = array<i32>} : memref<10000xf32, #tpu.memory_space<vmem>>, vector<16xf32>,
        tpu.vector_store_idx %arg14[%get3A_67], %get3A_71 {add = true} : memref<10000xf32, #tpu.memory_space<vmem>>[vector<16xi32>], vector<16xf32>,
        %get3A_72 = arith.constant 32 : index
        %get3A_73 = tpu.vector_load %arg9[%get3A_72] {strides = array<i32>} : memref<80xi32, #tpu.memory_space<vmem>>, vector<16xi32>,
        %add3A_74 = arith.constant 32 : i32
        %add3A_75 = arith.addi %mul3A_60, %add3A_74 : i32
        %get3A_76 = arith.index_cast %add3A_75 : i32 to index
        %get3A_77 = tpu.vector_load %arg13[%get3A_76] {strides = array<i32>} : memref<10000xf32, #tpu.memory_space<vmem>>, vector<16xf32>,
        tpu.vector_store_idx %arg14[%get3A_73], %get3A_77 {add = true} : memref<10000xf32, #tpu.memory_space<vmem>>[vector<16xi32>], vector<16xf32>,
        %get3A_78 = arith.constant 48 : index
        %get3A_79 = tpu.vector_load %arg9[%get3A_78] {strides = array<i32>} : memref<80xi32, #tpu.memory_space<vmem>>, vector<16xi32>,
        %add3A_80 = arith.constant 48 : i32
        %add3A_81 = arith.addi %mul3A_60, %add3A_80 : i32
        %get3A_82 = arith.index_cast %add3A_81 : i32 to index
        %get3A_83 = tpu.vector_load %arg13[%get3A_82] {strides = array<i32>} : memref<10000xf32, #tpu.memory_space<vmem>>, vector<16xf32>,
        tpu.vector_store_idx %arg14[%get3A_79], %get3A_83 {add = true} : memref<10000xf32, #tpu.memory_space<vmem>>[vector<16xi32>], vector<16xf32>,
        %get3A_84 = arith.constant 64 : index
        %get3A_85 = tpu.vector_load %arg9[%get3A_84] {strides = array<i32>} : memref<80xi32, #tpu.memory_space<vmem>>, vector<16xi32>,
        %add3A_86 = arith.constant 64 : i32
        %add3A_87 = arith.addi %mul3A_60, %add3A_86 : i32
        %get3A_88 = arith.index_cast %add3A_87 : i32 to index
        %get3A_89 = tpu.vector_load %arg13[%get3A_88] {strides = array<i32>} : memref<10000xf32, #tpu.memory_space<vmem>>, vector<16xf32>,
        tpu.vector_store_idx %arg14[%get3A_85], %get3A_89 {add = true} : memref<10000xf32, #tpu.memory_space<vmem>>[vector<16xi32>], vector<16xf32>,
        "tpu.region"() ({
          %run_scoped3A = tpu.sem_alloc : memref<!tpu.dma_semaphore, #tpu.memory_space<semaphore_mem>>
          %dma_start3A_90 = arith.constant 0 : i32
          %dma_start3A_91 = arith.constant 0 : i32
          %dma_start3A_92 = tpu.memref_slice %arg15[%dma_start3A_90, %dma_start3A_91] : memref<10000x128xf32, #tpu.memory_space<vmem_shared>> -> memref<10000x128xf32, #tpu.memory_space<vmem_shared>>
          tpu.enqueue_indirect_dma source(%arg11 : memref<80x128xf32, #tpu.memory_space<vmem>>) target(%dma_start3A_92 : memref<10000x128xf32, #tpu.memory_space<vmem_shared>>) offsets(%arg9 : memref<80xi32, #tpu.memory_space<vmem>>) semaphore(%run_scoped3A : memref<!tpu.dma_semaphore, #tpu.memory_space<semaphore_mem>>) {add = true}
          %dma_wait3A_93 = arith.constant 0 : i32
          %dma_wait3A_94 = arith.constant 0 : i32
          %dma_wait3A_95 = tpu.memref_slice %arg15[%dma_wait3A_93, %dma_wait3A_94] : memref<10000x128xf32, #tpu.memory_space<vmem_shared>> -> memref<10000x128xf32, #tpu.memory_space<vmem_shared>>
          tpu.wait_indirect_dma semaphore(%run_scoped3A : memref<!tpu.dma_semaphore, #tpu.memory_space<semaphore_mem>>) src(%arg11 : memref<80x128xf32, #tpu.memory_space<vmem>>) dst(%dma_wait3A_95 : memref<10000x128xf32, #tpu.memory_space<vmem_shared>>)
          tpu.yield
        }) : () -> ()
      } else {
      }
      %rem3A_36 = arith.constant 2 : i32
      %rem3A_37 = arith.remsi %scan3A_29, %rem3A_36 : i32
      %eq3A_38 = arith.constant 1 : i32
      %eq3A_39 = arith.cmpi eq, %rem3A_37, %eq3A_38 : i32
      %convert_element_type3A_40 = arith.extui %eq3A_39 : i1 to i32
      %cond3A_41 = arith.constant 0 : i32
      %cond3A_42 = arith.cmpi ne, %convert_element_type3A_40, %cond3A_41 : i32
      scf.if %cond3A_42 {
        %dma_wait3A = arith.constant 0 : i32
        %dma_wait3A_43 = tpu.memref_slice %arg3[%dma_wait3A] : memref<320000xi32, #tpu.memory_space<hbm>> -> memref<80xi32, #tpu.memory_space<hbm>>
        %dma_wait3A_44 = arith.constant 0 : i32
        %dma_wait3A_45 = tpu.memref_slice %arg3[%dma_wait3A_44] : memref<320000xi32, #tpu.memory_space<hbm>> -> memref<80xi32, #tpu.memory_space<hbm>>
        tpu.wait_dma2 semaphore(%arg17 : memref<!tpu.dma_semaphore, #tpu.memory_space<semaphore_mem>>) src(%dma_wait3A_45 : memref<80xi32, #tpu.memory_space<hbm>>) dst(%arg10 : memref<80xi32, #tpu.memory_space<vmem>>)
        %dma_wait3A_46 = arith.constant 0 : i32
        %dma_wait3A_47 = arith.constant 0 : i32
        %dma_wait3A_48 = tpu.memref_slice %arg2[%dma_wait3A_46, %dma_wait3A_47] : memref<320000x128xf32, #tpu.memory_space<hbm>> -> memref<80x128xf32, #tpu.memory_space<hbm>>
        %dma_wait3A_49 = arith.constant 0 : i32
        %dma_wait3A_50 = arith.constant 0 : i32
        %dma_wait3A_51 = tpu.memref_slice %arg2[%dma_wait3A_49, %dma_wait3A_50] : memref<320000x128xf32, #tpu.memory_space<hbm>> -> memref<80x128xf32, #tpu.memory_space<hbm>>
        tpu.wait_dma2 semaphore(%arg17 : memref<!tpu.dma_semaphore, #tpu.memory_space<semaphore_mem>>) src(%dma_wait3A_51 : memref<80x128xf32, #tpu.memory_space<hbm>>) dst(%arg12 : memref<80x128xf32, #tpu.memory_space<vmem>>)
        %add3A_52 = arith.constant 1 : i32
        %add3A_53 = arith.addi %scan3A_29, %add3A_52 : i32
        %lt3A_54 = arith.constant 125 : i32
        %lt3A_55 = arith.cmpi slt, %add3A_53, %lt3A_54 : i32
        %convert_element_type3A_56 = arith.extui %lt3A_55 : i1 to i32
        %cond3A_57 = arith.constant 0 : i32
        %cond3A_58 = arith.cmpi ne, %convert_element_type3A_56, %cond3A_57 : i32
        scf.if %cond3A_58 {
          %add3A_90 = arith.constant 1 : i32
          %add3A_91 = arith.addi %scan3A_29, %add3A_90 : i32
          %mul3A_92 = arith.constant 80 : i32
          %mul3A_93 = arith.muli %add3A_91, %mul3A_92 : i32
          %add3A_94 = arith.addi %mul3A_2, %mul3A_93 : i32
          %dma_start3A_95 = tpu.memref_slice %arg3[%add3A_94] : memref<320000xi32, #tpu.memory_space<hbm>> -> memref<80xi32, #tpu.memory_space<hbm>>
          %dma_start3A_96 = tpu.memref_slice %arg3[%add3A_94] : memref<320000xi32, #tpu.memory_space<hbm>> -> memref<80xi32, #tpu.memory_space<hbm>>
          tpu.enqueue_dma source(%dma_start3A_96 : memref<80xi32, #tpu.memory_space<hbm>>) target(%arg9 : memref<80xi32, #tpu.memory_space<vmem>>) target_semaphore(%arg16 : memref<!tpu.dma_semaphore, #tpu.memory_space<semaphore_mem>>)
          %dma_start3A_97 = arith.constant 0 : i32
          %dma_start3A_98 = tpu.memref_slice %arg2[%add3A_94, %dma_start3A_97] : memref<320000x128xf32, #tpu.memory_space<hbm>> -> memref<80x128xf32, #tpu.memory_space<hbm>>
          %dma_start3A_99 = arith.constant 0 : i32
          %dma_start3A_100 = tpu.memref_slice %arg2[%add3A_94, %dma_start3A_99] : memref<320000x128xf32, #tpu.memory_space<hbm>> -> memref<80x128xf32, #tpu.memory_space<hbm>>
          tpu.enqueue_dma source(%dma_start3A_100 : memref<80x128xf32, #tpu.memory_space<hbm>>) target(%arg11 : memref<80x128xf32, #tpu.memory_space<vmem>>) target_semaphore(%arg16 : memref<!tpu.dma_semaphore, #tpu.memory_space<semaphore_mem>>)
        } else {
        }
        %mul3A_59 = arith.constant 80 : i32
        %mul3A_60 = arith.muli %scan3A_29, %mul3A_59 : i32
        %get3A = arith.constant 0 : index
        %get3A_61 = tpu.vector_load %arg10[%get3A] {strides = array<i32>} : memref<80xi32, #tpu.memory_space<vmem>>, vector<16xi32>,
        %add3A_62 = arith.constant 0 : i32
        %add3A_63 = arith.addi %mul3A_60, %add3A_62 : i32
        %get3A_64 = arith.index_cast %add3A_63 : i32 to index
        %get3A_65 = tpu.vector_load %arg13[%get3A_64] {strides = array<i32>} : memref<10000xf32, #tpu.memory_space<vmem>>, vector<16xf32>,
        tpu.vector_store_idx %arg14[%get3A_61], %get3A_65 {add = true} : memref<10000xf32, #tpu.memory_space<vmem>>[vector<16xi32>], vector<16xf32>,
        %get3A_66 = arith.constant 16 : index
        %get3A_67 = tpu.vector_load %arg10[%get3A_66] {strides = array<i32>} : memref<80xi32, #tpu.memory_space<vmem>>, vector<16xi32>,
        %add3A_68 = arith.constant 16 : i32
        %add3A_69 = arith.addi %mul3A_60, %add3A_68 : i32
        %get3A_70 = arith.index_cast %add3A_69 : i32 to index
        %get3A_71 = tpu.vector_load %arg13[%get3A_70] {strides = array<i32>} : memref<10000xf32, #tpu.memory_space<vmem>>, vector<16xf32>,
        tpu.vector_store_idx %arg14[%get3A_67], %get3A_71 {add = true} : memref<10000xf32, #tpu.memory_space<vmem>>[vector<16xi32>], vector<16xf32>,
        %get3A_72 = arith.constant 32 : index
        %get3A_73 = tpu.vector_load %arg10[%get3A_72] {strides = array<i32>} : memref<80xi32, #tpu.memory_space<vmem>>, vector<16xi32>,
        %add3A_74 = arith.constant 32 : i32
        %add3A_75 = arith.addi %mul3A_60, %add3A_74 : i32
        %get3A_76 = arith.index_cast %add3A_75 : i32 to index
        %get3A_77 = tpu.vector_load %arg13[%get3A_76] {strides = array<i32>} : memref<10000xf32, #tpu.memory_space<vmem>>, vector<16xf32>,
        tpu.vector_store_idx %arg14[%get3A_73], %get3A_77 {add = true} : memref<10000xf32, #tpu.memory_space<vmem>>[vector<16xi32>], vector<16xf32>,
        %get3A_78 = arith.constant 48 : index
        %get3A_79 = tpu.vector_load %arg10[%get3A_78] {strides = array<i32>} : memref<80xi32, #tpu.memory_space<vmem>>, vector<16xi32>,
        %add3A_80 = arith.constant 48 : i32
        %add3A_81 = arith.addi %mul3A_60, %add3A_80 : i32
        %get3A_82 = arith.index_cast %add3A_81 : i32 to index
        %get3A_83 = tpu.vector_load %arg13[%get3A_82] {strides = array<i32>} : memref<10000xf32, #tpu.memory_space<vmem>>, vector<16xf32>,
        tpu.vector_store_idx %arg14[%get3A_79], %get3A_83 {add = true} : memref<10000xf32, #tpu.memory_space<vmem>>[vector<16xi32>], vector<16xf32>,
        %get3A_84 = arith.constant 64 : index
        %get3A_85 = tpu.vector_load %arg10[%get3A_84] {strides = array<i32>} : memref<80xi32, #tpu.memory_space<vmem>>, vector<16xi32>,
        %add3A_86 = arith.constant 64 : i32
        %add3A_87 = arith.addi %mul3A_60, %add3A_86 : i32
        %get3A_88 = arith.index_cast %add3A_87 : i32 to index
        %get3A_89 = tpu.vector_load %arg13[%get3A_88] {strides = array<i32>} : memref<10000xf32, #tpu.memory_space<vmem>>, vector<16xf32>,
        tpu.vector_store_idx %arg14[%get3A_85], %get3A_89 {add = true} : memref<10000xf32, #tpu.memory_space<vmem>>[vector<16xi32>], vector<16xf32>,
        "tpu.region"() ({
          %run_scoped3A = tpu.sem_alloc : memref<!tpu.dma_semaphore, #tpu.memory_space<semaphore_mem>>
          %dma_start3A_90 = arith.constant 0 : i32
          %dma_start3A_91 = arith.constant 0 : i32
          %dma_start3A_92 = tpu.memref_slice %arg15[%dma_start3A_90, %dma_start3A_91] : memref<10000x128xf32, #tpu.memory_space<vmem_shared>> -> memref<10000x128xf32, #tpu.memory_space<vmem_shared>>
          tpu.enqueue_indirect_dma source(%arg12 : memref<80x128xf32, #tpu.memory_space<vmem>>) target(%dma_start3A_92 : memref<10000x128xf32, #tpu.memory_space<vmem_shared>>) offsets(%arg10 : memref<80xi32, #tpu.memory_space<vmem>>) semaphore(%run_scoped3A : memref<!tpu.dma_semaphore, #tpu.memory_space<semaphore_mem>>) {add = true}
          %dma_wait3A_93 = arith.constant 0 : i32
          %dma_wait3A_94 = arith.constant 0 : i32
          %dma_wait3A_95 = tpu.memref_slice %arg15[%dma_wait3A_93, %dma_wait3A_94] : memref<10000x128xf32, #tpu.memory_space<vmem_shared>> -> memref<10000x128xf32, #tpu.memory_space<vmem_shared>>
          tpu.wait_indirect_dma semaphore(%run_scoped3A : memref<!tpu.dma_semaphore, #tpu.memory_space<semaphore_mem>>) src(%arg12 : memref<80x128xf32, #tpu.memory_space<vmem>>) dst(%dma_wait3A_95 : memref<10000x128xf32, #tpu.memory_space<vmem_shared>>)
          tpu.yield
        }) : () -> ()
      } else {
      }
    }
    %scan3A_16 = arith.constant 125 : i32
    %mul3A_17 = arith.constant 10000 : i32
    %mul3A_18 = arith.muli %add3A, %mul3A_17 : i32
    "tpu.region"() ({
      %run_scoped3A = tpu.sem_alloc : memref<!tpu.dma_semaphore, #tpu.memory_space<semaphore_mem>>
      %dma_start3A_29 = tpu.memref_slice %arg8[%mul3A_18] : memref<320000xf32, #tpu.memory_space<hbm>> -> memref<10000xf32, #tpu.memory_space<hbm>>
      %dma_start3A_30 = tpu.memref_slice %arg8[%mul3A_18] : memref<320000xf32, #tpu.memory_space<hbm>> -> memref<10000xf32, #tpu.memory_space<hbm>>
      tpu.enqueue_dma source(%arg14 : memref<10000xf32, #tpu.memory_space<vmem>>) target(%dma_start3A_30 : memref<10000xf32, #tpu.memory_space<hbm>>) target_semaphore(%run_scoped3A : memref<!tpu.dma_semaphore, #tpu.memory_space<semaphore_mem>>)
      %dma_wait3A = tpu.memref_slice %arg8[%mul3A_18] : memref<320000xf32, #tpu.memory_space<hbm>> -> memref<10000xf32, #tpu.memory_space<hbm>>
      %dma_wait3A_31 = tpu.memref_slice %arg8[%mul3A_18] : memref<320000xf32, #tpu.memory_space<hbm>> -> memref<10000xf32, #tpu.memory_space<hbm>>
      tpu.wait_dma2 semaphore(%run_scoped3A : memref<!tpu.dma_semaphore, #tpu.memory_space<semaphore_mem>>) src(%arg14 : memref<10000xf32, #tpu.memory_space<vmem>>) dst(%dma_wait3A_31 : memref<10000xf32, #tpu.memory_space<hbm>>)
      tpu.yield
    }) : () -> ()
    %barrier3A_19 = arith.constant 0 : index
    tpu.barrier barrier_id(%barrier3A_19)
    %lt3A = arith.constant 15 : i32
    %lt3A_20 = arith.cmpi slt, %arg1, %lt3A : i32
    %convert_element_type3A_21 = arith.extui %lt3A_20 : i1 to i32
    %cond3A_22 = arith.constant 0 : i32
    %cond3A_23 = arith.cmpi ne, %convert_element_type3A_21, %cond3A_22 : i32
    scf.if %cond3A_23 {
      %mul3A_29 = arith.constant 624 : i32
      %mul3A_30 = arith.muli %arg1, %mul3A_29 : i32
      %mul3A_31 = arith.constant 624 : i32
      %mul3A_32 = arith.muli %arg1, %mul3A_31 : i32
      "tpu.region"() ({
        %run_scoped3A = tpu.sem_alloc : memref<!tpu.dma_semaphore, #tpu.memory_space<semaphore_mem>>
        %dma_start3A_33 = arith.constant 0 : i32
        %dma_start3A_34 = tpu.memref_slice %arg7[%arg0, %mul3A_32, %dma_start3A_33] : memref<2x10000x128xf32, #tpu.memory_space<hbm>> -> memref<1x624x128xf32, #tpu.memory_space<hbm>>
        %dma_start3A_35 = tpu.memref_squeeze %dma_start3A_34 : memref<1x624x128xf32, #tpu.memory_space<hbm>> -> memref<624x128xf32, #tpu.memory_space<hbm>>
        %dma_start3A_36 = arith.constant 0 : i32
        %dma_start3A_37 = tpu.memref_slice %arg15[%mul3A_30, %dma_start3A_36] : memref<10000x128xf32, #tpu.memory_space<vmem_shared>> -> memref<624x128xf32, #tpu.memory_space<vmem_shared>>
        tpu.enqueue_dma source(%dma_start3A_37 : memref<624x128xf32, #tpu.memory_space<vmem_shared>>) target(%dma_start3A_35 : memref<624x128xf32, #tpu.memory_space<hbm>>) target_semaphore(%run_scoped3A : memref<!tpu.dma_semaphore, #tpu.memory_space<semaphore_mem>>)
        %dma_wait3A = arith.constant 0 : i32
        %dma_wait3A_38 = tpu.memref_slice %arg7[%arg0, %mul3A_32, %dma_wait3A] : memref<2x10000x128xf32, #tpu.memory_space<hbm>> -> memref<1x624x128xf32, #tpu.memory_space<hbm>>
        %dma_wait3A_39 = tpu.memref_squeeze %dma_wait3A_38 : memref<1x624x128xf32, #tpu.memory_space<hbm>> -> memref<624x128xf32, #tpu.memory_space<hbm>>
        %dma_wait3A_40 = arith.constant 0 : i32
        %dma_wait3A_41 = tpu.memref_slice %arg15[%mul3A_30, %dma_wait3A_40] : memref<10000x128xf32, #tpu.memory_space<vmem_shared>> -> memref<624x128xf32, #tpu.memory_space<vmem_shared>>
        tpu.wait_dma2 semaphore(%run_scoped3A : memref<!tpu.dma_semaphore, #tpu.memory_space<semaphore_mem>>) src(%dma_wait3A_41 : memref<624x128xf32, #tpu.memory_space<vmem_shared>>) dst(%dma_wait3A_39 : memref<624x128xf32, #tpu.memory_space<hbm>>)
        tpu.yield
      }) : () -> ()
    } else {
    }
    %eq3A_24 = arith.constant 15 : i32
    %eq3A_25 = arith.cmpi eq, %arg1, %eq3A_24 : i32
    %convert_element_type3A_26 = arith.extui %eq3A_25 : i1 to i32
    %cond3A_27 = arith.constant 0 : i32
    %cond3A_28 = arith.cmpi ne, %convert_element_type3A_26, %cond3A_27 : i32
    scf.if %cond3A_28 {
      "tpu.region"() ({
        %run_scoped3A = tpu.sem_alloc : memref<!tpu.dma_semaphore, #tpu.memory_space<semaphore_mem>>
        %dma_start3A_29 = arith.constant 9360 : i32
        %dma_start3A_30 = arith.constant 0 : i32
        %dma_start3A_31 = tpu.memref_slice %arg7[%arg0, %dma_start3A_29, %dma_start3A_30] : memref<2x10000x128xf32, #tpu.memory_space<hbm>> -> memref<1x640x128xf32, #tpu.memory_space<hbm>>
        %dma_start3A_32 = tpu.memref_squeeze %dma_start3A_31 : memref<1x640x128xf32, #tpu.memory_space<hbm>> -> memref<640x128xf32, #tpu.memory_space<hbm>>
        %dma_start3A_33 = arith.constant 9360 : i32
        %dma_start3A_34 = arith.constant 0 : i32
        %dma_start3A_35 = tpu.memref_slice %arg15[%dma_start3A_33, %dma_start3A_34] : memref<10000x128xf32, #tpu.memory_space<vmem_shared>> -> memref<640x128xf32, #tpu.memory_space<vmem_shared>>
        tpu.enqueue_dma source(%dma_start3A_35 : memref<640x128xf32, #tpu.memory_space<vmem_shared>>) target(%dma_start3A_32 : memref<640x128xf32, #tpu.memory_space<hbm>>) target_semaphore(%run_scoped3A : memref<!tpu.dma_semaphore, #tpu.memory_space<semaphore_mem>>)
        %dma_wait3A = arith.constant 9360 : i32
        %dma_wait3A_36 = arith.constant 0 : i32
        %dma_wait3A_37 = tpu.memref_slice %arg7[%arg0, %dma_wait3A, %dma_wait3A_36] : memref<2x10000x128xf32, #tpu.memory_space<hbm>> -> memref<1x640x128xf32, #tpu.memory_space<hbm>>
        %dma_wait3A_38 = tpu.memref_squeeze %dma_wait3A_37 : memref<1x640x128xf32, #tpu.memory_space<hbm>> -> memref<640x128xf32, #tpu.memory_space<hbm>>
        %dma_wait3A_39 = arith.constant 9360 : i32
        %dma_wait3A_40 = arith.constant 0 : i32
        %dma_wait3A_41 = tpu.memref_slice %arg15[%dma_wait3A_39, %dma_wait3A_40] : memref<10000x128xf32, #tpu.memory_space<vmem_shared>> -> memref<640x128xf32, #tpu.memory_space<vmem_shared>>
        tpu.wait_dma2 semaphore(%run_scoped3A : memref<!tpu.dma_semaphore, #tpu.memory_space<semaphore_mem>>) src(%dma_wait3A_41 : memref<640x128xf32, #tpu.memory_space<vmem_shared>>) dst(%dma_wait3A_38 : memref<640x128xf32, #tpu.memory_space<hbm>>)
        tpu.yield
      }) : () -> ()
    } else {
    }
    return
  }
}

module attributes {stable_mosaic.version = 14 : i64} {
  func.func @_gx_body(%arg0: i32, %arg1: memref<2000x8xf32, #tpu.memory_space<vmem>>, %arg2: memref<8x512xf32, #tpu.memory_space<vmem>>, %arg3: memref<1x512xf32, #tpu.memory_space<vmem>>, %arg4: memref<2000x512xf32, #tpu.memory_space<vmem>>) attributes {dimension_semantics = [#tpu.dimension_semantics<parallel>], iteration_bounds = array<i64: 150>, scalar_prefetch = 0 : i64, scratch_operands = 0 : i64, tpu.core_type = #tpu.core_type<tc>, window_params = [{transform_indices = @transform_0, window_bounds = array<i64: 2000, 8>}, {pipeline_mode = #tpu.pipeline_mode<synchronous>, transform_indices = @transform_1, window_bounds = array<i64: 8, 512>}, {pipeline_mode = #tpu.pipeline_mode<synchronous>, transform_indices = @transform_2, window_bounds = array<i64: 1, 512>}, {transform_indices = @transform_3, window_bounds = array<i64: 2000, 512>}]} {
    %get3A = arith.constant 0 : index
    %get3A_0 = arith.constant 0 : index
    %get3A_1 = vector.load %arg1[%get3A, %get3A_0] : memref<2000x8xf32, #tpu.memory_space<vmem>>, vector<2000x8xf32>
    %get3A_2 = arith.constant 0 : index
    %get3A_3 = arith.constant 0 : index
    %get3A_4 = vector.load %arg2[%get3A_2, %get3A_3] : memref<8x512xf32, #tpu.memory_space<vmem>>, vector<8x512xf32>
    %dot_general3A = arith.constant dense<0.000000e+00> : vector<2000x512xf32>
    %dot_general3A_5 = tpu.matmul %get3A_1, %get3A_4, %dot_general3A {dimension_numbers = #tpu.dot_dimension_numbers<[1], [0], [0], [1], [0, 0, 1, 1], [], []>, transpose_lhs_hint = false} : vector<2000x8xf32>, vector<8x512xf32>, vector<2000x512xf32> -> vector<2000x512xf32>
    %get3A_6 = arith.constant 0 : index
    %get3A_7 = arith.constant 0 : index
    %get3A_8 = vector.load %arg3[%get3A_6, %get3A_7] : memref<1x512xf32, #tpu.memory_space<vmem>>, vector<1x512xf32>
    %add3A = vector.broadcast %get3A_8 : vector<1x512xf32> to vector<2000x512xf32>
    %add3A_9 = arith.addf %dot_general3A_5, %add3A : vector<2000x512xf32>
    %swap3A = arith.constant 0 : index
    %swap3A_10 = arith.constant 0 : index
    %swap3A_11 = vector.load %arg4[%swap3A, %swap3A_10] : memref<2000x512xf32, #tpu.memory_space<vmem>>, vector<2000x512xf32>
    tpu.vector_store %arg4[%swap3A, %swap3A_10], %add3A_9 {strides = array<i32>} : memref<2000x512xf32, #tpu.memory_space<vmem>>, vector<2000x512xf32>,
    return
  }
  func.func @transform_0(%arg0: i32) -> (i32, i32) {
    %c0_i32 = arith.constant 0 : i32
    %c0_i32_0 = arith.constant 0 : i32
    return %arg0, %c0_i32 : i32, i32
  }
  func.func @transform_1(%arg0: i32) -> (i32, i32) {
    %c0_i32 = arith.constant 0 : i32
    %c0_i32_0 = arith.constant 0 : i32
    %c0_i32_1 = arith.constant 0 : i32
    return %c0_i32, %c0_i32_0 : i32, i32
  }
  func.func @transform_2(%arg0: i32) -> (i32, i32) {
    %c0_i32 = arith.constant 0 : i32
    %c0_i32_0 = arith.constant 0 : i32
    %c0_i32_1 = arith.constant 0 : i32
    return %c0_i32, %c0_i32_0 : i32, i32
  }
  func.func @transform_3(%arg0: i32) -> (i32, i32) {
    %c0_i32 = arith.constant 0 : i32
    %c0_i32_0 = arith.constant 0 : i32
    return %arg0, %c0_i32 : i32, i32
  }
}

module attributes {stable_mosaic.version = 14 : i64} {
  func.func @_lstm_body(%arg0: i32, %arg1: i32, %arg2: memref<1x1000x512xf32, #tpu.memory_space<vmem>>, %arg3: memref<128x512xf32, #tpu.memory_space<vmem>>, %arg4: memref<1000x128xf32, #tpu.memory_space<vmem>>, %arg5: memref<1000x128xf32, #tpu.memory_space<vmem>>, %arg6: memref<1000x128xf32, #tpu.memory_space<vmem>>) attributes {dimension_semantics = [#tpu.dimension_semantics<parallel>, #tpu.dimension_semantics<arbitrary>], iteration_bounds = array<i64: 10, 30>, scalar_prefetch = 0 : i64, scratch_operands = 2 : i64, tpu.core_type = #tpu.core_type<tc>, window_params = [{transform_indices = @transform_0, window_bounds = array<i64: 1, 1000, 512>}, {pipeline_mode = #tpu.pipeline_mode<synchronous>, transform_indices = @transform_1, window_bounds = array<i64: 128, 512>}, {transform_indices = @transform_2, window_bounds = array<i64: 1000, 128>}]} {
    %eq3A = arith.constant 0 : i32
    %eq3A_0 = arith.cmpi eq, %arg1, %eq3A : i32
    %convert_element_type3A = arith.extui %eq3A_0 : i1 to i32
    %cond3A = arith.constant 0 : i32
    %cond3A_1 = arith.cmpi ne, %convert_element_type3A, %cond3A : i32
    scf.if %cond3A_1 {
      %broadcast_in_dim3A = arith.constant 0.000000e+00 : f32
      %broadcast_in_dim3A_53 = vector.broadcast %broadcast_in_dim3A : f32 to vector<1000x128xf32>
      %swap3A_54 = arith.constant 0 : index
      %swap3A_55 = arith.constant 0 : index
      %swap3A_56 = vector.load %arg5[%swap3A_54, %swap3A_55] : memref<1000x128xf32, #tpu.memory_space<vmem>>, vector<1000x128xf32>
      tpu.vector_store %arg5[%swap3A_54, %swap3A_55], %broadcast_in_dim3A_53 {strides = array<i32>} : memref<1000x128xf32, #tpu.memory_space<vmem>>, vector<1000x128xf32>,
      %broadcast_in_dim3A_57 = arith.constant 0.000000e+00 : f32
      %broadcast_in_dim3A_58 = vector.broadcast %broadcast_in_dim3A_57 : f32 to vector<1000x128xf32>
      %swap3A_59 = arith.constant 0 : index
      %swap3A_60 = arith.constant 0 : index
      %swap3A_61 = vector.load %arg6[%swap3A_59, %swap3A_60] : memref<1000x128xf32, #tpu.memory_space<vmem>>, vector<1000x128xf32>
      tpu.vector_store %arg6[%swap3A_59, %swap3A_60], %broadcast_in_dim3A_58 {strides = array<i32>} : memref<1000x128xf32, #tpu.memory_space<vmem>>, vector<1000x128xf32>,
    } else {
    }
    %get3A = arith.constant 0 : index
    %get3A_2 = arith.constant 0 : index
    %get3A_3 = arith.constant 0 : index
    %get3A_4 = vector.load %arg2[%get3A, %get3A_2, %get3A_3] : memref<1x1000x512xf32, #tpu.memory_space<vmem>>, vector<1x1000x512xf32>
    %get3A_5 = vector.shape_cast %get3A_4 : vector<1x1000x512xf32> to vector<1000x512xf32>
    %get3A_6 = arith.constant 0 : index
    %get3A_7 = arith.constant 0 : index
    %get3A_8 = vector.load %arg5[%get3A_6, %get3A_7] : memref<1000x128xf32, #tpu.memory_space<vmem>>, vector<1000x128xf32>
    %get3A_9 = arith.constant 0 : index
    %get3A_10 = arith.constant 0 : index
    %get3A_11 = vector.load %arg3[%get3A_9, %get3A_10] : memref<128x512xf32, #tpu.memory_space<vmem>>, vector<128x512xf32>
    %dot_general3A = arith.constant dense<0.000000e+00> : vector<1000x512xf32>
    %dot_general3A_12 = tpu.matmul %get3A_8, %get3A_11, %dot_general3A {dimension_numbers = #tpu.dot_dimension_numbers<[1], [0], [0], [1], [0, 0, 1, 1], [], []>, transpose_lhs_hint = false} : vector<1000x128xf32>, vector<128x512xf32>, vector<1000x512xf32> -> vector<1000x512xf32>
    %add3A = arith.addf %get3A_5, %dot_general3A_12 : vector<1000x512xf32>
    %slice3A = vector.extract_strided_slice %add3A {offsets = [0, 0], sizes = [1000, 128], strides = [1, 1]} : vector<1000x512xf32> to vector<1000x128xf32>
    %logistic3A = arith.negf %slice3A : vector<1000x128xf32>
    %logistic3A_13 = math.exp %logistic3A : vector<1000x128xf32>
    %logistic3A_14 = arith.constant 1.000000e+00 : f32
    %logistic3A_15 = vector.broadcast %logistic3A_14 : f32 to vector<1000x128xf32>
    %logistic3A_16 = arith.addf %logistic3A_15, %logistic3A_13 : vector<1000x128xf32>
    %logistic3A_17 = arith.divf %logistic3A_15, %logistic3A_16 : vector<1000x128xf32>
    %slice3A_18 = vector.extract_strided_slice %add3A {offsets = [0, 128], sizes = [1000, 128], strides = [1, 1]} : vector<1000x512xf32> to vector<1000x128xf32>
    %logistic3A_19 = arith.negf %slice3A_18 : vector<1000x128xf32>
    %logistic3A_20 = math.exp %logistic3A_19 : vector<1000x128xf32>
    %logistic3A_21 = arith.constant 1.000000e+00 : f32
    %logistic3A_22 = vector.broadcast %logistic3A_21 : f32 to vector<1000x128xf32>
    %logistic3A_23 = arith.addf %logistic3A_22, %logistic3A_20 : vector<1000x128xf32>
    %logistic3A_24 = arith.divf %logistic3A_22, %logistic3A_23 : vector<1000x128xf32>
    %slice3A_25 = vector.extract_strided_slice %add3A {offsets = [0, 256], sizes = [1000, 128], strides = [1, 1]} : vector<1000x512xf32> to vector<1000x128xf32>
    %tanh3A = math.tanh %slice3A_25 : vector<1000x128xf32>
    %slice3A_26 = vector.extract_strided_slice %add3A {offsets = [0, 384], sizes = [1000, 128], strides = [1, 1]} : vector<1000x512xf32> to vector<1000x128xf32>
    %logistic3A_27 = arith.negf %slice3A_26 : vector<1000x128xf32>
    %logistic3A_28 = math.exp %logistic3A_27 : vector<1000x128xf32>
    %logistic3A_29 = arith.constant 1.000000e+00 : f32
    %logistic3A_30 = vector.broadcast %logistic3A_29 : f32 to vector<1000x128xf32>
    %logistic3A_31 = arith.addf %logistic3A_30, %logistic3A_28 : vector<1000x128xf32>
    %logistic3A_32 = arith.divf %logistic3A_30, %logistic3A_31 : vector<1000x128xf32>
    %get3A_33 = arith.constant 0 : index
    %get3A_34 = arith.constant 0 : index
    %get3A_35 = vector.load %arg6[%get3A_33, %get3A_34] : memref<1000x128xf32, #tpu.memory_space<vmem>>, vector<1000x128xf32>
    %mul3A = arith.mulf %logistic3A_24, %get3A_35 : vector<1000x128xf32>
    %mul3A_36 = arith.mulf %logistic3A_17, %tanh3A : vector<1000x128xf32>
    %add3A_37 = arith.addf %mul3A, %mul3A_36 : vector<1000x128xf32>
    %swap3A = arith.constant 0 : index
    %swap3A_38 = arith.constant 0 : index
    %swap3A_39 = vector.load %arg6[%swap3A, %swap3A_38] : memref<1000x128xf32, #tpu.memory_space<vmem>>, vector<1000x128xf32>
    tpu.vector_store %arg6[%swap3A, %swap3A_38], %add3A_37 {strides = array<i32>} : memref<1000x128xf32, #tpu.memory_space<vmem>>, vector<1000x128xf32>,
    %get3A_40 = arith.constant 0 : index
    %get3A_41 = arith.constant 0 : index
    %get3A_42 = vector.load %arg6[%get3A_40, %get3A_41] : memref<1000x128xf32, #tpu.memory_space<vmem>>, vector<1000x128xf32>
    %tanh3A_43 = math.tanh %get3A_42 : vector<1000x128xf32>
    %mul3A_44 = arith.mulf %logistic3A_32, %tanh3A_43 : vector<1000x128xf32>
    %swap3A_45 = arith.constant 0 : index
    %swap3A_46 = arith.constant 0 : index
    %swap3A_47 = vector.load %arg5[%swap3A_45, %swap3A_46] : memref<1000x128xf32, #tpu.memory_space<vmem>>, vector<1000x128xf32>
    tpu.vector_store %arg5[%swap3A_45, %swap3A_46], %mul3A_44 {strides = array<i32>} : memref<1000x128xf32, #tpu.memory_space<vmem>>, vector<1000x128xf32>,
    %eq3A_48 = arith.constant 29 : i32
    %eq3A_49 = arith.cmpi eq, %arg1, %eq3A_48 : i32
    %convert_element_type3A_50 = arith.extui %eq3A_49 : i1 to i32
    %cond3A_51 = arith.constant 0 : i32
    %cond3A_52 = arith.cmpi ne, %convert_element_type3A_50, %cond3A_51 : i32
    scf.if %cond3A_52 {
      %get3A_53 = arith.constant 0 : index
      %get3A_54 = arith.constant 0 : index
      %get3A_55 = vector.load %arg5[%get3A_53, %get3A_54] : memref<1000x128xf32, #tpu.memory_space<vmem>>, vector<1000x128xf32>
      %swap3A_56 = arith.constant 0 : index
      %swap3A_57 = arith.constant 0 : index
      %swap3A_58 = vector.load %arg4[%swap3A_56, %swap3A_57] : memref<1000x128xf32, #tpu.memory_space<vmem>>, vector<1000x128xf32>
      tpu.vector_store %arg4[%swap3A_56, %swap3A_57], %get3A_55 {strides = array<i32>} : memref<1000x128xf32, #tpu.memory_space<vmem>>, vector<1000x128xf32>,
    } else {
    }
    return
  }
  func.func @transform_0(%arg0: i32, %arg1: i32) -> (i32, i32, i32) {
    %c0_i32 = arith.constant 0 : i32
    %c0_i32_0 = arith.constant 0 : i32
    return %arg1, %arg0, %c0_i32 : i32, i32, i32
  }
  func.func @transform_1(%arg0: i32, %arg1: i32) -> (i32, i32) {
    %c0_i32 = arith.constant 0 : i32
    %c0_i32_0 = arith.constant 0 : i32
    %c0_i32_1 = arith.constant 0 : i32
    return %c0_i32, %c0_i32_0 : i32, i32
  }
  func.func @transform_2(%arg0: i32, %arg1: i32) -> (i32, i32) {
    %c0_i32 = arith.constant 0 : i32
    %c0_i32_0 = arith.constant 0 : i32
    return %arg0, %c0_i32 : i32, i32
  }
}

module attributes {stable_mosaic.version = 14 : i64} {
  func.func @_proj_body(%arg0: i32, %arg1: memref<1000x128xf32, #tpu.memory_space<vmem>>, %arg2: memref<128x128xf32, #tpu.memory_space<vmem>>, %arg3: memref<128x128xf32, #tpu.memory_space<vmem>>, %arg4: memref<128x128xf32, #tpu.memory_space<vmem>>, %arg5: memref<128x128xf32, #tpu.memory_space<vmem>>, %arg6: memref<1x128xf32, #tpu.memory_space<vmem>>, %arg7: memref<1x128xf32, #tpu.memory_space<vmem>>, %arg8: memref<1x128xf32, #tpu.memory_space<vmem>>, %arg9: memref<1x128xf32, #tpu.memory_space<vmem>>, %arg10: memref<1000x128xf32, #tpu.memory_space<vmem>>, %arg11: memref<1000x256xf32, #tpu.memory_space<vmem>>, %arg12: memref<1000x128xf32, #tpu.memory_space<vmem>>) attributes {dimension_semantics = [#tpu.dimension_semantics<parallel>], iteration_bounds = array<i64: 10>, scalar_prefetch = 0 : i64, scratch_operands = 0 : i64, tpu.core_type = #tpu.core_type<tc>, window_params = [{transform_indices = @transform_0, window_bounds = array<i64: 1000, 128>}, {pipeline_mode = #tpu.pipeline_mode<synchronous>, transform_indices = @transform_1, window_bounds = array<i64: 128, 128>}, {pipeline_mode = #tpu.pipeline_mode<synchronous>, transform_indices = @transform_2, window_bounds = array<i64: 128, 128>}, {pipeline_mode = #tpu.pipeline_mode<synchronous>, transform_indices = @transform_3, window_bounds = array<i64: 128, 128>}, {pipeline_mode = #tpu.pipeline_mode<synchronous>, transform_indices = @transform_4, window_bounds = array<i64: 128, 128>}, {pipeline_mode = #tpu.pipeline_mode<synchronous>, transform_indices = @transform_5, window_bounds = array<i64: 1, 128>}, {pipeline_mode = #tpu.pipeline_mode<synchronous>, transform_indices = @transform_6, window_bounds = array<i64: 1, 128>}, {pipeline_mode = #tpu.pipeline_mode<synchronous>, transform_indices = @transform_7, window_bounds = array<i64: 1, 128>}, {pipeline_mode = #tpu.pipeline_mode<synchronous>, transform_indices = @transform_8, window_bounds = array<i64: 1, 128>}, {transform_indices = @transform_9, window_bounds = array<i64: 1000, 128>}, {transform_indices = @transform_10, window_bounds = array<i64: 1000, 256>}, {transform_indices = @transform_11, window_bounds = array<i64: 1000, 128>}]} {
    %get3A = arith.constant 0 : index
    %get3A_0 = arith.constant 0 : index
    %get3A_1 = vector.load %arg1[%get3A, %get3A_0] : memref<1000x128xf32, #tpu.memory_space<vmem>>, vector<1000x128xf32>
    %get3A_2 = arith.constant 0 : index
    %get3A_3 = arith.constant 0 : index
    %get3A_4 = vector.load %arg2[%get3A_2, %get3A_3] : memref<128x128xf32, #tpu.memory_space<vmem>>, vector<128x128xf32>
    %dot_general3A = arith.constant dense<0.000000e+00> : vector<1000x128xf32>
    %dot_general3A_5 = tpu.matmul %get3A_1, %get3A_4, %dot_general3A {dimension_numbers = #tpu.dot_dimension_numbers<[1], [0], [0], [1], [0, 0, 1, 1], [], []>, transpose_lhs_hint = false} : vector<1000x128xf32>, vector<128x128xf32>, vector<1000x128xf32> -> vector<1000x128xf32>
    %get3A_6 = arith.constant 0 : index
    %get3A_7 = arith.constant 0 : index
    %get3A_8 = vector.load %arg6[%get3A_6, %get3A_7] : memref<1x128xf32, #tpu.memory_space<vmem>>, vector<1x128xf32>
    %add3A = vector.broadcast %get3A_8 : vector<1x128xf32> to vector<1000x128xf32>
    %add3A_9 = arith.addf %dot_general3A_5, %add3A : vector<1000x128xf32>
    %swap3A = arith.constant 0 : index
    %swap3A_10 = arith.constant 0 : index
    %swap3A_11 = vector.load %arg10[%swap3A, %swap3A_10] : memref<1000x128xf32, #tpu.memory_space<vmem>>, vector<1000x128xf32>
    tpu.vector_store %arg10[%swap3A, %swap3A_10], %add3A_9 {strides = array<i32>} : memref<1000x128xf32, #tpu.memory_space<vmem>>, vector<1000x128xf32>,
    %get3A_12 = arith.constant 0 : index
    %get3A_13 = arith.constant 0 : index
    %get3A_14 = vector.load %arg3[%get3A_12, %get3A_13] : memref<128x128xf32, #tpu.memory_space<vmem>>, vector<128x128xf32>
    %dot_general3A_15 = arith.constant dense<0.000000e+00> : vector<1000x128xf32>
    %dot_general3A_16 = tpu.matmul %get3A_1, %get3A_14, %dot_general3A_15 {dimension_numbers = #tpu.dot_dimension_numbers<[1], [0], [0], [1], [0, 0, 1, 1], [], []>, transpose_lhs_hint = false} : vector<1000x128xf32>, vector<128x128xf32>, vector<1000x128xf32> -> vector<1000x128xf32>
    %get3A_17 = arith.constant 0 : index
    %get3A_18 = arith.constant 0 : index
    %get3A_19 = vector.load %arg7[%get3A_17, %get3A_18] : memref<1x128xf32, #tpu.memory_space<vmem>>, vector<1x128xf32>
    %add3A_20 = vector.broadcast %get3A_19 : vector<1x128xf32> to vector<1000x128xf32>
    %add3A_21 = arith.addf %dot_general3A_16, %add3A_20 : vector<1000x128xf32>
    %swap3A_22 = arith.constant 0 : index
    %swap3A_23 = arith.constant 0 : index
    %swap3A_24 = vector.load %arg11[%swap3A_22, %swap3A_23] : memref<1000x256xf32, #tpu.memory_space<vmem>>, vector<1000x128xf32>
    tpu.vector_store %arg11[%swap3A_22, %swap3A_23], %add3A_21 {strides = array<i32>} : memref<1000x256xf32, #tpu.memory_space<vmem>>, vector<1000x128xf32>,
    %get3A_25 = arith.constant 0 : index
    %get3A_26 = arith.constant 0 : index
    %get3A_27 = vector.load %arg4[%get3A_25, %get3A_26] : memref<128x128xf32, #tpu.memory_space<vmem>>, vector<128x128xf32>
    %dot_general3A_28 = arith.constant dense<0.000000e+00> : vector<1000x128xf32>
    %dot_general3A_29 = tpu.matmul %get3A_1, %get3A_27, %dot_general3A_28 {dimension_numbers = #tpu.dot_dimension_numbers<[1], [0], [0], [1], [0, 0, 1, 1], [], []>, transpose_lhs_hint = false} : vector<1000x128xf32>, vector<128x128xf32>, vector<1000x128xf32> -> vector<1000x128xf32>
    %get3A_30 = arith.constant 0 : index
    %get3A_31 = arith.constant 0 : index
    %get3A_32 = vector.load %arg8[%get3A_30, %get3A_31] : memref<1x128xf32, #tpu.memory_space<vmem>>, vector<1x128xf32>
    %add3A_33 = vector.broadcast %get3A_32 : vector<1x128xf32> to vector<1000x128xf32>
    %add3A_34 = arith.addf %dot_general3A_29, %add3A_33 : vector<1000x128xf32>
    %swap3A_35 = arith.constant 0 : index
    %swap3A_36 = arith.constant 128 : index
    %swap3A_37 = vector.load %arg11[%swap3A_35, %swap3A_36] : memref<1000x256xf32, #tpu.memory_space<vmem>>, vector<1000x128xf32>
    tpu.vector_store %arg11[%swap3A_35, %swap3A_36], %add3A_34 {strides = array<i32>} : memref<1000x256xf32, #tpu.memory_space<vmem>>, vector<1000x128xf32>,
    %get3A_38 = arith.constant 0 : index
    %get3A_39 = arith.constant 0 : index
    %get3A_40 = vector.load %arg5[%get3A_38, %get3A_39] : memref<128x128xf32, #tpu.memory_space<vmem>>, vector<128x128xf32>
    %dot_general3A_41 = arith.constant dense<0.000000e+00> : vector<1000x128xf32>
    %dot_general3A_42 = tpu.matmul %get3A_1, %get3A_40, %dot_general3A_41 {dimension_numbers = #tpu.dot_dimension_numbers<[1], [0], [0], [1], [0, 0, 1, 1], [], []>, transpose_lhs_hint = false} : vector<1000x128xf32>, vector<128x128xf32>, vector<1000x128xf32> -> vector<1000x128xf32>
    %get3A_43 = arith.constant 0 : index
    %get3A_44 = arith.constant 0 : index
    %get3A_45 = vector.load %arg9[%get3A_43, %get3A_44] : memref<1x128xf32, #tpu.memory_space<vmem>>, vector<1x128xf32>
    %add3A_46 = vector.broadcast %get3A_45 : vector<1x128xf32> to vector<1000x128xf32>
    %add3A_47 = arith.addf %dot_general3A_42, %add3A_46 : vector<1000x128xf32>
    %swap3A_48 = arith.constant 0 : index
    %swap3A_49 = arith.constant 0 : index
    %swap3A_50 = vector.load %arg12[%swap3A_48, %swap3A_49] : memref<1000x128xf32, #tpu.memory_space<vmem>>, vector<1000x128xf32>
    tpu.vector_store %arg12[%swap3A_48, %swap3A_49], %add3A_47 {strides = array<i32>} : memref<1000x128xf32, #tpu.memory_space<vmem>>, vector<1000x128xf32>,
    return
  }
  func.func @transform_0(%arg0: i32) -> (i32, i32) {
    %c0_i32 = arith.constant 0 : i32
    %c0_i32_0 = arith.constant 0 : i32
    return %arg0, %c0_i32 : i32, i32
  }
  func.func @transform_1(%arg0: i32) -> (i32, i32) {
    %c0_i32 = arith.constant 0 : i32
    %c0_i32_0 = arith.constant 0 : i32
    %c0_i32_1 = arith.constant 0 : i32
    return %c0_i32, %c0_i32_0 : i32, i32
  }
  func.func @transform_2(%arg0: i32) -> (i32, i32) {
    %c0_i32 = arith.constant 0 : i32
    %c0_i32_0 = arith.constant 0 : i32
    %c0_i32_1 = arith.constant 0 : i32
    return %c0_i32, %c0_i32_0 : i32, i32
  }
  func.func @transform_3(%arg0: i32) -> (i32, i32) {
    %c0_i32 = arith.constant 0 : i32
    %c0_i32_0 = arith.constant 0 : i32
    %c0_i32_1 = arith.constant 0 : i32
    return %c0_i32, %c0_i32_0 : i32, i32
  }
  func.func @transform_4(%arg0: i32) -> (i32, i32) {
    %c0_i32 = arith.constant 0 : i32
    %c0_i32_0 = arith.constant 0 : i32
    %c0_i32_1 = arith.constant 0 : i32
    return %c0_i32, %c0_i32_0 : i32, i32
  }
  func.func @transform_5(%arg0: i32) -> (i32, i32) {
    %c0_i32 = arith.constant 0 : i32
    %c0_i32_0 = arith.constant 0 : i32
    %c0_i32_1 = arith.constant 0 : i32
    return %c0_i32, %c0_i32_0 : i32, i32
  }
  func.func @transform_6(%arg0: i32) -> (i32, i32) {
    %c0_i32 = arith.constant 0 : i32
    %c0_i32_0 = arith.constant 0 : i32
    %c0_i32_1 = arith.constant 0 : i32
    return %c0_i32, %c0_i32_0 : i32, i32
  }
  func.func @transform_7(%arg0: i32) -> (i32, i32) {
    %c0_i32 = arith.constant 0 : i32
    %c0_i32_0 = arith.constant 0 : i32
    %c0_i32_1 = arith.constant 0 : i32
    return %c0_i32, %c0_i32_0 : i32, i32
  }
  func.func @transform_8(%arg0: i32) -> (i32, i32) {
    %c0_i32 = arith.constant 0 : i32
    %c0_i32_0 = arith.constant 0 : i32
    %c0_i32_1 = arith.constant 0 : i32
    return %c0_i32, %c0_i32_0 : i32, i32
  }
  func.func @transform_9(%arg0: i32) -> (i32, i32) {
    %c0_i32 = arith.constant 0 : i32
    %c0_i32_0 = arith.constant 0 : i32
    return %arg0, %c0_i32 : i32, i32
  }
  func.func @transform_10(%arg0: i32) -> (i32, i32) {
    %c0_i32 = arith.constant 0 : i32
    %c0_i32_0 = arith.constant 0 : i32
    return %arg0, %c0_i32 : i32, i32
  }
  func.func @transform_11(%arg0: i32) -> (i32, i32) {
    %c0_i32 = arith.constant 0 : i32
    %c0_i32_0 = arith.constant 0 : i32
    return %arg0, %c0_i32 : i32, i32
  }
}

module attributes {stable_mosaic.version = 14 : i64} {
  func.func @_alpha_body(%arg0: i32, %arg1: memref<2000x128xf32, #tpu.memory_space<vmem>>, %arg2: memref<2000x128xf32, #tpu.memory_space<vmem>>, %arg3: memref<2000x8xf32, #tpu.memory_space<vmem>>, %arg4: memref<128x8xf32, #tpu.memory_space<vmem>>, %arg5: memref<2000x1xf32, #tpu.memory_space<vmem>>, %arg6: memref<1x1x1xf32, #tpu.memory_space<vmem>>) attributes {dimension_semantics = [#tpu.dimension_semantics<parallel>], iteration_bounds = array<i64: 160>, scalar_prefetch = 0 : i64, scratch_operands = 0 : i64, tpu.core_type = #tpu.core_type<tc>, window_params = [{transform_indices = @transform_0, window_bounds = array<i64: 2000, 128>}, {transform_indices = @transform_1, window_bounds = array<i64: 2000, 128>}, {transform_indices = @transform_2, window_bounds = array<i64: 2000, 8>}, {pipeline_mode = #tpu.pipeline_mode<synchronous>, transform_indices = @transform_3, window_bounds = array<i64: 128, 8>}, {transform_indices = @transform_4, window_bounds = array<i64: 2000, 1>}, {transform_indices = @transform_5, window_bounds = array<i64: 1, 1, 1>}]} {
    %get3A = arith.constant 0 : index
    %get3A_0 = arith.constant 0 : index
    %get3A_1 = vector.load %arg1[%get3A, %get3A_0] : memref<2000x128xf32, #tpu.memory_space<vmem>>, vector<2000x128xf32>
    %get3A_2 = arith.constant 0 : index
    %get3A_3 = arith.constant 0 : index
    %get3A_4 = vector.load %arg2[%get3A_2, %get3A_3] : memref<2000x128xf32, #tpu.memory_space<vmem>>, vector<2000x128xf32>
    %get3A_5 = arith.constant 0 : index
    %get3A_6 = arith.constant 0 : index
    %get3A_7 = vector.load %arg4[%get3A_5, %get3A_6] : memref<128x8xf32, #tpu.memory_space<vmem>>, vector<128x8xf32>
    %dot_general3A = arith.constant dense<0.000000e+00> : vector<2000x8xf32>
    %dot_general3A_8 = tpu.matmul %get3A_1, %get3A_7, %dot_general3A {dimension_numbers = #tpu.dot_dimension_numbers<[1], [0], [0], [1], [0, 0, 1, 1], [], []>, transpose_lhs_hint = false} : vector<2000x128xf32>, vector<128x8xf32>, vector<2000x8xf32> -> vector<2000x8xf32>
    %mul3A = arith.mulf %get3A_1, %get3A_4 : vector<2000x128xf32>
    %reduce_sum3A = arith.constant dense<0.000000e+00> : vector<2000xf32>
    %reduce_sum3A_9 = vector.multi_reduction <add>, %mul3A, %reduce_sum3A [1] : vector<2000x128xf32> to vector<2000xf32>
    %broadcast_in_dim3A = vector.shape_cast %reduce_sum3A_9 : vector<2000xf32> to vector<2000x1xf32>
    %get3A_10 = arith.constant 0 : index
    %get3A_11 = arith.constant 0 : index
    %get3A_12 = vector.load %arg3[%get3A_10, %get3A_11] : memref<2000x8xf32, #tpu.memory_space<vmem>>, vector<2000x8xf32>
    %mul3A_13 = arith.mulf %dot_general3A_8, %get3A_12 : vector<2000x8xf32>
    %reduce_sum3A_14 = arith.constant dense<0.000000e+00> : vector<2000xf32>
    %reduce_sum3A_15 = vector.multi_reduction <add>, %mul3A_13, %reduce_sum3A_14 [1] : vector<2000x8xf32> to vector<2000xf32>
    %broadcast_in_dim3A_16 = vector.shape_cast %reduce_sum3A_15 : vector<2000xf32> to vector<2000x1xf32>
    %add3A = arith.addf %broadcast_in_dim3A, %broadcast_in_dim3A_16 : vector<2000x1xf32>
    %mul3A_17 = arith.constant 0.0883883461 : f32
    %mul3A_18 = vector.broadcast %mul3A_17 : f32 to vector<2000x1xf32>
    %mul3A_19 = arith.mulf %add3A, %mul3A_18 : vector<2000x1xf32>
    %swap3A = arith.constant 0 : index
    %swap3A_20 = arith.constant 0 : index
    %swap3A_21 = vector.load %arg5[%swap3A, %swap3A_20] : memref<2000x1xf32, #tpu.memory_space<vmem>>, vector<2000x1xf32>
    tpu.vector_store %arg5[%swap3A, %swap3A_20], %mul3A_19 {strides = array<i32>} : memref<2000x1xf32, #tpu.memory_space<vmem>>, vector<2000x1xf32>,
    %reduce_max3A = vector.shape_cast %mul3A_19 : vector<2000x1xf32> to vector<1x2000x1xf32>
    %reduce_max3A_22 = arith.constant dense<0xFF800000> : vector<1xf32>
    %reduce_max3A_23 = vector.multi_reduction <maximumf>, %reduce_max3A, %reduce_max3A_22 [1, 2] : vector<1x2000x1xf32> to vector<1xf32>
    %reduce_max3A_24 = vector.shape_cast %reduce_max3A_23 : vector<1xf32> to vector<1x1x1xf32>
    %reduce_max3A_25 = vector.extract %reduce_max3A_24[0, 0, 0] : f32 from vector<1x1x1xf32>
    %reshape3A = vector.broadcast %reduce_max3A_25 : f32 to vector<1x1x1xf32>
    %swap3A_26 = arith.constant 0 : index
    %swap3A_27 = arith.constant 0 : index
    %swap3A_28 = arith.constant 0 : index
    %swap3A_29 = vector.load %arg6[%swap3A_26, %swap3A_27, %swap3A_28] : memref<1x1x1xf32, #tpu.memory_space<vmem>>, vector<1x1x1xf32>
    tpu.vector_store %arg6[%swap3A_26, %swap3A_27, %swap3A_28], %reshape3A {strides = array<i32>} : memref<1x1x1xf32, #tpu.memory_space<vmem>>, vector<1x1x1xf32>,
    return
  }
  func.func @transform_0(%arg0: i32) -> (i32, i32) {
    %c0_i32 = arith.constant 0 : i32
    %c0_i32_0 = arith.constant 0 : i32
    return %arg0, %c0_i32 : i32, i32
  }
  func.func @transform_1(%arg0: i32) -> (i32, i32) {
    %c0_i32 = arith.constant 0 : i32
    %c0_i32_0 = arith.constant 0 : i32
    return %arg0, %c0_i32 : i32, i32
  }
  func.func @transform_2(%arg0: i32) -> (i32, i32) {
    %c0_i32 = arith.constant 0 : i32
    %c0_i32_0 = arith.constant 0 : i32
    return %arg0, %c0_i32 : i32, i32
  }
  func.func @transform_3(%arg0: i32) -> (i32, i32) {
    %c0_i32 = arith.constant 0 : i32
    %c0_i32_0 = arith.constant 0 : i32
    %c0_i32_1 = arith.constant 0 : i32
    return %c0_i32, %c0_i32_0 : i32, i32
  }
  func.func @transform_4(%arg0: i32) -> (i32, i32) {
    %c0_i32 = arith.constant 0 : i32
    %c0_i32_0 = arith.constant 0 : i32
    return %arg0, %c0_i32 : i32, i32
  }
  func.func @transform_5(%arg0: i32) -> (i32, i32, i32) {
    %c0_i32 = arith.constant 0 : i32
    %c0_i32_0 = arith.constant 0 : i32
    %c0_i32_1 = arith.constant 0 : i32
    return %arg0, %c0_i32, %c0_i32_0 : i32, i32, i32
  }
}

module attributes {stable_mosaic.version = 14 : i64} {
  func.func @_payload_body(%arg0: i32, %arg1: memref<2000x1xf32, #tpu.memory_space<vmem>>, %arg2: memref<160x1x1xf32, #tpu.memory_space<vmem>>, %arg3: memref<2000x128xf32, #tpu.memory_space<vmem>>, %arg4: memref<2000x8xf32, #tpu.memory_space<vmem>>, %arg5: memref<8x128xf32, #tpu.memory_space<vmem>>, %arg6: memref<2000x128xf32, #tpu.memory_space<vmem>>, %arg7: memref<2000x1xf32, #tpu.memory_space<vmem>>) attributes {dimension_semantics = [#tpu.dimension_semantics<parallel>], iteration_bounds = array<i64: 160>, scalar_prefetch = 0 : i64, scratch_operands = 0 : i64, tpu.core_type = #tpu.core_type<tc>, window_params = [{transform_indices = @transform_0, window_bounds = array<i64: 2000, 1>}, {pipeline_mode = #tpu.pipeline_mode<synchronous>, transform_indices = @transform_1, window_bounds = array<i64: 160, 1, 1>}, {transform_indices = @transform_2, window_bounds = array<i64: 2000, 128>}, {transform_indices = @transform_3, window_bounds = array<i64: 2000, 8>}, {pipeline_mode = #tpu.pipeline_mode<synchronous>, transform_indices = @transform_4, window_bounds = array<i64: 8, 128>}, {transform_indices = @transform_5, window_bounds = array<i64: 2000, 128>}, {transform_indices = @transform_6, window_bounds = array<i64: 2000, 1>}]} {
    %get3A = arith.constant 0 : index
    %get3A_0 = arith.constant 0 : index
    %get3A_1 = arith.constant 0 : index
    %get3A_2 = vector.load %arg2[%get3A, %get3A_0, %get3A_1] : memref<160x1x1xf32, #tpu.memory_space<vmem>>, vector<160x1x1xf32>
    %reduce_max3A = vector.shape_cast %get3A_2 : vector<160x1x1xf32> to vector<1x160x1x1xf32>
    %reduce_max3A_3 = arith.constant dense<0xFF800000> : vector<1xf32>
    %reduce_max3A_4 = vector.multi_reduction <maximumf>, %reduce_max3A, %reduce_max3A_3 [1, 2, 3] : vector<1x160x1x1xf32> to vector<1xf32>
    %reduce_max3A_5 = vector.shape_cast %reduce_max3A_4 : vector<1xf32> to vector<1x1x1x1xf32>
    %reduce_max3A_6 = vector.extract %reduce_max3A_5[0, 0, 0, 0] : f32 from vector<1x1x1x1xf32>
    %get3A_7 = arith.constant 0 : index
    %get3A_8 = arith.constant 0 : index
    %get3A_9 = vector.load %arg1[%get3A_7, %get3A_8] : memref<2000x1xf32, #tpu.memory_space<vmem>>, vector<2000x1xf32>
    %sub3A = vector.broadcast %reduce_max3A_6 : f32 to vector<2000x1xf32>
    %sub3A_10 = arith.subf %get3A_9, %sub3A : vector<2000x1xf32>
    %exp3A = math.exp %sub3A_10 : vector<2000x1xf32>
    %get3A_11 = arith.constant 0 : index
    %get3A_12 = arith.constant 0 : index
    %get3A_13 = vector.load %arg3[%get3A_11, %get3A_12] : memref<2000x128xf32, #tpu.memory_space<vmem>>, vector<2000x128xf32>
    %get3A_14 = arith.constant 0 : index
    %get3A_15 = arith.constant 0 : index
    %get3A_16 = vector.load %arg4[%get3A_14, %get3A_15] : memref<2000x8xf32, #tpu.memory_space<vmem>>, vector<2000x8xf32>
    %get3A_17 = arith.constant 0 : index
    %get3A_18 = arith.constant 0 : index
    %get3A_19 = vector.load %arg5[%get3A_17, %get3A_18] : memref<8x128xf32, #tpu.memory_space<vmem>>, vector<8x128xf32>
    %dot_general3A = arith.constant dense<0.000000e+00> : vector<2000x128xf32>
    %dot_general3A_20 = tpu.matmul %get3A_16, %get3A_19, %dot_general3A {dimension_numbers = #tpu.dot_dimension_numbers<[1], [0], [0], [1], [0, 0, 1, 1], [], []>, transpose_lhs_hint = false} : vector<2000x8xf32>, vector<8x128xf32>, vector<2000x128xf32> -> vector<2000x128xf32>
    %add3A = arith.addf %get3A_13, %dot_general3A_20 : vector<2000x128xf32>
    %mul3A = vector.broadcast %exp3A : vector<2000x1xf32> to vector<2000x128xf32>
    %mul3A_21 = arith.mulf %add3A, %mul3A : vector<2000x128xf32>
    %swap3A = arith.constant 0 : index
    %swap3A_22 = arith.constant 0 : index
    %swap3A_23 = vector.load %arg6[%swap3A, %swap3A_22] : memref<2000x128xf32, #tpu.memory_space<vmem>>, vector<2000x128xf32>
    tpu.vector_store %arg6[%swap3A, %swap3A_22], %mul3A_21 {strides = array<i32>} : memref<2000x128xf32, #tpu.memory_space<vmem>>, vector<2000x128xf32>,
    %swap3A_24 = arith.constant 0 : index
    %swap3A_25 = arith.constant 0 : index
    %swap3A_26 = vector.load %arg7[%swap3A_24, %swap3A_25] : memref<2000x1xf32, #tpu.memory_space<vmem>>, vector<2000x1xf32>
    tpu.vector_store %arg7[%swap3A_24, %swap3A_25], %exp3A {strides = array<i32>} : memref<2000x1xf32, #tpu.memory_space<vmem>>, vector<2000x1xf32>,
    return
  }
  func.func @transform_0(%arg0: i32) -> (i32, i32) {
    %c0_i32 = arith.constant 0 : i32
    %c0_i32_0 = arith.constant 0 : i32
    return %arg0, %c0_i32 : i32, i32
  }
  func.func @transform_1(%arg0: i32) -> (i32, i32, i32) {
    %c0_i32 = arith.constant 0 : i32
    %c0_i32_0 = arith.constant 0 : i32
    %c0_i32_1 = arith.constant 0 : i32
    %c0_i32_2 = arith.constant 0 : i32
    return %c0_i32, %c0_i32_0, %c0_i32_1 : i32, i32, i32
  }
  func.func @transform_2(%arg0: i32) -> (i32, i32) {
    %c1_i32 = arith.constant 1 : i32
    %c0_i32 = arith.constant 0 : i32
    return %arg0, %c1_i32 : i32, i32
  }
  func.func @transform_3(%arg0: i32) -> (i32, i32) {
    %c0_i32 = arith.constant 0 : i32
    %c0_i32_0 = arith.constant 0 : i32
    return %arg0, %c0_i32 : i32, i32
  }
  func.func @transform_4(%arg0: i32) -> (i32, i32) {
    %c0_i32 = arith.constant 0 : i32
    %c0_i32_0 = arith.constant 0 : i32
    %c0_i32_1 = arith.constant 0 : i32
    return %c0_i32, %c0_i32_0 : i32, i32
  }
  func.func @transform_5(%arg0: i32) -> (i32, i32) {
    %c0_i32 = arith.constant 0 : i32
    %c0_i32_0 = arith.constant 0 : i32
    return %arg0, %c0_i32 : i32, i32
  }
  func.func @transform_6(%arg0: i32) -> (i32, i32) {
    %c0_i32 = arith.constant 0 : i32
    %c0_i32_0 = arith.constant 0 : i32
    return %arg0, %c0_i32 : i32, i32
  }
}

module attributes {stable_mosaic.version = 14 : i64} {
  func.func @_combine_body(%arg0: i32, %arg1: memref<1x1000x128xf32, #tpu.memory_space<vmem>>, %arg2: memref<1x1000x128xf32, #tpu.memory_space<vmem>>, %arg3: memref<1x32x1000xf32, #tpu.memory_space<vmem>>, %arg4: memref<1000x128xf32, #tpu.memory_space<vmem>>, %arg5: memref<1000x128xf32, #tpu.memory_space<vmem>>, %arg6: memref<1x128xf32, #tpu.memory_space<vmem>>, %arg7: memref<1x128xf32, #tpu.memory_space<vmem>>, %arg8: memref<1000x128xf32, #tpu.memory_space<vmem>>) attributes {dimension_semantics = [#tpu.dimension_semantics<parallel>], iteration_bounds = array<i64: 10>, scalar_prefetch = 0 : i64, scratch_operands = 0 : i64, tpu.core_type = #tpu.core_type<tc>, window_params = [{transform_indices = @transform_0, window_bounds = array<i64: 1, 1000, 128>}, {transform_indices = @transform_1, window_bounds = array<i64: 1, 1000, 128>}, {transform_indices = @transform_2, window_bounds = array<i64: 1, 32, 1000>}, {transform_indices = @transform_3, window_bounds = array<i64: 1000, 128>}, {transform_indices = @transform_4, window_bounds = array<i64: 1000, 128>}, {pipeline_mode = #tpu.pipeline_mode<synchronous>, transform_indices = @transform_5, window_bounds = array<i64: 1, 128>}, {pipeline_mode = #tpu.pipeline_mode<synchronous>, transform_indices = @transform_6, window_bounds = array<i64: 1, 128>}, {transform_indices = @transform_7, window_bounds = array<i64: 1000, 128>}]} {
    %get3A = arith.constant 0 : index
    %get3A_0 = arith.constant 0 : index
    %get3A_1 = arith.constant 0 : index
    %get3A_2 = vector.load %arg1[%get3A, %get3A_0, %get3A_1] : memref<1x1000x128xf32, #tpu.memory_space<vmem>>, vector<1x1000x128xf32>
    %get3A_3 = vector.shape_cast %get3A_2 : vector<1x1000x128xf32> to vector<1000x128xf32>
    %get3A_4 = arith.constant 0 : index
    %get3A_5 = arith.constant 0 : index
    %get3A_6 = arith.constant 0 : index
    %get3A_7 = vector.load %arg2[%get3A_4, %get3A_5, %get3A_6] : memref<1x1000x128xf32, #tpu.memory_space<vmem>>, vector<1x1000x128xf32>
    %get3A_8 = vector.shape_cast %get3A_7 : vector<1x1000x128xf32> to vector<1000x128xf32>
    %add3A = arith.addf %get3A_3, %get3A_8 : vector<1000x128xf32>
    %broadcast_in_dim3A = arith.constant 1.000000e+00 : f32
    %broadcast_in_dim3A_9 = vector.broadcast %broadcast_in_dim3A : f32 to vector<32x1xf32>
    %get3A_10 = arith.constant 0 : index
    %get3A_11 = arith.constant 0 : index
    %get3A_12 = arith.constant 0 : index
    %get3A_13 = vector.load %arg3[%get3A_10, %get3A_11, %get3A_12] : memref<1x32x1000xf32, #tpu.memory_space<vmem>>, vector<1x32x1000xf32>
    %get3A_14 = vector.shape_cast %get3A_13 : vector<1x32x1000xf32> to vector<32x1000xf32>
    %dot_general3A = arith.constant dense<0.000000e+00> : vector<1000x1xf32>
    %dot_general3A_15 = tpu.matmul %get3A_14, %broadcast_in_dim3A_9, %dot_general3A {dimension_numbers = #tpu.dot_dimension_numbers<[0], [0], [1], [1], [0, 1, 1, 1], [], []>, transpose_lhs_hint = false} : vector<32x1000xf32>, vector<32x1xf32>, vector<1000x1xf32> -> vector<1000x1xf32>
    %add3A_16 = arith.constant 1.000000e-16 : f32
    %add3A_17 = vector.broadcast %add3A_16 : f32 to vector<1000x1xf32>
    %add3A_18 = arith.addf %dot_general3A_15, %add3A_17 : vector<1000x1xf32>
    %div3A = vector.broadcast %add3A_18 : vector<1000x1xf32> to vector<1000x128xf32>
    %div3A_19 = arith.divf %add3A, %div3A : vector<1000x128xf32>
    %get3A_20 = arith.constant 0 : index
    %get3A_21 = arith.constant 0 : index
    %get3A_22 = vector.load %arg5[%get3A_20, %get3A_21] : memref<1000x128xf32, #tpu.memory_space<vmem>>, vector<1000x128xf32>
    %add3A_23 = arith.addf %get3A_22, %div3A_19 : vector<1000x128xf32>
    %get3A_24 = arith.constant 0 : index
    %get3A_25 = arith.constant 0 : index
    %get3A_26 = vector.load %arg4[%get3A_24, %get3A_25] : memref<1000x128xf32, #tpu.memory_space<vmem>>, vector<1000x128xf32>
    %add3A_27 = arith.addf %add3A_23, %get3A_26 : vector<1000x128xf32>
    %reduce_sum3A = arith.constant dense<0.000000e+00> : vector<1000xf32>
    %reduce_sum3A_28 = vector.multi_reduction <add>, %add3A_27, %reduce_sum3A [1] : vector<1000x128xf32> to vector<1000xf32>
    %broadcast_in_dim3A_29 = vector.shape_cast %reduce_sum3A_28 : vector<1000xf32> to vector<1000x1xf32>
    %div3A_30 = arith.constant 1.280000e+02 : f32
    %div3A_31 = vector.broadcast %div3A_30 : f32 to vector<1000x1xf32>
    %div3A_32 = arith.divf %broadcast_in_dim3A_29, %div3A_31 : vector<1000x1xf32>
    %sub3A = vector.broadcast %div3A_32 : vector<1000x1xf32> to vector<1000x128xf32>
    %sub3A_33 = arith.subf %add3A_27, %sub3A : vector<1000x128xf32>
    %integer_pow3A = arith.mulf %sub3A_33, %sub3A_33 : vector<1000x128xf32>
    %reduce_sum3A_34 = arith.constant dense<0.000000e+00> : vector<1000xf32>
    %reduce_sum3A_35 = vector.multi_reduction <add>, %integer_pow3A, %reduce_sum3A_34 [1] : vector<1000x128xf32> to vector<1000xf32>
    %broadcast_in_dim3A_36 = vector.shape_cast %reduce_sum3A_35 : vector<1000xf32> to vector<1000x1xf32>
    %div3A_37 = arith.constant 1.280000e+02 : f32
    %div3A_38 = vector.broadcast %div3A_37 : f32 to vector<1000x1xf32>
    %div3A_39 = arith.divf %broadcast_in_dim3A_36, %div3A_38 : vector<1000x1xf32>
    %sub3A_40 = vector.broadcast %div3A_32 : vector<1000x1xf32> to vector<1000x128xf32>
    %sub3A_41 = arith.subf %add3A_27, %sub3A_40 : vector<1000x128xf32>
    %add3A_42 = arith.constant 9.99999974E-6 : f32
    %add3A_43 = vector.broadcast %add3A_42 : f32 to vector<1000x1xf32>
    %add3A_44 = arith.addf %div3A_39, %add3A_43 : vector<1000x1xf32>
    %sqrt3A = math.sqrt %add3A_44 : vector<1000x1xf32>
    %div3A_45 = vector.broadcast %sqrt3A : vector<1000x1xf32> to vector<1000x128xf32>
    %div3A_46 = arith.divf %sub3A_41, %div3A_45 : vector<1000x128xf32>
    %get3A_47 = arith.constant 0 : index
    %get3A_48 = arith.constant 0 : index
    %get3A_49 = vector.load %arg6[%get3A_47, %get3A_48] : memref<1x128xf32, #tpu.memory_space<vmem>>, vector<1x128xf32>
    %mul3A = vector.broadcast %get3A_49 : vector<1x128xf32> to vector<1000x128xf32>
    %mul3A_50 = arith.mulf %div3A_46, %mul3A : vector<1000x128xf32>
    %get3A_51 = arith.constant 0 : index
    %get3A_52 = arith.constant 0 : index
    %get3A_53 = vector.load %arg7[%get3A_51, %get3A_52] : memref<1x128xf32, #tpu.memory_space<vmem>>, vector<1x128xf32>
    %add3A_54 = vector.broadcast %get3A_53 : vector<1x128xf32> to vector<1000x128xf32>
    %add3A_55 = arith.addf %mul3A_50, %add3A_54 : vector<1000x128xf32>
    %swap3A = arith.constant 0 : index
    %swap3A_56 = arith.constant 0 : index
    %swap3A_57 = vector.load %arg8[%swap3A, %swap3A_56] : memref<1000x128xf32, #tpu.memory_space<vmem>>, vector<1000x128xf32>
    tpu.vector_store %arg8[%swap3A, %swap3A_56], %add3A_55 {strides = array<i32>} : memref<1000x128xf32, #tpu.memory_space<vmem>>, vector<1000x128xf32>,
    return
  }
  func.func @transform_0(%arg0: i32) -> (i32, i32, i32) {
    %c0_i32 = arith.constant 0 : i32
    %c0_i32_0 = arith.constant 0 : i32
    %c0_i32_1 = arith.constant 0 : i32
    return %c0_i32, %arg0, %c0_i32_0 : i32, i32, i32
  }
  func.func @transform_1(%arg0: i32) -> (i32, i32, i32) {
    %c1_i32 = arith.constant 1 : i32
    %c0_i32 = arith.constant 0 : i32
    %c0_i32_0 = arith.constant 0 : i32
    return %c1_i32, %arg0, %c0_i32 : i32, i32, i32
  }
  func.func @transform_2(%arg0: i32) -> (i32, i32, i32) {
    %c0_i32 = arith.constant 0 : i32
    %c0_i32_0 = arith.constant 0 : i32
    %c0_i32_1 = arith.constant 0 : i32
    return %arg0, %c0_i32, %c0_i32_0 : i32, i32, i32
  }
  func.func @transform_3(%arg0: i32) -> (i32, i32) {
    %c0_i32 = arith.constant 0 : i32
    %c0_i32_0 = arith.constant 0 : i32
    return %arg0, %c0_i32 : i32, i32
  }
  func.func @transform_4(%arg0: i32) -> (i32, i32) {
    %c0_i32 = arith.constant 0 : i32
    %c0_i32_0 = arith.constant 0 : i32
    return %arg0, %c0_i32 : i32, i32
  }
  func.func @transform_5(%arg0: i32) -> (i32, i32) {
    %c0_i32 = arith.constant 0 : i32
    %c0_i32_0 = arith.constant 0 : i32
    %c0_i32_1 = arith.constant 0 : i32
    return %c0_i32, %c0_i32_0 : i32, i32
  }
  func.func @transform_6(%arg0: i32) -> (i32, i32) {
    %c0_i32 = arith.constant 0 : i32
    %c0_i32_0 = arith.constant 0 : i32
    %c0_i32_1 = arith.constant 0 : i32
    return %c0_i32, %c0_i32_0 : i32, i32
  }
  func.func @transform_7(%arg0: i32) -> (i32, i32) {
    %c0_i32 = arith.constant 0 : i32
    %c0_i32_0 = arith.constant 0 : i32
    return %arg0, %c0_i32 : i32, i32
  }
}

module attributes {stable_mosaic.version = 14 : i64} {
  func.func @_head_body(%arg0: memref<10000x128xf32, #tpu.memory_space<vmem>>, %arg1: memref<128x64xf32, #tpu.memory_space<vmem>>, %arg2: memref<1x64xf32, #tpu.memory_space<vmem>>, %arg3: memref<64x8xf32, #tpu.memory_space<vmem>>, %arg4: memref<1x1xf32, #tpu.memory_space<vmem>>, %arg5: memref<10000x8xf32, #tpu.memory_space<vmem>>) attributes {dimension_semantics = [], scalar_prefetch = 0 : i64, scratch_operands = 0 : i64, tpu.core_type = #tpu.core_type<tc>} {
    %get3A = arith.constant 0 : index
    %get3A_0 = arith.constant 0 : index
    %get3A_1 = vector.load %arg0[%get3A, %get3A_0] : memref<10000x128xf32, #tpu.memory_space<vmem>>, vector<10000x128xf32>
    %get3A_2 = arith.constant 0 : index
    %get3A_3 = arith.constant 0 : index
    %get3A_4 = vector.load %arg1[%get3A_2, %get3A_3] : memref<128x64xf32, #tpu.memory_space<vmem>>, vector<128x64xf32>
    %dot_general3A = arith.constant dense<0.000000e+00> : vector<10000x64xf32>
    %dot_general3A_5 = tpu.matmul %get3A_1, %get3A_4, %dot_general3A {dimension_numbers = #tpu.dot_dimension_numbers<[1], [0], [0], [1], [0, 0, 1, 1], [], []>, transpose_lhs_hint = false} : vector<10000x128xf32>, vector<128x64xf32>, vector<10000x64xf32> -> vector<10000x64xf32>
    %get3A_6 = arith.constant 0 : index
    %get3A_7 = arith.constant 0 : index
    %get3A_8 = vector.load %arg2[%get3A_6, %get3A_7] : memref<1x64xf32, #tpu.memory_space<vmem>>, vector<1x64xf32>
    %add3A = vector.broadcast %get3A_8 : vector<1x64xf32> to vector<10000x64xf32>
    %add3A_9 = arith.addf %dot_general3A_5, %add3A : vector<10000x64xf32>
    %max3A = arith.constant 0.000000e+00 : f32
    %max3A_10 = vector.broadcast %max3A : f32 to vector<10000x64xf32>
    %max3A_11 = arith.maximumf %add3A_9, %max3A_10 : vector<10000x64xf32>
    %get3A_12 = arith.constant 0 : index
    %get3A_13 = arith.constant 0 : index
    %get3A_14 = vector.load %arg3[%get3A_12, %get3A_13] : memref<64x8xf32, #tpu.memory_space<vmem>>, vector<64x8xf32>
    %dot_general3A_15 = arith.constant dense<0.000000e+00> : vector<10000x8xf32>
    %dot_general3A_16 = tpu.matmul %max3A_11, %get3A_14, %dot_general3A_15 {dimension_numbers = #tpu.dot_dimension_numbers<[1], [0], [0], [1], [0, 0, 1, 1], [], []>, transpose_lhs_hint = false} : vector<10000x64xf32>, vector<64x8xf32>, vector<10000x8xf32> -> vector<10000x8xf32>
    %get3A_17 = arith.constant 0 : index
    %get3A_18 = arith.constant 0 : index
    %get3A_19 = vector.load %arg4[%get3A_17, %get3A_18] : memref<1x1xf32, #tpu.memory_space<vmem>>, vector<1x1xf32>
    %get3A_20 = vector.extract %get3A_19[0, 0] : f32 from vector<1x1xf32>
    %add3A_21 = vector.broadcast %get3A_20 : f32 to vector<10000x8xf32>
    %add3A_22 = arith.addf %dot_general3A_16, %add3A_21 : vector<10000x8xf32>
    %slice3A = vector.extract_strided_slice %add3A_22 {offsets = [0, 0], sizes = [10000, 1], strides = [1, 1]} : vector<10000x8xf32> to vector<10000x1xf32>
    %abs3A = math.absf %slice3A : vector<10000x1xf32>
    %reduce_sum3A = vector.shape_cast %abs3A : vector<10000x1xf32> to vector<1x10000x1xf32>
    %reduce_sum3A_23 = arith.constant dense<0.000000e+00> : vector<1xf32>
    %reduce_sum3A_24 = vector.multi_reduction <add>, %reduce_sum3A, %reduce_sum3A_23 [1, 2] : vector<1x10000x1xf32> to vector<1xf32>
    %reduce_sum3A_25 = vector.shape_cast %reduce_sum3A_24 : vector<1xf32> to vector<1x1x1xf32>
    %reduce_sum3A_26 = vector.extract %reduce_sum3A_25[0, 0, 0] : f32 from vector<1x1x1xf32>
    %div3A = vector.broadcast %reduce_sum3A_26 : f32 to vector<10000x8xf32>
    %div3A_27 = arith.divf %add3A_22, %div3A : vector<10000x8xf32>
    %swap3A = arith.constant 0 : index
    %swap3A_28 = arith.constant 0 : index
    %swap3A_29 = vector.load %arg5[%swap3A, %swap3A_28] : memref<10000x8xf32, #tpu.memory_space<vmem>>, vector<10000x8xf32>
    tpu.vector_store %arg5[%swap3A, %swap3A_28], %div3A_27 {strides = array<i32>} : memref<10000x8xf32, #tpu.memory_space<vmem>>, vector<10000x8xf32>,
    return
  }
}

</mosaic_0001>

<sc_bundles>
// kernel: kernel.17.cloned.1.call-start
scs
__scs_entry_jumppad:
0x0: {  	(pc) =	sbr.rel $0x88, $3  }
0x1: {  	(tag) =	ssettag $0x0;
	lr =	simm.s32 $0x1  }
0x2: {  	[smem:$0x3F7E] =	sst lr;
	_ =	strace $0xD0000000  }
0x3: {  	_ = 	snop  }
0x4: {  	_ = 	snop  }
0x5: {  	_ = 	snop  }
0x6: {  	_ = 	snop  }
0x7: {  	_ = 	snop  }
__scs_overlays_trampoline_lowered:
0x8: {  	[smem:$0x3F8D] =	sst s0  }
0x9: {  	[smem:$0x3F8E] =	sst s1  }
0xa: {  	[smem:$0x3F8F] =	sst s2  }
0xb: {  	[smem:$0x3F90] =	sst s3  }
0xc: {  	[smem:$0x3F91] =	sst s4  }
0xd: {  	[smem:$0x3F92] =	sst s5  }
0xe: {  	[smem:$0x3F93] =	sst s6  }
0xf: {  	[smem:$0x3F94] =	sst s7  }
0x10: {  	[smem:$0x3F95] =	sst s8  }
0x11: {  	[smem:$0x3F96] =	sst s9;
	s0 =	simm.s32 @!p0 $0x0  }
0x12: {  	s1 =	sld [smem:$0x3F7C];
	s0 =	simm.s32 @p0 $0x1  }
0x13: {  	[smem:$0x3F97] =	sst s0;
	s0 =	simm.s32 @!p1 $0x0  }
0x14: {  	s2 =	sld [smem:$0x3F7B];
	s0 =	simm.s32 @p1 $0x1  }
0x15: {  	[smem:$0x3F98] =	sst s0;
	s0 =	simm.s32 @!p2 $0x0  }
0x16: {  	s3 =	sld [smem:$0x3FDB];
	s0 =	simm.s32 @p2 $0x1  }
0x17: {  	s4 =	simm.s32 $0x1BF5;
	[smem:$0x3F9A] =	sst s0  }
0x18: {  	s0 =	sld [smem:$0x3F7D];
	_ =	swait.ge [sflag:s4], $0x0  }
0x19: {  	s7 =	sld [smem:$0x3F7E]  }
0x1a: {  	s8 =	sadd.s32 $0xFFFFE003, lr  }
0x1b: {  	s9 =	sadd.s32 $0xFFFFFEF7, lr;
	s5 =	simm.s32 $0xFFFFFFFF;
	p2 =	slt.u32 s8, $0xFFFFF086  }
0x1c: {  	p1 =	slt.u32 s9, $0xF7A;
	s5 =	simm.s32 @!p2 $0x0  }
0x1d: {  	s5 =	simm.s32 @p1 $0x1;
	p0 =	seq.s32 s7, s2  }
0x1e: {  	s7 =	smul.u32 @!p0 $0xF7A, s2;
	p2 =	seq.s32 @!p0 s5, $0x0  }
0x1f: {  	s9 =	smul.u32 $0xF7A, s1;
	s8 =	simm.s32 @!p0 $0x1BF5;
	p2 =	por !p2, p0  }
0x20: {  	[sflag:s8] =	ssyncset.s32 @!p0 $0xFFFFF086;
	s6 =	sadd.s32 @!p0 s3, s7;
	s7 =	simm.s32 @!p0 $0x108  }
0x21: {  	s3 =	sadd.s32 s3, s9;
	s6 =	sadd.s32 @!p0 $0x88, s6;
	s7 =	simm.s32 @p2 $0x1082  }
0x22: {  	[simem:s7], [sflag:s8] =	dma.local @!p0 [hbm:s6], $0xF7A  }
0x23: {  	s9 =	sor.u32 $0xD0000000, s2;
	s6 =	simm.s32 $0x108;
	_ =	swait.ge @!p0 [sflag:s8], $0x0  }
0x24: {  	s3 =	sadd.s32 $0x88, s3;
	s6 =	simm.s32 @!p1 $0x1082;
	[sflag:s4] =	ssyncset.s32 $0xFFFFF086  }
0x25: {  	[simem:s6], [sflag:s4] =	dma.local [hbm:s3], $0xF7A  }
0x26: {  	[smem:$0x3F7E] =	sst s1;
	(tag) =	ssettag s2;
	_ =	strace s9  }
0x27: {  	s1 =	sld [smem:$0x3F8E]  }
0x28: {  	s2 =	sld [smem:$0x3F8F]  }
0x29: {  	s4 =	sld [smem:$0x3F91]  }
0x2a: {  	p0 =	seq.s32 s5, $0x0;
	s5 =	sld [smem:$0x3F92]  }
0x2b: {  	s6 =	sld [smem:$0x3F93]  }
0x2c: {  	s7 =	sld [smem:$0x3F94]  }
0x2d: {  	s3 =	simm.s32 $0x108;
	s8 =	sld [smem:$0x3F95]  }
0x2e: {  	s3 =	simm.s32 @!p0 $0x1082;
	s9 =	sld [smem:$0x3F96]  }
0x2f: {  	lr =	sadd.s32 s0, s3;
	s0 =	sld [smem:$0x3F8D]  }
0x30: {  	s3 =	sld [smem:$0x3F90]  }
0x31: {  	[smem:$0x3F99] =	sst s10  }
0x32: {  	s10 =	sld [smem:$0x3F97];
	_ =	sdelay $0x3  }
0x33: {  	p0 =	seq.s32 s10, $0x1;
	s10 =	sld [smem:$0x3F99];
	_ =	sdelay $0x3  }
0x34: {  	[smem:$0x3F99] =	sst s10  }
0x35: {  	s10 =	sld [smem:$0x3F98];
	_ =	sdelay $0x3  }
0x36: {  	p1 =	seq.s32 s10, $0x1;
	s10 =	sld [smem:$0x3F99];
	_ =	sdelay $0x3  }
0x37: {  	[smem:$0x3F99] =	sst s10  }
0x38: {  	s10 =	sld [smem:$0x3F9A]  }
0x39: {  	_ = 	snop;
	(pc) =	sbr.ind lr, $3  }
0x3a: {  	_ = 	snop  }
0x3b: {  	_ = 	snop  }
0x3c: {  	p2 =	seq.s32 s10, $0x1;
	s10 =	sld [smem:$0x3F99]  }
0x3d: {  	_ =	shalt  }
0x3e: {  	_ =	shalt  }
0x3f: {  	_ =	shalt  }
0x40: {  	_ =	shalt  }
0x41: {  	_ =	shalt  }
0x42: {  	_ =	shalt  }
0x43: {  	_ =	shalt  }
0x44: {  	_ =	shalt  }
0x45: {  	_ =	shalt  }
0x46: {  	_ =	shalt  }
0x47: {  	_ =	shalt  }
0x48: {  	_ =	shalt  }
0x49: {  	_ =	shalt  }
0x4a: {  	_ =	shalt  }
0x4b: {  	_ =	shalt  }
0x4c: {  	_ =	shalt  }
0x4d: {  	_ =	shalt  }
0x4e: {  	_ =	shalt  }
0x4f: {  	_ =	shalt  }
0x50: {  	_ =	shalt  }
0x51: {  	_ =	shalt  }
0x52: {  	_ =	shalt  }
0x53: {  	_ =	shalt  }
0x54: {  	_ =	shalt  }
0x55: {  	_ =	shalt  }
0x56: {  	_ =	shalt  }
0x57: {  	_ =	shalt  }
0x58: {  	_ =	shalt  }
0x59: {  	_ =	shalt  }
0x5a: {  	_ =	shalt  }
0x5b: {  	_ =	shalt  }
0x5c: {  	_ =	shalt  }
0x5d: {  	_ =	shalt  }
0x5e: {  	_ =	shalt  }
0x5f: {  	_ =	shalt  }
0x60: {  	_ =	shalt  }
0x61: {  	_ =	shalt  }
0x62: {  	_ =	shalt  }
0x63: {  	_ =	shalt  }
0x64: {  	_ =	shalt  }
0x65: {  	_ =	shalt  }
0x66: {  	_ =	shalt  }
0x67: {  	_ =	shalt  }
0x68: {  	_ =	shalt  }
0x69: {  	_ =	shalt  }
0x6a: {  	_ =	shalt  }
0x6b: {  	_ =	shalt  }
0x6c: {  	_ =	shalt  }
0x6d: {  	_ =	shalt  }
0x6e: {  	_ =	shalt  }
0x6f: {  	_ =	shalt  }
0x70: {  	_ =	shalt  }
0x71: {  	_ =	shalt  }
0x72: {  	_ =	shalt  }
0x73: {  	_ =	shalt  }
0x74: {  	_ =	shalt  }
0x75: {  	_ =	shalt  }
0x76: {  	_ =	shalt  }
0x77: {  	_ =	shalt  }
0x78: {  	_ =	shalt  }
0x79: {  	_ =	shalt  }
0x7a: {  	_ =	shalt  }
0x7b: {  	_ =	shalt  }
0x7c: {  	_ =	shalt  }
0x7d: {  	_ =	shalt  }
0x7e: {  	_ =	shalt  }
0x7f: {  	_ =	shalt  }
0x80: {  	_ =	shalt  }
0x81: {  	_ =	shalt  }
0x82: {  	_ =	shalt  }
0x83: {  	_ =	shalt  }
0x84: {  	_ =	shalt  }
0x85: {  	_ =	shalt  }
0x86: {  	_ =	shalt  }
0x87: {  	_ =	shalt  }
.Lfunc_end0:
.L_simem_size_0:
called_computation_lowered:
.L_overlay_start_0:
0x88: {  	s2 =	sld [smem:$0x3FD9]  }
0x89: {  	s3 =	sld [smem:$0x3FFE];
	_ =	sdelay $0x1  }
0x8a: {  	s1 =	srdreg.scid  }
0x8b: {  	s0 =	sand.u32 $0x1, s1  }
0x8c: {  	s16 =	sshll.u32 s0, $0xA;
	s2 =	sadd.s32 s3, s2  }
0x8d: {  	s2 =	sadd.s32 s2, s16  }
0x8e: {  	[smem:$0x3FA5] =	sst s2  }
0x8f: {  	_ = 	snop  }
0x90: {  	(tm) =	ssettm $0x1  }
0x91: {  	s17 =	sld [smem:$0x3FFB];
	_ =	sdelay $0x3  }
0x92: {  	_ =	strace s17  }
0x93: {  	s2 =	sld [smem:$0x3FFC];
	_ =	sdelay $0x3  }
0x94: {  	_ =	strace s2  }
0x95: {  	s2 =	sld [smem:$0x3FFD];
	_ =	sdelay $0x3  }
0x96: {  	_ =	strace s2  }
0x97: {  	_ =	strace $0x8FFFFFFF  }
0x98: {  	s18 =	sld [smem:$0x3FDB];
	_ =	sdelay $0x1  }
0x99: {  	s19 =	simm.s32 $_scs_section_size  }
0x9a: {  	s4 =	simm.s32 $_size__tile_overlayer_lowered;
	s5 =	simm.s32 $_tile_overlayer_lowered  }
0x9b: {  	s22 =	simm.s32 $0x1BFF;
	s21 =	sshll.u32 s5, $0x1;
	s2 =	sadd.s32 s19, s18  }
0x9c: {  	s6 =	simm.s32 $0x0;
	s20 =	sshll.u32 s4, $0x1;
	s4 =	sadd.s32 s21, s2  }
0x9d: {  	[timem:s6], [sflag:s22] =	dma.local [hbm:s4], s20  }
0x9e: {  	_ =	swait.ge [sflag:s22], s20  }
0x9f: {  	s3 =	ssub.s32 $0x0, s20;
	[sflag:s22] =	ssyncset.done $0x0  }
0xa0: {  	[sflag:s22] =	ssyncadd.s32 s3;
	_ =	sdelay $0x1  }
0xa1: {  	s23 =	simm.s32 $0x1B8B  }
0xa2: {  	_ =	swait.ge [sflag:s23], $0x1  }
0xa3: {  	[sflag:s23] =	ssyncset.done $0x0  }
0xa4: {  	s25 =	simm.s32 $0x1B8E;
	s24 =	sld [smem:$0x3FFE];
	[sflag:s23] =	ssyncadd.s32 $0xFFFFFFFF  }
0xa5: {  	s26 =	simm.s32 $execute0_lowered;
	[smem:$0x3FD2] =	sst s25  }
0xa6: {  	s4 =	sshll.u32 s26, $0x1;
	_ =	strace $0x80000046;
	[dreg:$0x1] =	wrdreg $0xFFFFFFFF  }
0xa7: {  	s28 =	simm.s32 $_size_execute0_lowered;
	s2 =	sadd.s32 s2, s4;
	[dreg:$0x0] =	wrdreg $0x0  }
0xa8: {  	s4 =	sshll.u32 s28, $0x1;
	[dreg:$0x2] =	wrdreg s2  }
0xa9: {  	[dreg:$0x3] =	wrdreg s4  }
0xaa: {  	[dreg:$0x4] =	wrdreg $0xC0  }
0xab: {  	_ =	task [dreg:s6], $0x5FFFF  }
0xac: {  	[dreg:$0x1] =	wrdreg $0xFFFFFFFF  }
0xad: {  	[dreg:$0x0] =	wrdreg $0x60  }
0xae: {  	[dreg:$0x2] =	wrdreg s24  }
0xaf: {  	[dreg:$0x3] =	wrdreg $0x9  }
0xb0: {  	_ =	task.clear_ibuf [dreg:s6], $0x4FFFF;
	_ =	strace $0x90000046  }
0xb1: {  	s29 =	simm.s32 $0x9;
	_ =	strace $0x80000048  }
0xb2: {  	_ =	swait.ge [sflag:s29], $0x1  }
0xb3: {  	[sflag:s29] =	ssyncadd.s32 $0xFFFFFFFF  }
0xb4: {  	_ =	strace $0x90000048  }
0xb5: {  	_ =	sfence  }
0xb6: {  	s30 =	sld [smem:$0x0];
	_ =	sdelay $0x2  }
0xb7: {  	s31 =	sshll.u32 s1, $0xD;
	s1 =	sshrl.u32 s1, $0x2  }
0xb8: {  	s3 =	sand.u32 $0x4000, s31;
	s1 =	sadd.s32 s1, s30  }
0xb9: {  	s0 =	sor.u32 s3, s0;
	s1 =	sshll.u32 s1, $0x11  }
0xba: {  	s0 =	sor.u32 s1, s0  }
0xbb: {  	s0 =	sadd.s32 $0x8F2B, s0  }
0xbc: {  	[sflag:s0] =	ssyncadd.remote.s32 $0x1  }
0xbd: {  	_ =	sfence.sel $0xFFFF  }
0xbe: {  	[dreg:$0x0] =	wrdreg $0xFFFFFFFF;
	(pc) =	sbr.abs _section_cstart, $3  }
0xbf: {  	[dreg:$0x1] =	wrdreg $0xFFFFFFFF  }
0xc0: {  	_ =	task.clear_ibuf [dreg:s6], $0x2FFFF;
	_ =	strace $0x9FFFFFFF  }
0xc1: {  	(tm) =	ssettm $0x7FFFFFFF  }
tec
execute0_lowered:
.L_overlay_start_1:
0x0: {  	(tag) =	ssettag $0x1  }
0x1: {  	s0 =	srdreg.scid  }
0x2: {  	s12 =	stileid.u32;
	s1 =	rddreg [dreg:$0x0];
	s2 =	simm.s32 $0x0  }
0x3: {  	s15 =	simm.s32 $0x5;
	s17 =	simm.s32 $0x4F00;
	s16 =	simm.s32 $0x10F00  }
0x4: {  	s14 =	simm.s32 $0x1;
	s28 =	simm.s32 $0x15F00;
	s29 =	simm.s32 $0x16700  }
0x5: {  	s30 =	simm.s32 $0x16F00;
	s31 =	simm.s32 $0x17700;
	s0 =	sand.u32 $0x1, s0  }
0x6: {  	s3 =	sshll.u32 s12, $0x1;
	[smem:$0x7FF] =	sst s2;
	s21 =	smul.u32 $0x9C400, s12  }
0x7: {  	s4 =	sadd.s32 $0x43600, s1;
	s6 =	sadd.s32 $0x5C1C00, s1;
	s23 =	smul.u32 $0x4E200, s12  }
0x8: {  	s7 =	sadd.s32 $0xDFC00, s1;
	s12 =	simm.s32 $0x18F00;
	s11 =	smul.u32 $0x4E200, s0  }
0x9: {  	s3 =	sor.u32 s0, s3;
	s8 =	ssub.s32 $0x2, s0;
	s0 =	smul.u32 $0x27100, s0  }
0xa: {  	_ =	strace $0x80000047;
	s3 =	smul.u32 $0x2710, s3;
	s10 =	sshrl.u32 s8, $0x1  }
0xb: {  	s24 =	sadd.s32 s21, s6;
	s26 =	sadd.s32 s23, s7;
	s23 =	simm.s32 $0x13F00  }
0xc: {  	s18 =	ssub.s32 s8, s10;
	s25 =	sadd.s32 s11, s24;
	s0 =	sadd.s32 s0, s26  }
0xd: {  	s10 =	simm.s32 $0x2;
	s11 =	simm.s32 $0x3;
	s24 =	simm.s32 $0x14700  }
0xe: {  	s26 =	simm.s32 $0x15700;
	s5 =	sshrl.u32 s3, $0x3;
	[dreg:$0x7] =	wrdreg s25  }
0xf: {  	s20 =	sadd.s32 $0x2700, s3;
	[dreg:$0x8] =	wrdreg s0;
	s25 =	simm.s32 $0x14F00  }
0x10: {  	s0 =	simm.s32 $0x18700;
	s9 =	sadd.s32 s5, s1;
	s5 =	sadd.s32 $0x91800, s1  }
0x11: {  	s22 =	sshll.u32 s20, $0x5;
	s8 =	sshll.u32 s20, $0x4;
	s1 =	smax.u32 s18, $0x1  }
.Ltmp0:
0x12: {  	s19 =	sadd.s32 $0x8800, s9;
	[dreg:$0x6] =	wrdreg s1;
	(pc) =	sbr.rel .LBB2_1-.Ltmp0, $4  }
0x13: {  	s18 =	simm.s32 $0x0;
	s9 =	sadd.s32 $0x12600, s9;
	[dreg:$0x2] =	wrdreg s19  }
0x14: {  	v2 =	vlaneseq.u32;
	s8 =	sadd.s32 s7, s8;
	s1 =	simm.s32 $0x17F00;
	[dreg:$0x3] =	wrdreg s9  }
0x15: {  	vm0 =	vmmov $0xffff;
	v1 =	vshrl.u32 v2, $0x3;
	s9 =	sadd.s32 s6, s22;
	[dreg:$0x5] =	wrdreg s8;
	s19 =	simm.s32 $0x5700  }
0x16: {  	v0 =	vand.u32 $0x7, v2;
	v2 =	vor.u32 $0x8, v2;
	v1 =	vmul.u32 $0x8, v1;
	s8 =	simm.s32 $0x80;
	[dreg:$0x4] =	wrdreg s9;
	s9 =	simm.s32 $0xCF00  }
.LBB2_8:
0x17: {  	s13 =	simm.s32 $0x4  }
0x18: {  	_ =	swait.ge [sflag:s13], $0x8000  }
0x19: {  	[sflag:s13] =	ssyncset.done $0x0  }
0x1a: {  	[sflag:s13] =	ssyncadd.s32 $0xFFFF8000  }
0x1b: {  	_ =	swait.ge [sflag:s13], $0x4000  }
0x1c: {  	[sflag:s13] =	ssyncset.done $0x0  }
0x1d: {  	[sflag:s13] =	ssyncadd.s32 $0xFFFFC000  }
0x1e: {  	v3 =	vld [tilespmem:$0x2700];
	_ =	sdelay $0x4  }
0x1f: {  	v4 =	vshll.u32 v3, $0x1  }
0x20: {  	v3 =	vand.u32 $0x7, v3;
	v4 =	vand.u32 $0xFFFFFFF0, v4  }
0x21: {  	v3 =	vor.u32 v3, v4  }
0x22: {  	v4 =	vperm.xlane v3, v0;
	_ =	sdelay $0x1  }
0x23: {  	v3 =	vperm.xlane v3, v2;
	v4 =	vadd.s32 v1, v4;
	_ =	sdelay $0x1  }
0x24: {  	v3 =	vadd.s32 v1, v3;
	_ =	sdelay $0x2  }
0x25: {  	[tilespmem:s17], [sflag:$0x1] =	stream.indirect_vreg.gather [hbm4b:s4+s2], $0x80, v4, vm0, $0xb8;
	[tilespmem:$0x1CF00] =	vst v63  }
0x26: {  	s19 =	simm.s32 $0x5700  }
0x27: {  	[tilespmem:s19], [sflag:$0x1] =	stream.indirect_vreg.gather [hbm4b:s4+s2], $0x80, v3, vm0, $0xb8;
	[tilespmem:$0x1CF00] =	vst v63  }
0x28: {  	s18 =	simm.s32 $0x10;
	s15 =	simm.s32 $0x4E80  }
0x29: {  	[tilespmem:s9], [sflag:$0x1] =	stream.indirect.gather [hbm4b:s5+s18], $0x80, s15, s18, $0xb8;
	[tilespmem:$0x1CF00] =	vst v63  }
0x2a: {  	_ =	swait.ge [sflag:s14], $0x1000  }
0x2b: {  	[sflag:s14] =	ssyncset.done $0x0  }
0x2c: {  	[sflag:s14] =	ssyncadd.s32 $0xFFFFF000  }
0x2d: {  	_ =	swait.ge [sflag:s14], $0x800  }
0x2e: {  	[sflag:s14] =	ssyncset.done $0x0  }
0x2f: {  	s15 =	simm.s32 $0x5;
	s20 =	rddreg [dreg:$0x4];
	[sflag:s14] =	ssyncadd.s32 $0xFFFFF800  }
0x30: {  	[hbm4b:s20+s2] =	stream.linear.scatter [tilespmem:s17], [sflag:$0x5], $0x1000, $0x38;
	[tilespmem:$0x1CF00] =	vst v63  }
0x31: {  	_ =	swait.ge [sflag:s15], $0x1000  }
0x32: {  	[sflag:s15] =	ssyncset.done $0x0  }
0x33: {  	s21 =	rddreg [dreg:$0x5];
	[sflag:s15] =	ssyncadd.s32 $0xFFFFF000  }
0x34: {  	[hbm4b:s21+s2] =	stream.linear.scatter [tilespmem:s9], [sflag:$0x5], $0x800, $0x38;
	[tilespmem:$0x1CF00] =	vst v63  }
0x35: {  	_ =	swait.ge [sflag:s15], $0x800  }
0x36: {  	s18 =	rddreg [dreg:$0x9]  }
0x37: {  	s22 =	rddreg [dreg:$0x6];
	s18 =	sadd.s32 $0x1, s18  }
0x38: {  	p0 =	sne.s32 s18, s22  }
.Ltmp1:
0x39: {  	_ = 	snop;
	(pc) =	sbr.rel @!p0 .LBB2_9-.Ltmp1, $3  }
0x3a: {  	_ =	sdelay $0x1  }
0x3b: {  	[sflag:s15] =	ssyncset.done $0x0  }
0x3c: {  	[sflag:s15] =	ssyncadd.s32 $0xFFFFF800  }
.LBB2_1:
0x3d: {  	[dreg:$0x9] =	wrdreg s18  }
0x3e: {  	s13 =	rddreg [dreg:$0x2]  }
0x3f: {  	[tilespmem:s2], [sflag:$0x5] =	stream.linear.gather [hbm4b:s13+s2], $0x2710, $0x38;
	[tilespmem:$0x1CF00] =	vst v63  }
0x40: {  	_ =	swait.ge [sflag:s15], $0x2710  }
0x41: {  	[sflag:s15] =	ssyncset.done $0x0  }
0x42: {  	s18 =	simm.s32 $0x2780;
	s22 =	rddreg [dreg:$0x3];
	[sflag:s15] =	ssyncadd.s32 $0xFFFFD8F0  }
0x43: {  	[tilespmem:s18], [sflag:$0x5] =	stream.linear.gather [hbm4b:s22+s2], $0x2710, $0x38;
	[tilespmem:$0x1CF00] =	vst v63  }
0x44: {  	_ =	swait.ge [sflag:s15], $0x2710  }
0x45: {  	[sflag:s15] =	ssyncset.done $0x0  }
0x46: {  	[sflag:s15] =	ssyncadd.s32 $0xFFFFD8F0  }
0x47: {  	v3 =	vld [tilespmem:$0x0];
	_ =	sdelay $0x4  }
0x48: {  	v4 =	vshll.u32 v3, $0x1  }
0x49: {  	v3 =	vand.u32 $0x7, v3;
	v4 =	vand.u32 $0xFFFFFFF0, v4  }
0x4a: {  	v3 =	vor.u32 v3, v4  }
0x4b: {  	v4 =	vperm.xlane v3, v0;
	_ =	sdelay $0x1  }
0x4c: {  	v3 =	vperm.xlane v3, v2;
	v4 =	vadd.s32 v1, v4;
	_ =	sdelay $0x1  }
0x4d: {  	v3 =	vadd.s32 v1, v3;
	_ =	sdelay $0x2  }
0x4e: {  	[tilespmem:s17], [sflag:$0x1] =	stream.indirect_vreg.gather [hbm4b:s4+s2], $0x80, v4, vm0, $0xb8;
	[tilespmem:$0x1CF00] =	vst v63  }
0x4f: {  	_ = 	snop  }
0x50: {  	[tilespmem:s19], [sflag:$0x1] =	stream.indirect_vreg.gather [hbm4b:s4+s2], $0x80, v3, vm0, $0xb8;
	[tilespmem:$0x1CF00] =	vst v63  }
0x51: {  	v3 =	vld [tilespmem:$0x10];
	_ =	sdelay $0x4  }
0x52: {  	v57 =	vshll.u32 v3, $0x1  }
0x53: {  	v3 =	vand.u32 $0x7, v3;
	v4 =	vand.u32 $0xFFFFFFF0, v57  }
0x54: {  	v3 =	vor.u32 v3, v4  }
0x55: {  	v4 =	vperm.xlane v3, v0;
	_ =	sdelay $0x1  }
0x56: {  	v3 =	vperm.xlane v3, v2;
	v4 =	vadd.s32 v1, v4;
	_ =	sdelay $0x1  }
0x57: {  	v3 =	vadd.s32 v1, v3;
	_ =	sdelay $0x1  }
0x58: {  	s19 =	simm.s32 $0x5F00  }
0x59: {  	[tilespmem:s19], [sflag:$0x1] =	stream.indirect_vreg.gather [hbm4b:s4+s2], $0x80, v4, vm0, $0xb8;
	[tilespmem:$0x1CF00] =	vst v63  }
0x5a: {  	s20 =	simm.s32 $0x6700  }
0x5b: {  	[tilespmem:s20], [sflag:$0x1] =	stream.indirect_vreg.gather [hbm4b:s4+s2], $0x80, v3, vm0, $0xb8;
	[tilespmem:$0x1CF00] =	vst v63  }
0x5c: {  	v3 =	vld [tilespmem:$0x20];
	_ =	sdelay $0x4  }
0x5d: {  	v58 =	vshll.u32 v3, $0x1  }
0x5e: {  	v3 =	vand.u32 $0x7, v3;
	v4 =	vand.u32 $0xFFFFFFF0, v58  }
0x5f: {  	v3 =	vor.u32 v3, v4  }
0x60: {  	v4 =	vperm.xlane v3, v0;
	_ =	sdelay $0x1  }
0x61: {  	v3 =	vperm.xlane v3, v2;
	v4 =	vadd.s32 v1, v4;
	_ =	sdelay $0x1  }
0x62: {  	v3 =	vadd.s32 v1, v3;
	_ =	sdelay $0x1  }
0x63: {  	s21 =	simm.s32 $0x6F00  }
0x64: {  	[tilespmem:s21], [sflag:$0x1] =	stream.indirect_vreg.gather [hbm4b:s4+s2], $0x80, v4, vm0, $0xb8;
	[tilespmem:$0x1CF00] =	vst v63  }
0x65: {  	s22 =	simm.s32 $0x7700  }
0x66: {  	[tilespmem:s22], [sflag:$0x1] =	stream.indirect_vreg.gather [hbm4b:s4+s2], $0x80, v3, vm0, $0xb8;
	[tilespmem:$0x1CF00] =	vst v63  }
0x67: {  	v3 =	vld [tilespmem:$0x30];
	_ =	sdelay $0x4  }
0x68: {  	v59 =	vshll.u32 v3, $0x1  }
0x69: {  	v3 =	vand.u32 $0x7, v3;
	v4 =	vand.u32 $0xFFFFFFF0, v59  }
0x6a: {  	v3 =	vor.u32 v3, v4  }
0x6b: {  	v4 =	vperm.xlane v3, v0;
	_ =	sdelay $0x1  }
0x6c: {  	v3 =	vperm.xlane v3, v2;
	v4 =	vadd.s32 v1, v4;
	_ =	sdelay $0x1  }
0x6d: {  	v3 =	vadd.s32 v1, v3;
	_ =	sdelay $0x1  }
0x6e: {  	s15 =	simm.s32 $0x7F00  }
0x6f: {  	[tilespmem:s15], [sflag:$0x1] =	stream.indirect_vreg.gather [hbm4b:s4+s2], $0x80, v4, vm0, $0xb8;
	[tilespmem:$0x1CF00] =	vst v63  }
0x70: {  	s19 =	simm.s32 $0x8700  }
0x71: {  	[tilespmem:s19], [sflag:$0x1] =	stream.indirect_vreg.gather [hbm4b:s4+s2], $0x80, v3, vm0, $0xb8;
	[tilespmem:$0x1CF00] =	vst v63  }
0x72: {  	v3 =	vld [tilespmem:$0x40];
	_ =	sdelay $0x4  }
0x73: {  	v60 =	vshll.u32 v3, $0x1  }
0x74: {  	v3 =	vand.u32 $0x7, v3;
	v4 =	vand.u32 $0xFFFFFFF0, v60  }
0x75: {  	v3 =	vor.u32 v3, v4  }
0x76: {  	v4 =	vperm.xlane v3, v0;
	_ =	sdelay $0x1  }
0x77: {  	v3 =	vperm.xlane v3, v2;
	v4 =	vadd.s32 v1, v4;
	_ =	sdelay $0x1  }
0x78: {  	v3 =	vadd.s32 v1, v3;
	_ =	sdelay $0x1  }
0x79: {  	s20 =	simm.s32 $0x8F00  }
0x7a: {  	[tilespmem:s20], [sflag:$0x1] =	stream.indirect_vreg.gather [hbm4b:s4+s2], $0x80, v4, vm0, $0xb8;
	[tilespmem:$0x1CF00] =	vst v63  }
0x7b: {  	s21 =	simm.s32 $0x9700  }
0x7c: {  	[tilespmem:s21], [sflag:$0x1] =	stream.indirect_vreg.gather [hbm4b:s4+s2], $0x80, v3, vm0, $0xb8;
	[tilespmem:$0x1CF00] =	vst v63  }
0x7d: {  	v3 =	vld [tilespmem:$0x50];
	_ =	sdelay $0x4  }
0x7e: {  	v61 =	vshll.u32 v3, $0x1  }
0x7f: {  	v3 =	vand.u32 $0x7, v3;
	v4 =	vand.u32 $0xFFFFFFF0, v61  }
0x80: {  	v3 =	vor.u32 v3, v4  }
0x81: {  	v4 =	vperm.xlane v3, v0;
	_ =	sdelay $0x1  }
0x82: {  	v3 =	vperm.xlane v3, v2;
	v4 =	vadd.s32 v1, v4;
	_ =	sdelay $0x1  }
0x83: {  	v3 =	vadd.s32 v1, v3;
	_ =	sdelay $0x1  }
0x84: {  	s22 =	simm.s32 $0x9F00  }
0x85: {  	[tilespmem:s22], [sflag:$0x1] =	stream.indirect_vreg.gather [hbm4b:s4+s2], $0x80, v4, vm0, $0xb8;
	[tilespmem:$0x1CF00] =	vst v63  }
0x86: {  	s15 =	simm.s32 $0xA700  }
0x87: {  	[tilespmem:s15], [sflag:$0x1] =	stream.indirect_vreg.gather [hbm4b:s4+s2], $0x80, v3, vm0, $0xb8;
	[tilespmem:$0x1CF00] =	vst v63  }
0x88: {  	v3 =	vld [tilespmem:$0x60];
	_ =	sdelay $0x4  }
0x89: {  	v62 =	vshll.u32 v3, $0x1  }
0x8a: {  	v3 =	vand.u32 $0x7, v3;
	v4 =	vand.u32 $0xFFFFFFF0, v62  }
0x8b: {  	v3 =	vor.u32 v3, v4  }
0x8c: {  	v4 =	vperm.xlane v3, v0;
	_ =	sdelay $0x1  }
0x8d: {  	v3 =	vperm.xlane v3, v2;
	v4 =	vadd.s32 v1, v4;
	_ =	sdelay $0x1  }
0x8e: {  	v3 =	vadd.s32 v1, v3;
	_ =	sdelay $0x1  }
0x8f: {  	s19 =	simm.s32 $0xAF00  }
0x90: {  	[tilespmem:s19], [sflag:$0x1] =	stream.indirect_vreg.gather [hbm4b:s4+s2], $0x80, v4, vm0, $0xb8;
	[tilespmem:$0x1CF00] =	vst v63  }
0x91: {  	s20 =	simm.s32 $0xB700  }
0x92: {  	[tilespmem:s20], [sflag:$0x1] =	stream.indirect_vreg.gather [hbm4b:s4+s2], $0x80, v3, vm0, $0xb8;
	[tilespmem:$0x1CF00] =	vst v63  }
0x93: {  	v3 =	vld [tilespmem:$0x70];
	_ =	sdelay $0x4  }
0x94: {  	v63 =	vshll.u32 v3, $0x1  }
0x95: {  	v3 =	vand.u32 $0x7, v3;
	v4 =	vand.u32 $0xFFFFFFF0, v63  }
0x96: {  	v3 =	vor.u32 v3, v4  }
0x97: {  	v4 =	vperm.xlane v3, v0;
	_ =	sdelay $0x1  }
0x98: {  	v3 =	vperm.xlane v3, v2;
	v4 =	vadd.s32 v1, v4;
	_ =	sdelay $0x1  }
0x99: {  	v3 =	vadd.s32 v1, v3;
	_ =	sdelay $0x1  }
0x9a: {  	s21 =	simm.s32 $0xBF00  }
0x9b: {  	[tilespmem:s21], [sflag:$0x1] =	stream.indirect_vreg.gather [hbm4b:s4+s2], $0x80, v4, vm0, $0xb8;
	[tilespmem:$0x1CF00] =	vst v63  }
.Ltmp2:
0x9c: {  	s22 =	simm.s32 $0xC700;
	(pc) =	sbr.rel .LBB2_2-.Ltmp2, $4  }
0x9d: {  	[tilespmem:s22], [sflag:$0x1] =	stream.indirect_vreg.gather [hbm4b:s4+s2], $0x80, v3, vm0, $0xb8;
	[tilespmem:$0x1CF00] =	vst v63  }
0x9e: {  	s13 =	simm.s32 $0x0;
	s15 =	rddreg [dreg:$0x8]  }
0x9f: {  	[tilespmem:s9], [sflag:$0x1] =	stream.indirect.gather [hbm4b:s5+s8], $0x80, s18, s8, $0xb8;
	[tilespmem:$0x1CF00] =	vst v63  }
0xa0: {  	s19 =	simm.s32 $0x0;
	s20 =	simm.s32 $0x0;
	s18 =	rddreg [dreg:$0x7]  }
.LBB2_6:
0xa1: {  	s21 =	sadd.s32 s3, s21  }
0xa2: {  	s22 =	sshll.u32 s21, $0x5  }
0xa3: {  	s21 =	sshll.u32 s21, $0x4;
	s22 =	sadd.s32 s6, s22  }
0xa4: {  	[hbm4b:s22+s2] =	stream.linear.scatter [tilespmem:s16], [sflag:$0x4], $0x8000, $0x38;
	[tilespmem:$0x1CF00] =	vst v63  }
0xa5: {  	s21 =	sadd.s32 s7, s21  }
0xa6: {  	[hbm4b:s21+s2] =	stream.linear.scatter [tilespmem:s12], [sflag:$0x4], $0x4000, $0x38;
	[tilespmem:$0x1CF00] =	vst v63  }
.LBB2_7:
0xa7: {  	s13 =	sadd.s32 $0x200, s13  }
0xa8: {  	p0 =	sne.s32 s13, $0x9C00  }
.Ltmp3:
0xa9: {  	_ = 	snop;
	(pc) =	sbr.rel @!p0 .LBB2_8-.Ltmp3, $3  }
0xaa: {  	_ =	sdelay $0x1  }
0xab: {  	s20 =	sadd.s32 $0x1, s20  }
0xac: {  	s19 =	sadd.s32 $0x80, s19;
	s18 =	sadd.s32 $0x1000, s18;
	s15 =	sadd.s32 $0x800, s15  }
.LBB2_2:
0xad: {  	s21 =	sand.u32 $0x1, s20  }
0xae: {  	p0 =	seq.s32 s21, $0x1  }
.Ltmp4:
0xaf: {  	_ = 	snop;
	(pc) =	sbr.rel @!p0 .LBB2_3-.Ltmp4, $1  }
0xb0: {  	_ =	sdelay $0x3  }
0xb1: {  	_ =	swait.ge [sflag:s10], $0x8000  }
0xb2: {  	[sflag:s10] =	ssyncset.done $0x0  }
0xb3: {  	[sflag:s10] =	ssyncadd.s32 $0xFFFF8000  }
0xb4: {  	_ =	swait.ge [sflag:s10], $0x4000  }
0xb5: {  	[sflag:s10] =	ssyncset.done $0x0  }
0xb6: {  	[sflag:s10] =	ssyncadd.s32 $0xFFFFC000  }
0xb7: {  	p0 =	seq.s32 s13, $0x9A00;
	_ =	swait.ge [sflag:s11], $0x8000  }
.Ltmp5:
0xb8: {  	[sflag:s11] =	ssyncset.done $0x0;
	(pc) =	sbr.rel @p0 .LBB2_6-.Ltmp5, $4  }
0xb9: {  	[sflag:s11] =	ssyncadd.s32 $0xFFFF8000  }
0xba: {  	_ =	swait.ge [sflag:s11], $0x4000  }
0xbb: {  	[sflag:s11] =	ssyncset.done $0x0  }
0xbc: {  	s21 =	simm.s32 $0x2680;
	[sflag:s11] =	ssyncadd.s32 $0xFFFFC000  }
0xbd: {  	s21 =	sshra.s32 s13, $0x2  }
0xbe: {  	v3 =	vld [tilespmem:s21+$0x80];
	_ =	sdelay $0x4  }
0xbf: {  	v4 =	vshll.u32 v3, $0x1  }
0xc0: {  	v3 =	vand.u32 $0x7, v3;
	v4 =	vand.u32 $0xFFFFFFF0, v4  }
0xc1: {  	v3 =	vor.u32 v3, v4  }
0xc2: {  	v4 =	vperm.xlane v3, v0;
	_ =	sdelay $0x1  }
0xc3: {  	v3 =	vperm.xlane v3, v2;
	v4 =	vadd.s32 v1, v4;
	_ =	sdelay $0x1  }
0xc4: {  	v3 =	vadd.s32 v1, v3;
	_ =	sdelay $0x2  }
0xc5: {  	[tilespmem:s17], [sflag:$0x1] =	stream.indirect_vreg.gather [hbm4b:s4+s2], $0x80, v4, vm0, $0xb8;
	[tilespmem:$0x1CF00] =	vst v63  }
0xc6: {  	s22 =	simm.s32 $0x5700  }
0xc7: {  	[tilespmem:s22], [sflag:$0x1] =	stream.indirect_vreg.gather [hbm4b:s4+s2], $0x80, v3, vm0, $0xb8;
	[tilespmem:$0x1CF00] =	vst v63  }
0xc8: {  	v3 =	vld [tilespmem:s21+$0x90];
	_ =	sdelay $0x4  }
0xc9: {  	v57 =	vshll.u32 v3, $0x1  }
0xca: {  	v3 =	vand.u32 $0x7, v3;
	v4 =	vand.u32 $0xFFFFFFF0, v57  }
0xcb: {  	v3 =	vor.u32 v3, v4  }
0xcc: {  	v4 =	vperm.xlane v3, v0;
	_ =	sdelay $0x1  }
0xcd: {  	v3 =	vperm.xlane v3, v2;
	v4 =	vadd.s32 v1, v4;
	_ =	sdelay $0x1  }
0xce: {  	v3 =	vadd.s32 v1, v3;
	_ =	sdelay $0x1  }
0xcf: {  	s22 =	simm.s32 $0x5F00  }
0xd0: {  	[tilespmem:s22], [sflag:$0x1] =	stream.indirect_vreg.gather [hbm4b:s4+s2], $0x80, v4, vm0, $0xb8;
	[tilespmem:$0x1CF00] =	vst v63  }
0xd1: {  	s22 =	simm.s32 $0x6700  }
0xd2: {  	[tilespmem:s22], [sflag:$0x1] =	stream.indirect_vreg.gather [hbm4b:s4+s2], $0x80, v3, vm0, $0xb8;
	[tilespmem:$0x1CF00] =	vst v63  }
0xd3: {  	v3 =	vld [tilespmem:s21+$0xA0];
	_ =	sdelay $0x4  }
0xd4: {  	v58 =	vshll.u32 v3, $0x1  }
0xd5: {  	v3 =	vand.u32 $0x7, v3;
	v4 =	vand.u32 $0xFFFFFFF0, v58  }
0xd6: {  	v3 =	vor.u32 v3, v4  }
0xd7: {  	v4 =	vperm.xlane v3, v0;
	_ =	sdelay $0x1  }
0xd8: {  	v3 =	vperm.xlane v3, v2;
	v4 =	vadd.s32 v1, v4;
	_ =	sdelay $0x1  }
0xd9: {  	v3 =	vadd.s32 v1, v3;
	_ =	sdelay $0x1  }
0xda: {  	s22 =	simm.s32 $0x6F00  }
0xdb: {  	[tilespmem:s22], [sflag:$0x1] =	stream.indirect_vreg.gather [hbm4b:s4+s2], $0x80, v4, vm0, $0xb8;
	[tilespmem:$0x1CF00] =	vst v63  }
0xdc: {  	s22 =	simm.s32 $0x7700  }
0xdd: {  	[tilespmem:s22], [sflag:$0x1] =	stream.indirect_vreg.gather [hbm4b:s4+s2], $0x80, v3, vm0, $0xb8;
	[tilespmem:$0x1CF00] =	vst v63  }
0xde: {  	v3 =	vld [tilespmem:s21+$0xB0];
	_ =	sdelay $0x4  }
0xdf: {  	v59 =	vshll.u32 v3, $0x1  }
0xe0: {  	v3 =	vand.u32 $0x7, v3;
	v4 =	vand.u32 $0xFFFFFFF0, v59  }
0xe1: {  	v3 =	vor.u32 v3, v4  }
0xe2: {  	v4 =	vperm.xlane v3, v0;
	_ =	sdelay $0x1  }
0xe3: {  	v3 =	vperm.xlane v3, v2;
	v4 =	vadd.s32 v1, v4;
	_ =	sdelay $0x1  }
0xe4: {  	v3 =	vadd.s32 v1, v3;
	_ =	sdelay $0x1  }
0xe5: {  	s22 =	simm.s32 $0x7F00  }
0xe6: {  	[tilespmem:s22], [sflag:$0x1] =	stream.indirect_vreg.gather [hbm4b:s4+s2], $0x80, v4, vm0, $0xb8;
	[tilespmem:$0x1CF00] =	vst v63  }
0xe7: {  	s22 =	simm.s32 $0x8700  }
0xe8: {  	[tilespmem:s22], [sflag:$0x1] =	stream.indirect_vreg.gather [hbm4b:s4+s2], $0x80, v3, vm0, $0xb8;
	[tilespmem:$0x1CF00] =	vst v63  }
0xe9: {  	v3 =	vld [tilespmem:s21+$0xC0];
	_ =	sdelay $0x4  }
0xea: {  	v60 =	vshll.u32 v3, $0x1  }
0xeb: {  	v3 =	vand.u32 $0x7, v3;
	v4 =	vand.u32 $0xFFFFFFF0, v60  }
0xec: {  	v3 =	vor.u32 v3, v4  }
0xed: {  	v4 =	vperm.xlane v3, v0;
	_ =	sdelay $0x1  }
0xee: {  	v3 =	vperm.xlane v3, v2;
	v4 =	vadd.s32 v1, v4;
	_ =	sdelay $0x1  }
0xef: {  	v3 =	vadd.s32 v1, v3;
	_ =	sdelay $0x1  }
0xf0: {  	s22 =	simm.s32 $0x8F00  }
0xf1: {  	[tilespmem:s22], [sflag:$0x1] =	stream.indirect_vreg.gather [hbm4b:s4+s2], $0x80, v4, vm0, $0xb8;
	[tilespmem:$0x1CF00] =	vst v63  }
0xf2: {  	s22 =	simm.s32 $0x9700  }
0xf3: {  	[tilespmem:s22], [sflag:$0x1] =	stream.indirect_vreg.gather [hbm4b:s4+s2], $0x80, v3, vm0, $0xb8;
	[tilespmem:$0x1CF00] =	vst v63  }
0xf4: {  	v3 =	vld [tilespmem:s21+$0xD0];
	_ =	sdelay $0x4  }
0xf5: {  	v61 =	vshll.u32 v3, $0x1  }
0xf6: {  	v3 =	vand.u32 $0x7, v3;
	v4 =	vand.u32 $0xFFFFFFF0, v61  }
0xf7: {  	v3 =	vor.u32 v3, v4  }
0xf8: {  	v4 =	vperm.xlane v3, v0;
	_ =	sdelay $0x1  }
0xf9: {  	v3 =	vperm.xlane v3, v2;
	v4 =	vadd.s32 v1, v4;
	_ =	sdelay $0x1  }
0xfa: {  	v3 =	vadd.s32 v1, v3;
	_ =	sdelay $0x1  }
0xfb: {  	s22 =	simm.s32 $0x9F00  }
0xfc: {  	[tilespmem:s22], [sflag:$0x1] =	stream.indirect_vreg.gather [hbm4b:s4+s2], $0x80, v4, vm0, $0xb8;
	[tilespmem:$0x1CF00] =	vst v63  }
0xfd: {  	s22 =	simm.s32 $0xA700  }
0xfe: {  	[tilespmem:s22], [sflag:$0x1] =	stream.indirect_vreg.gather [hbm4b:s4+s2], $0x80, v3, vm0, $0xb8;
	[tilespmem:$0x1CF00] =	vst v63  }
0xff: {  	v3 =	vld [tilespmem:s21+$0xE0];
	_ =	sdelay $0x4  }
0x100: {  	v62 =	vshll.u32 v3, $0x1  }
0x101: {  	v3 =	vand.u32 $0x7, v3;
	v4 =	vand.u32 $0xFFFFFFF0, v62  }
0x102: {  	v3 =	vor.u32 v3, v4  }
0x103: {  	v4 =	vperm.xlane v3, v0;
	_ =	sdelay $0x1  }
0x104: {  	v3 =	vperm.xlane v3, v2;
	v4 =	vadd.s32 v1, v4;
	_ =	sdelay $0x1  }
0x105: {  	v3 =	vadd.s32 v1, v3;
	_ =	sdelay $0x1  }
0x106: {  	s22 =	simm.s32 $0xAF00  }
0x107: {  	[tilespmem:s22], [sflag:$0x1] =	stream.indirect_vreg.gather [hbm4b:s4+s2], $0x80, v4, vm0, $0xb8;
	[tilespmem:$0x1CF00] =	vst v63  }
0x108: {  	s22 =	simm.s32 $0xB700  }
0x109: {  	[tilespmem:s22], [sflag:$0x1] =	stream.indirect_vreg.gather [hbm4b:s4+s2], $0x80, v3, vm0, $0xb8;
	[tilespmem:$0x1CF00] =	vst v63  }
0x10a: {  	v3 =	vld [tilespmem:s21+$0xF0];
	_ =	sdelay $0x4  }
0x10b: {  	v63 =	vshll.u32 v3, $0x1  }
0x10c: {  	v3 =	vand.u32 $0x7, v3;
	v4 =	vand.u32 $0xFFFFFFF0, v63  }
0x10d: {  	v3 =	vor.u32 v3, v4  }
0x10e: {  	v4 =	vperm.xlane v3, v0;
	_ =	sdelay $0x1  }
0x10f: {  	v3 =	vperm.xlane v3, v2;
	v4 =	vadd.s32 v1, v4;
	_ =	sdelay $0x1  }
0x110: {  	v3 =	vadd.s32 v1, v3;
	_ =	sdelay $0x1  }
0x111: {  	s22 =	simm.s32 $0xBF00  }
0x112: {  	[tilespmem:s22], [sflag:$0x1] =	stream.indirect_vreg.gather [hbm4b:s4+s2], $0x80, v4, vm0, $0xb8;
	[tilespmem:$0x1CF00] =	vst v63  }
.Ltmp6:
0x113: {  	s22 =	simm.s32 $0xC700;
	(pc) =	sbr.rel .LBB2_6-.Ltmp6, $4  }
0x114: {  	[tilespmem:s22], [sflag:$0x1] =	stream.indirect_vreg.gather [hbm4b:s4+s2], $0x80, v3, vm0, $0xb8;
	[tilespmem:$0x1CF00] =	vst v63  }
0x115: {  	s21 =	sadd.s32 $0x2800, s21  }
0x116: {  	[tilespmem:s9], [sflag:$0x1] =	stream.indirect.gather [hbm4b:s5+s8], $0x80, s21, s8, $0xb8;
	[tilespmem:$0x1CF00] =	vst v63  }
0x117: {  	s21 =	smov.u32 s19  }
.LBB2_3:
0x118: {  	_ =	swait.ge [sflag:s14], $0x8000  }
0x119: {  	[sflag:s14] =	ssyncset.done $0x0  }
0x11a: {  	[sflag:s14] =	ssyncadd.s32 $0xFFFF8000  }
0x11b: {  	_ =	swait.ge [sflag:s14], $0x4000  }
0x11c: {  	p0 =	seq.s32 s13, $0x0;
	[sflag:s14] =	ssyncset.done $0x0  }
0x11d: {  	s21 =	simm.s32 @!p0 $0x4;
	[sflag:s14] =	ssyncadd.s32 $0xFFFFC000  }
0x11e: {  	_ =	swait.ge @!p0 [sflag:s21], $0x8000  }
0x11f: {  	[sflag:s21] =	ssyncset.done @!p0 $0x0  }
0x120: {  	[sflag:s21] =	ssyncadd.s32 @!p0 $0xFFFF8000  }
0x121: {  	_ =	swait.ge @!p0 [sflag:s21], $0x4000  }
0x122: {  	[sflag:s21] =	ssyncset.done @!p0 $0x0  }
0x123: {  	[sflag:s21] =	ssyncadd.s32 @!p0 $0xFFFFC000;
	s21 =	sshra.s32 s13, $0x2  }
0x124: {  	v3 =	vld [tilespmem:s21+$0x80];
	_ =	sdelay $0x4  }
0x125: {  	v4 =	vshll.u32 v3, $0x1  }
0x126: {  	v3 =	vand.u32 $0x7, v3;
	v4 =	vand.u32 $0xFFFFFFF0, v4  }
0x127: {  	v3 =	vor.u32 v3, v4  }
0x128: {  	v4 =	vperm.xlane v3, v0;
	_ =	sdelay $0x1  }
0x129: {  	v3 =	vperm.xlane v3, v2;
	v4 =	vadd.s32 v1, v4;
	_ =	sdelay $0x1  }
0x12a: {  	v3 =	vadd.s32 v1, v3;
	_ =	sdelay $0x2  }
0x12b: {  	[tilespmem:s16], [sflag:$0x2] =	stream.indirect_vreg.gather [hbm4b:s4+s2], $0x80, v4, vm0, $0xb8;
	[tilespmem:$0x1CF00] =	vst v63  }
0x12c: {  	s22 =	simm.s32 $0x11700  }
0x12d: {  	[tilespmem:s22], [sflag:$0x2] =	stream.indirect_vreg.gather [hbm4b:s4+s2], $0x80, v3, vm0, $0xb8;
	[tilespmem:$0x1CF00] =	vst v63  }
0x12e: {  	v3 =	vld [tilespmem:s21+$0x90];
	_ =	sdelay $0x4  }
0x12f: {  	v57 =	vshll.u32 v3, $0x1  }
0x130: {  	v3 =	vand.u32 $0x7, v3;
	v4 =	vand.u32 $0xFFFFFFF0, v57  }
0x131: {  	v3 =	vor.u32 v3, v4  }
0x132: {  	v4 =	vperm.xlane v3, v0;
	_ =	sdelay $0x1  }
0x133: {  	v3 =	vperm.xlane v3, v2;
	v4 =	vadd.s32 v1, v4;
	_ =	sdelay $0x1  }
0x134: {  	v3 =	vadd.s32 v1, v3;
	_ =	sdelay $0x1  }
0x135: {  	s22 =	simm.s32 $0x11F00  }
0x136: {  	[tilespmem:s22], [sflag:$0x2] =	stream.indirect_vreg.gather [hbm4b:s4+s2], $0x80, v4, vm0, $0xb8;
	[tilespmem:$0x1CF00] =	vst v63  }
0x137: {  	s22 =	simm.s32 $0x12700  }
0x138: {  	[tilespmem:s22], [sflag:$0x2] =	stream.indirect_vreg.gather [hbm4b:s4+s2], $0x80, v3, vm0, $0xb8;
	[tilespmem:$0x1CF00] =	vst v63  }
0x139: {  	v3 =	vld [tilespmem:s21+$0xA0];
	_ =	sdelay $0x4  }
0x13a: {  	v58 =	vshll.u32 v3, $0x1  }
0x13b: {  	v3 =	vand.u32 $0x7, v3;
	v4 =	vand.u32 $0xFFFFFFF0, v58  }
0x13c: {  	v3 =	vor.u32 v3, v4  }
0x13d: {  	v4 =	vperm.xlane v3, v0;
	_ =	sdelay $0x1  }
0x13e: {  	v3 =	vperm.xlane v3, v2;
	v4 =	vadd.s32 v1, v4;
	_ =	sdelay $0x1  }
0x13f: {  	v3 =	vadd.s32 v1, v3;
	_ =	sdelay $0x1  }
0x140: {  	s22 =	simm.s32 $0x12F00  }
0x141: {  	[tilespmem:s22], [sflag:$0x2] =	stream.indirect_vreg.gather [hbm4b:s4+s2], $0x80, v4, vm0, $0xb8;
	[tilespmem:$0x1CF00] =	vst v63  }
0x142: {  	s22 =	simm.s32 $0x13700  }
0x143: {  	[tilespmem:s22], [sflag:$0x2] =	stream.indirect_vreg.gather [hbm4b:s4+s2], $0x80, v3, vm0, $0xb8;
	[tilespmem:$0x1CF00] =	vst v63  }
0x144: {  	v3 =	vld [tilespmem:s21+$0xB0];
	_ =	sdelay $0x4  }
0x145: {  	v59 =	vshll.u32 v3, $0x1  }
0x146: {  	v3 =	vand.u32 $0x7, v3;
	v4 =	vand.u32 $0xFFFFFFF0, v59  }
0x147: {  	v3 =	vor.u32 v3, v4  }
0x148: {  	v4 =	vperm.xlane v3, v0;
	_ =	sdelay $0x1  }
0x149: {  	v3 =	vperm.xlane v3, v2;
	v4 =	vadd.s32 v1, v4;
	_ =	sdelay $0x1  }
0x14a: {  	v3 =	vadd.s32 v1, v3;
	_ =	sdelay $0x2  }
0x14b: {  	[tilespmem:s23], [sflag:$0x2] =	stream.indirect_vreg.gather [hbm4b:s4+s2], $0x80, v4, vm0, $0xb8;
	[tilespmem:$0x1CF00] =	vst v63  }
0x14c: {  	_ = 	snop  }
0x14d: {  	[tilespmem:s24], [sflag:$0x2] =	stream.indirect_vreg.gather [hbm4b:s4+s2], $0x80, v3, vm0, $0xb8;
	[tilespmem:$0x1CF00] =	vst v63  }
0x14e: {  	v3 =	vld [tilespmem:s21+$0xC0];
	_ =	sdelay $0x4  }
0x14f: {  	v60 =	vshll.u32 v3, $0x1  }
0x150: {  	v3 =	vand.u32 $0x7, v3;
	v4 =	vand.u32 $0xFFFFFFF0, v60  }
0x151: {  	v3 =	vor.u32 v3, v4  }
0x152: {  	v4 =	vperm.xlane v3, v0;
	_ =	sdelay $0x1  }
0x153: {  	v3 =	vperm.xlane v3, v2;
	v4 =	vadd.s32 v1, v4;
	_ =	sdelay $0x1  }
0x154: {  	v3 =	vadd.s32 v1, v3;
	_ =	sdelay $0x2  }
0x155: {  	[tilespmem:s25], [sflag:$0x2] =	stream.indirect_vreg.gather [hbm4b:s4+s2], $0x80, v4, vm0, $0xb8;
	[tilespmem:$0x1CF00] =	vst v63  }
0x156: {  	_ = 	snop  }
0x157: {  	[tilespmem:s26], [sflag:$0x2] =	stream.indirect_vreg.gather [hbm4b:s4+s2], $0x80, v3, vm0, $0xb8;
	[tilespmem:$0x1CF00] =	vst v63  }
0x158: {  	v3 =	vld [tilespmem:s21+$0xD0];
	_ =	sdelay $0x4  }
0x159: {  	v61 =	vshll.u32 v3, $0x1  }
0x15a: {  	v3 =	vand.u32 $0x7, v3;
	v4 =	vand.u32 $0xFFFFFFF0, v61  }
0x15b: {  	v3 =	vor.u32 v3, v4  }
0x15c: {  	v4 =	vperm.xlane v3, v0;
	_ =	sdelay $0x1  }
0x15d: {  	v3 =	vperm.xlane v3, v2;
	v4 =	vadd.s32 v1, v4;
	_ =	sdelay $0x1  }
0x15e: {  	v3 =	vadd.s32 v1, v3;
	_ =	sdelay $0x2  }
0x15f: {  	[tilespmem:s28], [sflag:$0x2] =	stream.indirect_vreg.gather [hbm4b:s4+s2], $0x80, v4, vm0, $0xb8;
	[tilespmem:$0x1CF00] =	vst v63  }
0x160: {  	_ = 	snop  }
0x161: {  	[tilespmem:s29], [sflag:$0x2] =	stream.indirect_vreg.gather [hbm4b:s4+s2], $0x80, v3, vm0, $0xb8;
	[tilespmem:$0x1CF00] =	vst v63  }
0x162: {  	v3 =	vld [tilespmem:s21+$0xE0];
	_ =	sdelay $0x4  }
0x163: {  	v62 =	vshll.u32 v3, $0x1  }
0x164: {  	v3 =	vand.u32 $0x7, v3;
	v4 =	vand.u32 $0xFFFFFFF0, v62  }
0x165: {  	v3 =	vor.u32 v3, v4  }
0x166: {  	v4 =	vperm.xlane v3, v0;
	_ =	sdelay $0x1  }
0x167: {  	v3 =	vperm.xlane v3, v2;
	v4 =	vadd.s32 v1, v4;
	_ =	sdelay $0x1  }
0x168: {  	v3 =	vadd.s32 v1, v3;
	_ =	sdelay $0x2  }
0x169: {  	[tilespmem:s30], [sflag:$0x2] =	stream.indirect_vreg.gather [hbm4b:s4+s2], $0x80, v4, vm0, $0xb8;
	[tilespmem:$0x1CF00] =	vst v63  }
0x16a: {  	_ = 	snop  }
0x16b: {  	[tilespmem:s31], [sflag:$0x2] =	stream.indirect_vreg.gather [hbm4b:s4+s2], $0x80, v3, vm0, $0xb8;
	[tilespmem:$0x1CF00] =	vst v63  }
0x16c: {  	v3 =	vld [tilespmem:s21+$0xF0];
	_ =	sdelay $0x4  }
0x16d: {  	v63 =	vshll.u32 v3, $0x1  }
0x16e: {  	v3 =	vand.u32 $0x7, v3;
	v4 =	vand.u32 $0xFFFFFFF0, v63  }
0x16f: {  	v3 =	vor.u32 v3, v4  }
0x170: {  	v4 =	vperm.xlane v3, v0;
	_ =	sdelay $0x1  }
0x171: {  	v3 =	vperm.xlane v3, v2;
	v4 =	vadd.s32 v1, v4;
	_ =	sdelay $0x1  }
0x172: {  	v3 =	vadd.s32 v1, v3;
	_ =	sdelay $0x2  }
0x173: {  	[tilespmem:s1], [sflag:$0x2] =	stream.indirect_vreg.gather [hbm4b:s4+s2], $0x80, v4, vm0, $0xb8;
	[tilespmem:$0x1CF00] =	vst v63  }
0x174: {  	_ = 	snop  }
0x175: {  	[tilespmem:s0], [sflag:$0x2] =	stream.indirect_vreg.gather [hbm4b:s4+s2], $0x80, v3, vm0, $0xb8;
	[tilespmem:$0x1CF00] =	vst v63  }
0x176: {  	s21 =	sadd.s32 $0x2800, s21  }
0x177: {  	[tilespmem:s12], [sflag:$0x2] =	stream.indirect.gather [hbm4b:s5+s8], $0x80, s21, s8, $0xb8;
	[tilespmem:$0x1CF00] =	vst v63  }
.Ltmp7:
0x178: {  	_ = 	snop;
	(pc) =	sbr.rel .LBB2_7-.Ltmp7, $4  }
0x179: {  	_ = 	snop  }
0x17a: {  	[hbm4b:s18+s2] =	stream.linear.scatter [tilespmem:s17], [sflag:$0x3], $0x8000, $0x38;
	[tilespmem:$0x1CF00] =	vst v63  }
0x17b: {  	_ = 	snop  }
0x17c: {  	[hbm4b:s15+s2] =	stream.linear.scatter [tilespmem:s9], [sflag:$0x3], $0x4000, $0x38;
	[tilespmem:$0x1CF00] =	vst v63  }
.LBB2_9:
0x17d: {  	_ =	sfence.sel $0x180000  }
0x17e: {  	[bflag:$0x0] =	sbarrier.arrive $0xFFFF  }
0x17f: {  	_ =	strace $0x90000047  }
0x180: {  	s0 =	stileid.u32;
	[bflag:$0x2] =	sbarrier.arrive $0xFFFF  }
0x181: {  	p0 =	sne.s32 s0, $0x0;
	s0 =	rddreg [dreg:$0x1]  }
0x182: {  	s0 =	sadd.s32 @!p0 $0x100000, s0  }
0x183: {  	[sflag:s0] =	ssyncadd.tile.s32 @!p0 $0x1;
	_ =	shalt  }
.Lfunc_end2:
_tile_overlayer_lowered:
.L_overlay_start_2:
0x184: {  	(tag) =	ssettag $0x2  }
0x185: {  	s0 =	rddreg [dreg:$0x0];
	s2 =	stileid.u32  }
0x186: {  	s1 =	rddreg [dreg:$0x1];
	p0 =	sne.s32 s2, $0x0  }
0x187: {  	s3 =	rddreg [dreg:$0x2];
	[bflag:$0x3] =	sbarrier.arrive $0xFFFF;
	s2 =	simm.s32 @!p0 $0x1C05  }
0x188: {  	[timem:s3], [sflag:s2] =	dma.local @!p0 [hbm:s0], s1  }
0x189: {  	s0 =	simm.s32 @!p0 $0x5  }
0x18a: {  	_ =	swait.ge @!p0 [sflag:s0], s1  }
0x18b: {  	s1 =	ssub.s32 @!p0 $0x0, s1;
	[sflag:s0] =	ssyncset.done @!p0 $0x0  }
0x18c: {  	[sflag:s0] =	ssyncadd.s32 @!p0 s1  }
0x18d: {  	[bflag:$0x3] =	sbarrier.arrive $0xFFFF  }
0x18e: {  	_ =	shalt  }

// kernel: kernel.20.cloned.1.call-start
scs
__scs_entry_jumppad:
0x0: {  	(pc) =	sbr.rel $0x88, $3  }
0x1: {  	(tag) =	ssettag $0x0;
	lr =	simm.s32 $0x1  }
0x2: {  	[smem:$0x3F7E] =	sst lr;
	_ =	strace $0xD0000000  }
0x3: {  	_ = 	snop  }
0x4: {  	_ = 	snop  }
0x5: {  	_ = 	snop  }
0x6: {  	_ = 	snop  }
0x7: {  	_ = 	snop  }
__scs_overlays_trampoline_lowered:
0x8: {  	[smem:$0x3F8D] =	sst s0  }
0x9: {  	[smem:$0x3F8E] =	sst s1  }
0xa: {  	[smem:$0x3F8F] =	sst s2  }
0xb: {  	[smem:$0x3F90] =	sst s3  }
0xc: {  	[smem:$0x3F91] =	sst s4  }
0xd: {  	[smem:$0x3F92] =	sst s5  }
0xe: {  	[smem:$0x3F93] =	sst s6  }
0xf: {  	[smem:$0x3F94] =	sst s7  }
0x10: {  	[smem:$0x3F95] =	sst s8  }
0x11: {  	[smem:$0x3F96] =	sst s9;
	s0 =	simm.s32 @!p0 $0x0  }
0x12: {  	s1 =	sld [smem:$0x3F7C];
	s0 =	simm.s32 @p0 $0x1  }
0x13: {  	[smem:$0x3F97] =	sst s0;
	s0 =	simm.s32 @!p1 $0x0  }
0x14: {  	s2 =	sld [smem:$0x3F7B];
	s0 =	simm.s32 @p1 $0x1  }
0x15: {  	[smem:$0x3F98] =	sst s0;
	s0 =	simm.s32 @!p2 $0x0  }
0x16: {  	s3 =	sld [smem:$0x3FDB];
	s0 =	simm.s32 @p2 $0x1  }
0x17: {  	s4 =	simm.s32 $0x1BF5;
	[smem:$0x3F9A] =	sst s0  }
0x18: {  	s0 =	sld [smem:$0x3F7D];
	_ =	swait.ge [sflag:s4], $0x0  }
0x19: {  	s7 =	sld [smem:$0x3F7E]  }
0x1a: {  	s8 =	sadd.s32 $0xFFFFE003, lr  }
0x1b: {  	s9 =	sadd.s32 $0xFFFFFEF7, lr;
	s5 =	simm.s32 $0xFFFFFFFF;
	p2 =	slt.u32 s8, $0xFFFFF086  }
0x1c: {  	p1 =	slt.u32 s9, $0xF7A;
	s5 =	simm.s32 @!p2 $0x0  }
0x1d: {  	s5 =	simm.s32 @p1 $0x1;
	p0 =	seq.s32 s7, s2  }
0x1e: {  	s7 =	smul.u32 @!p0 $0xF7A, s2;
	p2 =	seq.s32 @!p0 s5, $0x0  }
0x1f: {  	s9 =	smul.u32 $0xF7A, s1;
	s8 =	simm.s32 @!p0 $0x1BF5;
	p2 =	por !p2, p0  }
0x20: {  	[sflag:s8] =	ssyncset.s32 @!p0 $0xFFFFF086;
	s6 =	sadd.s32 @!p0 s3, s7;
	s7 =	simm.s32 @!p0 $0x108  }
0x21: {  	s3 =	sadd.s32 s3, s9;
	s6 =	sadd.s32 @!p0 $0x88, s6;
	s7 =	simm.s32 @p2 $0x1082  }
0x22: {  	[simem:s7], [sflag:s8] =	dma.local @!p0 [hbm:s6], $0xF7A  }
0x23: {  	s9 =	sor.u32 $0xD0000000, s2;
	s6 =	simm.s32 $0x108;
	_ =	swait.ge @!p0 [sflag:s8], $0x0  }
0x24: {  	s3 =	sadd.s32 $0x88, s3;
	s6 =	simm.s32 @!p1 $0x1082;
	[sflag:s4] =	ssyncset.s32 $0xFFFFF086  }
0x25: {  	[simem:s6], [sflag:s4] =	dma.local [hbm:s3], $0xF7A  }
0x26: {  	[smem:$0x3F7E] =	sst s1;
	(tag) =	ssettag s2;
	_ =	strace s9  }
0x27: {  	s1 =	sld [smem:$0x3F8E]  }
0x28: {  	s2 =	sld [smem:$0x3F8F]  }
0x29: {  	s4 =	sld [smem:$0x3F91]  }
0x2a: {  	p0 =	seq.s32 s5, $0x0;
	s5 =	sld [smem:$0x3F92]  }
0x2b: {  	s6 =	sld [smem:$0x3F93]  }
0x2c: {  	s7 =	sld [smem:$0x3F94]  }
0x2d: {  	s3 =	simm.s32 $0x108;
	s8 =	sld [smem:$0x3F95]  }
0x2e: {  	s3 =	simm.s32 @!p0 $0x1082;
	s9 =	sld [smem:$0x3F96]  }
0x2f: {  	lr =	sadd.s32 s0, s3;
	s0 =	sld [smem:$0x3F8D]  }
0x30: {  	s3 =	sld [smem:$0x3F90]  }
0x31: {  	[smem:$0x3F99] =	sst s10  }
0x32: {  	s10 =	sld [smem:$0x3F97];
	_ =	sdelay $0x3  }
0x33: {  	p0 =	seq.s32 s10, $0x1;
	s10 =	sld [smem:$0x3F99];
	_ =	sdelay $0x3  }
0x34: {  	[smem:$0x3F99] =	sst s10  }
0x35: {  	s10 =	sld [smem:$0x3F98];
	_ =	sdelay $0x3  }
0x36: {  	p1 =	seq.s32 s10, $0x1;
	s10 =	sld [smem:$0x3F99];
	_ =	sdelay $0x3  }
0x37: {  	[smem:$0x3F99] =	sst s10  }
0x38: {  	s10 =	sld [smem:$0x3F9A]  }
0x39: {  	_ = 	snop;
	(pc) =	sbr.ind lr, $3  }
0x3a: {  	_ = 	snop  }
0x3b: {  	_ = 	snop  }
0x3c: {  	p2 =	seq.s32 s10, $0x1;
	s10 =	sld [smem:$0x3F99]  }
0x3d: {  	_ =	shalt  }
0x3e: {  	_ =	shalt  }
0x3f: {  	_ =	shalt  }
0x40: {  	_ =	shalt  }
0x41: {  	_ =	shalt  }
0x42: {  	_ =	shalt  }
0x43: {  	_ =	shalt  }
0x44: {  	_ =	shalt  }
0x45: {  	_ =	shalt  }
0x46: {  	_ =	shalt  }
0x47: {  	_ =	shalt  }
0x48: {  	_ =	shalt  }
0x49: {  	_ =	shalt  }
0x4a: {  	_ =	shalt  }
0x4b: {  	_ =	shalt  }
0x4c: {  	_ =	shalt  }
0x4d: {  	_ =	shalt  }
0x4e: {  	_ =	shalt  }
0x4f: {  	_ =	shalt  }
0x50: {  	_ =	shalt  }
0x51: {  	_ =	shalt  }
0x52: {  	_ =	shalt  }
0x53: {  	_ =	shalt  }
0x54: {  	_ =	shalt  }
0x55: {  	_ =	shalt  }
0x56: {  	_ =	shalt  }
0x57: {  	_ =	shalt  }
0x58: {  	_ =	shalt  }
0x59: {  	_ =	shalt  }
0x5a: {  	_ =	shalt  }
0x5b: {  	_ =	shalt  }
0x5c: {  	_ =	shalt  }
0x5d: {  	_ =	shalt  }
0x5e: {  	_ =	shalt  }
0x5f: {  	_ =	shalt  }
0x60: {  	_ =	shalt  }
0x61: {  	_ =	shalt  }
0x62: {  	_ =	shalt  }
0x63: {  	_ =	shalt  }
0x64: {  	_ =	shalt  }
0x65: {  	_ =	shalt  }
0x66: {  	_ =	shalt  }
0x67: {  	_ =	shalt  }
0x68: {  	_ =	shalt  }
0x69: {  	_ =	shalt  }
0x6a: {  	_ =	shalt  }
0x6b: {  	_ =	shalt  }
0x6c: {  	_ =	shalt  }
0x6d: {  	_ =	shalt  }
0x6e: {  	_ =	shalt  }
0x6f: {  	_ =	shalt  }
0x70: {  	_ =	shalt  }
0x71: {  	_ =	shalt  }
0x72: {  	_ =	shalt  }
0x73: {  	_ =	shalt  }
0x74: {  	_ =	shalt  }
0x75: {  	_ =	shalt  }
0x76: {  	_ =	shalt  }
0x77: {  	_ =	shalt  }
0x78: {  	_ =	shalt  }
0x79: {  	_ =	shalt  }
0x7a: {  	_ =	shalt  }
0x7b: {  	_ =	shalt  }
0x7c: {  	_ =	shalt  }
0x7d: {  	_ =	shalt  }
0x7e: {  	_ =	shalt  }
0x7f: {  	_ =	shalt  }
0x80: {  	_ =	shalt  }
0x81: {  	_ =	shalt  }
0x82: {  	_ =	shalt  }
0x83: {  	_ =	shalt  }
0x84: {  	_ =	shalt  }
0x85: {  	_ =	shalt  }
0x86: {  	_ =	shalt  }
0x87: {  	_ =	shalt  }
.Lfunc_end0:
.L_simem_size_0:
called_computation.1_lowered:
.L_overlay_start_0:
0x88: {  	s2 =	sld [smem:$0x3FD9]  }
0x89: {  	s3 =	sld [smem:$0x3FFE];
	_ =	sdelay $0x1  }
0x8a: {  	s1 =	srdreg.scid  }
0x8b: {  	s0 =	sand.u32 $0x1, s1  }
0x8c: {  	s17 =	sshll.u32 s0, $0xA;
	s2 =	sadd.s32 s3, s2  }
0x8d: {  	s2 =	sadd.s32 s2, s17  }
0x8e: {  	[smem:$0x3FA5] =	sst s2  }
0x8f: {  	_ = 	snop  }
0x90: {  	s2 =	sld [smem:$0x3FD0];
	(tm) =	ssettm $0x1  }
0x91: {  	s18 =	sld [smem:$0x3FFB];
	_ =	sdelay $0x3  }
0x92: {  	_ =	strace s18  }
0x93: {  	s3 =	sld [smem:$0x3FFC];
	_ =	sdelay $0x3  }
0x94: {  	_ =	strace s3  }
0x95: {  	s3 =	sld [smem:$0x3FFD];
	_ =	sdelay $0x3  }
0x96: {  	_ =	strace s3  }
0x97: {  	_ =	strace $0x8FFFFFFF  }
0x98: {  	s19 =	sld [smem:$0x3FDB];
	_ =	sdelay $0x1  }
0x99: {  	s4 =	simm.s32 $_scs_section_size  }
0x9a: {  	s5 =	simm.s32 $_size__tile_overlayer_lowered;
	s6 =	simm.s32 $_tile_overlayer_lowered  }
0x9b: {  	s22 =	simm.s32 $0x1BFF;
	s21 =	sshll.u32 s6, $0x1;
	s3 =	sadd.s32 s4, s19  }
0x9c: {  	s7 =	simm.s32 $0x0;
	s20 =	sshll.u32 s5, $0x1;
	s5 =	sadd.s32 s21, s3  }
0x9d: {  	[timem:s7], [sflag:s22] =	dma.local [hbm:s5], s20  }
0x9e: {  	_ =	swait.ge [sflag:s22], s20  }
0x9f: {  	s4 =	ssub.s32 $0x0, s20;
	[sflag:s22] =	ssyncset.done $0x0  }
0xa0: {  	[sflag:s22] =	ssyncadd.s32 s4;
	_ =	sdelay $0x1  }
0xa1: {  	s23 =	simm.s32 $0x1B8B  }
0xa2: {  	_ =	swait.ge [sflag:s23], $0x1  }
0xa3: {  	[sflag:s23] =	ssyncset.done $0x0  }
0xa4: {  	s25 =	simm.s32 $0x1B8E;
	s24 =	sld [smem:$0x3FFE];
	[sflag:s23] =	ssyncadd.s32 $0xFFFFFFFF  }
0xa5: {  	s26 =	simm.s32 $execute0_lowered;
	[smem:$0x3FD2] =	sst s25  }
0xa6: {  	s5 =	sshll.u32 s26, $0x1;
	_ =	strace $0x80000049;
	[dreg:$0x1] =	wrdreg $0xFFFFFFFF  }
0xa7: {  	s28 =	simm.s32 $_size_execute0_lowered;
	s3 =	sadd.s32 s3, s5;
	[dreg:$0x0] =	wrdreg $0x0  }
0xa8: {  	s5 =	sshll.u32 s28, $0x1;
	[dreg:$0x2] =	wrdreg s3  }
0xa9: {  	[dreg:$0x3] =	wrdreg s5  }
0xaa: {  	[dreg:$0x4] =	wrdreg $0xC0  }
0xab: {  	_ =	task [dreg:s7], $0x5FFFF  }
0xac: {  	[dreg:$0x1] =	wrdreg $0xFFFFFFFF  }
0xad: {  	[dreg:$0x0] =	wrdreg $0x60  }
0xae: {  	[dreg:$0x2] =	wrdreg s24  }
0xaf: {  	[dreg:$0x3] =	wrdreg s2  }
0xb0: {  	[dreg:$0x4] =	wrdreg $0xA0000  }
0xb1: {  	[dreg:$0x5] =	wrdreg $0x9  }
0xb2: {  	_ =	task.clear_ibuf [dreg:s7], $0x6FFFF;
	_ =	strace $0x90000049  }
0xb3: {  	s29 =	simm.s32 $0x9;
	_ =	strace $0x8000004B  }
0xb4: {  	_ =	swait.ge [sflag:s29], $0x1  }
0xb5: {  	[sflag:s29] =	ssyncadd.s32 $0xFFFFFFFF  }
0xb6: {  	_ =	strace $0x9000004B  }
0xb7: {  	_ =	sfence  }
0xb8: {  	s30 =	sld [smem:$0x0];
	_ =	sdelay $0x2  }
0xb9: {  	s31 =	sshll.u32 s1, $0xD;
	s1 =	sshrl.u32 s1, $0x2  }
0xba: {  	s3 =	sand.u32 $0x4000, s31;
	s1 =	sadd.s32 s1, s30  }
0xbb: {  	s0 =	sor.u32 s3, s0;
	s1 =	sshll.u32 s1, $0x11  }
0xbc: {  	s0 =	sor.u32 s1, s0  }
0xbd: {  	s0 =	sadd.s32 $0x8F2B, s0  }
0xbe: {  	[sflag:s0] =	ssyncadd.remote.s32 $0x1  }
0xbf: {  	_ =	sfence.sel $0xFFFF  }
0xc0: {  	[dreg:$0x0] =	wrdreg $0xFFFFFFFF;
	(pc) =	sbr.abs _section_cstart, $3  }
0xc1: {  	[dreg:$0x1] =	wrdreg $0xFFFFFFFF  }
0xc2: {  	_ =	task.clear_ibuf [dreg:s7], $0x2FFFF;
	_ =	strace $0x9FFFFFFF  }
0xc3: {  	(tm) =	ssettm $0x7FFFFFFF  }
tec
execute0_lowered:
.L_overlay_start_1:
0x0: {  	(tag) =	ssettag $0x1  }
0x1: {  	s7 =	rddreg [dreg:$0x0]  }
0x2: {  	s1 =	rddreg [dreg:$0x1]  }
0x3: {  	s2 =	rddreg [dreg:$0x2]  }
0x4: {  	s0 =	rddreg [dreg:$0x3];
	s4 =	stileid.u32  }
0x5: {  	s3 =	simm.s32 $0x0;
	s5 =	srdreg.scid;
	s16 =	smul.u32 $0x13800, s4  }
0x6: {  	s23 =	simm.s32 $0x0;
	[smem:$0x7FF] =	sst s3;
	s18 =	smul.u32 $0x4E000, s4  }
0x7: {  	s12 =	sand.u32 $0x1, s5;
	s13 =	sadd.s32 $0x1E2BC00, s7;
	s19 =	smul.u32 $0x4E200, s4  }
0x8: {  	s5 =	sadd.s32 $0x12600, s7;
	s6 =	sadd.s32 $0x4D400, s7;
	s20 =	smul.u32 $0x4E20, s4  }
0x9: {  	s25 =	sshll.u32 s4, $0x1;
	s14 =	sadd.s32 $0xF86400, s7;
	s15 =	smul.u32 $0x138800, s12  }
0xa: {  	s21 =	sadd.s32 $0x124800, s2;
	p0 =	sne.s32 s4, $0x0;
	s29 =	smul.u32 $0x27100, s12  }
0xb: {  	p1 =	seq.s32 s4, $0xF;
	s8 =	sor.u32 s12, s25;
	s30 =	smul.u32 $0x2710, s12  }
0xc: {  	_ =	strace $0x8000004A;
	s10 =	ssub.s32 $0x2, s12;
	s9 =	smul.u32 $0x2710, s8  }
0xd: {  	s21 =	sshrl.u32 @p1 s21, $0x3;
	s26 =	sshrl.u32 s10, $0x1;
	s28 =	smul.u32 $0x27100, s8  }
0xe: {  	s18 =	sshrl.u32 s18, $0x2;
	s31 =	sadd.s32 s19, s13;
	s19 =	sshrl.u32 @!p0 s2, $0x3  }
0xf: {  	s17 =	ssub.s32 s10, s26;
	s16 =	sadd.s32 s16, s15;
	s15 =	sshrl.u32 s15, $0x3  }
0x10: {  	s22 =	sadd.s32 s18, s2;
	s18 =	simm.s32 $0x5100;
	s9 =	sshrl.u32 s9, $0x3  }
0x11: {  	s16 =	sshrl.u32 s16, $0x3;
	s22 =	sshrl.u32 @!p1 s22, $0x3;
	s11 =	sadd.s32 s9, s7  }
0x12: {  	s8 =	sadd.s32 s5, s9;
	s9 =	sadd.s32 s13, s28;
	s13 =	smax.u32 s17, $0x1  }
0x13: {  	s17 =	simm.s32 $0x3;
	s7 =	sadd.s32 $0x43600, s11;
	s10 =	sadd.s32 $0x74600, s11  }
0x14: {  	s11 =	sadd.s32 s14, s16;
	s14 =	sadd.s32 s14, s15;
	s15 =	sadd.s32 s30, s20  }
0x15: {  	s16 =	simm.s32 $0x7880;
	s12 =	sadd.s32 $0x24900, s14;
	s14 =	sadd.s32 s29, s31  }
0x16: {  	s20 =	simm.s32 $0x100;
	s15 =	sadd.s32 $0x50, s15;
	s14 =	sadd.s32 $0x500, s14  }
.LBB2_1:
0x17: {  	[tilespmem:s16], [sflag:$0x3] =	stream.linear.gather [hbm4b:s1+s3], $0x2780, $0x38;
	[tilespmem:$0x1D880] =	vst v63  }
0x18: {  	_ =	swait.ge [sflag:s17], $0x2780  }
0x19: {  	[sflag:s17] =	ssyncset.done $0x0  }
0x1a: {  	[sflag:s17] =	ssyncadd.s32 $0xFFFFD880  }
0x1b: {  	[tilespmem:s18], [sflag:$0x3] =	stream.linear.gather [hbm4b:s7+s3], $0x2710, $0x38;
	[tilespmem:$0x1D880] =	vst v63  }
0x1c: {  	_ =	swait.ge [sflag:s17], $0x2710  }
0x1d: {  	[sflag:s17] =	ssyncset.done $0x0  }
0x1e: {  	s24 =	simm.s32 @!p0 $0x1C03;
	[sflag:s17] =	ssyncadd.s32 $0xFFFFD8F0  }
0x1f: {  	[spmem:s19], [sflag:s24] =	dma.local @!p0 [hbm:s6], $0x27100  }
0x20: {  	s24 =	simm.s32 @!p0 $0x3  }
0x21: {  	_ =	swait.ge @!p0 [sflag:s24], $0x27100  }
0x22: {  	[sflag:s24] =	ssyncset.done @!p0 $0x0  }
0x23: {  	[sflag:s24] =	ssyncadd.s32 @!p0 $0xFFFD8F00  }
0x24: {  	s25 =	simm.s32 $0x5120;
	[bflag:$0x0] =	sbarrier.arrive $0xFFFF  }
0x25: {  	[tilespmem:s3], [sflag:$0x1] =	stream.linear.gather [hbm4b:s8+s3], $0x50, $0x38;
	[tilespmem:$0x1D880] =	vst v63  }
0x26: {  	s26 =	smov.u32 s15;
	s28 =	smov.u32 s14;
	s24 =	simm.s32 $0x1  }
0x27: {  	[tilespmem:s20], [sflag:$0x1] =	stream.linear.gather [hbm4b:s9+s3], $0x2800, $0x38;
	[tilespmem:$0x1D880] =	vst v63  }
.LBB2_2:
0x28: {  	s29 =	sand.u32 $0x1, s24  }
0x29: {  	p2 =	seq.s32 s29, $0x0  }
0x2a: {  	s29 =	simm.s32 @p2 $0x2  }
0x2b: {  	_ =	swait.ge @p2 [sflag:s29], $0x50  }
0x2c: {  	[sflag:s29] =	ssyncset.done @p2 $0x0  }
0x2d: {  	[sflag:s29] =	ssyncadd.s32 @p2 $0xFFFFFFB0  }
0x2e: {  	_ =	swait.ge @p2 [sflag:s29], $0x2800  }
0x2f: {  	s30 =	sshrl.u32 @p2 s26, $0x3;
	[sflag:s29] =	ssyncset.done @p2 $0x0  }
0x30: {  	[sflag:s29] =	ssyncadd.s32 @p2 $0xFFFFD800;
	s29 =	sadd.s32 @p2 s5, s30;
	s30 =	simm.s32 @p2 $0x0  }
0x31: {  	[tilespmem:s30], [sflag:$0x1] =	stream.linear.gather @p2 [hbm4b:s29+s30], $0x50, $0x38;
	[tilespmem:$0x1D880] =	vst v63  }
0x32: {  	s29 =	simm.s32 @p2 $0x100  }
0x33: {  	[tilespmem:s29], [sflag:$0x1] =	stream.linear.gather @p2 [hbm4b:s28+s30], $0x2800, $0x38;
	[tilespmem:$0x1D880] =	vst v63  }
0x34: {  	v0 =	vld @p2 [tilespmem:$0x80];
	_ =	sdelay $0x2  }
0x35: {  	v1 =	vld @p2 [tilespmem:s25+$0xFFFFFFE0];
	_ =	sdelay $0x3  }
0x36: {  	s29 =	simm.s32 @p2 $0x7880  }
0x37: {  	[tilespmem:v0+s29+$0x0] =	vst.idx.add.f32.msk @p2 $0xffff, v1  }
0x38: {  	v0 =	vld @p2 [tilespmem:$0x90];
	_ =	sdelay $0x2  }
0x39: {  	v1 =	vld @p2 [tilespmem:s25+$0xFFFFFFF0];
	_ =	sdelay $0x4  }
0x3a: {  	[tilespmem:v0+s29+$0x0] =	vst.idx.add.f32.msk @p2 $0xffff, v1  }
0x3b: {  	v0 =	vld @p2 [tilespmem:$0xA0];
	_ =	sdelay $0x2  }
0x3c: {  	v1 =	vld @p2 [tilespmem:s25+$0x0];
	_ =	sdelay $0x4  }
0x3d: {  	[tilespmem:v0+s29+$0x0] =	vst.idx.add.f32.msk @p2 $0xffff, v1  }
0x3e: {  	v0 =	vld @p2 [tilespmem:$0xB0];
	_ =	sdelay $0x2  }
0x3f: {  	v1 =	vld @p2 [tilespmem:s25+$0x10];
	_ =	sdelay $0x4  }
0x40: {  	[tilespmem:v0+s29+$0x0] =	vst.idx.add.f32.msk @p2 $0xffff, v1  }
0x41: {  	v0 =	vld @p2 [tilespmem:$0xC0];
	_ =	sdelay $0x2  }
0x42: {  	v1 =	vld @p2 [tilespmem:s25+$0x20];
	_ =	sdelay $0x4  }
0x43: {  	s31 =	simm.s32 @p2 $0x2900;
	s30 =	simm.s32 @p2 $0x80;
	[tilespmem:v0+s29+$0x0] =	vst.idx.add.f32.msk @p2 $0xffff, v1;
	s29 =	simm.s32 @p2 $0x50  }
0x44: {  	[spmem:s2] =	stream.indirect.scatter.add.f32 @p2 [tilespmem:s31], [sflag:$0x3], $0x80, s30, s29, $0xb8;
	[tilespmem:$0x1D880] =	vst v63  }
0x45: {  	s29 =	simm.s32 @!p2 $0x1  }
0x46: {  	_ =	swait.ge @!p2 [sflag:s29], $0x50  }
0x47: {  	[sflag:s29] =	ssyncset.done @!p2 $0x0  }
0x48: {  	[sflag:s29] =	ssyncadd.s32 @!p2 $0xFFFFFFB0  }
0x49: {  	p3 =	sgt.u32 @!p2 s24, $0x7C;
	_ =	swait.ge @!p2 [sflag:s29], $0x2800  }
0x4a: {  	p3 =	por p3, p2;
	[sflag:s29] =	ssyncset.done @!p2 $0x0  }
0x4b: {  	[sflag:s29] =	ssyncadd.s32 @!p2 $0xFFFFD800;
	s29 =	sshrl.u32 @!p3 s26, $0x3  }
0x4c: {  	s30 =	simm.s32 @!p3 $0x0;
	s31 =	simm.s32 @!p3 $0x80;
	s29 =	sadd.s32 @!p3 s5, s29  }
0x4d: {  	[tilespmem:s31], [sflag:$0x2] =	stream.linear.gather @!p3 [hbm4b:s29+s30], $0x50, $0x38;
	[tilespmem:$0x1D880] =	vst v63  }
0x4e: {  	s29 =	simm.s32 @!p3 $0x2900  }
0x4f: {  	[tilespmem:s29], [sflag:$0x2] =	stream.linear.gather @!p3 [hbm4b:s28+s30], $0x2800, $0x38;
	[tilespmem:$0x1D880] =	vst v63  }
0x50: {  	v0 =	vld @!p2 [tilespmem:$0x0];
	_ =	sdelay $0x2  }
0x51: {  	v1 =	vld @!p2 [tilespmem:s25+$0xFFFFFFE0];
	_ =	sdelay $0x3  }
0x52: {  	s29 =	simm.s32 @!p2 $0x7880  }
0x53: {  	[tilespmem:v0+s29+$0x0] =	vst.idx.add.f32.msk @!p2 $0xffff, v1  }
0x54: {  	v0 =	vld @!p2 [tilespmem:$0x10];
	_ =	sdelay $0x2  }
0x55: {  	v1 =	vld @!p2 [tilespmem:s25+$0xFFFFFFF0];
	_ =	sdelay $0x4  }
0x56: {  	[tilespmem:v0+s29+$0x0] =	vst.idx.add.f32.msk @!p2 $0xffff, v1  }
0x57: {  	v0 =	vld @!p2 [tilespmem:$0x20];
	_ =	sdelay $0x2  }
0x58: {  	v1 =	vld @!p2 [tilespmem:s25+$0x0];
	_ =	sdelay $0x4  }
0x59: {  	[tilespmem:v0+s29+$0x0] =	vst.idx.add.f32.msk @!p2 $0xffff, v1  }
0x5a: {  	v0 =	vld @!p2 [tilespmem:$0x30];
	_ =	sdelay $0x2  }
0x5b: {  	v1 =	vld @!p2 [tilespmem:s25+$0x10];
	_ =	sdelay $0x4  }
0x5c: {  	[tilespmem:v0+s29+$0x0] =	vst.idx.add.f32.msk @!p2 $0xffff, v1  }
0x5d: {  	v0 =	vld @!p2 [tilespmem:$0x40];
	_ =	sdelay $0x2  }
0x5e: {  	v1 =	vld @!p2 [tilespmem:s25+$0x20];
	_ =	sdelay $0x4  }
0x5f: {  	s31 =	simm.s32 @!p2 $0x100;
	s30 =	simm.s32 @!p2 $0x0;
	[tilespmem:v0+s29+$0x0] =	vst.idx.add.f32.msk @!p2 $0xffff, v1;
	s29 =	simm.s32 @!p2 $0x50  }
0x60: {  	[spmem:s2] =	stream.indirect.scatter.add.f32 @!p2 [tilespmem:s31], [sflag:$0x4], $0x80, s30, s29, $0xb8;
	[tilespmem:$0x1D880] =	vst v63  }
0x61: {  	s24 =	sadd.s32 $0x1, s24;
	s29 =	simm.s32 @!p2 $0x4  }
0x62: {  	s29 =	simm.s32 @p2 $0x3;
	p2 =	sne.s32 s24, $0x7E  }
.Ltmp0:
0x63: {  	_ = 	snop;
	(pc) =	sbr.rel @p2 .LBB2_2-.Ltmp0, $4  }
0x64: {  	_ = 	snop  }
0x65: {  	_ =	swait.ge [sflag:s29], $0x2800  }
0x66: {  	s26 =	sadd.s32 $0x50, s26;
	[sflag:s29] =	ssyncset.done $0x0  }
0x67: {  	s28 =	sadd.s32 $0x500, s28;
	s25 =	sadd.s32 $0x50, s25;
	[sflag:s29] =	ssyncadd.s32 $0xFFFFD800  }
0x68: {  	[hbm4b:s10+s3] =	stream.linear.scatter [tilespmem:s16], [sflag:$0x3], $0x2710, $0x38;
	[tilespmem:$0x1D880] =	vst v63  }
0x69: {  	_ =	swait.ge [sflag:s17], $0x2710  }
0x6a: {  	[sflag:s17] =	ssyncset.done $0x0  }
0x6b: {  	[sflag:s17] =	ssyncadd.s32 $0xFFFFD8F0  }
0x6c: {  	s24 =	simm.s32 @p1 $0x1FC3;
	[bflag:$0x0] =	sbarrier.arrive $0xFFFF  }
0x6d: {  	[hbm:s12], [sflag:s24] =	dma.local @p1 [spmem:s21], $0x2800  }
0x6e: {  	s24 =	simm.s32 @p1 $0x3  }
0x6f: {  	_ =	swait.ge @p1 [sflag:s24], $0x2800  }
0x70: {  	s25 =	sshll.u32 @!p1 s4, $0x6;
	s23 =	sadd.s32 $0x1, s23;
	[sflag:s24] =	ssyncset.done @p1 $0x0  }
0x71: {  	p2 =	sne.s32 s23, s13;
	[sflag:s24] =	ssyncadd.s32 @p1 $0xFFFFD800;
	s24 =	sor.u32 @!p1 $0x1C03, s25  }
0x72: {  	[hbm:s11], [sflag:s24] =	dma.local @!p1 [spmem:s22], $0x2700  }
.Ltmp1:
0x73: {  	_ = 	snop;
	(pc) =	sbr.rel @p2 .LBB2_1-.Ltmp1, $4  }
0x74: {  	s24 =	simm.s32 @!p1 $0x3  }
0x75: {  	_ =	swait.ge @!p1 [sflag:s24], $0x2700  }
0x76: {  	[sflag:s24] =	ssyncset.done @!p1 $0x0  }
0x77: {  	[sflag:s24] =	ssyncadd.s32 @!p1 $0xFFFFD900  }
0x78: {  	_ =	sfence.sel $0x180000  }
0x79: {  	[bflag:$0x0] =	sbarrier.arrive $0xFFFF  }
0x7a: {  	_ =	strace $0x9000004A  }
0x7b: {  	s0 =	sadd.s32 @!p0 $0x100000, s0;
	[bflag:$0x2] =	sbarrier.arrive $0xFFFF  }
0x7c: {  	[sflag:s0] =	ssyncadd.tile.s32 @!p0 $0x1;
	_ =	shalt  }
.Lfunc_end2:
_tile_overlayer_lowered:
.L_overlay_start_2:
0x7d: {  	(tag) =	ssettag $0x2  }
0x7e: {  	s0 =	rddreg [dreg:$0x0];
	s2 =	stileid.u32  }
0x7f: {  	s1 =	rddreg [dreg:$0x1];
	p0 =	sne.s32 s2, $0x0  }
0x80: {  	s3 =	rddreg [dreg:$0x2];
	[bflag:$0x3] =	sbarrier.arrive $0xFFFF;
	s2 =	simm.s32 @!p0 $0x1C03  }
0x81: {  	[timem:s3], [sflag:s2] =	dma.local @!p0 [hbm:s0], s1  }
0x82: {  	s0 =	simm.s32 @!p0 $0x3  }
0x83: {  	_ =	swait.ge @!p0 [sflag:s0], s1  }
0x84: {  	s1 =	ssub.s32 @!p0 $0x0, s1;
	[sflag:s0] =	ssyncset.done @!p0 $0x0  }
0x85: {  	[sflag:s0] =	ssyncadd.s32 @!p0 s1  }
0x86: {  	[bflag:$0x3] =	sbarrier.arrive $0xFFFF  }
0x87: {  	_ =	shalt  }

// kernel: kernel.23.cloned.1.call-start
scs
__scs_entry_jumppad:
0x0: {  	(pc) =	sbr.rel $0x88, $3  }
0x1: {  	(tag) =	ssettag $0x0;
	lr =	simm.s32 $0x1  }
0x2: {  	[smem:$0x3F7E] =	sst lr;
	_ =	strace $0xD0000000  }
0x3: {  	_ = 	snop  }
0x4: {  	_ = 	snop  }
0x5: {  	_ = 	snop  }
0x6: {  	_ = 	snop  }
0x7: {  	_ = 	snop  }
__scs_overlays_trampoline_lowered:
0x8: {  	[smem:$0x3F8D] =	sst s0  }
0x9: {  	[smem:$0x3F8E] =	sst s1  }
0xa: {  	[smem:$0x3F8F] =	sst s2  }
0xb: {  	[smem:$0x3F90] =	sst s3  }
0xc: {  	[smem:$0x3F91] =	sst s4  }
0xd: {  	[smem:$0x3F92] =	sst s5  }
0xe: {  	[smem:$0x3F93] =	sst s6  }
0xf: {  	[smem:$0x3F94] =	sst s7  }
0x10: {  	[smem:$0x3F95] =	sst s8  }
0x11: {  	[smem:$0x3F96] =	sst s9;
	s0 =	simm.s32 @!p0 $0x0  }
0x12: {  	s1 =	sld [smem:$0x3F7C];
	s0 =	simm.s32 @p0 $0x1  }
0x13: {  	[smem:$0x3F97] =	sst s0;
	s0 =	simm.s32 @!p1 $0x0  }
0x14: {  	s2 =	sld [smem:$0x3F7B];
	s0 =	simm.s32 @p1 $0x1  }
0x15: {  	[smem:$0x3F98] =	sst s0;
	s0 =	simm.s32 @!p2 $0x0  }
0x16: {  	s3 =	sld [smem:$0x3FDB];
	s0 =	simm.s32 @p2 $0x1  }
0x17: {  	s4 =	simm.s32 $0x1BF5;
	[smem:$0x3F9A] =	sst s0  }
0x18: {  	s0 =	sld [smem:$0x3F7D];
	_ =	swait.ge [sflag:s4], $0x0  }
0x19: {  	s7 =	sld [smem:$0x3F7E]  }
0x1a: {  	s8 =	sadd.s32 $0xFFFFE003, lr  }
0x1b: {  	s9 =	sadd.s32 $0xFFFFFEF7, lr;
	s5 =	simm.s32 $0xFFFFFFFF;
	p2 =	slt.u32 s8, $0xFFFFF086  }
0x1c: {  	p1 =	slt.u32 s9, $0xF7A;
	s5 =	simm.s32 @!p2 $0x0  }
0x1d: {  	s5 =	simm.s32 @p1 $0x1;
	p0 =	seq.s32 s7, s2  }
0x1e: {  	s7 =	smul.u32 @!p0 $0xF7A, s2;
	p2 =	seq.s32 @!p0 s5, $0x0  }
0x1f: {  	s9 =	smul.u32 $0xF7A, s1;
	s8 =	simm.s32 @!p0 $0x1BF5;
	p2 =	por !p2, p0  }
0x20: {  	[sflag:s8] =	ssyncset.s32 @!p0 $0xFFFFF086;
	s6 =	sadd.s32 @!p0 s3, s7;
	s7 =	simm.s32 @!p0 $0x108  }
0x21: {  	s3 =	sadd.s32 s3, s9;
	s6 =	sadd.s32 @!p0 $0x88, s6;
	s7 =	simm.s32 @p2 $0x1082  }
0x22: {  	[simem:s7], [sflag:s8] =	dma.local @!p0 [hbm:s6], $0xF7A  }
0x23: {  	s9 =	sor.u32 $0xD0000000, s2;
	s6 =	simm.s32 $0x108;
	_ =	swait.ge @!p0 [sflag:s8], $0x0  }
0x24: {  	s3 =	sadd.s32 $0x88, s3;
	s6 =	simm.s32 @!p1 $0x1082;
	[sflag:s4] =	ssyncset.s32 $0xFFFFF086  }
0x25: {  	[simem:s6], [sflag:s4] =	dma.local [hbm:s3], $0xF7A  }
0x26: {  	[smem:$0x3F7E] =	sst s1;
	(tag) =	ssettag s2;
	_ =	strace s9  }
0x27: {  	s1 =	sld [smem:$0x3F8E]  }
0x28: {  	s2 =	sld [smem:$0x3F8F]  }
0x29: {  	s4 =	sld [smem:$0x3F91]  }
0x2a: {  	p0 =	seq.s32 s5, $0x0;
	s5 =	sld [smem:$0x3F92]  }
0x2b: {  	s6 =	sld [smem:$0x3F93]  }
0x2c: {  	s7 =	sld [smem:$0x3F94]  }
0x2d: {  	s3 =	simm.s32 $0x108;
	s8 =	sld [smem:$0x3F95]  }
0x2e: {  	s3 =	simm.s32 @!p0 $0x1082;
	s9 =	sld [smem:$0x3F96]  }
0x2f: {  	lr =	sadd.s32 s0, s3;
	s0 =	sld [smem:$0x3F8D]  }
0x30: {  	s3 =	sld [smem:$0x3F90]  }
0x31: {  	[smem:$0x3F99] =	sst s10  }
0x32: {  	s10 =	sld [smem:$0x3F97];
	_ =	sdelay $0x3  }
0x33: {  	p0 =	seq.s32 s10, $0x1;
	s10 =	sld [smem:$0x3F99];
	_ =	sdelay $0x3  }
0x34: {  	[smem:$0x3F99] =	sst s10  }
0x35: {  	s10 =	sld [smem:$0x3F98];
	_ =	sdelay $0x3  }
0x36: {  	p1 =	seq.s32 s10, $0x1;
	s10 =	sld [smem:$0x3F99];
	_ =	sdelay $0x3  }
0x37: {  	[smem:$0x3F99] =	sst s10  }
0x38: {  	s10 =	sld [smem:$0x3F9A]  }
0x39: {  	_ = 	snop;
	(pc) =	sbr.ind lr, $3  }
0x3a: {  	_ = 	snop  }
0x3b: {  	_ = 	snop  }
0x3c: {  	p2 =	seq.s32 s10, $0x1;
	s10 =	sld [smem:$0x3F99]  }
0x3d: {  	_ =	shalt  }
0x3e: {  	_ =	shalt  }
0x3f: {  	_ =	shalt  }
0x40: {  	_ =	shalt  }
0x41: {  	_ =	shalt  }
0x42: {  	_ =	shalt  }
0x43: {  	_ =	shalt  }
0x44: {  	_ =	shalt  }
0x45: {  	_ =	shalt  }
0x46: {  	_ =	shalt  }
0x47: {  	_ =	shalt  }
0x48: {  	_ =	shalt  }
0x49: {  	_ =	shalt  }
0x4a: {  	_ =	shalt  }
0x4b: {  	_ =	shalt  }
0x4c: {  	_ =	shalt  }
0x4d: {  	_ =	shalt  }
0x4e: {  	_ =	shalt  }
0x4f: {  	_ =	shalt  }
0x50: {  	_ =	shalt  }
0x51: {  	_ =	shalt  }
0x52: {  	_ =	shalt  }
0x53: {  	_ =	shalt  }
0x54: {  	_ =	shalt  }
0x55: {  	_ =	shalt  }
0x56: {  	_ =	shalt  }
0x57: {  	_ =	shalt  }
0x58: {  	_ =	shalt  }
0x59: {  	_ =	shalt  }
0x5a: {  	_ =	shalt  }
0x5b: {  	_ =	shalt  }
0x5c: {  	_ =	shalt  }
0x5d: {  	_ =	shalt  }
0x5e: {  	_ =	shalt  }
0x5f: {  	_ =	shalt  }
0x60: {  	_ =	shalt  }
0x61: {  	_ =	shalt  }
0x62: {  	_ =	shalt  }
0x63: {  	_ =	shalt  }
0x64: {  	_ =	shalt  }
0x65: {  	_ =	shalt  }
0x66: {  	_ =	shalt  }
0x67: {  	_ =	shalt  }
0x68: {  	_ =	shalt  }
0x69: {  	_ =	shalt  }
0x6a: {  	_ =	shalt  }
0x6b: {  	_ =	shalt  }
0x6c: {  	_ =	shalt  }
0x6d: {  	_ =	shalt  }
0x6e: {  	_ =	shalt  }
0x6f: {  	_ =	shalt  }
0x70: {  	_ =	shalt  }
0x71: {  	_ =	shalt  }
0x72: {  	_ =	shalt  }
0x73: {  	_ =	shalt  }
0x74: {  	_ =	shalt  }
0x75: {  	_ =	shalt  }
0x76: {  	_ =	shalt  }
0x77: {  	_ =	shalt  }
0x78: {  	_ =	shalt  }
0x79: {  	_ =	shalt  }
0x7a: {  	_ =	shalt  }
0x7b: {  	_ =	shalt  }
0x7c: {  	_ =	shalt  }
0x7d: {  	_ =	shalt  }
0x7e: {  	_ =	shalt  }
0x7f: {  	_ =	shalt  }
0x80: {  	_ =	shalt  }
0x81: {  	_ =	shalt  }
0x82: {  	_ =	shalt  }
0x83: {  	_ =	shalt  }
0x84: {  	_ =	shalt  }
0x85: {  	_ =	shalt  }
0x86: {  	_ =	shalt  }
0x87: {  	_ =	shalt  }
.Lfunc_end0:
.L_simem_size_0:
called_computation.2_lowered:
.L_overlay_start_0:
0x88: {  	s2 =	sld [smem:$0x3FD9]  }
0x89: {  	s3 =	sld [smem:$0x3FFE];
	_ =	sdelay $0x1  }
0x8a: {  	s1 =	srdreg.scid  }
0x8b: {  	s0 =	sand.u32 $0x1, s1  }
0x8c: {  	s16 =	sshll.u32 s0, $0xA;
	s2 =	sadd.s32 s3, s2  }
0x8d: {  	s2 =	sadd.s32 s2, s16  }
0x8e: {  	[smem:$0x3FA5] =	sst s2  }
0x8f: {  	_ = 	snop  }
0x90: {  	(tm) =	ssettm $0x1  }
0x91: {  	s17 =	sld [smem:$0x3FFB];
	_ =	sdelay $0x3  }
0x92: {  	_ =	strace s17  }
0x93: {  	s2 =	sld [smem:$0x3FFC];
	_ =	sdelay $0x3  }
0x94: {  	_ =	strace s2  }
0x95: {  	s2 =	sld [smem:$0x3FFD];
	_ =	sdelay $0x3  }
0x96: {  	_ =	strace s2  }
0x97: {  	_ =	strace $0x8FFFFFFF  }
0x98: {  	s18 =	sld [smem:$0x3FDB];
	_ =	sdelay $0x1  }
0x99: {  	s19 =	simm.s32 $_scs_section_size  }
0x9a: {  	s4 =	simm.s32 $_size__tile_overlayer_lowered;
	s5 =	simm.s32 $_tile_overlayer_lowered  }
0x9b: {  	s22 =	simm.s32 $0x1BFF;
	s21 =	sshll.u32 s5, $0x1;
	s2 =	sadd.s32 s19, s18  }
0x9c: {  	s6 =	simm.s32 $0x0;
	s20 =	sshll.u32 s4, $0x1;
	s4 =	sadd.s32 s21, s2  }
0x9d: {  	[timem:s6], [sflag:s22] =	dma.local [hbm:s4], s20  }
0x9e: {  	_ =	swait.ge [sflag:s22], s20  }
0x9f: {  	s3 =	ssub.s32 $0x0, s20;
	[sflag:s22] =	ssyncset.done $0x0  }
0xa0: {  	[sflag:s22] =	ssyncadd.s32 s3;
	_ =	sdelay $0x1  }
0xa1: {  	s23 =	simm.s32 $0x1B8B  }
0xa2: {  	_ =	swait.ge [sflag:s23], $0x1  }
0xa3: {  	[sflag:s23] =	ssyncset.done $0x0  }
0xa4: {  	s25 =	simm.s32 $0x1B8E;
	s24 =	sld [smem:$0x3FFE];
	[sflag:s23] =	ssyncadd.s32 $0xFFFFFFFF  }
0xa5: {  	s26 =	simm.s32 $execute0_lowered;
	[smem:$0x3FD2] =	sst s25  }
0xa6: {  	s4 =	sshll.u32 s26, $0x1;
	_ =	strace $0x8000004C;
	[dreg:$0x1] =	wrdreg $0xFFFFFFFF  }
0xa7: {  	s28 =	simm.s32 $_size_execute0_lowered;
	s2 =	sadd.s32 s2, s4;
	[dreg:$0x0] =	wrdreg $0x0  }
0xa8: {  	s4 =	sshll.u32 s28, $0x1;
	[dreg:$0x2] =	wrdreg s2  }
0xa9: {  	[dreg:$0x3] =	wrdreg s4  }
0xaa: {  	[dreg:$0x4] =	wrdreg $0xC0  }
0xab: {  	_ =	task [dreg:s6], $0x5FFFF  }
0xac: {  	[dreg:$0x1] =	wrdreg $0xFFFFFFFF  }
0xad: {  	[dreg:$0x0] =	wrdreg $0x60  }
0xae: {  	[dreg:$0x2] =	wrdreg s24  }
0xaf: {  	[dreg:$0x3] =	wrdreg $0x9  }
0xb0: {  	_ =	task.clear_ibuf [dreg:s6], $0x4FFFF;
	_ =	strace $0x9000004C  }
0xb1: {  	s29 =	simm.s32 $0x9;
	_ =	strace $0x8000004E  }
0xb2: {  	_ =	swait.ge [sflag:s29], $0x1  }
0xb3: {  	[sflag:s29] =	ssyncadd.s32 $0xFFFFFFFF  }
0xb4: {  	_ =	strace $0x9000004E  }
0xb5: {  	_ =	sfence  }
0xb6: {  	s30 =	sld [smem:$0x0];
	_ =	sdelay $0x2  }
0xb7: {  	s31 =	sshll.u32 s1, $0xD;
	s1 =	sshrl.u32 s1, $0x2  }
0xb8: {  	s3 =	sand.u32 $0x4000, s31;
	s1 =	sadd.s32 s1, s30  }
0xb9: {  	s0 =	sor.u32 s3, s0;
	s1 =	sshll.u32 s1, $0x11  }
0xba: {  	s0 =	sor.u32 s1, s0  }
0xbb: {  	s0 =	sadd.s32 $0x8F2B, s0  }
0xbc: {  	[sflag:s0] =	ssyncadd.remote.s32 $0x1  }
0xbd: {  	_ =	sfence.sel $0xFFFF  }
0xbe: {  	[dreg:$0x0] =	wrdreg $0xFFFFFFFF;
	(pc) =	sbr.abs _section_cstart, $3  }
0xbf: {  	[dreg:$0x1] =	wrdreg $0xFFFFFFFF  }
0xc0: {  	_ =	task.clear_ibuf [dreg:s6], $0x2FFFF;
	_ =	strace $0x9FFFFFFF  }
0xc1: {  	(tm) =	ssettm $0x7FFFFFFF  }
tec
execute0_lowered:
.L_overlay_start_1:
0x0: {  	(tag) =	ssettag $0x1  }
0x1: {  	s0 =	srdreg.scid  }
0x2: {  	s12 =	stileid.u32;
	s1 =	rddreg [dreg:$0x0];
	s2 =	simm.s32 $0x0  }
0x3: {  	s15 =	simm.s32 $0x5;
	s17 =	simm.s32 $0x4F00;
	s16 =	simm.s32 $0x10F00  }
0x4: {  	s14 =	simm.s32 $0x1;
	s28 =	simm.s32 $0x15F00;
	s29 =	simm.s32 $0x16700  }
0x5: {  	s30 =	simm.s32 $0x16F00;
	s31 =	simm.s32 $0x17700;
	s0 =	sand.u32 $0x1, s0  }
0x6: {  	s3 =	sshll.u32 s12, $0x1;
	s4 =	sadd.s32 $0xF86400, s1;
	s21 =	smul.u32 $0x9C400, s12  }
0x7: {  	[smem:$0x7FF] =	sst s2;
	s6 =	sadd.s32 $0x556600, s1;
	s23 =	smul.u32 $0x4E200, s12  }
0x8: {  	s7 =	sadd.s32 $0x74600, s1;
	s12 =	simm.s32 $0x18F00;
	s11 =	smul.u32 $0x4E200, s0  }
0x9: {  	s3 =	sor.u32 s0, s3;
	s8 =	ssub.s32 $0x2, s0;
	s0 =	smul.u32 $0x27100, s0  }
0xa: {  	_ =	strace $0x8000004D;
	s3 =	smul.u32 $0x2710, s3;
	s10 =	sshrl.u32 s8, $0x1  }
0xb: {  	s24 =	sadd.s32 s21, s6;
	s26 =	sadd.s32 s23, s7;
	s23 =	simm.s32 $0x13F00  }
0xc: {  	s18 =	ssub.s32 s8, s10;
	s25 =	sadd.s32 s11, s24;
	s0 =	sadd.s32 s0, s26  }
0xd: {  	s10 =	simm.s32 $0x2;
	s11 =	simm.s32 $0x3;
	s24 =	simm.s32 $0x14700  }
0xe: {  	s26 =	simm.s32 $0x15700;
	s5 =	sshrl.u32 s3, $0x3;
	[dreg:$0x7] =	wrdreg s25  }
0xf: {  	s20 =	sadd.s32 $0x2700, s3;
	[dreg:$0x8] =	wrdreg s0;
	s25 =	simm.s32 $0x14F00  }
0x10: {  	s0 =	simm.s32 $0x18700;
	s9 =	sadd.s32 s5, s1;
	s5 =	sadd.s32 $0xFD4600, s1  }
0x11: {  	s22 =	sshll.u32 s20, $0x5;
	s8 =	sshll.u32 s20, $0x4;
	s1 =	smax.u32 s18, $0x1  }
.Ltmp0:
0x12: {  	s19 =	sadd.s32 $0x8800, s9;
	[dreg:$0x6] =	wrdreg s1;
	(pc) =	sbr.rel .LBB2_1-.Ltmp0, $4  }
0x13: {  	s18 =	simm.s32 $0x0;
	s9 =	sadd.s32 $0x12600, s9;
	[dreg:$0x2] =	wrdreg s19  }
0x14: {  	v2 =	vlaneseq.u32;
	s8 =	sadd.s32 s7, s8;
	s1 =	simm.s32 $0x17F00;
	[dreg:$0x3] =	wrdreg s9  }
0x15: {  	vm0 =	vmmov $0xffff;
	v1 =	vshrl.u32 v2, $0x3;
	s9 =	sadd.s32 s6, s22;
	[dreg:$0x5] =	wrdreg s8;
	s19 =	simm.s32 $0x5700  }
0x16: {  	v0 =	vand.u32 $0x7, v2;
	v2 =	vor.u32 $0x8, v2;
	v1 =	vmul.u32 $0x8, v1;
	s8 =	simm.s32 $0x80;
	[dreg:$0x4] =	wrdreg s9;
	s9 =	simm.s32 $0xCF00  }
.LBB2_8:
0x17: {  	s13 =	simm.s32 $0x4  }
0x18: {  	_ =	swait.ge [sflag:s13], $0x8000  }
0x19: {  	[sflag:s13] =	ssyncset.done $0x0  }
0x1a: {  	[sflag:s13] =	ssyncadd.s32 $0xFFFF8000  }
0x1b: {  	_ =	swait.ge [sflag:s13], $0x4000  }
0x1c: {  	[sflag:s13] =	ssyncset.done $0x0  }
0x1d: {  	[sflag:s13] =	ssyncadd.s32 $0xFFFFC000  }
0x1e: {  	v3 =	vld [tilespmem:$0x2700];
	_ =	sdelay $0x4  }
0x1f: {  	v4 =	vshll.u32 v3, $0x1  }
0x20: {  	v3 =	vand.u32 $0x7, v3;
	v4 =	vand.u32 $0xFFFFFFF0, v4  }
0x21: {  	v3 =	vor.u32 v3, v4  }
0x22: {  	v4 =	vperm.xlane v3, v0;
	_ =	sdelay $0x1  }
0x23: {  	v3 =	vperm.xlane v3, v2;
	v4 =	vadd.s32 v1, v4;
	_ =	sdelay $0x1  }
0x24: {  	v3 =	vadd.s32 v1, v3;
	_ =	sdelay $0x2  }
0x25: {  	[tilespmem:s17], [sflag:$0x1] =	stream.indirect_vreg.gather [hbm4b:s4+s2], $0x80, v4, vm0, $0xb8;
	[tilespmem:$0x1CF00] =	vst v63  }
0x26: {  	s19 =	simm.s32 $0x5700  }
0x27: {  	[tilespmem:s19], [sflag:$0x1] =	stream.indirect_vreg.gather [hbm4b:s4+s2], $0x80, v3, vm0, $0xb8;
	[tilespmem:$0x1CF00] =	vst v63  }
0x28: {  	s18 =	simm.s32 $0x10;
	s15 =	simm.s32 $0x4E80  }
0x29: {  	[tilespmem:s9], [sflag:$0x1] =	stream.indirect.gather [hbm4b:s5+s18], $0x80, s15, s18, $0xb8;
	[tilespmem:$0x1CF00] =	vst v63  }
0x2a: {  	_ =	swait.ge [sflag:s14], $0x1000  }
0x2b: {  	[sflag:s14] =	ssyncset.done $0x0  }
0x2c: {  	[sflag:s14] =	ssyncadd.s32 $0xFFFFF000  }
0x2d: {  	_ =	swait.ge [sflag:s14], $0x800  }
0x2e: {  	[sflag:s14] =	ssyncset.done $0x0  }
0x2f: {  	s15 =	simm.s32 $0x5;
	s20 =	rddreg [dreg:$0x4];
	[sflag:s14] =	ssyncadd.s32 $0xFFFFF800  }
0x30: {  	[hbm4b:s20+s2] =	stream.linear.scatter [tilespmem:s17], [sflag:$0x5], $0x1000, $0x38;
	[tilespmem:$0x1CF00] =	vst v63  }
0x31: {  	_ =	swait.ge [sflag:s15], $0x1000  }
0x32: {  	[sflag:s15] =	ssyncset.done $0x0  }
0x33: {  	s21 =	rddreg [dreg:$0x5];
	[sflag:s15] =	ssyncadd.s32 $0xFFFFF000  }
0x34: {  	[hbm4b:s21+s2] =	stream.linear.scatter [tilespmem:s9], [sflag:$0x5], $0x800, $0x38;
	[tilespmem:$0x1CF00] =	vst v63  }
0x35: {  	_ =	swait.ge [sflag:s15], $0x800  }
0x36: {  	s18 =	rddreg [dreg:$0x9]  }
0x37: {  	s22 =	rddreg [dreg:$0x6];
	s18 =	sadd.s32 $0x1, s18  }
0x38: {  	p0 =	sne.s32 s18, s22  }
.Ltmp1:
0x39: {  	_ = 	snop;
	(pc) =	sbr.rel @!p0 .LBB2_9-.Ltmp1, $3  }
0x3a: {  	_ =	sdelay $0x1  }
0x3b: {  	[sflag:s15] =	ssyncset.done $0x0  }
0x3c: {  	[sflag:s15] =	ssyncadd.s32 $0xFFFFF800  }
.LBB2_1:
0x3d: {  	[dreg:$0x9] =	wrdreg s18  }
0x3e: {  	s13 =	rddreg [dreg:$0x2]  }
0x3f: {  	[tilespmem:s2], [sflag:$0x5] =	stream.linear.gather [hbm4b:s13+s2], $0x2710, $0x38;
	[tilespmem:$0x1CF00] =	vst v63  }
0x40: {  	_ =	swait.ge [sflag:s15], $0x2710  }
0x41: {  	[sflag:s15] =	ssyncset.done $0x0  }
0x42: {  	s18 =	simm.s32 $0x2780;
	s22 =	rddreg [dreg:$0x3];
	[sflag:s15] =	ssyncadd.s32 $0xFFFFD8F0  }
0x43: {  	[tilespmem:s18], [sflag:$0x5] =	stream.linear.gather [hbm4b:s22+s2], $0x2710, $0x38;
	[tilespmem:$0x1CF00] =	vst v63  }
0x44: {  	_ =	swait.ge [sflag:s15], $0x2710  }
0x45: {  	[sflag:s15] =	ssyncset.done $0x0  }
0x46: {  	[sflag:s15] =	ssyncadd.s32 $0xFFFFD8F0  }
0x47: {  	v3 =	vld [tilespmem:$0x0];
	_ =	sdelay $0x4  }
0x48: {  	v4 =	vshll.u32 v3, $0x1  }
0x49: {  	v3 =	vand.u32 $0x7, v3;
	v4 =	vand.u32 $0xFFFFFFF0, v4  }
0x4a: {  	v3 =	vor.u32 v3, v4  }
0x4b: {  	v4 =	vperm.xlane v3, v0;
	_ =	sdelay $0x1  }
0x4c: {  	v3 =	vperm.xlane v3, v2;
	v4 =	vadd.s32 v1, v4;
	_ =	sdelay $0x1  }
0x4d: {  	v3 =	vadd.s32 v1, v3;
	_ =	sdelay $0x2  }
0x4e: {  	[tilespmem:s17], [sflag:$0x1] =	stream.indirect_vreg.gather [hbm4b:s4+s2], $0x80, v4, vm0, $0xb8;
	[tilespmem:$0x1CF00] =	vst v63  }
0x4f: {  	_ = 	snop  }
0x50: {  	[tilespmem:s19], [sflag:$0x1] =	stream.indirect_vreg.gather [hbm4b:s4+s2], $0x80, v3, vm0, $0xb8;
	[tilespmem:$0x1CF00] =	vst v63  }
0x51: {  	v3 =	vld [tilespmem:$0x10];
	_ =	sdelay $0x4  }
0x52: {  	v57 =	vshll.u32 v3, $0x1  }
0x53: {  	v3 =	vand.u32 $0x7, v3;
	v4 =	vand.u32 $0xFFFFFFF0, v57  }
0x54: {  	v3 =	vor.u32 v3, v4  }
0x55: {  	v4 =	vperm.xlane v3, v0;
	_ =	sdelay $0x1  }
0x56: {  	v3 =	vperm.xlane v3, v2;
	v4 =	vadd.s32 v1, v4;
	_ =	sdelay $0x1  }
0x57: {  	v3 =	vadd.s32 v1, v3;
	_ =	sdelay $0x1  }
0x58: {  	s19 =	simm.s32 $0x5F00  }
0x59: {  	[tilespmem:s19], [sflag:$0x1] =	stream.indirect_vreg.gather [hbm4b:s4+s2], $0x80, v4, vm0, $0xb8;
	[tilespmem:$0x1CF00] =	vst v63  }
0x5a: {  	s20 =	simm.s32 $0x6700  }
0x5b: {  	[tilespmem:s20], [sflag:$0x1] =	stream.indirect_vreg.gather [hbm4b:s4+s2], $0x80, v3, vm0, $0xb8;
	[tilespmem:$0x1CF00] =	vst v63  }
0x5c: {  	v3 =	vld [tilespmem:$0x20];
	_ =	sdelay $0x4  }
0x5d: {  	v58 =	vshll.u32 v3, $0x1  }
0x5e: {  	v3 =	vand.u32 $0x7, v3;
	v4 =	vand.u32 $0xFFFFFFF0, v58  }
0x5f: {  	v3 =	vor.u32 v3, v4  }
0x60: {  	v4 =	vperm.xlane v3, v0;
	_ =	sdelay $0x1  }
0x61: {  	v3 =	vperm.xlane v3, v2;
	v4 =	vadd.s32 v1, v4;
	_ =	sdelay $0x1  }
0x62: {  	v3 =	vadd.s32 v1, v3;
	_ =	sdelay $0x1  }
0x63: {  	s21 =	simm.s32 $0x6F00  }
0x64: {  	[tilespmem:s21], [sflag:$0x1] =	stream.indirect_vreg.gather [hbm4b:s4+s2], $0x80, v4, vm0, $0xb8;
	[tilespmem:$0x1CF00] =	vst v63  }
0x65: {  	s22 =	simm.s32 $0x7700  }
0x66: {  	[tilespmem:s22], [sflag:$0x1] =	stream.indirect_vreg.gather [hbm4b:s4+s2], $0x80, v3, vm0, $0xb8;
	[tilespmem:$0x1CF00] =	vst v63  }
0x67: {  	v3 =	vld [tilespmem:$0x30];
	_ =	sdelay $0x4  }
0x68: {  	v59 =	vshll.u32 v3, $0x1  }
0x69: {  	v3 =	vand.u32 $0x7, v3;
	v4 =	vand.u32 $0xFFFFFFF0, v59  }
0x6a: {  	v3 =	vor.u32 v3, v4  }
0x6b: {  	v4 =	vperm.xlane v3, v0;
	_ =	sdelay $0x1  }
0x6c: {  	v3 =	vperm.xlane v3, v2;
	v4 =	vadd.s32 v1, v4;
	_ =	sdelay $0x1  }
0x6d: {  	v3 =	vadd.s32 v1, v3;
	_ =	sdelay $0x1  }
0x6e: {  	s15 =	simm.s32 $0x7F00  }
0x6f: {  	[tilespmem:s15], [sflag:$0x1] =	stream.indirect_vreg.gather [hbm4b:s4+s2], $0x80, v4, vm0, $0xb8;
	[tilespmem:$0x1CF00] =	vst v63  }
0x70: {  	s19 =	simm.s32 $0x8700  }
0x71: {  	[tilespmem:s19], [sflag:$0x1] =	stream.indirect_vreg.gather [hbm4b:s4+s2], $0x80, v3, vm0, $0xb8;
	[tilespmem:$0x1CF00] =	vst v63  }
0x72: {  	v3 =	vld [tilespmem:$0x40];
	_ =	sdelay $0x4  }
0x73: {  	v60 =	vshll.u32 v3, $0x1  }
0x74: {  	v3 =	vand.u32 $0x7, v3;
	v4 =	vand.u32 $0xFFFFFFF0, v60  }
0x75: {  	v3 =	vor.u32 v3, v4  }
0x76: {  	v4 =	vperm.xlane v3, v0;
	_ =	sdelay $0x1  }
0x77: {  	v3 =	vperm.xlane v3, v2;
	v4 =	vadd.s32 v1, v4;
	_ =	sdelay $0x1  }
0x78: {  	v3 =	vadd.s32 v1, v3;
	_ =	sdelay $0x1  }
0x79: {  	s20 =	simm.s32 $0x8F00  }
0x7a: {  	[tilespmem:s20], [sflag:$0x1] =	stream.indirect_vreg.gather [hbm4b:s4+s2], $0x80, v4, vm0, $0xb8;
	[tilespmem:$0x1CF00] =	vst v63  }
0x7b: {  	s21 =	simm.s32 $0x9700  }
0x7c: {  	[tilespmem:s21], [sflag:$0x1] =	stream.indirect_vreg.gather [hbm4b:s4+s2], $0x80, v3, vm0, $0xb8;
	[tilespmem:$0x1CF00] =	vst v63  }
0x7d: {  	v3 =	vld [tilespmem:$0x50];
	_ =	sdelay $0x4  }
0x7e: {  	v61 =	vshll.u32 v3, $0x1  }
0x7f: {  	v3 =	vand.u32 $0x7, v3;
	v4 =	vand.u32 $0xFFFFFFF0, v61  }
0x80: {  	v3 =	vor.u32 v3, v4  }
0x81: {  	v4 =	vperm.xlane v3, v0;
	_ =	sdelay $0x1  }
0x82: {  	v3 =	vperm.xlane v3, v2;
	v4 =	vadd.s32 v1, v4;
	_ =	sdelay $0x1  }
0x83: {  	v3 =	vadd.s32 v1, v3;
	_ =	sdelay $0x1  }
0x84: {  	s22 =	simm.s32 $0x9F00  }
0x85: {  	[tilespmem:s22], [sflag:$0x1] =	stream.indirect_vreg.gather [hbm4b:s4+s2], $0x80, v4, vm0, $0xb8;
	[tilespmem:$0x1CF00] =	vst v63  }
0x86: {  	s15 =	simm.s32 $0xA700  }
0x87: {  	[tilespmem:s15], [sflag:$0x1] =	stream.indirect_vreg.gather [hbm4b:s4+s2], $0x80, v3, vm0, $0xb8;
	[tilespmem:$0x1CF00] =	vst v63  }
0x88: {  	v3 =	vld [tilespmem:$0x60];
	_ =	sdelay $0x4  }
0x89: {  	v62 =	vshll.u32 v3, $0x1  }
0x8a: {  	v3 =	vand.u32 $0x7, v3;
	v4 =	vand.u32 $0xFFFFFFF0, v62  }
0x8b: {  	v3 =	vor.u32 v3, v4  }
0x8c: {  	v4 =	vperm.xlane v3, v0;
	_ =	sdelay $0x1  }
0x8d: {  	v3 =	vperm.xlane v3, v2;
	v4 =	vadd.s32 v1, v4;
	_ =	sdelay $0x1  }
0x8e: {  	v3 =	vadd.s32 v1, v3;
	_ =	sdelay $0x1  }
0x8f: {  	s19 =	simm.s32 $0xAF00  }
0x90: {  	[tilespmem:s19], [sflag:$0x1] =	stream.indirect_vreg.gather [hbm4b:s4+s2], $0x80, v4, vm0, $0xb8;
	[tilespmem:$0x1CF00] =	vst v63  }
0x91: {  	s20 =	simm.s32 $0xB700  }
0x92: {  	[tilespmem:s20], [sflag:$0x1] =	stream.indirect_vreg.gather [hbm4b:s4+s2], $0x80, v3, vm0, $0xb8;
	[tilespmem:$0x1CF00] =	vst v63  }
0x93: {  	v3 =	vld [tilespmem:$0x70];
	_ =	sdelay $0x4  }
0x94: {  	v63 =	vshll.u32 v3, $0x1  }
0x95: {  	v3 =	vand.u32 $0x7, v3;
	v4 =	vand.u32 $0xFFFFFFF0, v63  }
0x96: {  	v3 =	vor.u32 v3, v4  }
0x97: {  	v4 =	vperm.xlane v3, v0;
	_ =	sdelay $0x1  }
0x98: {  	v3 =	vperm.xlane v3, v2;
	v4 =	vadd.s32 v1, v4;
	_ =	sdelay $0x1  }
0x99: {  	v3 =	vadd.s32 v1, v3;
	_ =	sdelay $0x1  }
0x9a: {  	s21 =	simm.s32 $0xBF00  }
0x9b: {  	[tilespmem:s21], [sflag:$0x1] =	stream.indirect_vreg.gather [hbm4b:s4+s2], $0x80, v4, vm0, $0xb8;
	[tilespmem:$0x1CF00] =	vst v63  }
.Ltmp2:
0x9c: {  	s22 =	simm.s32 $0xC700;
	(pc) =	sbr.rel .LBB2_2-.Ltmp2, $4  }
0x9d: {  	[tilespmem:s22], [sflag:$0x1] =	stream.indirect_vreg.gather [hbm4b:s4+s2], $0x80, v3, vm0, $0xb8;
	[tilespmem:$0x1CF00] =	vst v63  }
0x9e: {  	s13 =	simm.s32 $0x0;
	s15 =	rddreg [dreg:$0x8]  }
0x9f: {  	[tilespmem:s9], [sflag:$0x1] =	stream.indirect.gather [hbm4b:s5+s8], $0x80, s18, s8, $0xb8;
	[tilespmem:$0x1CF00] =	vst v63  }
0xa0: {  	s19 =	simm.s32 $0x0;
	s20 =	simm.s32 $0x0;
	s18 =	rddreg [dreg:$0x7]  }
.LBB2_6:
0xa1: {  	s21 =	sadd.s32 s3, s21  }
0xa2: {  	s22 =	sshll.u32 s21, $0x5  }
0xa3: {  	s21 =	sshll.u32 s21, $0x4;
	s22 =	sadd.s32 s6, s22  }
0xa4: {  	[hbm4b:s22+s2] =	stream.linear.scatter [tilespmem:s16], [sflag:$0x4], $0x8000, $0x38;
	[tilespmem:$0x1CF00] =	vst v63  }
0xa5: {  	s21 =	sadd.s32 s7, s21  }
0xa6: {  	[hbm4b:s21+s2] =	stream.linear.scatter [tilespmem:s12], [sflag:$0x4], $0x4000, $0x38;
	[tilespmem:$0x1CF00] =	vst v63  }
.LBB2_7:
0xa7: {  	s13 =	sadd.s32 $0x200, s13  }
0xa8: {  	p0 =	sne.s32 s13, $0x9C00  }
.Ltmp3:
0xa9: {  	_ = 	snop;
	(pc) =	sbr.rel @!p0 .LBB2_8-.Ltmp3, $3  }
0xaa: {  	_ =	sdelay $0x1  }
0xab: {  	s20 =	sadd.s32 $0x1, s20  }
0xac: {  	s19 =	sadd.s32 $0x80, s19;
	s18 =	sadd.s32 $0x1000, s18;
	s15 =	sadd.s32 $0x800, s15  }
.LBB2_2:
0xad: {  	s21 =	sand.u32 $0x1, s20  }
0xae: {  	p0 =	seq.s32 s21, $0x1  }
.Ltmp4:
0xaf: {  	_ = 	snop;
	(pc) =	sbr.rel @!p0 .LBB2_3-.Ltmp4, $1  }
0xb0: {  	_ =	sdelay $0x3  }
0xb1: {  	_ =	swait.ge [sflag:s10], $0x8000  }
0xb2: {  	[sflag:s10] =	ssyncset.done $0x0  }
0xb3: {  	[sflag:s10] =	ssyncadd.s32 $0xFFFF8000  }
0xb4: {  	_ =	swait.ge [sflag:s10], $0x4000  }
0xb5: {  	[sflag:s10] =	ssyncset.done $0x0  }
0xb6: {  	[sflag:s10] =	ssyncadd.s32 $0xFFFFC000  }
0xb7: {  	p0 =	seq.s32 s13, $0x9A00;
	_ =	swait.ge [sflag:s11], $0x8000  }
.Ltmp5:
0xb8: {  	[sflag:s11] =	ssyncset.done $0x0;
	(pc) =	sbr.rel @p0 .LBB2_6-.Ltmp5, $4  }
0xb9: {  	[sflag:s11] =	ssyncadd.s32 $0xFFFF8000  }
0xba: {  	_ =	swait.ge [sflag:s11], $0x4000  }
0xbb: {  	[sflag:s11] =	ssyncset.done $0x0  }
0xbc: {  	s21 =	simm.s32 $0x2680;
	[sflag:s11] =	ssyncadd.s32 $0xFFFFC000  }
0xbd: {  	s21 =	sshra.s32 s13, $0x2  }
0xbe: {  	v3 =	vld [tilespmem:s21+$0x80];
	_ =	sdelay $0x4  }
0xbf: {  	v4 =	vshll.u32 v3, $0x1  }
0xc0: {  	v3 =	vand.u32 $0x7, v3;
	v4 =	vand.u32 $0xFFFFFFF0, v4  }
0xc1: {  	v3 =	vor.u32 v3, v4  }
0xc2: {  	v4 =	vperm.xlane v3, v0;
	_ =	sdelay $0x1  }
0xc3: {  	v3 =	vperm.xlane v3, v2;
	v4 =	vadd.s32 v1, v4;
	_ =	sdelay $0x1  }
0xc4: {  	v3 =	vadd.s32 v1, v3;
	_ =	sdelay $0x2  }
0xc5: {  	[tilespmem:s17], [sflag:$0x1] =	stream.indirect_vreg.gather [hbm4b:s4+s2], $0x80, v4, vm0, $0xb8;
	[tilespmem:$0x1CF00] =	vst v63  }
0xc6: {  	s22 =	simm.s32 $0x5700  }
0xc7: {  	[tilespmem:s22], [sflag:$0x1] =	stream.indirect_vreg.gather [hbm4b:s4+s2], $0x80, v3, vm0, $0xb8;
	[tilespmem:$0x1CF00] =	vst v63  }
0xc8: {  	v3 =	vld [tilespmem:s21+$0x90];
	_ =	sdelay $0x4  }
0xc9: {  	v57 =	vshll.u32 v3, $0x1  }
0xca: {  	v3 =	vand.u32 $0x7, v3;
	v4 =	vand.u32 $0xFFFFFFF0, v57  }
0xcb: {  	v3 =	vor.u32 v3, v4  }
0xcc: {  	v4 =	vperm.xlane v3, v0;
	_ =	sdelay $0x1  }
0xcd: {  	v3 =	vperm.xlane v3, v2;
	v4 =	vadd.s32 v1, v4;
	_ =	sdelay $0x1  }
0xce: {  	v3 =	vadd.s32 v1, v3;
	_ =	sdelay $0x1  }
0xcf: {  	s22 =	simm.s32 $0x5F00  }
0xd0: {  	[tilespmem:s22], [sflag:$0x1] =	stream.indirect_vreg.gather [hbm4b:s4+s2], $0x80, v4, vm0, $0xb8;
	[tilespmem:$0x1CF00] =	vst v63  }
0xd1: {  	s22 =	simm.s32 $0x6700  }
0xd2: {  	[tilespmem:s22], [sflag:$0x1] =	stream.indirect_vreg.gather [hbm4b:s4+s2], $0x80, v3, vm0, $0xb8;
	[tilespmem:$0x1CF00] =	vst v63  }
0xd3: {  	v3 =	vld [tilespmem:s21+$0xA0];
	_ =	sdelay $0x4  }
0xd4: {  	v58 =	vshll.u32 v3, $0x1  }
0xd5: {  	v3 =	vand.u32 $0x7, v3;
	v4 =	vand.u32 $0xFFFFFFF0, v58  }
0xd6: {  	v3 =	vor.u32 v3, v4  }
0xd7: {  	v4 =	vperm.xlane v3, v0;
	_ =	sdelay $0x1  }
0xd8: {  	v3 =	vperm.xlane v3, v2;
	v4 =	vadd.s32 v1, v4;
	_ =	sdelay $0x1  }
0xd9: {  	v3 =	vadd.s32 v1, v3;
	_ =	sdelay $0x1  }
0xda: {  	s22 =	simm.s32 $0x6F00  }
0xdb: {  	[tilespmem:s22], [sflag:$0x1] =	stream.indirect_vreg.gather [hbm4b:s4+s2], $0x80, v4, vm0, $0xb8;
	[tilespmem:$0x1CF00] =	vst v63  }
0xdc: {  	s22 =	simm.s32 $0x7700  }
0xdd: {  	[tilespmem:s22], [sflag:$0x1] =	stream.indirect_vreg.gather [hbm4b:s4+s2], $0x80, v3, vm0, $0xb8;
	[tilespmem:$0x1CF00] =	vst v63  }
0xde: {  	v3 =	vld [tilespmem:s21+$0xB0];
	_ =	sdelay $0x4  }
0xdf: {  	v59 =	vshll.u32 v3, $0x1  }
0xe0: {  	v3 =	vand.u32 $0x7, v3;
	v4 =	vand.u32 $0xFFFFFFF0, v59  }
0xe1: {  	v3 =	vor.u32 v3, v4  }
0xe2: {  	v4 =	vperm.xlane v3, v0;
	_ =	sdelay $0x1  }
0xe3: {  	v3 =	vperm.xlane v3, v2;
	v4 =	vadd.s32 v1, v4;
	_ =	sdelay $0x1  }
0xe4: {  	v3 =	vadd.s32 v1, v3;
	_ =	sdelay $0x1  }
0xe5: {  	s22 =	simm.s32 $0x7F00  }
0xe6: {  	[tilespmem:s22], [sflag:$0x1] =	stream.indirect_vreg.gather [hbm4b:s4+s2], $0x80, v4, vm0, $0xb8;
	[tilespmem:$0x1CF00] =	vst v63  }
0xe7: {  	s22 =	simm.s32 $0x8700  }
0xe8: {  	[tilespmem:s22], [sflag:$0x1] =	stream.indirect_vreg.gather [hbm4b:s4+s2], $0x80, v3, vm0, $0xb8;
	[tilespmem:$0x1CF00] =	vst v63  }
0xe9: {  	v3 =	vld [tilespmem:s21+$0xC0];
	_ =	sdelay $0x4  }
0xea: {  	v60 =	vshll.u32 v3, $0x1  }
0xeb: {  	v3 =	vand.u32 $0x7, v3;
	v4 =	vand.u32 $0xFFFFFFF0, v60  }
0xec: {  	v3 =	vor.u32 v3, v4  }
0xed: {  	v4 =	vperm.xlane v3, v0;
	_ =	sdelay $0x1  }
0xee: {  	v3 =	vperm.xlane v3, v2;
	v4 =	vadd.s32 v1, v4;
	_ =	sdelay $0x1  }
0xef: {  	v3 =	vadd.s32 v1, v3;
	_ =	sdelay $0x1  }
0xf0: {  	s22 =	simm.s32 $0x8F00  }
0xf1: {  	[tilespmem:s22], [sflag:$0x1] =	stream.indirect_vreg.gather [hbm4b:s4+s2], $0x80, v4, vm0, $0xb8;
	[tilespmem:$0x1CF00] =	vst v63  }
0xf2: {  	s22 =	simm.s32 $0x9700  }
0xf3: {  	[tilespmem:s22], [sflag:$0x1] =	stream.indirect_vreg.gather [hbm4b:s4+s2], $0x80, v3, vm0, $0xb8;
	[tilespmem:$0x1CF00] =	vst v63  }
0xf4: {  	v3 =	vld [tilespmem:s21+$0xD0];
	_ =	sdelay $0x4  }
0xf5: {  	v61 =	vshll.u32 v3, $0x1  }
0xf6: {  	v3 =	vand.u32 $0x7, v3;
	v4 =	vand.u32 $0xFFFFFFF0, v61  }
0xf7: {  	v3 =	vor.u32 v3, v4  }
0xf8: {  	v4 =	vperm.xlane v3, v0;
	_ =	sdelay $0x1  }
0xf9: {  	v3 =	vperm.xlane v3, v2;
	v4 =	vadd.s32 v1, v4;
	_ =	sdelay $0x1  }
0xfa: {  	v3 =	vadd.s32 v1, v3;
	_ =	sdelay $0x1  }
0xfb: {  	s22 =	simm.s32 $0x9F00  }
0xfc: {  	[tilespmem:s22], [sflag:$0x1] =	stream.indirect_vreg.gather [hbm4b:s4+s2], $0x80, v4, vm0, $0xb8;
	[tilespmem:$0x1CF00] =	vst v63  }
0xfd: {  	s22 =	simm.s32 $0xA700  }
0xfe: {  	[tilespmem:s22], [sflag:$0x1] =	stream.indirect_vreg.gather [hbm4b:s4+s2], $0x80, v3, vm0, $0xb8;
	[tilespmem:$0x1CF00] =	vst v63  }
0xff: {  	v3 =	vld [tilespmem:s21+$0xE0];
	_ =	sdelay $0x4  }
0x100: {  	v62 =	vshll.u32 v3, $0x1  }
0x101: {  	v3 =	vand.u32 $0x7, v3;
	v4 =	vand.u32 $0xFFFFFFF0, v62  }
0x102: {  	v3 =	vor.u32 v3, v4  }
0x103: {  	v4 =	vperm.xlane v3, v0;
	_ =	sdelay $0x1  }
0x104: {  	v3 =	vperm.xlane v3, v2;
	v4 =	vadd.s32 v1, v4;
	_ =	sdelay $0x1  }
0x105: {  	v3 =	vadd.s32 v1, v3;
	_ =	sdelay $0x1  }
0x106: {  	s22 =	simm.s32 $0xAF00  }
0x107: {  	[tilespmem:s22], [sflag:$0x1] =	stream.indirect_vreg.gather [hbm4b:s4+s2], $0x80, v4, vm0, $0xb8;
	[tilespmem:$0x1CF00] =	vst v63  }
0x108: {  	s22 =	simm.s32 $0xB700  }
0x109: {  	[tilespmem:s22], [sflag:$0x1] =	stream.indirect_vreg.gather [hbm4b:s4+s2], $0x80, v3, vm0, $0xb8;
	[tilespmem:$0x1CF00] =	vst v63  }
0x10a: {  	v3 =	vld [tilespmem:s21+$0xF0];
	_ =	sdelay $0x4  }
0x10b: {  	v63 =	vshll.u32 v3, $0x1  }
0x10c: {  	v3 =	vand.u32 $0x7, v3;
	v4 =	vand.u32 $0xFFFFFFF0, v63  }
0x10d: {  	v3 =	vor.u32 v3, v4  }
0x10e: {  	v4 =	vperm.xlane v3, v0;
	_ =	sdelay $0x1  }
0x10f: {  	v3 =	vperm.xlane v3, v2;
	v4 =	vadd.s32 v1, v4;
	_ =	sdelay $0x1  }
0x110: {  	v3 =	vadd.s32 v1, v3;
	_ =	sdelay $0x1  }
0x111: {  	s22 =	simm.s32 $0xBF00  }
0x112: {  	[tilespmem:s22], [sflag:$0x1] =	stream.indirect_vreg.gather [hbm4b:s4+s2], $0x80, v4, vm0, $0xb8;
	[tilespmem:$0x1CF00] =	vst v63  }
.Ltmp6:
0x113: {  	s22 =	simm.s32 $0xC700;
	(pc) =	sbr.rel .LBB2_6-.Ltmp6, $4  }
0x114: {  	[tilespmem:s22], [sflag:$0x1] =	stream.indirect_vreg.gather [hbm4b:s4+s2], $0x80, v3, vm0, $0xb8;
	[tilespmem:$0x1CF00] =	vst v63  }
0x115: {  	s21 =	sadd.s32 $0x2800, s21  }
0x116: {  	[tilespmem:s9], [sflag:$0x1] =	stream.indirect.gather [hbm4b:s5+s8], $0x80, s21, s8, $0xb8;
	[tilespmem:$0x1CF00] =	vst v63  }
0x117: {  	s21 =	smov.u32 s19  }
.LBB2_3:
0x118: {  	_ =	swait.ge [sflag:s14], $0x8000  }
0x119: {  	[sflag:s14] =	ssyncset.done $0x0  }
0x11a: {  	[sflag:s14] =	ssyncadd.s32 $0xFFFF8000  }
0x11b: {  	_ =	swait.ge [sflag:s14], $0x4000  }
0x11c: {  	p0 =	seq.s32 s13, $0x0;
	[sflag:s14] =	ssyncset.done $0x0  }
0x11d: {  	s21 =	simm.s32 @!p0 $0x4;
	[sflag:s14] =	ssyncadd.s32 $0xFFFFC000  }
0x11e: {  	_ =	swait.ge @!p0 [sflag:s21], $0x8000  }
0x11f: {  	[sflag:s21] =	ssyncset.done @!p0 $0x0  }
0x120: {  	[sflag:s21] =	ssyncadd.s32 @!p0 $0xFFFF8000  }
0x121: {  	_ =	swait.ge @!p0 [sflag:s21], $0x4000  }
0x122: {  	[sflag:s21] =	ssyncset.done @!p0 $0x0  }
0x123: {  	[sflag:s21] =	ssyncadd.s32 @!p0 $0xFFFFC000;
	s21 =	sshra.s32 s13, $0x2  }
0x124: {  	v3 =	vld [tilespmem:s21+$0x80];
	_ =	sdelay $0x4  }
0x125: {  	v4 =	vshll.u32 v3, $0x1  }
0x126: {  	v3 =	vand.u32 $0x7, v3;
	v4 =	vand.u32 $0xFFFFFFF0, v4  }
0x127: {  	v3 =	vor.u32 v3, v4  }
0x128: {  	v4 =	vperm.xlane v3, v0;
	_ =	sdelay $0x1  }
0x129: {  	v3 =	vperm.xlane v3, v2;
	v4 =	vadd.s32 v1, v4;
	_ =	sdelay $0x1  }
0x12a: {  	v3 =	vadd.s32 v1, v3;
	_ =	sdelay $0x2  }
0x12b: {  	[tilespmem:s16], [sflag:$0x2] =	stream.indirect_vreg.gather [hbm4b:s4+s2], $0x80, v4, vm0, $0xb8;
	[tilespmem:$0x1CF00] =	vst v63  }
0x12c: {  	s22 =	simm.s32 $0x11700  }
0x12d: {  	[tilespmem:s22], [sflag:$0x2] =	stream.indirect_vreg.gather [hbm4b:s4+s2], $0x80, v3, vm0, $0xb8;
	[tilespmem:$0x1CF00] =	vst v63  }
0x12e: {  	v3 =	vld [tilespmem:s21+$0x90];
	_ =	sdelay $0x4  }
0x12f: {  	v57 =	vshll.u32 v3, $0x1  }
0x130: {  	v3 =	vand.u32 $0x7, v3;
	v4 =	vand.u32 $0xFFFFFFF0, v57  }
0x131: {  	v3 =	vor.u32 v3, v4  }
0x132: {  	v4 =	vperm.xlane v3, v0;
	_ =	sdelay $0x1  }
0x133: {  	v3 =	vperm.xlane v3, v2;
	v4 =	vadd.s32 v1, v4;
	_ =	sdelay $0x1  }
0x134: {  	v3 =	vadd.s32 v1, v3;
	_ =	sdelay $0x1  }
0x135: {  	s22 =	simm.s32 $0x11F00  }
0x136: {  	[tilespmem:s22], [sflag:$0x2] =	stream.indirect_vreg.gather [hbm4b:s4+s2], $0x80, v4, vm0, $0xb8;
	[tilespmem:$0x1CF00] =	vst v63  }
0x137: {  	s22 =	simm.s32 $0x12700  }
0x138: {  	[tilespmem:s22], [sflag:$0x2] =	stream.indirect_vreg.gather [hbm4b:s4+s2], $0x80, v3, vm0, $0xb8;
	[tilespmem:$0x1CF00] =	vst v63  }
0x139: {  	v3 =	vld [tilespmem:s21+$0xA0];
	_ =	sdelay $0x4  }
0x13a: {  	v58 =	vshll.u32 v3, $0x1  }
0x13b: {  	v3 =	vand.u32 $0x7, v3;
	v4 =	vand.u32 $0xFFFFFFF0, v58  }
0x13c: {  	v3 =	vor.u32 v3, v4  }
0x13d: {  	v4 =	vperm.xlane v3, v0;
	_ =	sdelay $0x1  }
0x13e: {  	v3 =	vperm.xlane v3, v2;
	v4 =	vadd.s32 v1, v4;
	_ =	sdelay $0x1  }
0x13f: {  	v3 =	vadd.s32 v1, v3;
	_ =	sdelay $0x1  }
0x140: {  	s22 =	simm.s32 $0x12F00  }
0x141: {  	[tilespmem:s22], [sflag:$0x2] =	stream.indirect_vreg.gather [hbm4b:s4+s2], $0x80, v4, vm0, $0xb8;
	[tilespmem:$0x1CF00] =	vst v63  }
0x142: {  	s22 =	simm.s32 $0x13700  }
0x143: {  	[tilespmem:s22], [sflag:$0x2] =	stream.indirect_vreg.gather [hbm4b:s4+s2], $0x80, v3, vm0, $0xb8;
	[tilespmem:$0x1CF00] =	vst v63  }
0x144: {  	v3 =	vld [tilespmem:s21+$0xB0];
	_ =	sdelay $0x4  }
0x145: {  	v59 =	vshll.u32 v3, $0x1  }
0x146: {  	v3 =	vand.u32 $0x7, v3;
	v4 =	vand.u32 $0xFFFFFFF0, v59  }
0x147: {  	v3 =	vor.u32 v3, v4  }
0x148: {  	v4 =	vperm.xlane v3, v0;
	_ =	sdelay $0x1  }
0x149: {  	v3 =	vperm.xlane v3, v2;
	v4 =	vadd.s32 v1, v4;
	_ =	sdelay $0x1  }
0x14a: {  	v3 =	vadd.s32 v1, v3;
	_ =	sdelay $0x2  }
0x14b: {  	[tilespmem:s23], [sflag:$0x2] =	stream.indirect_vreg.gather [hbm4b:s4+s2], $0x80, v4, vm0, $0xb8;
	[tilespmem:$0x1CF00] =	vst v63  }
0x14c: {  	_ = 	snop  }
0x14d: {  	[tilespmem:s24], [sflag:$0x2] =	stream.indirect_vreg.gather [hbm4b:s4+s2], $0x80, v3, vm0, $0xb8;
	[tilespmem:$0x1CF00] =	vst v63  }
0x14e: {  	v3 =	vld [tilespmem:s21+$0xC0];
	_ =	sdelay $0x4  }
0x14f: {  	v60 =	vshll.u32 v3, $0x1  }
0x150: {  	v3 =	vand.u32 $0x7, v3;
	v4 =	vand.u32 $0xFFFFFFF0, v60  }
0x151: {  	v3 =	vor.u32 v3, v4  }
0x152: {  	v4 =	vperm.xlane v3, v0;
	_ =	sdelay $0x1  }
0x153: {  	v3 =	vperm.xlane v3, v2;
	v4 =	vadd.s32 v1, v4;
	_ =	sdelay $0x1  }
0x154: {  	v3 =	vadd.s32 v1, v3;
	_ =	sdelay $0x2  }
0x155: {  	[tilespmem:s25], [sflag:$0x2] =	stream.indirect_vreg.gather [hbm4b:s4+s2], $0x80, v4, vm0, $0xb8;
	[tilespmem:$0x1CF00] =	vst v63  }
0x156: {  	_ = 	snop  }
0x157: {  	[tilespmem:s26], [sflag:$0x2] =	stream.indirect_vreg.gather [hbm4b:s4+s2], $0x80, v3, vm0, $0xb8;
	[tilespmem:$0x1CF00] =	vst v63  }
0x158: {  	v3 =	vld [tilespmem:s21+$0xD0];
	_ =	sdelay $0x4  }
0x159: {  	v61 =	vshll.u32 v3, $0x1  }
0x15a: {  	v3 =	vand.u32 $0x7, v3;
	v4 =	vand.u32 $0xFFFFFFF0, v61  }
0x15b: {  	v3 =	vor.u32 v3, v4  }
0x15c: {  	v4 =	vperm.xlane v3, v0;
	_ =	sdelay $0x1  }
0x15d: {  	v3 =	vperm.xlane v3, v2;
	v4 =	vadd.s32 v1, v4;
	_ =	sdelay $0x1  }
0x15e: {  	v3 =	vadd.s32 v1, v3;
	_ =	sdelay $0x2  }
0x15f: {  	[tilespmem:s28], [sflag:$0x2] =	stream.indirect_vreg.gather [hbm4b:s4+s2], $0x80, v4, vm0, $0xb8;
	[tilespmem:$0x1CF00] =	vst v63  }
0x160: {  	_ = 	snop  }
0x161: {  	[tilespmem:s29], [sflag:$0x2] =	stream.indirect_vreg.gather [hbm4b:s4+s2], $0x80, v3, vm0, $0xb8;
	[tilespmem:$0x1CF00] =	vst v63  }
0x162: {  	v3 =	vld [tilespmem:s21+$0xE0];
	_ =	sdelay $0x4  }
0x163: {  	v62 =	vshll.u32 v3, $0x1  }
0x164: {  	v3 =	vand.u32 $0x7, v3;
	v4 =	vand.u32 $0xFFFFFFF0, v62  }
0x165: {  	v3 =	vor.u32 v3, v4  }
0x166: {  	v4 =	vperm.xlane v3, v0;
	_ =	sdelay $0x1  }
0x167: {  	v3 =	vperm.xlane v3, v2;
	v4 =	vadd.s32 v1, v4;
	_ =	sdelay $0x1  }
0x168: {  	v3 =	vadd.s32 v1, v3;
	_ =	sdelay $0x2  }
0x169: {  	[tilespmem:s30], [sflag:$0x2] =	stream.indirect_vreg.gather [hbm4b:s4+s2], $0x80, v4, vm0, $0xb8;
	[tilespmem:$0x1CF00] =	vst v63  }
0x16a: {  	_ = 	snop  }
0x16b: {  	[tilespmem:s31], [sflag:$0x2] =	stream.indirect_vreg.gather [hbm4b:s4+s2], $0x80, v3, vm0, $0xb8;
	[tilespmem:$0x1CF00] =	vst v63  }
0x16c: {  	v3 =	vld [tilespmem:s21+$0xF0];
	_ =	sdelay $0x4  }
0x16d: {  	v63 =	vshll.u32 v3, $0x1  }
0x16e: {  	v3 =	vand.u32 $0x7, v3;
	v4 =	vand.u32 $0xFFFFFFF0, v63  }
0x16f: {  	v3 =	vor.u32 v3, v4  }
0x170: {  	v4 =	vperm.xlane v3, v0;
	_ =	sdelay $0x1  }
0x171: {  	v3 =	vperm.xlane v3, v2;
	v4 =	vadd.s32 v1, v4;
	_ =	sdelay $0x1  }
0x172: {  	v3 =	vadd.s32 v1, v3;
	_ =	sdelay $0x2  }
0x173: {  	[tilespmem:s1], [sflag:$0x2] =	stream.indirect_vreg.gather [hbm4b:s4+s2], $0x80, v4, vm0, $0xb8;
	[tilespmem:$0x1CF00] =	vst v63  }
0x174: {  	_ = 	snop  }
0x175: {  	[tilespmem:s0], [sflag:$0x2] =	stream.indirect_vreg.gather [hbm4b:s4+s2], $0x80, v3, vm0, $0xb8;
	[tilespmem:$0x1CF00] =	vst v63  }
0x176: {  	s21 =	sadd.s32 $0x2800, s21  }
0x177: {  	[tilespmem:s12], [sflag:$0x2] =	stream.indirect.gather [hbm4b:s5+s8], $0x80, s21, s8, $0xb8;
	[tilespmem:$0x1CF00] =	vst v63  }
.Ltmp7:
0x178: {  	_ = 	snop;
	(pc) =	sbr.rel .LBB2_7-.Ltmp7, $4  }
0x179: {  	_ = 	snop  }
0x17a: {  	[hbm4b:s18+s2] =	stream.linear.scatter [tilespmem:s17], [sflag:$0x3], $0x8000, $0x38;
	[tilespmem:$0x1CF00] =	vst v63  }
0x17b: {  	_ = 	snop  }
0x17c: {  	[hbm4b:s15+s2] =	stream.linear.scatter [tilespmem:s9], [sflag:$0x3], $0x4000, $0x38;
	[tilespmem:$0x1CF00] =	vst v63  }
.LBB2_9:
0x17d: {  	_ =	sfence.sel $0x180000  }
0x17e: {  	[bflag:$0x0] =	sbarrier.arrive $0xFFFF  }
0x17f: {  	_ =	strace $0x9000004D  }
0x180: {  	s0 =	stileid.u32;
	[bflag:$0x2] =	sbarrier.arrive $0xFFFF  }
0x181: {  	p0 =	sne.s32 s0, $0x0;
	s0 =	rddreg [dreg:$0x1]  }
0x182: {  	s0 =	sadd.s32 @!p0 $0x100000, s0  }
0x183: {  	[sflag:s0] =	ssyncadd.tile.s32 @!p0 $0x1;
	_ =	shalt  }
.Lfunc_end2:
_tile_overlayer_lowered:
.L_overlay_start_2:
0x184: {  	(tag) =	ssettag $0x2  }
0x185: {  	s0 =	rddreg [dreg:$0x0];
	s2 =	stileid.u32  }
0x186: {  	s1 =	rddreg [dreg:$0x1];
	p0 =	sne.s32 s2, $0x0  }
0x187: {  	s3 =	rddreg [dreg:$0x2];
	[bflag:$0x3] =	sbarrier.arrive $0xFFFF;
	s2 =	simm.s32 @!p0 $0x1C05  }
0x188: {  	[timem:s3], [sflag:s2] =	dma.local @!p0 [hbm:s0], s1  }
0x189: {  	s0 =	simm.s32 @!p0 $0x5  }
0x18a: {  	_ =	swait.ge @!p0 [sflag:s0], s1  }
0x18b: {  	s1 =	ssub.s32 @!p0 $0x0, s1;
	[sflag:s0] =	ssyncset.done @!p0 $0x0  }
0x18c: {  	[sflag:s0] =	ssyncadd.s32 @!p0 s1  }
0x18d: {  	[bflag:$0x3] =	sbarrier.arrive $0xFFFF  }
0x18e: {  	_ =	shalt  }

// kernel: kernel.26.cloned.1.call-start
scs
__scs_entry_jumppad:
0x0: {  	(pc) =	sbr.rel $0x88, $3  }
0x1: {  	(tag) =	ssettag $0x0;
	lr =	simm.s32 $0x1  }
0x2: {  	[smem:$0x3F7E] =	sst lr;
	_ =	strace $0xD0000000  }
0x3: {  	_ = 	snop  }
0x4: {  	_ = 	snop  }
0x5: {  	_ = 	snop  }
0x6: {  	_ = 	snop  }
0x7: {  	_ = 	snop  }
__scs_overlays_trampoline_lowered:
0x8: {  	[smem:$0x3F8D] =	sst s0  }
0x9: {  	[smem:$0x3F8E] =	sst s1  }
0xa: {  	[smem:$0x3F8F] =	sst s2  }
0xb: {  	[smem:$0x3F90] =	sst s3  }
0xc: {  	[smem:$0x3F91] =	sst s4  }
0xd: {  	[smem:$0x3F92] =	sst s5  }
0xe: {  	[smem:$0x3F93] =	sst s6  }
0xf: {  	[smem:$0x3F94] =	sst s7  }
0x10: {  	[smem:$0x3F95] =	sst s8  }
0x11: {  	[smem:$0x3F96] =	sst s9;
	s0 =	simm.s32 @!p0 $0x0  }
0x12: {  	s1 =	sld [smem:$0x3F7C];
	s0 =	simm.s32 @p0 $0x1  }
0x13: {  	[smem:$0x3F97] =	sst s0;
	s0 =	simm.s32 @!p1 $0x0  }
0x14: {  	s2 =	sld [smem:$0x3F7B];
	s0 =	simm.s32 @p1 $0x1  }
0x15: {  	[smem:$0x3F98] =	sst s0;
	s0 =	simm.s32 @!p2 $0x0  }
0x16: {  	s3 =	sld [smem:$0x3FDB];
	s0 =	simm.s32 @p2 $0x1  }
0x17: {  	s4 =	simm.s32 $0x1BF5;
	[smem:$0x3F9A] =	sst s0  }
0x18: {  	s0 =	sld [smem:$0x3F7D];
	_ =	swait.ge [sflag:s4], $0x0  }
0x19: {  	s7 =	sld [smem:$0x3F7E]  }
0x1a: {  	s8 =	sadd.s32 $0xFFFFE003, lr  }
0x1b: {  	s9 =	sadd.s32 $0xFFFFFEF7, lr;
	s5 =	simm.s32 $0xFFFFFFFF;
	p2 =	slt.u32 s8, $0xFFFFF086  }
0x1c: {  	p1 =	slt.u32 s9, $0xF7A;
	s5 =	simm.s32 @!p2 $0x0  }
0x1d: {  	s5 =	simm.s32 @p1 $0x1;
	p0 =	seq.s32 s7, s2  }
0x1e: {  	s7 =	smul.u32 @!p0 $0xF7A, s2;
	p2 =	seq.s32 @!p0 s5, $0x0  }
0x1f: {  	s9 =	smul.u32 $0xF7A, s1;
	s8 =	simm.s32 @!p0 $0x1BF5;
	p2 =	por !p2, p0  }
0x20: {  	[sflag:s8] =	ssyncset.s32 @!p0 $0xFFFFF086;
	s6 =	sadd.s32 @!p0 s3, s7;
	s7 =	simm.s32 @!p0 $0x108  }
0x21: {  	s3 =	sadd.s32 s3, s9;
	s6 =	sadd.s32 @!p0 $0x88, s6;
	s7 =	simm.s32 @p2 $0x1082  }
0x22: {  	[simem:s7], [sflag:s8] =	dma.local @!p0 [hbm:s6], $0xF7A  }
0x23: {  	s9 =	sor.u32 $0xD0000000, s2;
	s6 =	simm.s32 $0x108;
	_ =	swait.ge @!p0 [sflag:s8], $0x0  }
0x24: {  	s3 =	sadd.s32 $0x88, s3;
	s6 =	simm.s32 @!p1 $0x1082;
	[sflag:s4] =	ssyncset.s32 $0xFFFFF086  }
0x25: {  	[simem:s6], [sflag:s4] =	dma.local [hbm:s3], $0xF7A  }
0x26: {  	[smem:$0x3F7E] =	sst s1;
	(tag) =	ssettag s2;
	_ =	strace s9  }
0x27: {  	s1 =	sld [smem:$0x3F8E]  }
0x28: {  	s2 =	sld [smem:$0x3F8F]  }
0x29: {  	s4 =	sld [smem:$0x3F91]  }
0x2a: {  	p0 =	seq.s32 s5, $0x0;
	s5 =	sld [smem:$0x3F92]  }
0x2b: {  	s6 =	sld [smem:$0x3F93]  }
0x2c: {  	s7 =	sld [smem:$0x3F94]  }
0x2d: {  	s3 =	simm.s32 $0x108;
	s8 =	sld [smem:$0x3F95]  }
0x2e: {  	s3 =	simm.s32 @!p0 $0x1082;
	s9 =	sld [smem:$0x3F96]  }
0x2f: {  	lr =	sadd.s32 s0, s3;
	s0 =	sld [smem:$0x3F8D]  }
0x30: {  	s3 =	sld [smem:$0x3F90]  }
0x31: {  	[smem:$0x3F99] =	sst s10  }
0x32: {  	s10 =	sld [smem:$0x3F97];
	_ =	sdelay $0x3  }
0x33: {  	p0 =	seq.s32 s10, $0x1;
	s10 =	sld [smem:$0x3F99];
	_ =	sdelay $0x3  }
0x34: {  	[smem:$0x3F99] =	sst s10  }
0x35: {  	s10 =	sld [smem:$0x3F98];
	_ =	sdelay $0x3  }
0x36: {  	p1 =	seq.s32 s10, $0x1;
	s10 =	sld [smem:$0x3F99];
	_ =	sdelay $0x3  }
0x37: {  	[smem:$0x3F99] =	sst s10  }
0x38: {  	s10 =	sld [smem:$0x3F9A]  }
0x39: {  	_ = 	snop;
	(pc) =	sbr.ind lr, $3  }
0x3a: {  	_ = 	snop  }
0x3b: {  	_ = 	snop  }
0x3c: {  	p2 =	seq.s32 s10, $0x1;
	s10 =	sld [smem:$0x3F99]  }
0x3d: {  	_ =	shalt  }
0x3e: {  	_ =	shalt  }
0x3f: {  	_ =	shalt  }
0x40: {  	_ =	shalt  }
0x41: {  	_ =	shalt  }
0x42: {  	_ =	shalt  }
0x43: {  	_ =	shalt  }
0x44: {  	_ =	shalt  }
0x45: {  	_ =	shalt  }
0x46: {  	_ =	shalt  }
0x47: {  	_ =	shalt  }
0x48: {  	_ =	shalt  }
0x49: {  	_ =	shalt  }
0x4a: {  	_ =	shalt  }
0x4b: {  	_ =	shalt  }
0x4c: {  	_ =	shalt  }
0x4d: {  	_ =	shalt  }
0x4e: {  	_ =	shalt  }
0x4f: {  	_ =	shalt  }
0x50: {  	_ =	shalt  }
0x51: {  	_ =	shalt  }
0x52: {  	_ =	shalt  }
0x53: {  	_ =	shalt  }
0x54: {  	_ =	shalt  }
0x55: {  	_ =	shalt  }
0x56: {  	_ =	shalt  }
0x57: {  	_ =	shalt  }
0x58: {  	_ =	shalt  }
0x59: {  	_ =	shalt  }
0x5a: {  	_ =	shalt  }
0x5b: {  	_ =	shalt  }
0x5c: {  	_ =	shalt  }
0x5d: {  	_ =	shalt  }
0x5e: {  	_ =	shalt  }
0x5f: {  	_ =	shalt  }
0x60: {  	_ =	shalt  }
0x61: {  	_ =	shalt  }
0x62: {  	_ =	shalt  }
0x63: {  	_ =	shalt  }
0x64: {  	_ =	shalt  }
0x65: {  	_ =	shalt  }
0x66: {  	_ =	shalt  }
0x67: {  	_ =	shalt  }
0x68: {  	_ =	shalt  }
0x69: {  	_ =	shalt  }
0x6a: {  	_ =	shalt  }
0x6b: {  	_ =	shalt  }
0x6c: {  	_ =	shalt  }
0x6d: {  	_ =	shalt  }
0x6e: {  	_ =	shalt  }
0x6f: {  	_ =	shalt  }
0x70: {  	_ =	shalt  }
0x71: {  	_ =	shalt  }
0x72: {  	_ =	shalt  }
0x73: {  	_ =	shalt  }
0x74: {  	_ =	shalt  }
0x75: {  	_ =	shalt  }
0x76: {  	_ =	shalt  }
0x77: {  	_ =	shalt  }
0x78: {  	_ =	shalt  }
0x79: {  	_ =	shalt  }
0x7a: {  	_ =	shalt  }
0x7b: {  	_ =	shalt  }
0x7c: {  	_ =	shalt  }
0x7d: {  	_ =	shalt  }
0x7e: {  	_ =	shalt  }
0x7f: {  	_ =	shalt  }
0x80: {  	_ =	shalt  }
0x81: {  	_ =	shalt  }
0x82: {  	_ =	shalt  }
0x83: {  	_ =	shalt  }
0x84: {  	_ =	shalt  }
0x85: {  	_ =	shalt  }
0x86: {  	_ =	shalt  }
0x87: {  	_ =	shalt  }
.Lfunc_end0:
.L_simem_size_0:
called_computation.3_lowered:
.L_overlay_start_0:
0x88: {  	s2 =	sld [smem:$0x3FD9]  }
0x89: {  	s3 =	sld [smem:$0x3FFE];
	_ =	sdelay $0x1  }
0x8a: {  	s1 =	srdreg.scid  }
0x8b: {  	s0 =	sand.u32 $0x1, s1  }
0x8c: {  	s17 =	sshll.u32 s0, $0xA;
	s2 =	sadd.s32 s3, s2  }
0x8d: {  	s2 =	sadd.s32 s2, s17  }
0x8e: {  	[smem:$0x3FA5] =	sst s2  }
0x8f: {  	_ = 	snop  }
0x90: {  	s2 =	sld [smem:$0x3FD0];
	(tm) =	ssettm $0x1  }
0x91: {  	s18 =	sld [smem:$0x3FFB];
	_ =	sdelay $0x3  }
0x92: {  	_ =	strace s18  }
0x93: {  	s3 =	sld [smem:$0x3FFC];
	_ =	sdelay $0x3  }
0x94: {  	_ =	strace s3  }
0x95: {  	s3 =	sld [smem:$0x3FFD];
	_ =	sdelay $0x3  }
0x96: {  	_ =	strace s3  }
0x97: {  	_ =	strace $0x8FFFFFFF  }
0x98: {  	s19 =	sld [smem:$0x3FDB];
	_ =	sdelay $0x1  }
0x99: {  	s4 =	simm.s32 $_scs_section_size  }
0x9a: {  	s5 =	simm.s32 $_size__tile_overlayer_lowered;
	s6 =	simm.s32 $_tile_overlayer_lowered  }
0x9b: {  	s22 =	simm.s32 $0x1BFF;
	s21 =	sshll.u32 s6, $0x1;
	s3 =	sadd.s32 s4, s19  }
0x9c: {  	s7 =	simm.s32 $0x0;
	s20 =	sshll.u32 s5, $0x1;
	s5 =	sadd.s32 s21, s3  }
0x9d: {  	[timem:s7], [sflag:s22] =	dma.local [hbm:s5], s20  }
0x9e: {  	_ =	swait.ge [sflag:s22], s20  }
0x9f: {  	s4 =	ssub.s32 $0x0, s20;
	[sflag:s22] =	ssyncset.done $0x0  }
0xa0: {  	[sflag:s22] =	ssyncadd.s32 s4;
	_ =	sdelay $0x1  }
0xa1: {  	s23 =	simm.s32 $0x1B8B  }
0xa2: {  	_ =	swait.ge [sflag:s23], $0x1  }
0xa3: {  	[sflag:s23] =	ssyncset.done $0x0  }
0xa4: {  	s25 =	simm.s32 $0x1B8E;
	s24 =	sld [smem:$0x3FFE];
	[sflag:s23] =	ssyncadd.s32 $0xFFFFFFFF  }
0xa5: {  	s26 =	simm.s32 $execute0_lowered;
	[smem:$0x3FD2] =	sst s25  }
0xa6: {  	s5 =	sshll.u32 s26, $0x1;
	_ =	strace $0x8000004F;
	[dreg:$0x1] =	wrdreg $0xFFFFFFFF  }
0xa7: {  	s28 =	simm.s32 $_size_execute0_lowered;
	s3 =	sadd.s32 s3, s5;
	[dreg:$0x0] =	wrdreg $0x0  }
0xa8: {  	s5 =	sshll.u32 s28, $0x1;
	[dreg:$0x2] =	wrdreg s3  }
0xa9: {  	[dreg:$0x3] =	wrdreg s5  }
0xaa: {  	[dreg:$0x4] =	wrdreg $0xC0  }
0xab: {  	_ =	task [dreg:s7], $0x5FFFF  }
0xac: {  	[dreg:$0x1] =	wrdreg $0xFFFFFFFF  }
0xad: {  	[dreg:$0x0] =	wrdreg $0x60  }
0xae: {  	[dreg:$0x2] =	wrdreg s24  }
0xaf: {  	[dreg:$0x3] =	wrdreg s2  }
0xb0: {  	[dreg:$0x4] =	wrdreg $0xA0000  }
0xb1: {  	[dreg:$0x5] =	wrdreg $0x9  }
0xb2: {  	_ =	task.clear_ibuf [dreg:s7], $0x6FFFF;
	_ =	strace $0x9000004F  }
0xb3: {  	s29 =	simm.s32 $0x9;
	_ =	strace $0x80000051  }
0xb4: {  	_ =	swait.ge [sflag:s29], $0x1  }
0xb5: {  	[sflag:s29] =	ssyncadd.s32 $0xFFFFFFFF  }
0xb6: {  	_ =	strace $0x90000051  }
0xb7: {  	_ =	sfence  }
0xb8: {  	s30 =	sld [smem:$0x0];
	_ =	sdelay $0x2  }
0xb9: {  	s31 =	sshll.u32 s1, $0xD;
	s1 =	sshrl.u32 s1, $0x2  }
0xba: {  	s3 =	sand.u32 $0x4000, s31;
	s1 =	sadd.s32 s1, s30  }
0xbb: {  	s0 =	sor.u32 s3, s0;
	s1 =	sshll.u32 s1, $0x11  }
0xbc: {  	s0 =	sor.u32 s1, s0  }
0xbd: {  	s0 =	sadd.s32 $0x8F2B, s0  }
0xbe: {  	[sflag:s0] =	ssyncadd.remote.s32 $0x1  }
0xbf: {  	_ =	sfence.sel $0xFFFF  }
0xc0: {  	[dreg:$0x0] =	wrdreg $0xFFFFFFFF;
	(pc) =	sbr.abs _section_cstart, $3  }
0xc1: {  	[dreg:$0x1] =	wrdreg $0xFFFFFFFF  }
0xc2: {  	_ =	task.clear_ibuf [dreg:s7], $0x2FFFF;
	_ =	strace $0x9FFFFFFF  }
0xc3: {  	(tm) =	ssettm $0x7FFFFFFF  }
tec
execute0_lowered:
.L_overlay_start_1:
0x0: {  	(tag) =	ssettag $0x1  }
0x1: {  	s7 =	rddreg [dreg:$0x0]  }
0x2: {  	s1 =	rddreg [dreg:$0x1]  }
0x3: {  	s2 =	rddreg [dreg:$0x2]  }
0x4: {  	s0 =	rddreg [dreg:$0x3];
	s4 =	stileid.u32  }
0x5: {  	s3 =	simm.s32 $0x0;
	s5 =	srdreg.scid;
	s16 =	smul.u32 $0x13800, s4  }
0x6: {  	s23 =	simm.s32 $0x0;
	[smem:$0x7FF] =	sst s3;
	s18 =	smul.u32 $0x4E000, s4  }
0x7: {  	s12 =	sand.u32 $0x1, s5;
	s13 =	sadd.s32 $0x1E2BC00, s7;
	s19 =	smul.u32 $0x4E200, s4  }
0x8: {  	s5 =	sadd.s32 $0x12600, s7;
	s6 =	sadd.s32 $0x4D400, s7;
	s20 =	smul.u32 $0x4E20, s4  }
0x9: {  	s25 =	sshll.u32 s4, $0x1;
	s14 =	sadd.s32 $0x1022A00, s7;
	s15 =	smul.u32 $0x138800, s12  }
0xa: {  	s21 =	sadd.s32 $0x124800, s2;
	p0 =	sne.s32 s4, $0x0;
	s29 =	smul.u32 $0x27100, s12  }
0xb: {  	p1 =	seq.s32 s4, $0xF;
	s8 =	sor.u32 s12, s25;
	s30 =	smul.u32 $0x2710, s12  }
0xc: {  	_ =	strace $0x80000050;
	s10 =	ssub.s32 $0x2, s12;
	s9 =	smul.u32 $0x2710, s8  }
0xd: {  	s21 =	sshrl.u32 @p1 s21, $0x3;
	s26 =	sshrl.u32 s10, $0x1;
	s28 =	smul.u32 $0x27100, s8  }
0xe: {  	s18 =	sshrl.u32 s18, $0x2;
	s31 =	sadd.s32 s19, s13;
	s19 =	sshrl.u32 @!p0 s2, $0x3  }
0xf: {  	s17 =	ssub.s32 s10, s26;
	s16 =	sadd.s32 s16, s15;
	s15 =	sshrl.u32 s15, $0x3  }
0x10: {  	s22 =	sadd.s32 s18, s2;
	s18 =	simm.s32 $0x5100;
	s9 =	sshrl.u32 s9, $0x3  }
0x11: {  	s16 =	sshrl.u32 s16, $0x3;
	s22 =	sshrl.u32 @!p1 s22, $0x3;
	s11 =	sadd.s32 s9, s7  }
0x12: {  	s8 =	sadd.s32 s5, s9;
	s9 =	sadd.s32 s13, s28;
	s13 =	smax.u32 s17, $0x1  }
0x13: {  	s17 =	simm.s32 $0x3;
	s7 =	sadd.s32 $0x8800, s11;
	s10 =	sadd.s32 $0x43600, s11  }
0x14: {  	s11 =	sadd.s32 s14, s16;
	s14 =	sadd.s32 s14, s15;
	s15 =	sadd.s32 s30, s20  }
0x15: {  	s16 =	simm.s32 $0x7880;
	s12 =	sadd.s32 $0x24900, s14;
	s14 =	sadd.s32 s29, s31  }
0x16: {  	s20 =	simm.s32 $0x100;
	s15 =	sadd.s32 $0x50, s15;
	s14 =	sadd.s32 $0x500, s14  }
.LBB2_1:
0x17: {  	[tilespmem:s16], [sflag:$0x3] =	stream.linear.gather [hbm4b:s1+s3], $0x2780, $0x38;
	[tilespmem:$0x1D880] =	vst v63  }
0x18: {  	_ =	swait.ge [sflag:s17], $0x2780  }
0x19: {  	[sflag:s17] =	ssyncset.done $0x0  }
0x1a: {  	[sflag:s17] =	ssyncadd.s32 $0xFFFFD880  }
0x1b: {  	[tilespmem:s18], [sflag:$0x3] =	stream.linear.gather [hbm4b:s7+s3], $0x2710, $0x38;
	[tilespmem:$0x1D880] =	vst v63  }
0x1c: {  	_ =	swait.ge [sflag:s17], $0x2710  }
0x1d: {  	[sflag:s17] =	ssyncset.done $0x0  }
0x1e: {  	s24 =	simm.s32 @!p0 $0x1C03;
	[sflag:s17] =	ssyncadd.s32 $0xFFFFD8F0  }
0x1f: {  	[spmem:s19], [sflag:s24] =	dma.local @!p0 [hbm:s6], $0x27100  }
0x20: {  	s24 =	simm.s32 @!p0 $0x3  }
0x21: {  	_ =	swait.ge @!p0 [sflag:s24], $0x27100  }
0x22: {  	[sflag:s24] =	ssyncset.done @!p0 $0x0  }
0x23: {  	[sflag:s24] =	ssyncadd.s32 @!p0 $0xFFFD8F00  }
0x24: {  	s25 =	simm.s32 $0x5120;
	[bflag:$0x0] =	sbarrier.arrive $0xFFFF  }
0x25: {  	[tilespmem:s3], [sflag:$0x1] =	stream.linear.gather [hbm4b:s8+s3], $0x50, $0x38;
	[tilespmem:$0x1D880] =	vst v63  }
0x26: {  	s26 =	smov.u32 s15;
	s28 =	smov.u32 s14;
	s24 =	simm.s32 $0x1  }
0x27: {  	[tilespmem:s20], [sflag:$0x1] =	stream.linear.gather [hbm4b:s9+s3], $0x2800, $0x38;
	[tilespmem:$0x1D880] =	vst v63  }
.LBB2_2:
0x28: {  	s29 =	sand.u32 $0x1, s24  }
0x29: {  	p2 =	seq.s32 s29, $0x0  }
0x2a: {  	s29 =	simm.s32 @p2 $0x2  }
0x2b: {  	_ =	swait.ge @p2 [sflag:s29], $0x50  }
0x2c: {  	[sflag:s29] =	ssyncset.done @p2 $0x0  }
0x2d: {  	[sflag:s29] =	ssyncadd.s32 @p2 $0xFFFFFFB0  }
0x2e: {  	_ =	swait.ge @p2 [sflag:s29], $0x2800  }
0x2f: {  	s30 =	sshrl.u32 @p2 s26, $0x3;
	[sflag:s29] =	ssyncset.done @p2 $0x0  }
0x30: {  	[sflag:s29] =	ssyncadd.s32 @p2 $0xFFFFD800;
	s29 =	sadd.s32 @p2 s5, s30;
	s30 =	simm.s32 @p2 $0x0  }
0x31: {  	[tilespmem:s30], [sflag:$0x1] =	stream.linear.gather @p2 [hbm4b:s29+s30], $0x50, $0x38;
	[tilespmem:$0x1D880] =	vst v63  }
0x32: {  	s29 =	simm.s32 @p2 $0x100  }
0x33: {  	[tilespmem:s29], [sflag:$0x1] =	stream.linear.gather @p2 [hbm4b:s28+s30], $0x2800, $0x38;
	[tilespmem:$0x1D880] =	vst v63  }
0x34: {  	v0 =	vld @p2 [tilespmem:$0x80];
	_ =	sdelay $0x2  }
0x35: {  	v1 =	vld @p2 [tilespmem:s25+$0xFFFFFFE0];
	_ =	sdelay $0x3  }
0x36: {  	s29 =	simm.s32 @p2 $0x7880  }
0x37: {  	[tilespmem:v0+s29+$0x0] =	vst.idx.add.f32.msk @p2 $0xffff, v1  }
0x38: {  	v0 =	vld @p2 [tilespmem:$0x90];
	_ =	sdelay $0x2  }
0x39: {  	v1 =	vld @p2 [tilespmem:s25+$0xFFFFFFF0];
	_ =	sdelay $0x4  }
0x3a: {  	[tilespmem:v0+s29+$0x0] =	vst.idx.add.f32.msk @p2 $0xffff, v1  }
0x3b: {  	v0 =	vld @p2 [tilespmem:$0xA0];
	_ =	sdelay $0x2  }
0x3c: {  	v1 =	vld @p2 [tilespmem:s25+$0x0];
	_ =	sdelay $0x4  }
0x3d: {  	[tilespmem:v0+s29+$0x0] =	vst.idx.add.f32.msk @p2 $0xffff, v1  }
0x3e: {  	v0 =	vld @p2 [tilespmem:$0xB0];
	_ =	sdelay $0x2  }
0x3f: {  	v1 =	vld @p2 [tilespmem:s25+$0x10];
	_ =	sdelay $0x4  }
0x40: {  	[tilespmem:v0+s29+$0x0] =	vst.idx.add.f32.msk @p2 $0xffff, v1  }
0x41: {  	v0 =	vld @p2 [tilespmem:$0xC0];
	_ =	sdelay $0x2  }
0x42: {  	v1 =	vld @p2 [tilespmem:s25+$0x20];
	_ =	sdelay $0x4  }
0x43: {  	s31 =	simm.s32 @p2 $0x2900;
	s30 =	simm.s32 @p2 $0x80;
	[tilespmem:v0+s29+$0x0] =	vst.idx.add.f32.msk @p2 $0xffff, v1;
	s29 =	simm.s32 @p2 $0x50  }
0x44: {  	[spmem:s2] =	stream.indirect.scatter.add.f32 @p2 [tilespmem:s31], [sflag:$0x3], $0x80, s30, s29, $0xb8;
	[tilespmem:$0x1D880] =	vst v63  }
0x45: {  	s29 =	simm.s32 @!p2 $0x1  }
0x46: {  	_ =	swait.ge @!p2 [sflag:s29], $0x50  }
0x47: {  	[sflag:s29] =	ssyncset.done @!p2 $0x0  }
0x48: {  	[sflag:s29] =	ssyncadd.s32 @!p2 $0xFFFFFFB0  }
0x49: {  	p3 =	sgt.u32 @!p2 s24, $0x7C;
	_ =	swait.ge @!p2 [sflag:s29], $0x2800  }
0x4a: {  	p3 =	por p3, p2;
	[sflag:s29] =	ssyncset.done @!p2 $0x0  }
0x4b: {  	[sflag:s29] =	ssyncadd.s32 @!p2 $0xFFFFD800;
	s29 =	sshrl.u32 @!p3 s26, $0x3  }
0x4c: {  	s30 =	simm.s32 @!p3 $0x0;
	s31 =	simm.s32 @!p3 $0x80;
	s29 =	sadd.s32 @!p3 s5, s29  }
0x4d: {  	[tilespmem:s31], [sflag:$0x2] =	stream.linear.gather @!p3 [hbm4b:s29+s30], $0x50, $0x38;
	[tilespmem:$0x1D880] =	vst v63  }
0x4e: {  	s29 =	simm.s32 @!p3 $0x2900  }
0x4f: {  	[tilespmem:s29], [sflag:$0x2] =	stream.linear.gather @!p3 [hbm4b:s28+s30], $0x2800, $0x38;
	[tilespmem:$0x1D880] =	vst v63  }
0x50: {  	v0 =	vld @!p2 [tilespmem:$0x0];
	_ =	sdelay $0x2  }
0x51: {  	v1 =	vld @!p2 [tilespmem:s25+$0xFFFFFFE0];
	_ =	sdelay $0x3  }
0x52: {  	s29 =	simm.s32 @!p2 $0x7880  }
0x53: {  	[tilespmem:v0+s29+$0x0] =	vst.idx.add.f32.msk @!p2 $0xffff, v1  }
0x54: {  	v0 =	vld @!p2 [tilespmem:$0x10];
	_ =	sdelay $0x2  }
0x55: {  	v1 =	vld @!p2 [tilespmem:s25+$0xFFFFFFF0];
	_ =	sdelay $0x4  }
0x56: {  	[tilespmem:v0+s29+$0x0] =	vst.idx.add.f32.msk @!p2 $0xffff, v1  }
0x57: {  	v0 =	vld @!p2 [tilespmem:$0x20];
	_ =	sdelay $0x2  }
0x58: {  	v1 =	vld @!p2 [tilespmem:s25+$0x0];
	_ =	sdelay $0x4  }
0x59: {  	[tilespmem:v0+s29+$0x0] =	vst.idx.add.f32.msk @!p2 $0xffff, v1  }
0x5a: {  	v0 =	vld @!p2 [tilespmem:$0x30];
	_ =	sdelay $0x2  }
0x5b: {  	v1 =	vld @!p2 [tilespmem:s25+$0x10];
	_ =	sdelay $0x4  }
0x5c: {  	[tilespmem:v0+s29+$0x0] =	vst.idx.add.f32.msk @!p2 $0xffff, v1  }
0x5d: {  	v0 =	vld @!p2 [tilespmem:$0x40];
	_ =	sdelay $0x2  }
0x5e: {  	v1 =	vld @!p2 [tilespmem:s25+$0x20];
	_ =	sdelay $0x4  }
0x5f: {  	s31 =	simm.s32 @!p2 $0x100;
	s30 =	simm.s32 @!p2 $0x0;
	[tilespmem:v0+s29+$0x0] =	vst.idx.add.f32.msk @!p2 $0xffff, v1;
	s29 =	simm.s32 @!p2 $0x50  }
0x60: {  	[spmem:s2] =	stream.indirect.scatter.add.f32 @!p2 [tilespmem:s31], [sflag:$0x4], $0x80, s30, s29, $0xb8;
	[tilespmem:$0x1D880] =	vst v63  }
0x61: {  	s24 =	sadd.s32 $0x1, s24;
	s29 =	simm.s32 @!p2 $0x4  }
0x62: {  	s29 =	simm.s32 @p2 $0x3;
	p2 =	sne.s32 s24, $0x7E  }
.Ltmp0:
0x63: {  	_ = 	snop;
	(pc) =	sbr.rel @p2 .LBB2_2-.Ltmp0, $4  }
0x64: {  	_ = 	snop  }
0x65: {  	_ =	swait.ge [sflag:s29], $0x2800  }
0x66: {  	s26 =	sadd.s32 $0x50, s26;
	[sflag:s29] =	ssyncset.done $0x0  }
0x67: {  	s28 =	sadd.s32 $0x500, s28;
	s25 =	sadd.s32 $0x50, s25;
	[sflag:s29] =	ssyncadd.s32 $0xFFFFD800  }
0x68: {  	[hbm4b:s10+s3] =	stream.linear.scatter [tilespmem:s16], [sflag:$0x3], $0x2710, $0x38;
	[tilespmem:$0x1D880] =	vst v63  }
0x69: {  	_ =	swait.ge [sflag:s17], $0x2710  }
0x6a: {  	[sflag:s17] =	ssyncset.done $0x0  }
0x6b: {  	[sflag:s17] =	ssyncadd.s32 $0xFFFFD8F0  }
0x6c: {  	s24 =	simm.s32 @p1 $0x1FC3;
	[bflag:$0x0] =	sbarrier.arrive $0xFFFF  }
0x6d: {  	[hbm:s12], [sflag:s24] =	dma.local @p1 [spmem:s21], $0x2800  }
0x6e: {  	s24 =	simm.s32 @p1 $0x3  }
0x6f: {  	_ =	swait.ge @p1 [sflag:s24], $0x2800  }
0x70: {  	s25 =	sshll.u32 @!p1 s4, $0x6;
	s23 =	sadd.s32 $0x1, s23;
	[sflag:s24] =	ssyncset.done @p1 $0x0  }
0x71: {  	p2 =	sne.s32 s23, s13;
	[sflag:s24] =	ssyncadd.s32 @p1 $0xFFFFD800;
	s24 =	sor.u32 @!p1 $0x1C03, s25  }
0x72: {  	[hbm:s11], [sflag:s24] =	dma.local @!p1 [spmem:s22], $0x2700  }
.Ltmp1:
0x73: {  	_ = 	snop;
	(pc) =	sbr.rel @p2 .LBB2_1-.Ltmp1, $4  }
0x74: {  	s24 =	simm.s32 @!p1 $0x3  }
0x75: {  	_ =	swait.ge @!p1 [sflag:s24], $0x2700  }
0x76: {  	[sflag:s24] =	ssyncset.done @!p1 $0x0  }
0x77: {  	[sflag:s24] =	ssyncadd.s32 @!p1 $0xFFFFD900  }
0x78: {  	_ =	sfence.sel $0x180000  }
0x79: {  	[bflag:$0x0] =	sbarrier.arrive $0xFFFF  }
0x7a: {  	_ =	strace $0x90000050  }
0x7b: {  	s0 =	sadd.s32 @!p0 $0x100000, s0;
	[bflag:$0x2] =	sbarrier.arrive $0xFFFF  }
0x7c: {  	[sflag:s0] =	ssyncadd.tile.s32 @!p0 $0x1;
	_ =	shalt  }
.Lfunc_end2:
_tile_overlayer_lowered:
.L_overlay_start_2:
0x7d: {  	(tag) =	ssettag $0x2  }
0x7e: {  	s0 =	rddreg [dreg:$0x0];
	s2 =	stileid.u32  }
0x7f: {  	s1 =	rddreg [dreg:$0x1];
	p0 =	sne.s32 s2, $0x0  }
0x80: {  	s3 =	rddreg [dreg:$0x2];
	[bflag:$0x3] =	sbarrier.arrive $0xFFFF;
	s2 =	simm.s32 @!p0 $0x1C03  }
0x81: {  	[timem:s3], [sflag:s2] =	dma.local @!p0 [hbm:s0], s1  }
0x82: {  	s0 =	simm.s32 @!p0 $0x3  }
0x83: {  	_ =	swait.ge @!p0 [sflag:s0], s1  }
0x84: {  	s1 =	ssub.s32 @!p0 $0x0, s1;
	[sflag:s0] =	ssyncset.done @!p0 $0x0  }
0x85: {  	[sflag:s0] =	ssyncadd.s32 @!p0 s1  }
0x86: {  	[bflag:$0x3] =	sbarrier.arrive $0xFFFF  }
0x87: {  	_ =	shalt  }

</sc_bundles>
